<compile_context>
chip_gen: v7x
topology: tpu7x:2x2x1
jax: 0.10.2.dev20260603
libtpu: 0.0.44.dev20260713+nightly
codegen_flags: <defaults>
</compile_context>

<pallas_src>
import functools

import jax
from jax import lax
from jax.experimental import pallas as pl
from jax.experimental.pallas import tpu as pltpu
from jax.experimental.pallas import tpu_sc as plsc

L = 16
NSLOT = 8
R = 4


def _build(S, B, D, dtype):
    info = plsc.get_sparse_core_info()
    NC, NS = info.num_cores, info.num_subcores
    NW = NC * NS
    assert S % NW == 0
    rows_per_w = S // NW
    T = 4
    assert rows_per_w % T == 0
    steps = rows_per_w // T
    assert steps >= 2 * NSLOT and 1 <= R < NSLOT
    chunks = D // L

    mesh = plsc.VectorSubcoreMesh(core_axis_name="c", subcore_axis_name="s")

    @functools.partial(
        pl.kernel,
        mesh=mesh,
        out_type=jax.ShapeDtypeStruct((S, B, D), dtype),
        scratch_types=(
            [pltpu.VMEM((NSLOT, T, B, D), dtype),
             pltpu.VMEM((NSLOT, T, D), dtype)]
            + [pltpu.SemaphoreType.DMA] * (3 * NSLOT)
        ),
    )
    def pe_add(x_hbm, pe_hbm, out_hbm, xbuf, pebuf, *sems):
        sem_x = sems[0:NSLOT]
        sem_pe = sems[NSLOT:2 * NSLOT]
        sem_out = sems[2 * NSLOT:3 * NSLOT]
        wid = lax.axis_index("s") * NC + lax.axis_index("c")
        base = wid * rows_per_w

        def issue_in(s, b):
            s0 = base + s * T
            pltpu.async_copy(x_hbm.at[pl.ds(s0, T)], xbuf.at[b], sem_x[b])
            pltpu.async_copy(pe_hbm.at[pl.ds(s0, T)], pebuf.at[b], sem_pe[b])

        def wait_in(s, b):
            s0 = base + s * T
            pltpu.make_async_copy(
                x_hbm.at[pl.ds(s0, T)], xbuf.at[b], sem_x[b]).wait()
            pltpu.make_async_copy(
                pe_hbm.at[pl.ds(s0, T)], pebuf.at[b], sem_pe[b]).wait()

        def issue_out(s, b):
            s0 = base + s * T
            pltpu.async_copy(xbuf.at[b], out_hbm.at[pl.ds(s0, T)], sem_out[b])

        def wait_out(s, b):
            s0 = base + s * T
            pltpu.make_async_copy(
                xbuf.at[b], out_hbm.at[pl.ds(s0, T)], sem_out[b]).wait()

        for b in range(R):
            issue_in(b, b)

        def group_body(g, carry):
            for k in range(NSLOT):
                s = g * NSLOT + k

                wait_in(s, k)

                def cbody(i, c):
                    d0 = i * L
                    for t in range(T):
                        pv = pebuf[k, t, pl.ds(d0, L)]
                        for bb in range(B):
                            plsc.addupdate(
                                xbuf.at[k, t, bb, pl.ds(d0, L)], pv)
                    return c

                lax.fori_loop(0, chunks, cbody, 0)
                issue_out(s, k)

                nb = (k + R) % NSLOT

                @pl.when(s + R - NSLOT >= 0)
                def _():
                    wait_out(s + R - NSLOT, nb)

                @pl.when(s + R < steps)
                def _():
                    issue_in(s + R, nb)
            return carry

        lax.fori_loop(0, steps // NSLOT, group_body, 0)

        for j in range(steps - (NSLOT - R), steps):
            wait_out(j, j % NSLOT)

    return pe_add


def kernel(x, pos_embed):
    S, B, D = x.shape
    pe = pos_embed[:S]
    fn = _build(S, B, D, x.dtype)
    return fn(x, pe)

# --- scband reference (transcript-rebuilt; emitter-appended) ---
"""Pipeline reference for scband-positional-encoding-learned1-d-19292993093856 (READ-ONLY COPY).

The authoritative reference and input builder live on the scoring server;
editing this copy changes nothing except your own understanding.
"""

import jax, jax.numpy as jnp
import numpy as np

SEQ_LEN = 8192
BATCH = 4
D_MODEL = 768
MAX_LEN = 8192

def setup_inputs(seed: int = 0) -> dict:
    key = jax.random.key(seed)
    k1, k2 = jax.random.split(key)
    x = jax.random.normal(k1, (SEQ_LEN, BATCH, D_MODEL), dtype=jnp.float32)
    # nn.Embedding(max_len, d_model) with nn.init.uniform_ -> U[0,1)
    pos_embed = jax.random.uniform(k2, (MAX_LEN, D_MODEL), dtype=jnp.float32)
    return {"x": x, "pos_embed": pos_embed}

def reference(x, pos_embed):
    # idx = arange(seq_len); x = x + pos_embed(idx).unsqueeze(1)
    idx = jnp.arange(x.shape[0])
    pe = jnp.take(pos_embed, idx, axis=0)  # [S, d_model]
    out = x + pe[:, None, :]
    # dropout p=0.0 (inference / disabled) -> identity
    return out

if __name__ == "__main__":
    import jax
    _d = setup_inputs()
    print(jax.jit(kernel)(*tuple(_d.values())))

</pallas_src>

<mosaic_0001>
#map = affine_map<(d0, d1) -> (0, 0, 0)>
#map1 = affine_map<(d0, d1) -> (0, 0)>
module attributes {stable_mosaic.version = 14 : i64} {
  func.func @pe_add(%arg0: i32, %arg1: i32, %arg2: memref<8192x4x768xf32, #tpu.memory_space<hbm>>, %arg3: memref<8192x768xf32, #tpu.memory_space<hbm>>, %arg4: memref<8192x4x768xf32, #tpu.memory_space<hbm>>, %arg5: memref<8x4x4x768xf32, #tpu.memory_space<vmem>>, %arg6: memref<8x4x768xf32, #tpu.memory_space<vmem>>, %arg7: memref<!tpu.dma_semaphore, #tpu.memory_space<semaphore_mem>>, %arg8: memref<!tpu.dma_semaphore, #tpu.memory_space<semaphore_mem>>, %arg9: memref<!tpu.dma_semaphore, #tpu.memory_space<semaphore_mem>>, %arg10: memref<!tpu.dma_semaphore, #tpu.memory_space<semaphore_mem>>, %arg11: memref<!tpu.dma_semaphore, #tpu.memory_space<semaphore_mem>>, %arg12: memref<!tpu.dma_semaphore, #tpu.memory_space<semaphore_mem>>, %arg13: memref<!tpu.dma_semaphore, #tpu.memory_space<semaphore_mem>>, %arg14: memref<!tpu.dma_semaphore, #tpu.memory_space<semaphore_mem>>, %arg15: memref<!tpu.dma_semaphore, #tpu.memory_space<semaphore_mem>>, %arg16: memref<!tpu.dma_semaphore, #tpu.memory_space<semaphore_mem>>, %arg17: memref<!tpu.dma_semaphore, #tpu.memory_space<semaphore_mem>>, %arg18: memref<!tpu.dma_semaphore, #tpu.memory_space<semaphore_mem>>, %arg19: memref<!tpu.dma_semaphore, #tpu.memory_space<semaphore_mem>>, %arg20: memref<!tpu.dma_semaphore, #tpu.memory_space<semaphore_mem>>, %arg21: memref<!tpu.dma_semaphore, #tpu.memory_space<semaphore_mem>>, %arg22: memref<!tpu.dma_semaphore, #tpu.memory_space<semaphore_mem>>, %arg23: memref<!tpu.dma_semaphore, #tpu.memory_space<semaphore_mem>>, %arg24: memref<!tpu.dma_semaphore, #tpu.memory_space<semaphore_mem>>, %arg25: memref<!tpu.dma_semaphore, #tpu.memory_space<semaphore_mem>>, %arg26: memref<!tpu.dma_semaphore, #tpu.memory_space<semaphore_mem>>, %arg27: memref<!tpu.dma_semaphore, #tpu.memory_space<semaphore_mem>>, %arg28: memref<!tpu.dma_semaphore, #tpu.memory_space<semaphore_mem>>, %arg29: memref<!tpu.dma_semaphore, #tpu.memory_space<semaphore_mem>>, %arg30: memref<!tpu.dma_semaphore, #tpu.memory_space<semaphore_mem>>) attributes {dimension_semantics = [#tpu.dimension_semantics<core_parallel>, #tpu.dimension_semantics<subcore_parallel>], iteration_bounds = array<i64: 2, 16>, scalar_prefetch = 0 : i64, scratch_operands = 26 : i64, tpu.core_type = #tpu.core_type<sc_vector_subcore>, window_params = [{transform_indices = #map}, {transform_indices = #map1}, {transform_indices = #map}]} {
    %mul3A = arith.constant 2 : i32
    %mul3A_0 = arith.muli %arg1, %mul3A : i32
    %add3A = arith.addi %mul3A_0, %arg0 : i32
    %mul3A_1 = arith.constant 256 : i32
    %mul3A_2 = arith.muli %add3A, %mul3A_1 : i32
    %add3A_3 = arith.constant 0 : i32
    %add3A_4 = arith.addi %mul3A_2, %add3A_3 : i32
    %dma_start3A = arith.constant 0 : i32
    %dma_start3A_5 = arith.constant 0 : i32
    %dma_start3A_6 = arith.constant 0 : i32
    %dma_start3A_7 = arith.constant 0 : i32
    %dma_start3A_8 = tpu.memref_slice %arg5[%dma_start3A, %dma_start3A_5, %dma_start3A_6, %dma_start3A_7] : memref<8x4x4x768xf32, #tpu.memory_space<vmem>> -> memref<1x4x4x768xf32, #tpu.memory_space<vmem>>
    %dma_start3A_9 = tpu.memref_squeeze %dma_start3A_8 : memref<1x4x4x768xf32, #tpu.memory_space<vmem>> -> memref<4x4x768xf32, #tpu.memory_space<vmem>>
    %dma_start3A_10 = arith.constant 0 : i32
    %dma_start3A_11 = arith.constant 0 : i32
    %dma_start3A_12 = tpu.memref_slice %arg2[%add3A_4, %dma_start3A_10, %dma_start3A_11] : memref<8192x4x768xf32, #tpu.memory_space<hbm>> -> memref<4x4x768xf32, #tpu.memory_space<hbm>>
    %dma_start3A_13 = arith.constant 0 : i32
    %dma_start3A_14 = arith.constant 0 : i32
    %dma_start3A_15 = arith.constant 0 : i32
    %dma_start3A_16 = tpu.memref_slice %arg5[%dma_start3A, %dma_start3A_13, %dma_start3A_14, %dma_start3A_15] : memref<8x4x4x768xf32, #tpu.memory_space<vmem>> -> memref<1x4x4x768xf32, #tpu.memory_space<vmem>>
    %dma_start3A_17 = tpu.memref_squeeze %dma_start3A_16 : memref<1x4x4x768xf32, #tpu.memory_space<vmem>> -> memref<4x4x768xf32, #tpu.memory_space<vmem>>
    %dma_start3A_18 = arith.constant 0 : i32
    %dma_start3A_19 = arith.constant 0 : i32
    %dma_start3A_20 = tpu.memref_slice %arg2[%add3A_4, %dma_start3A_18, %dma_start3A_19] : memref<8192x4x768xf32, #tpu.memory_space<hbm>> -> memref<4x4x768xf32, #tpu.memory_space<hbm>>
    tpu.enqueue_dma source(%dma_start3A_20 : memref<4x4x768xf32, #tpu.memory_space<hbm>>) target(%dma_start3A_17 : memref<4x4x768xf32, #tpu.memory_space<vmem>>) target_semaphore(%arg7 : memref<!tpu.dma_semaphore, #tpu.memory_space<semaphore_mem>>)
    %dma_start3A_21 = arith.constant 0 : i32
    %dma_start3A_22 = arith.constant 0 : i32
    %dma_start3A_23 = arith.constant 0 : i32
    %dma_start3A_24 = tpu.memref_slice %arg6[%dma_start3A_21, %dma_start3A_22, %dma_start3A_23] : memref<8x4x768xf32, #tpu.memory_space<vmem>> -> memref<1x4x768xf32, #tpu.memory_space<vmem>>
    %dma_start3A_25 = tpu.memref_squeeze %dma_start3A_24 : memref<1x4x768xf32, #tpu.memory_space<vmem>> -> memref<4x768xf32, #tpu.memory_space<vmem>>
    %dma_start3A_26 = arith.constant 0 : i32
    %dma_start3A_27 = tpu.memref_slice %arg3[%add3A_4, %dma_start3A_26] : memref<8192x768xf32, #tpu.memory_space<hbm>> -> memref<4x768xf32, #tpu.memory_space<hbm>>
    %dma_start3A_28 = arith.constant 0 : i32
    %dma_start3A_29 = arith.constant 0 : i32
    %dma_start3A_30 = tpu.memref_slice %arg6[%dma_start3A_21, %dma_start3A_28, %dma_start3A_29] : memref<8x4x768xf32, #tpu.memory_space<vmem>> -> memref<1x4x768xf32, #tpu.memory_space<vmem>>
    %dma_start3A_31 = tpu.memref_squeeze %dma_start3A_30 : memref<1x4x768xf32, #tpu.memory_space<vmem>> -> memref<4x768xf32, #tpu.memory_space<vmem>>
    %dma_start3A_32 = arith.constant 0 : i32
    %dma_start3A_33 = tpu.memref_slice %arg3[%add3A_4, %dma_start3A_32] : memref<8192x768xf32, #tpu.memory_space<hbm>> -> memref<4x768xf32, #tpu.memory_space<hbm>>
    tpu.enqueue_dma source(%dma_start3A_33 : memref<4x768xf32, #tpu.memory_space<hbm>>) target(%dma_start3A_31 : memref<4x768xf32, #tpu.memory_space<vmem>>) target_semaphore(%arg15 : memref<!tpu.dma_semaphore, #tpu.memory_space<semaphore_mem>>)
    %add3A_34 = arith.constant 4 : i32
    %add3A_35 = arith.addi %mul3A_2, %add3A_34 : i32
    %dma_start3A_36 = arith.constant 1 : i32
    %dma_start3A_37 = arith.constant 0 : i32
    %dma_start3A_38 = arith.constant 0 : i32
    %dma_start3A_39 = arith.constant 0 : i32
    %dma_start3A_40 = tpu.memref_slice %arg5[%dma_start3A_36, %dma_start3A_37, %dma_start3A_38, %dma_start3A_39] : memref<8x4x4x768xf32, #tpu.memory_space<vmem>> -> memref<1x4x4x768xf32, #tpu.memory_space<vmem>>
    %dma_start3A_41 = tpu.memref_squeeze %dma_start3A_40 : memref<1x4x4x768xf32, #tpu.memory_space<vmem>> -> memref<4x4x768xf32, #tpu.memory_space<vmem>>
    %dma_start3A_42 = arith.constant 0 : i32
    %dma_start3A_43 = arith.constant 0 : i32
    %dma_start3A_44 = tpu.memref_slice %arg2[%add3A_35, %dma_start3A_42, %dma_start3A_43] : memref<8192x4x768xf32, #tpu.memory_space<hbm>> -> memref<4x4x768xf32, #tpu.memory_space<hbm>>
    %dma_start3A_45 = arith.constant 0 : i32
    %dma_start3A_46 = arith.constant 0 : i32
    %dma_start3A_47 = arith.constant 0 : i32
    %dma_start3A_48 = tpu.memref_slice %arg5[%dma_start3A_36, %dma_start3A_45, %dma_start3A_46, %dma_start3A_47] : memref<8x4x4x768xf32, #tpu.memory_space<vmem>> -> memref<1x4x4x768xf32, #tpu.memory_space<vmem>>
    %dma_start3A_49 = tpu.memref_squeeze %dma_start3A_48 : memref<1x4x4x768xf32, #tpu.memory_space<vmem>> -> memref<4x4x768xf32, #tpu.memory_space<vmem>>
    %dma_start3A_50 = arith.constant 0 : i32
    %dma_start3A_51 = arith.constant 0 : i32
    %dma_start3A_52 = tpu.memref_slice %arg2[%add3A_35, %dma_start3A_50, %dma_start3A_51] : memref<8192x4x768xf32, #tpu.memory_space<hbm>> -> memref<4x4x768xf32, #tpu.memory_space<hbm>>
    tpu.enqueue_dma source(%dma_start3A_52 : memref<4x4x768xf32, #tpu.memory_space<hbm>>) target(%dma_start3A_49 : memref<4x4x768xf32, #tpu.memory_space<vmem>>) target_semaphore(%arg8 : memref<!tpu.dma_semaphore, #tpu.memory_space<semaphore_mem>>)
    %dma_start3A_53 = arith.constant 1 : i32
    %dma_start3A_54 = arith.constant 0 : i32
    %dma_start3A_55 = arith.constant 0 : i32
    %dma_start3A_56 = tpu.memref_slice %arg6[%dma_start3A_53, %dma_start3A_54, %dma_start3A_55] : memref<8x4x768xf32, #tpu.memory_space<vmem>> -> memref<1x4x768xf32, #tpu.memory_space<vmem>>
    %dma_start3A_57 = tpu.memref_squeeze %dma_start3A_56 : memref<1x4x768xf32, #tpu.memory_space<vmem>> -> memref<4x768xf32, #tpu.memory_space<vmem>>
    %dma_start3A_58 = arith.constant 0 : i32
    %dma_start3A_59 = tpu.memref_slice %arg3[%add3A_35, %dma_start3A_58] : memref<8192x768xf32, #tpu.memory_space<hbm>> -> memref<4x768xf32, #tpu.memory_space<hbm>>
    %dma_start3A_60 = arith.constant 0 : i32
    %dma_start3A_61 = arith.constant 0 : i32
    %dma_start3A_62 = tpu.memref_slice %arg6[%dma_start3A_53, %dma_start3A_60, %dma_start3A_61] : memref<8x4x768xf32, #tpu.memory_space<vmem>> -> memref<1x4x768xf32, #tpu.memory_space<vmem>>
    %dma_start3A_63 = tpu.memref_squeeze %dma_start3A_62 : memref<1x4x768xf32, #tpu.memory_space<vmem>> -> memref<4x768xf32, #tpu.memory_space<vmem>>
    %dma_start3A_64 = arith.constant 0 : i32
    %dma_start3A_65 = tpu.memref_slice %arg3[%add3A_35, %dma_start3A_64] : memref<8192x768xf32, #tpu.memory_space<hbm>> -> memref<4x768xf32, #tpu.memory_space<hbm>>
    tpu.enqueue_dma source(%dma_start3A_65 : memref<4x768xf32, #tpu.memory_space<hbm>>) target(%dma_start3A_63 : memref<4x768xf32, #tpu.memory_space<vmem>>) target_semaphore(%arg16 : memref<!tpu.dma_semaphore, #tpu.memory_space<semaphore_mem>>)
    %add3A_66 = arith.constant 8 : i32
    %add3A_67 = arith.addi %mul3A_2, %add3A_66 : i32
    %dma_start3A_68 = arith.constant 2 : i32
    %dma_start3A_69 = arith.constant 0 : i32
    %dma_start3A_70 = arith.constant 0 : i32
    %dma_start3A_71 = arith.constant 0 : i32
    %dma_start3A_72 = tpu.memref_slice %arg5[%dma_start3A_68, %dma_start3A_69, %dma_start3A_70, %dma_start3A_71] : memref<8x4x4x768xf32, #tpu.memory_space<vmem>> -> memref<1x4x4x768xf32, #tpu.memory_space<vmem>>
    %dma_start3A_73 = tpu.memref_squeeze %dma_start3A_72 : memref<1x4x4x768xf32, #tpu.memory_space<vmem>> -> memref<4x4x768xf32, #tpu.memory_space<vmem>>
    %dma_start3A_74 = arith.constant 0 : i32
    %dma_start3A_75 = arith.constant 0 : i32
    %dma_start3A_76 = tpu.memref_slice %arg2[%add3A_67, %dma_start3A_74, %dma_start3A_75] : memref<8192x4x768xf32, #tpu.memory_space<hbm>> -> memref<4x4x768xf32, #tpu.memory_space<hbm>>
    %dma_start3A_77 = arith.constant 0 : i32
    %dma_start3A_78 = arith.constant 0 : i32
    %dma_start3A_79 = arith.constant 0 : i32
    %dma_start3A_80 = tpu.memref_slice %arg5[%dma_start3A_68, %dma_start3A_77, %dma_start3A_78, %dma_start3A_79] : memref<8x4x4x768xf32, #tpu.memory_space<vmem>> -> memref<1x4x4x768xf32, #tpu.memory_space<vmem>>
    %dma_start3A_81 = tpu.memref_squeeze %dma_start3A_80 : memref<1x4x4x768xf32, #tpu.memory_space<vmem>> -> memref<4x4x768xf32, #tpu.memory_space<vmem>>
    %dma_start3A_82 = arith.constant 0 : i32
    %dma_start3A_83 = arith.constant 0 : i32
    %dma_start3A_84 = tpu.memref_slice %arg2[%add3A_67, %dma_start3A_82, %dma_start3A_83] : memref<8192x4x768xf32, #tpu.memory_space<hbm>> -> memref<4x4x768xf32, #tpu.memory_space<hbm>>
    tpu.enqueue_dma source(%dma_start3A_84 : memref<4x4x768xf32, #tpu.memory_space<hbm>>) target(%dma_start3A_81 : memref<4x4x768xf32, #tpu.memory_space<vmem>>) target_semaphore(%arg9 : memref<!tpu.dma_semaphore, #tpu.memory_space<semaphore_mem>>)
    %dma_start3A_85 = arith.constant 2 : i32
    %dma_start3A_86 = arith.constant 0 : i32
    %dma_start3A_87 = arith.constant 0 : i32
    %dma_start3A_88 = tpu.memref_slice %arg6[%dma_start3A_85, %dma_start3A_86, %dma_start3A_87] : memref<8x4x768xf32, #tpu.memory_space<vmem>> -> memref<1x4x768xf32, #tpu.memory_space<vmem>>
    %dma_start3A_89 = tpu.memref_squeeze %dma_start3A_88 : memref<1x4x768xf32, #tpu.memory_space<vmem>> -> memref<4x768xf32, #tpu.memory_space<vmem>>
    %dma_start3A_90 = arith.constant 0 : i32
    %dma_start3A_91 = tpu.memref_slice %arg3[%add3A_67, %dma_start3A_90] : memref<8192x768xf32, #tpu.memory_space<hbm>> -> memref<4x768xf32, #tpu.memory_space<hbm>>
    %dma_start3A_92 = arith.constant 0 : i32
    %dma_start3A_93 = arith.constant 0 : i32
    %dma_start3A_94 = tpu.memref_slice %arg6[%dma_start3A_85, %dma_start3A_92, %dma_start3A_93] : memref<8x4x768xf32, #tpu.memory_space<vmem>> -> memref<1x4x768xf32, #tpu.memory_space<vmem>>
    %dma_start3A_95 = tpu.memref_squeeze %dma_start3A_94 : memref<1x4x768xf32, #tpu.memory_space<vmem>> -> memref<4x768xf32, #tpu.memory_space<vmem>>
    %dma_start3A_96 = arith.constant 0 : i32
    %dma_start3A_97 = tpu.memref_slice %arg3[%add3A_67, %dma_start3A_96] : memref<8192x768xf32, #tpu.memory_space<hbm>> -> memref<4x768xf32, #tpu.memory_space<hbm>>
    tpu.enqueue_dma source(%dma_start3A_97 : memref<4x768xf32, #tpu.memory_space<hbm>>) target(%dma_start3A_95 : memref<4x768xf32, #tpu.memory_space<vmem>>) target_semaphore(%arg17 : memref<!tpu.dma_semaphore, #tpu.memory_space<semaphore_mem>>)
    %add3A_98 = arith.constant 12 : i32
    %add3A_99 = arith.addi %mul3A_2, %add3A_98 : i32
    %dma_start3A_100 = arith.constant 3 : i32
    %dma_start3A_101 = arith.constant 0 : i32
    %dma_start3A_102 = arith.constant 0 : i32
    %dma_start3A_103 = arith.constant 0 : i32
    %dma_start3A_104 = tpu.memref_slice %arg5[%dma_start3A_100, %dma_start3A_101, %dma_start3A_102, %dma_start3A_103] : memref<8x4x4x768xf32, #tpu.memory_space<vmem>> -> memref<1x4x4x768xf32, #tpu.memory_space<vmem>>
    %dma_start3A_105 = tpu.memref_squeeze %dma_start3A_104 : memref<1x4x4x768xf32, #tpu.memory_space<vmem>> -> memref<4x4x768xf32, #tpu.memory_space<vmem>>
    %dma_start3A_106 = arith.constant 0 : i32
    %dma_start3A_107 = arith.constant 0 : i32
    %dma_start3A_108 = tpu.memref_slice %arg2[%add3A_99, %dma_start3A_106, %dma_start3A_107] : memref<8192x4x768xf32, #tpu.memory_space<hbm>> -> memref<4x4x768xf32, #tpu.memory_space<hbm>>
    %dma_start3A_109 = arith.constant 0 : i32
    %dma_start3A_110 = arith.constant 0 : i32
    %dma_start3A_111 = arith.constant 0 : i32
    %dma_start3A_112 = tpu.memref_slice %arg5[%dma_start3A_100, %dma_start3A_109, %dma_start3A_110, %dma_start3A_111] : memref<8x4x4x768xf32, #tpu.memory_space<vmem>> -> memref<1x4x4x768xf32, #tpu.memory_space<vmem>>
    %dma_start3A_113 = tpu.memref_squeeze %dma_start3A_112 : memref<1x4x4x768xf32, #tpu.memory_space<vmem>> -> memref<4x4x768xf32, #tpu.memory_space<vmem>>
    %dma_start3A_114 = arith.constant 0 : i32
    %dma_start3A_115 = arith.constant 0 : i32
    %dma_start3A_116 = tpu.memref_slice %arg2[%add3A_99, %dma_start3A_114, %dma_start3A_115] : memref<8192x4x768xf32, #tpu.memory_space<hbm>> -> memref<4x4x768xf32, #tpu.memory_space<hbm>>
    tpu.enqueue_dma source(%dma_start3A_116 : memref<4x4x768xf32, #tpu.memory_space<hbm>>) target(%dma_start3A_113 : memref<4x4x768xf32, #tpu.memory_space<vmem>>) target_semaphore(%arg10 : memref<!tpu.dma_semaphore, #tpu.memory_space<semaphore_mem>>)
    %dma_start3A_117 = arith.constant 3 : i32
    %dma_start3A_118 = arith.constant 0 : i32
    %dma_start3A_119 = arith.constant 0 : i32
    %dma_start3A_120 = tpu.memref_slice %arg6[%dma_start3A_117, %dma_start3A_118, %dma_start3A_119] : memref<8x4x768xf32, #tpu.memory_space<vmem>> -> memref<1x4x768xf32, #tpu.memory_space<vmem>>
    %dma_start3A_121 = tpu.memref_squeeze %dma_start3A_120 : memref<1x4x768xf32, #tpu.memory_space<vmem>> -> memref<4x768xf32, #tpu.memory_space<vmem>>
    %dma_start3A_122 = arith.constant 0 : i32
    %dma_start3A_123 = tpu.memref_slice %arg3[%add3A_99, %dma_start3A_122] : memref<8192x768xf32, #tpu.memory_space<hbm>> -> memref<4x768xf32, #tpu.memory_space<hbm>>
    %dma_start3A_124 = arith.constant 0 : i32
    %dma_start3A_125 = arith.constant 0 : i32
    %dma_start3A_126 = tpu.memref_slice %arg6[%dma_start3A_117, %dma_start3A_124, %dma_start3A_125] : memref<8x4x768xf32, #tpu.memory_space<vmem>> -> memref<1x4x768xf32, #tpu.memory_space<vmem>>
    %dma_start3A_127 = tpu.memref_squeeze %dma_start3A_126 : memref<1x4x768xf32, #tpu.memory_space<vmem>> -> memref<4x768xf32, #tpu.memory_space<vmem>>
    %dma_start3A_128 = arith.constant 0 : i32
    %dma_start3A_129 = tpu.memref_slice %arg3[%add3A_99, %dma_start3A_128] : memref<8192x768xf32, #tpu.memory_space<hbm>> -> memref<4x768xf32, #tpu.memory_space<hbm>>
    tpu.enqueue_dma source(%dma_start3A_129 : memref<4x768xf32, #tpu.memory_space<hbm>>) target(%dma_start3A_127 : memref<4x768xf32, #tpu.memory_space<vmem>>) target_semaphore(%arg18 : memref<!tpu.dma_semaphore, #tpu.memory_space<semaphore_mem>>)
    %scan3A = arith.constant 0 : i32
    %scan3A_130 = arith.constant 0 : i32
    %scan3A_131 = arith.constant 8 : i32
    %scan3A_132 = arith.addi %scan3A_130, %scan3A_131 : i32
    %scan3A_133 = arith.constant 1 : i32
    scf.for %scan3A_210 = %scan3A_130 to %scan3A_132 step %scan3A_133  : i32 {
      %mul3A_211 = arith.constant 8 : i32
      %mul3A_212 = arith.muli %scan3A_210, %mul3A_211 : i32
      %add3A_213 = arith.constant 0 : i32
      %add3A_214 = arith.addi %mul3A_212, %add3A_213 : i32
      %mul3A_215 = arith.constant 4 : i32
      %mul3A_216 = arith.muli %add3A_214, %mul3A_215 : i32
      %add3A_217 = arith.addi %mul3A_2, %mul3A_216 : i32
      %dma_wait3A_218 = arith.constant 0 : i32
      %dma_wait3A_219 = arith.constant 0 : i32
      %dma_wait3A_220 = arith.constant 0 : i32
      %dma_wait3A_221 = arith.constant 0 : i32
      %dma_wait3A_222 = tpu.memref_slice %arg5[%dma_wait3A_218, %dma_wait3A_219, %dma_wait3A_220, %dma_wait3A_221] : memref<8x4x4x768xf32, #tpu.memory_space<vmem>> -> memref<1x4x4x768xf32, #tpu.memory_space<vmem>>
      %dma_wait3A_223 = tpu.memref_squeeze %dma_wait3A_222 : memref<1x4x4x768xf32, #tpu.memory_space<vmem>> -> memref<4x4x768xf32, #tpu.memory_space<vmem>>
      %dma_wait3A_224 = arith.constant 0 : i32
      %dma_wait3A_225 = arith.constant 0 : i32
      %dma_wait3A_226 = tpu.memref_slice %arg2[%add3A_217, %dma_wait3A_224, %dma_wait3A_225] : memref<8192x4x768xf32, #tpu.memory_space<hbm>> -> memref<4x4x768xf32, #tpu.memory_space<hbm>>
      %dma_wait3A_227 = arith.constant 0 : i32
      %dma_wait3A_228 = arith.constant 0 : i32
      %dma_wait3A_229 = arith.constant 0 : i32
      %dma_wait3A_230 = tpu.memref_slice %arg5[%dma_wait3A_218, %dma_wait3A_227, %dma_wait3A_228, %dma_wait3A_229] : memref<8x4x4x768xf32, #tpu.memory_space<vmem>> -> memref<1x4x4x768xf32, #tpu.memory_space<vmem>>
      %dma_wait3A_231 = tpu.memref_squeeze %dma_wait3A_230 : memref<1x4x4x768xf32, #tpu.memory_space<vmem>> -> memref<4x4x768xf32, #tpu.memory_space<vmem>>
      %dma_wait3A_232 = arith.constant 0 : i32
      %dma_wait3A_233 = arith.constant 0 : i32
      %dma_wait3A_234 = tpu.memref_slice %arg2[%add3A_217, %dma_wait3A_232, %dma_wait3A_233] : memref<8192x4x768xf32, #tpu.memory_space<hbm>> -> memref<4x4x768xf32, #tpu.memory_space<hbm>>
      tpu.wait_dma2 semaphore(%arg7 : memref<!tpu.dma_semaphore, #tpu.memory_space<semaphore_mem>>) src(%dma_wait3A_234 : memref<4x4x768xf32, #tpu.memory_space<hbm>>) dst(%dma_wait3A_231 : memref<4x4x768xf32, #tpu.memory_space<vmem>>)
      %dma_wait3A_235 = arith.constant 0 : i32
      %dma_wait3A_236 = arith.constant 0 : i32
      %dma_wait3A_237 = arith.constant 0 : i32
      %dma_wait3A_238 = tpu.memref_slice %arg6[%dma_wait3A_235, %dma_wait3A_236, %dma_wait3A_237] : memref<8x4x768xf32, #tpu.memory_space<vmem>> -> memref<1x4x768xf32, #tpu.memory_space<vmem>>
      %dma_wait3A_239 = tpu.memref_squeeze %dma_wait3A_238 : memref<1x4x768xf32, #tpu.memory_space<vmem>> -> memref<4x768xf32, #tpu.memory_space<vmem>>
      %dma_wait3A_240 = arith.constant 0 : i32
      %dma_wait3A_241 = tpu.memref_slice %arg3[%add3A_217, %dma_wait3A_240] : memref<8192x768xf32, #tpu.memory_space<hbm>> -> memref<4x768xf32, #tpu.memory_space<hbm>>
      %dma_wait3A_242 = arith.constant 0 : i32
      %dma_wait3A_243 = arith.constant 0 : i32
      %dma_wait3A_244 = tpu.memref_slice %arg6[%dma_wait3A_235, %dma_wait3A_242, %dma_wait3A_243] : memref<8x4x768xf32, #tpu.memory_space<vmem>> -> memref<1x4x768xf32, #tpu.memory_space<vmem>>
      %dma_wait3A_245 = tpu.memref_squeeze %dma_wait3A_244 : memref<1x4x768xf32, #tpu.memory_space<vmem>> -> memref<4x768xf32, #tpu.memory_space<vmem>>
      %dma_wait3A_246 = arith.constant 0 : i32
      %dma_wait3A_247 = tpu.memref_slice %arg3[%add3A_217, %dma_wait3A_246] : memref<8192x768xf32, #tpu.memory_space<hbm>> -> memref<4x768xf32, #tpu.memory_space<hbm>>
      tpu.wait_dma2 semaphore(%arg15 : memref<!tpu.dma_semaphore, #tpu.memory_space<semaphore_mem>>) src(%dma_wait3A_247 : memref<4x768xf32, #tpu.memory_space<hbm>>) dst(%dma_wait3A_245 : memref<4x768xf32, #tpu.memory_space<vmem>>)
      %scan3A_248 = arith.constant 0 : i32
      %scan3A_249 = arith.constant 0 : i32
      %scan3A_250 = arith.constant 48 : i32
      %scan3A_251 = arith.addi %scan3A_249, %scan3A_250 : i32
      %scan3A_252 = arith.constant 1 : i32
      scf.for %scan3A_838 = %scan3A_249 to %scan3A_251 step %scan3A_252  : i32 {
        %mul3A_839 = arith.constant 16 : i32
        %mul3A_840 = arith.muli %scan3A_838, %mul3A_839 : i32
        %get3A = arith.constant 0 : i32
        %get3A_841 = arith.constant 0 : i32
        %get3A_842 = arith.index_cast %get3A : i32 to index
        %get3A_843 = arith.index_cast %get3A_841 : i32 to index
        %get3A_844 = arith.index_cast %mul3A_840 : i32 to index
        %get3A_845 = tpu.vector_load %arg6[%get3A_842, %get3A_843, %get3A_844] {strides = array<i32>} : memref<8x4x768xf32, #tpu.memory_space<vmem>>, vector<1x1x16xf32>,
        %get3A_846 = vector.shape_cast %get3A_845 : vector<1x1x16xf32> to vector<16xf32>
        %swap3A = arith.constant 0 : i32
        %swap3A_847 = arith.constant 0 : i32
        %swap3A_848 = arith.constant 0 : i32
        %swap3A_849 = arith.index_cast %swap3A : i32 to index
        %swap3A_850 = arith.index_cast %swap3A_847 : i32 to index
        %swap3A_851 = arith.index_cast %swap3A_848 : i32 to index
        %swap3A_852 = arith.index_cast %mul3A_840 : i32 to index
        %swap3A_853 = tpu.vector_load %arg5[%swap3A_849, %swap3A_850, %swap3A_851, %swap3A_852] {strides = array<i32>} : memref<8x4x4x768xf32, #tpu.memory_space<vmem>>, vector<1x1x1x16xf32>,
        %swap3A_854 = vector.shape_cast %swap3A_853 : vector<1x1x1x16xf32> to vector<16xf32>
        %swap3A_855 = vector.shape_cast %get3A_846 : vector<16xf32> to vector<1x1x1x16xf32>
        tpu.vector_store %arg5[%swap3A_849, %swap3A_850, %swap3A_851, %swap3A_852], %swap3A_855 {add = true, strides = array<i32>} : memref<8x4x4x768xf32, #tpu.memory_space<vmem>>, vector<1x1x1x16xf32>,
        %swap3A_856 = arith.constant 0 : i32
        %swap3A_857 = arith.constant 0 : i32
        %swap3A_858 = arith.constant 1 : i32
        %swap3A_859 = arith.index_cast %swap3A_856 : i32 to index
        %swap3A_860 = arith.index_cast %swap3A_857 : i32 to index
        %swap3A_861 = arith.index_cast %swap3A_858 : i32 to index
        %swap3A_862 = arith.index_cast %mul3A_840 : i32 to index
        %swap3A_863 = tpu.vector_load %arg5[%swap3A_859, %swap3A_860, %swap3A_861, %swap3A_862] {strides = array<i32>} : memref<8x4x4x768xf32, #tpu.memory_space<vmem>>, vector<1x1x1x16xf32>,
        %swap3A_864 = vector.shape_cast %swap3A_863 : vector<1x1x1x16xf32> to vector<16xf32>
        %swap3A_865 = vector.shape_cast %get3A_846 : vector<16xf32> to vector<1x1x1x16xf32>
        tpu.vector_store %arg5[%swap3A_859, %swap3A_860, %swap3A_861, %swap3A_862], %swap3A_865 {add = true, strides = array<i32>} : memref<8x4x4x768xf32, #tpu.memory_space<vmem>>, vector<1x1x1x16xf32>,
        %swap3A_866 = arith.constant 0 : i32
        %swap3A_867 = arith.constant 0 : i32
        %swap3A_868 = arith.constant 2 : i32
        %swap3A_869 = arith.index_cast %swap3A_866 : i32 to index
        %swap3A_870 = arith.index_cast %swap3A_867 : i32 to index
        %swap3A_871 = arith.index_cast %swap3A_868 : i32 to index
        %swap3A_872 = arith.index_cast %mul3A_840 : i32 to index
        %swap3A_873 = tpu.vector_load %arg5[%swap3A_869, %swap3A_870, %swap3A_871, %swap3A_872] {strides = array<i32>} : memref<8x4x4x768xf32, #tpu.memory_space<vmem>>, vector<1x1x1x16xf32>,
        %swap3A_874 = vector.shape_cast %swap3A_873 : vector<1x1x1x16xf32> to vector<16xf32>
        %swap3A_875 = vector.shape_cast %get3A_846 : vector<16xf32> to vector<1x1x1x16xf32>
        tpu.vector_store %arg5[%swap3A_869, %swap3A_870, %swap3A_871, %swap3A_872], %swap3A_875 {add = true, strides = array<i32>} : memref<8x4x4x768xf32, #tpu.memory_space<vmem>>, vector<1x1x1x16xf32>,
        %swap3A_876 = arith.constant 0 : i32
        %swap3A_877 = arith.constant 0 : i32
        %swap3A_878 = arith.constant 3 : i32
        %swap3A_879 = arith.index_cast %swap3A_876 : i32 to index
        %swap3A_880 = arith.index_cast %swap3A_877 : i32 to index
        %swap3A_881 = arith.index_cast %swap3A_878 : i32 to index
        %swap3A_882 = arith.index_cast %mul3A_840 : i32 to index
        %swap3A_883 = tpu.vector_load %arg5[%swap3A_879, %swap3A_880, %swap3A_881, %swap3A_882] {strides = array<i32>} : memref<8x4x4x768xf32, #tpu.memory_space<vmem>>, vector<1x1x1x16xf32>,
        %swap3A_884 = vector.shape_cast %swap3A_883 : vector<1x1x1x16xf32> to vector<16xf32>
        %swap3A_885 = vector.shape_cast %get3A_846 : vector<16xf32> to vector<1x1x1x16xf32>
        tpu.vector_store %arg5[%swap3A_879, %swap3A_880, %swap3A_881, %swap3A_882], %swap3A_885 {add = true, strides = array<i32>} : memref<8x4x4x768xf32, #tpu.memory_space<vmem>>, vector<1x1x1x16xf32>,
        %get3A_886 = arith.constant 0 : i32
        %get3A_887 = arith.constant 1 : i32
        %get3A_888 = arith.index_cast %get3A_886 : i32 to index
        %get3A_889 = arith.index_cast %get3A_887 : i32 to index
        %get3A_890 = arith.index_cast %mul3A_840 : i32 to index
        %get3A_891 = tpu.vector_load %arg6[%get3A_888, %get3A_889, %get3A_890] {strides = array<i32>} : memref<8x4x768xf32, #tpu.memory_space<vmem>>, vector<1x1x16xf32>,
        %get3A_892 = vector.shape_cast %get3A_891 : vector<1x1x16xf32> to vector<16xf32>
        %swap3A_893 = arith.constant 0 : i32
        %swap3A_894 = arith.constant 1 : i32
        %swap3A_895 = arith.constant 0 : i32
        %swap3A_896 = arith.index_cast %swap3A_893 : i32 to index
        %swap3A_897 = arith.index_cast %swap3A_894 : i32 to index
        %swap3A_898 = arith.index_cast %swap3A_895 : i32 to index
        %swap3A_899 = arith.index_cast %mul3A_840 : i32 to index
        %swap3A_900 = tpu.vector_load %arg5[%swap3A_896, %swap3A_897, %swap3A_898, %swap3A_899] {strides = array<i32>} : memref<8x4x4x768xf32, #tpu.memory_space<vmem>>, vector<1x1x1x16xf32>,
        %swap3A_901 = vector.shape_cast %swap3A_900 : vector<1x1x1x16xf32> to vector<16xf32>
        %swap3A_902 = vector.shape_cast %get3A_892 : vector<16xf32> to vector<1x1x1x16xf32>
        tpu.vector_store %arg5[%swap3A_896, %swap3A_897, %swap3A_898, %swap3A_899], %swap3A_902 {add = true, strides = array<i32>} : memref<8x4x4x768xf32, #tpu.memory_space<vmem>>, vector<1x1x1x16xf32>,
        %swap3A_903 = arith.constant 0 : i32
        %swap3A_904 = arith.constant 1 : i32
        %swap3A_905 = arith.constant 1 : i32
        %swap3A_906 = arith.index_cast %swap3A_903 : i32 to index
        %swap3A_907 = arith.index_cast %swap3A_904 : i32 to index
        %swap3A_908 = arith.index_cast %swap3A_905 : i32 to index
        %swap3A_909 = arith.index_cast %mul3A_840 : i32 to index
        %swap3A_910 = tpu.vector_load %arg5[%swap3A_906, %swap3A_907, %swap3A_908, %swap3A_909] {strides = array<i32>} : memref<8x4x4x768xf32, #tpu.memory_space<vmem>>, vector<1x1x1x16xf32>,
        %swap3A_911 = vector.shape_cast %swap3A_910 : vector<1x1x1x16xf32> to vector<16xf32>
        %swap3A_912 = vector.shape_cast %get3A_892 : vector<16xf32> to vector<1x1x1x16xf32>
        tpu.vector_store %arg5[%swap3A_906, %swap3A_907, %swap3A_908, %swap3A_909], %swap3A_912 {add = true, strides = array<i32>} : memref<8x4x4x768xf32, #tpu.memory_space<vmem>>, vector<1x1x1x16xf32>,
        %swap3A_913 = arith.constant 0 : i32
        %swap3A_914 = arith.constant 1 : i32
        %swap3A_915 = arith.constant 2 : i32
        %swap3A_916 = arith.index_cast %swap3A_913 : i32 to index
        %swap3A_917 = arith.index_cast %swap3A_914 : i32 to index
        %swap3A_918 = arith.index_cast %swap3A_915 : i32 to index
        %swap3A_919 = arith.index_cast %mul3A_840 : i32 to index
        %swap3A_920 = tpu.vector_load %arg5[%swap3A_916, %swap3A_917, %swap3A_918, %swap3A_919] {strides = array<i32>} : memref<8x4x4x768xf32, #tpu.memory_space<vmem>>, vector<1x1x1x16xf32>,
        %swap3A_921 = vector.shape_cast %swap3A_920 : vector<1x1x1x16xf32> to vector<16xf32>
        %swap3A_922 = vector.shape_cast %get3A_892 : vector<16xf32> to vector<1x1x1x16xf32>
        tpu.vector_store %arg5[%swap3A_916, %swap3A_917, %swap3A_918, %swap3A_919], %swap3A_922 {add = true, strides = array<i32>} : memref<8x4x4x768xf32, #tpu.memory_space<vmem>>, vector<1x1x1x16xf32>,
        %swap3A_923 = arith.constant 0 : i32
        %swap3A_924 = arith.constant 1 : i32
        %swap3A_925 = arith.constant 3 : i32
        %swap3A_926 = arith.index_cast %swap3A_923 : i32 to index
        %swap3A_927 = arith.index_cast %swap3A_924 : i32 to index
        %swap3A_928 = arith.index_cast %swap3A_925 : i32 to index
        %swap3A_929 = arith.index_cast %mul3A_840 : i32 to index
        %swap3A_930 = tpu.vector_load %arg5[%swap3A_926, %swap3A_927, %swap3A_928, %swap3A_929] {strides = array<i32>} : memref<8x4x4x768xf32, #tpu.memory_space<vmem>>, vector<1x1x1x16xf32>,
        %swap3A_931 = vector.shape_cast %swap3A_930 : vector<1x1x1x16xf32> to vector<16xf32>
        %swap3A_932 = vector.shape_cast %get3A_892 : vector<16xf32> to vector<1x1x1x16xf32>
        tpu.vector_store %arg5[%swap3A_926, %swap3A_927, %swap3A_928, %swap3A_929], %swap3A_932 {add = true, strides = array<i32>} : memref<8x4x4x768xf32, #tpu.memory_space<vmem>>, vector<1x1x1x16xf32>,
        %get3A_933 = arith.constant 0 : i32
        %get3A_934 = arith.constant 2 : i32
        %get3A_935 = arith.index_cast %get3A_933 : i32 to index
        %get3A_936 = arith.index_cast %get3A_934 : i32 to index
        %get3A_937 = arith.index_cast %mul3A_840 : i32 to index
        %get3A_938 = tpu.vector_load %arg6[%get3A_935, %get3A_936, %get3A_937] {strides = array<i32>} : memref<8x4x768xf32, #tpu.memory_space<vmem>>, vector<1x1x16xf32>,
        %get3A_939 = vector.shape_cast %get3A_938 : vector<1x1x16xf32> to vector<16xf32>
        %swap3A_940 = arith.constant 0 : i32
        %swap3A_941 = arith.constant 2 : i32
        %swap3A_942 = arith.constant 0 : i32
        %swap3A_943 = arith.index_cast %swap3A_940 : i32 to index
        %swap3A_944 = arith.index_cast %swap3A_941 : i32 to index
        %swap3A_945 = arith.index_cast %swap3A_942 : i32 to index
        %swap3A_946 = arith.index_cast %mul3A_840 : i32 to index
        %swap3A_947 = tpu.vector_load %arg5[%swap3A_943, %swap3A_944, %swap3A_945, %swap3A_946] {strides = array<i32>} : memref<8x4x4x768xf32, #tpu.memory_space<vmem>>, vector<1x1x1x16xf32>,
        %swap3A_948 = vector.shape_cast %swap3A_947 : vector<1x1x1x16xf32> to vector<16xf32>
        %swap3A_949 = vector.shape_cast %get3A_939 : vector<16xf32> to vector<1x1x1x16xf32>
        tpu.vector_store %arg5[%swap3A_943, %swap3A_944, %swap3A_945, %swap3A_946], %swap3A_949 {add = true, strides = array<i32>} : memref<8x4x4x768xf32, #tpu.memory_space<vmem>>, vector<1x1x1x16xf32>,
        %swap3A_950 = arith.constant 0 : i32
        %swap3A_951 = arith.constant 2 : i32
        %swap3A_952 = arith.constant 1 : i32
        %swap3A_953 = arith.index_cast %swap3A_950 : i32 to index
        %swap3A_954 = arith.index_cast %swap3A_951 : i32 to index
        %swap3A_955 = arith.index_cast %swap3A_952 : i32 to index
        %swap3A_956 = arith.index_cast %mul3A_840 : i32 to index
        %swap3A_957 = tpu.vector_load %arg5[%swap3A_953, %swap3A_954, %swap3A_955, %swap3A_956] {strides = array<i32>} : memref<8x4x4x768xf32, #tpu.memory_space<vmem>>, vector<1x1x1x16xf32>,
        %swap3A_958 = vector.shape_cast %swap3A_957 : vector<1x1x1x16xf32> to vector<16xf32>
        %swap3A_959 = vector.shape_cast %get3A_939 : vector<16xf32> to vector<1x1x1x16xf32>
        tpu.vector_store %arg5[%swap3A_953, %swap3A_954, %swap3A_955, %swap3A_956], %swap3A_959 {add = true, strides = array<i32>} : memref<8x4x4x768xf32, #tpu.memory_space<vmem>>, vector<1x1x1x16xf32>,
        %swap3A_960 = arith.constant 0 : i32
        %swap3A_961 = arith.constant 2 : i32
        %swap3A_962 = arith.constant 2 : i32
        %swap3A_963 = arith.index_cast %swap3A_960 : i32 to index
        %swap3A_964 = arith.index_cast %swap3A_961 : i32 to index
        %swap3A_965 = arith.index_cast %swap3A_962 : i32 to index
        %swap3A_966 = arith.index_cast %mul3A_840 : i32 to index
        %swap3A_967 = tpu.vector_load %arg5[%swap3A_963, %swap3A_964, %swap3A_965, %swap3A_966] {strides = array<i32>} : memref<8x4x4x768xf32, #tpu.memory_space<vmem>>, vector<1x1x1x16xf32>,
        %swap3A_968 = vector.shape_cast %swap3A_967 : vector<1x1x1x16xf32> to vector<16xf32>
        %swap3A_969 = vector.shape_cast %get3A_939 : vector<16xf32> to vector<1x1x1x16xf32>
        tpu.vector_store %arg5[%swap3A_963, %swap3A_964, %swap3A_965, %swap3A_966], %swap3A_969 {add = true, strides = array<i32>} : memref<8x4x4x768xf32, #tpu.memory_space<vmem>>, vector<1x1x1x16xf32>,
        %swap3A_970 = arith.constant 0 : i32
        %swap3A_971 = arith.constant 2 : i32
        %swap3A_972 = arith.constant 3 : i32
        %swap3A_973 = arith.index_cast %swap3A_970 : i32 to index
        %swap3A_974 = arith.index_cast %swap3A_971 : i32 to index
        %swap3A_975 = arith.index_cast %swap3A_972 : i32 to index
        %swap3A_976 = arith.index_cast %mul3A_840 : i32 to index
        %swap3A_977 = tpu.vector_load %arg5[%swap3A_973, %swap3A_974, %swap3A_975, %swap3A_976] {strides = array<i32>} : memref<8x4x4x768xf32, #tpu.memory_space<vmem>>, vector<1x1x1x16xf32>,
        %swap3A_978 = vector.shape_cast %swap3A_977 : vector<1x1x1x16xf32> to vector<16xf32>
        %swap3A_979 = vector.shape_cast %get3A_939 : vector<16xf32> to vector<1x1x1x16xf32>
        tpu.vector_store %arg5[%swap3A_973, %swap3A_974, %swap3A_975, %swap3A_976], %swap3A_979 {add = true, strides = array<i32>} : memref<8x4x4x768xf32, #tpu.memory_space<vmem>>, vector<1x1x1x16xf32>,
        %get3A_980 = arith.constant 0 : i32
        %get3A_981 = arith.constant 3 : i32
        %get3A_982 = arith.index_cast %get3A_980 : i32 to index
        %get3A_983 = arith.index_cast %get3A_981 : i32 to index
        %get3A_984 = arith.index_cast %mul3A_840 : i32 to index
        %get3A_985 = tpu.vector_load %arg6[%get3A_982, %get3A_983, %get3A_984] {strides = array<i32>} : memref<8x4x768xf32, #tpu.memory_space<vmem>>, vector<1x1x16xf32>,
        %get3A_986 = vector.shape_cast %get3A_985 : vector<1x1x16xf32> to vector<16xf32>
        %swap3A_987 = arith.constant 0 : i32
        %swap3A_988 = arith.constant 3 : i32
        %swap3A_989 = arith.constant 0 : i32
        %swap3A_990 = arith.index_cast %swap3A_987 : i32 to index
        %swap3A_991 = arith.index_cast %swap3A_988 : i32 to index
        %swap3A_992 = arith.index_cast %swap3A_989 : i32 to index
        %swap3A_993 = arith.index_cast %mul3A_840 : i32 to index
        %swap3A_994 = tpu.vector_load %arg5[%swap3A_990, %swap3A_991, %swap3A_992, %swap3A_993] {strides = array<i32>} : memref<8x4x4x768xf32, #tpu.memory_space<vmem>>, vector<1x1x1x16xf32>,
        %swap3A_995 = vector.shape_cast %swap3A_994 : vector<1x1x1x16xf32> to vector<16xf32>
        %swap3A_996 = vector.shape_cast %get3A_986 : vector<16xf32> to vector<1x1x1x16xf32>
        tpu.vector_store %arg5[%swap3A_990, %swap3A_991, %swap3A_992, %swap3A_993], %swap3A_996 {add = true, strides = array<i32>} : memref<8x4x4x768xf32, #tpu.memory_space<vmem>>, vector<1x1x1x16xf32>,
        %swap3A_997 = arith.constant 0 : i32
        %swap3A_998 = arith.constant 3 : i32
        %swap3A_999 = arith.constant 1 : i32
        %swap3A_1000 = arith.index_cast %swap3A_997 : i32 to index
        %swap3A_1001 = arith.index_cast %swap3A_998 : i32 to index
        %swap3A_1002 = arith.index_cast %swap3A_999 : i32 to index
        %swap3A_1003 = arith.index_cast %mul3A_840 : i32 to index
        %swap3A_1004 = tpu.vector_load %arg5[%swap3A_1000, %swap3A_1001, %swap3A_1002, %swap3A_1003] {strides = array<i32>} : memref<8x4x4x768xf32, #tpu.memory_space<vmem>>, vector<1x1x1x16xf32>,
        %swap3A_1005 = vector.shape_cast %swap3A_1004 : vector<1x1x1x16xf32> to vector<16xf32>
        %swap3A_1006 = vector.shape_cast %get3A_986 : vector<16xf32> to vector<1x1x1x16xf32>
        tpu.vector_store %arg5[%swap3A_1000, %swap3A_1001, %swap3A_1002, %swap3A_1003], %swap3A_1006 {add = true, strides = array<i32>} : memref<8x4x4x768xf32, #tpu.memory_space<vmem>>, vector<1x1x1x16xf32>,
        %swap3A_1007 = arith.constant 0 : i32
        %swap3A_1008 = arith.constant 3 : i32
        %swap3A_1009 = arith.constant 2 : i32
        %swap3A_1010 = arith.index_cast %swap3A_1007 : i32 to index
        %swap3A_1011 = arith.index_cast %swap3A_1008 : i32 to index
        %swap3A_1012 = arith.index_cast %swap3A_1009 : i32 to index
        %swap3A_1013 = arith.index_cast %mul3A_840 : i32 to index
        %swap3A_1014 = tpu.vector_load %arg5[%swap3A_1010, %swap3A_1011, %swap3A_1012, %swap3A_1013] {strides = array<i32>} : memref<8x4x4x768xf32, #tpu.memory_space<vmem>>, vector<1x1x1x16xf32>,
        %swap3A_1015 = vector.shape_cast %swap3A_1014 : vector<1x1x1x16xf32> to vector<16xf32>
        %swap3A_1016 = vector.shape_cast %get3A_986 : vector<16xf32> to vector<1x1x1x16xf32>
        tpu.vector_store %arg5[%swap3A_1010, %swap3A_1011, %swap3A_1012, %swap3A_1013], %swap3A_1016 {add = true, strides = array<i32>} : memref<8x4x4x768xf32, #tpu.memory_space<vmem>>, vector<1x1x1x16xf32>,
        %swap3A_1017 = arith.constant 0 : i32
        %swap3A_1018 = arith.constant 3 : i32
        %swap3A_1019 = arith.constant 3 : i32
        %swap3A_1020 = arith.index_cast %swap3A_1017 : i32 to index
        %swap3A_1021 = arith.index_cast %swap3A_1018 : i32 to index
        %swap3A_1022 = arith.index_cast %swap3A_1019 : i32 to index
        %swap3A_1023 = arith.index_cast %mul3A_840 : i32 to index
        %swap3A_1024 = tpu.vector_load %arg5[%swap3A_1020, %swap3A_1021, %swap3A_1022, %swap3A_1023] {strides = array<i32>} : memref<8x4x4x768xf32, #tpu.memory_space<vmem>>, vector<1x1x1x16xf32>,
        %swap3A_1025 = vector.shape_cast %swap3A_1024 : vector<1x1x1x16xf32> to vector<16xf32>
        %swap3A_1026 = vector.shape_cast %get3A_986 : vector<16xf32> to vector<1x1x1x16xf32>
        tpu.vector_store %arg5[%swap3A_1020, %swap3A_1021, %swap3A_1022, %swap3A_1023], %swap3A_1026 {add = true, strides = array<i32>} : memref<8x4x4x768xf32, #tpu.memory_space<vmem>>, vector<1x1x1x16xf32>,
      }
      %scan3A_253 = arith.constant 48 : i32
      %mul3A_254 = arith.constant 4 : i32
      %mul3A_255 = arith.muli %add3A_214, %mul3A_254 : i32
      %add3A_256 = arith.addi %mul3A_2, %mul3A_255 : i32
      %dma_start3A_257 = arith.constant 0 : i32
      %dma_start3A_258 = arith.constant 0 : i32
      %dma_start3A_259 = arith.constant 0 : i32
      %dma_start3A_260 = arith.constant 0 : i32
      %dma_start3A_261 = tpu.memref_slice %arg5[%dma_start3A_257, %dma_start3A_258, %dma_start3A_259, %dma_start3A_260] : memref<8x4x4x768xf32, #tpu.memory_space<vmem>> -> memref<1x4x4x768xf32, #tpu.memory_space<vmem>>
      %dma_start3A_262 = tpu.memref_squeeze %dma_start3A_261 : memref<1x4x4x768xf32, #tpu.memory_space<vmem>> -> memref<4x4x768xf32, #tpu.memory_space<vmem>>
      %dma_start3A_263 = arith.constant 0 : i32
      %dma_start3A_264 = arith.constant 0 : i32
      %dma_start3A_265 = tpu.memref_slice %arg4[%add3A_256, %dma_start3A_263, %dma_start3A_264] : memref<8192x4x768xf32, #tpu.memory_space<hbm>> -> memref<4x4x768xf32, #tpu.memory_space<hbm>>
      %dma_start3A_266 = arith.constant 0 : i32
      %dma_start3A_267 = arith.constant 0 : i32
      %dma_start3A_268 = tpu.memref_slice %arg4[%add3A_256, %dma_start3A_266, %dma_start3A_267] : memref<8192x4x768xf32, #tpu.memory_space<hbm>> -> memref<4x4x768xf32, #tpu.memory_space<hbm>>
      %dma_start3A_269 = arith.constant 0 : i32
      %dma_start3A_270 = arith.constant 0 : i32
      %dma_start3A_271 = arith.constant 0 : i32
      %dma_start3A_272 = tpu.memref_slice %arg5[%dma_start3A_257, %dma_start3A_269, %dma_start3A_270, %dma_start3A_271] : memref<8x4x4x768xf32, #tpu.memory_space<vmem>> -> memref<1x4x4x768xf32, #tpu.memory_space<vmem>>
      %dma_start3A_273 = tpu.memref_squeeze %dma_start3A_272 : memref<1x4x4x768xf32, #tpu.memory_space<vmem>> -> memref<4x4x768xf32, #tpu.memory_space<vmem>>
      tpu.enqueue_dma source(%dma_start3A_273 : memref<4x4x768xf32, #tpu.memory_space<vmem>>) target(%dma_start3A_268 : memref<4x4x768xf32, #tpu.memory_space<hbm>>) target_semaphore(%arg23 : memref<!tpu.dma_semaphore, #tpu.memory_space<semaphore_mem>>)
      %add3A_274 = arith.constant 4 : i32
      %add3A_275 = arith.addi %add3A_214, %add3A_274 : i32
      %sub3A = arith.constant 8 : i32
      %sub3A_276 = arith.subi %add3A_275, %sub3A : i32
      %ge3A = arith.constant 0 : i32
      %ge3A_277 = arith.cmpi sge, %sub3A_276, %ge3A : i32
      %convert_element_type3A = arith.extui %ge3A_277 : i1 to i32
      %cond3A = arith.constant 0 : i32
      %cond3A_278 = arith.cmpi ne, %convert_element_type3A, %cond3A : i32
      scf.if %cond3A_278 {
        %add3A_838 = arith.constant 4 : i32
        %add3A_839 = arith.addi %add3A_214, %add3A_838 : i32
        %sub3A_840 = arith.constant 8 : i32
        %sub3A_841 = arith.subi %add3A_839, %sub3A_840 : i32
        %mul3A_842 = arith.constant 4 : i32
        %mul3A_843 = arith.muli %sub3A_841, %mul3A_842 : i32
        %add3A_844 = arith.addi %mul3A_2, %mul3A_843 : i32
        %dma_wait3A_845 = arith.constant 4 : i32
        %dma_wait3A_846 = arith.constant 0 : i32
        %dma_wait3A_847 = arith.constant 0 : i32
        %dma_wait3A_848 = arith.constant 0 : i32
        %dma_wait3A_849 = tpu.memref_slice %arg5[%dma_wait3A_845, %dma_wait3A_846, %dma_wait3A_847, %dma_wait3A_848] : memref<8x4x4x768xf32, #tpu.memory_space<vmem>> -> memref<1x4x4x768xf32, #tpu.memory_space<vmem>>
        %dma_wait3A_850 = tpu.memref_squeeze %dma_wait3A_849 : memref<1x4x4x768xf32, #tpu.memory_space<vmem>> -> memref<4x4x768xf32, #tpu.memory_space<vmem>>
        %dma_wait3A_851 = arith.constant 0 : i32
        %dma_wait3A_852 = arith.constant 0 : i32
        %dma_wait3A_853 = tpu.memref_slice %arg4[%add3A_844, %dma_wait3A_851, %dma_wait3A_852] : memref<8192x4x768xf32, #tpu.memory_space<hbm>> -> memref<4x4x768xf32, #tpu.memory_space<hbm>>
        %dma_wait3A_854 = arith.constant 0 : i32
        %dma_wait3A_855 = arith.constant 0 : i32
        %dma_wait3A_856 = tpu.memref_slice %arg4[%add3A_844, %dma_wait3A_854, %dma_wait3A_855] : memref<8192x4x768xf32, #tpu.memory_space<hbm>> -> memref<4x4x768xf32, #tpu.memory_space<hbm>>
        %dma_wait3A_857 = arith.constant 0 : i32
        %dma_wait3A_858 = arith.constant 0 : i32
        %dma_wait3A_859 = arith.constant 0 : i32
        %dma_wait3A_860 = tpu.memref_slice %arg5[%dma_wait3A_845, %dma_wait3A_857, %dma_wait3A_858, %dma_wait3A_859] : memref<8x4x4x768xf32, #tpu.memory_space<vmem>> -> memref<1x4x4x768xf32, #tpu.memory_space<vmem>>
        %dma_wait3A_861 = tpu.memref_squeeze %dma_wait3A_860 : memref<1x4x4x768xf32, #tpu.memory_space<vmem>> -> memref<4x4x768xf32, #tpu.memory_space<vmem>>
        tpu.wait_dma2 semaphore(%arg27 : memref<!tpu.dma_semaphore, #tpu.memory_space<semaphore_mem>>) src(%dma_wait3A_861 : memref<4x4x768xf32, #tpu.memory_space<vmem>>) dst(%dma_wait3A_856 : memref<4x4x768xf32, #tpu.memory_space<hbm>>)
      } else {
      }
      %add3A_279 = arith.constant 4 : i32
      %add3A_280 = arith.addi %add3A_214, %add3A_279 : i32
      %lt3A = arith.constant 64 : i32
      %lt3A_281 = arith.cmpi slt, %add3A_280, %lt3A : i32
      %convert_element_type3A_282 = arith.extui %lt3A_281 : i1 to i32
      %cond3A_283 = arith.constant 0 : i32
      %cond3A_284 = arith.cmpi ne, %convert_element_type3A_282, %cond3A_283 : i32
      scf.if %cond3A_284 {
        %add3A_838 = arith.constant 4 : i32
        %add3A_839 = arith.addi %add3A_214, %add3A_838 : i32
        %mul3A_840 = arith.constant 4 : i32
        %mul3A_841 = arith.muli %add3A_839, %mul3A_840 : i32
        %add3A_842 = arith.addi %mul3A_2, %mul3A_841 : i32
        %dma_start3A_843 = arith.constant 4 : i32
        %dma_start3A_844 = arith.constant 0 : i32
        %dma_start3A_845 = arith.constant 0 : i32
        %dma_start3A_846 = arith.constant 0 : i32
        %dma_start3A_847 = tpu.memref_slice %arg5[%dma_start3A_843, %dma_start3A_844, %dma_start3A_845, %dma_start3A_846] : memref<8x4x4x768xf32, #tpu.memory_space<vmem>> -> memref<1x4x4x768xf32, #tpu.memory_space<vmem>>
        %dma_start3A_848 = tpu.memref_squeeze %dma_start3A_847 : memref<1x4x4x768xf32, #tpu.memory_space<vmem>> -> memref<4x4x768xf32, #tpu.memory_space<vmem>>
        %dma_start3A_849 = arith.constant 0 : i32
        %dma_start3A_850 = arith.constant 0 : i32
        %dma_start3A_851 = tpu.memref_slice %arg2[%add3A_842, %dma_start3A_849, %dma_start3A_850] : memref<8192x4x768xf32, #tpu.memory_space<hbm>> -> memref<4x4x768xf32, #tpu.memory_space<hbm>>
        %dma_start3A_852 = arith.constant 0 : i32
        %dma_start3A_853 = arith.constant 0 : i32
        %dma_start3A_854 = arith.constant 0 : i32
        %dma_start3A_855 = tpu.memref_slice %arg5[%dma_start3A_843, %dma_start3A_852, %dma_start3A_853, %dma_start3A_854] : memref<8x4x4x768xf32, #tpu.memory_space<vmem>> -> memref<1x4x4x768xf32, #tpu.memory_space<vmem>>
        %dma_start3A_856 = tpu.memref_squeeze %dma_start3A_855 : memref<1x4x4x768xf32, #tpu.memory_space<vmem>> -> memref<4x4x768xf32, #tpu.memory_space<vmem>>
        %dma_start3A_857 = arith.constant 0 : i32
        %dma_start3A_858 = arith.constant 0 : i32
        %dma_start3A_859 = tpu.memref_slice %arg2[%add3A_842, %dma_start3A_857, %dma_start3A_858] : memref<8192x4x768xf32, #tpu.memory_space<hbm>> -> memref<4x4x768xf32, #tpu.memory_space<hbm>>
        tpu.enqueue_dma source(%dma_start3A_859 : memref<4x4x768xf32, #tpu.memory_space<hbm>>) target(%dma_start3A_856 : memref<4x4x768xf32, #tpu.memory_space<vmem>>) target_semaphore(%arg11 : memref<!tpu.dma_semaphore, #tpu.memory_space<semaphore_mem>>)
        %dma_start3A_860 = arith.constant 4 : i32
        %dma_start3A_861 = arith.constant 0 : i32
        %dma_start3A_862 = arith.constant 0 : i32
        %dma_start3A_863 = tpu.memref_slice %arg6[%dma_start3A_860, %dma_start3A_861, %dma_start3A_862] : memref<8x4x768xf32, #tpu.memory_space<vmem>> -> memref<1x4x768xf32, #tpu.memory_space<vmem>>
        %dma_start3A_864 = tpu.memref_squeeze %dma_start3A_863 : memref<1x4x768xf32, #tpu.memory_space<vmem>> -> memref<4x768xf32, #tpu.memory_space<vmem>>
        %dma_start3A_865 = arith.constant 0 : i32
        %dma_start3A_866 = tpu.memref_slice %arg3[%add3A_842, %dma_start3A_865] : memref<8192x768xf32, #tpu.memory_space<hbm>> -> memref<4x768xf32, #tpu.memory_space<hbm>>
        %dma_start3A_867 = arith.constant 0 : i32
        %dma_start3A_868 = arith.constant 0 : i32
        %dma_start3A_869 = tpu.memref_slice %arg6[%dma_start3A_860, %dma_start3A_867, %dma_start3A_868] : memref<8x4x768xf32, #tpu.memory_space<vmem>> -> memref<1x4x768xf32, #tpu.memory_space<vmem>>
        %dma_start3A_870 = tpu.memref_squeeze %dma_start3A_869 : memref<1x4x768xf32, #tpu.memory_space<vmem>> -> memref<4x768xf32, #tpu.memory_space<vmem>>
        %dma_start3A_871 = arith.constant 0 : i32
        %dma_start3A_872 = tpu.memref_slice %arg3[%add3A_842, %dma_start3A_871] : memref<8192x768xf32, #tpu.memory_space<hbm>> -> memref<4x768xf32, #tpu.memory_space<hbm>>
        tpu.enqueue_dma source(%dma_start3A_872 : memref<4x768xf32, #tpu.memory_space<hbm>>) target(%dma_start3A_870 : memref<4x768xf32, #tpu.memory_space<vmem>>) target_semaphore(%arg19 : memref<!tpu.dma_semaphore, #tpu.memory_space<semaphore_mem>>)
      } else {
      }
      %mul3A_285 = arith.constant 8 : i32
      %mul3A_286 = arith.muli %scan3A_210, %mul3A_285 : i32
      %add3A_287 = arith.constant 1 : i32
      %add3A_288 = arith.addi %mul3A_286, %add3A_287 : i32
      %mul3A_289 = arith.constant 4 : i32
      %mul3A_290 = arith.muli %add3A_288, %mul3A_289 : i32
      %add3A_291 = arith.addi %mul3A_2, %mul3A_290 : i32
      %dma_wait3A_292 = arith.constant 1 : i32
      %dma_wait3A_293 = arith.constant 0 : i32
      %dma_wait3A_294 = arith.constant 0 : i32
      %dma_wait3A_295 = arith.constant 0 : i32
      %dma_wait3A_296 = tpu.memref_slice %arg5[%dma_wait3A_292, %dma_wait3A_293, %dma_wait3A_294, %dma_wait3A_295] : memref<8x4x4x768xf32, #tpu.memory_space<vmem>> -> memref<1x4x4x768xf32, #tpu.memory_space<vmem>>
      %dma_wait3A_297 = tpu.memref_squeeze %dma_wait3A_296 : memref<1x4x4x768xf32, #tpu.memory_space<vmem>> -> memref<4x4x768xf32, #tpu.memory_space<vmem>>
      %dma_wait3A_298 = arith.constant 0 : i32
      %dma_wait3A_299 = arith.constant 0 : i32
      %dma_wait3A_300 = tpu.memref_slice %arg2[%add3A_291, %dma_wait3A_298, %dma_wait3A_299] : memref<8192x4x768xf32, #tpu.memory_space<hbm>> -> memref<4x4x768xf32, #tpu.memory_space<hbm>>
      %dma_wait3A_301 = arith.constant 0 : i32
      %dma_wait3A_302 = arith.constant 0 : i32
      %dma_wait3A_303 = arith.constant 0 : i32
      %dma_wait3A_304 = tpu.memref_slice %arg5[%dma_wait3A_292, %dma_wait3A_301, %dma_wait3A_302, %dma_wait3A_303] : memref<8x4x4x768xf32, #tpu.memory_space<vmem>> -> memref<1x4x4x768xf32, #tpu.memory_space<vmem>>
      %dma_wait3A_305 = tpu.memref_squeeze %dma_wait3A_304 : memref<1x4x4x768xf32, #tpu.memory_space<vmem>> -> memref<4x4x768xf32, #tpu.memory_space<vmem>>
      %dma_wait3A_306 = arith.constant 0 : i32
      %dma_wait3A_307 = arith.constant 0 : i32
      %dma_wait3A_308 = tpu.memref_slice %arg2[%add3A_291, %dma_wait3A_306, %dma_wait3A_307] : memref<8192x4x768xf32, #tpu.memory_space<hbm>> -> memref<4x4x768xf32, #tpu.memory_space<hbm>>
      tpu.wait_dma2 semaphore(%arg8 : memref<!tpu.dma_semaphore, #tpu.memory_space<semaphore_mem>>) src(%dma_wait3A_308 : memref<4x4x768xf32, #tpu.memory_space<hbm>>) dst(%dma_wait3A_305 : memref<4x4x768xf32, #tpu.memory_space<vmem>>)
      %dma_wait3A_309 = arith.constant 1 : i32
      %dma_wait3A_310 = arith.constant 0 : i32
      %dma_wait3A_311 = arith.constant 0 : i32
      %dma_wait3A_312 = tpu.memref_slice %arg6[%dma_wait3A_309, %dma_wait3A_310, %dma_wait3A_311] : memref<8x4x768xf32, #tpu.memory_space<vmem>> -> memref<1x4x768xf32, #tpu.memory_space<vmem>>
      %dma_wait3A_313 = tpu.memref_squeeze %dma_wait3A_312 : memref<1x4x768xf32, #tpu.memory_space<vmem>> -> memref<4x768xf32, #tpu.memory_space<vmem>>
      %dma_wait3A_314 = arith.constant 0 : i32
      %dma_wait3A_315 = tpu.memref_slice %arg3[%add3A_291, %dma_wait3A_314] : memref<8192x768xf32, #tpu.memory_space<hbm>> -> memref<4x768xf32, #tpu.memory_space<hbm>>
      %dma_wait3A_316 = arith.constant 0 : i32
      %dma_wait3A_317 = arith.constant 0 : i32
      %dma_wait3A_318 = tpu.memref_slice %arg6[%dma_wait3A_309, %dma_wait3A_316, %dma_wait3A_317] : memref<8x4x768xf32, #tpu.memory_space<vmem>> -> memref<1x4x768xf32, #tpu.memory_space<vmem>>
      %dma_wait3A_319 = tpu.memref_squeeze %dma_wait3A_318 : memref<1x4x768xf32, #tpu.memory_space<vmem>> -> memref<4x768xf32, #tpu.memory_space<vmem>>
      %dma_wait3A_320 = arith.constant 0 : i32
      %dma_wait3A_321 = tpu.memref_slice %arg3[%add3A_291, %dma_wait3A_320] : memref<8192x768xf32, #tpu.memory_space<hbm>> -> memref<4x768xf32, #tpu.memory_space<hbm>>
      tpu.wait_dma2 semaphore(%arg16 : memref<!tpu.dma_semaphore, #tpu.memory_space<semaphore_mem>>) src(%dma_wait3A_321 : memref<4x768xf32, #tpu.memory_space<hbm>>) dst(%dma_wait3A_319 : memref<4x768xf32, #tpu.memory_space<vmem>>)
      %scan3A_322 = arith.constant 0 : i32
      %scan3A_323 = arith.constant 0 : i32
      %scan3A_324 = arith.constant 48 : i32
      %scan3A_325 = arith.addi %scan3A_323, %scan3A_324 : i32
      %scan3A_326 = arith.constant 1 : i32
      scf.for %scan3A_838 = %scan3A_323 to %scan3A_325 step %scan3A_326  : i32 {
        %mul3A_839 = arith.constant 16 : i32
        %mul3A_840 = arith.muli %scan3A_838, %mul3A_839 : i32
        %get3A = arith.constant 1 : i32
        %get3A_841 = arith.constant 0 : i32
        %get3A_842 = arith.index_cast %get3A : i32 to index
        %get3A_843 = arith.index_cast %get3A_841 : i32 to index
        %get3A_844 = arith.index_cast %mul3A_840 : i32 to index
        %get3A_845 = tpu.vector_load %arg6[%get3A_842, %get3A_843, %get3A_844] {strides = array<i32>} : memref<8x4x768xf32, #tpu.memory_space<vmem>>, vector<1x1x16xf32>,
        %get3A_846 = vector.shape_cast %get3A_845 : vector<1x1x16xf32> to vector<16xf32>
        %swap3A = arith.constant 1 : i32
        %swap3A_847 = arith.constant 0 : i32
        %swap3A_848 = arith.constant 0 : i32
        %swap3A_849 = arith.index_cast %swap3A : i32 to index
        %swap3A_850 = arith.index_cast %swap3A_847 : i32 to index
        %swap3A_851 = arith.index_cast %swap3A_848 : i32 to index
        %swap3A_852 = arith.index_cast %mul3A_840 : i32 to index
        %swap3A_853 = tpu.vector_load %arg5[%swap3A_849, %swap3A_850, %swap3A_851, %swap3A_852] {strides = array<i32>} : memref<8x4x4x768xf32, #tpu.memory_space<vmem>>, vector<1x1x1x16xf32>,
        %swap3A_854 = vector.shape_cast %swap3A_853 : vector<1x1x1x16xf32> to vector<16xf32>
        %swap3A_855 = vector.shape_cast %get3A_846 : vector<16xf32> to vector<1x1x1x16xf32>
        tpu.vector_store %arg5[%swap3A_849, %swap3A_850, %swap3A_851, %swap3A_852], %swap3A_855 {add = true, strides = array<i32>} : memref<8x4x4x768xf32, #tpu.memory_space<vmem>>, vector<1x1x1x16xf32>,
        %swap3A_856 = arith.constant 1 : i32
        %swap3A_857 = arith.constant 0 : i32
        %swap3A_858 = arith.constant 1 : i32
        %swap3A_859 = arith.index_cast %swap3A_856 : i32 to index
        %swap3A_860 = arith.index_cast %swap3A_857 : i32 to index
        %swap3A_861 = arith.index_cast %swap3A_858 : i32 to index
        %swap3A_862 = arith.index_cast %mul3A_840 : i32 to index
        %swap3A_863 = tpu.vector_load %arg5[%swap3A_859, %swap3A_860, %swap3A_861, %swap3A_862] {strides = array<i32>} : memref<8x4x4x768xf32, #tpu.memory_space<vmem>>, vector<1x1x1x16xf32>,
        %swap3A_864 = vector.shape_cast %swap3A_863 : vector<1x1x1x16xf32> to vector<16xf32>
        %swap3A_865 = vector.shape_cast %get3A_846 : vector<16xf32> to vector<1x1x1x16xf32>
        tpu.vector_store %arg5[%swap3A_859, %swap3A_860, %swap3A_861, %swap3A_862], %swap3A_865 {add = true, strides = array<i32>} : memref<8x4x4x768xf32, #tpu.memory_space<vmem>>, vector<1x1x1x16xf32>,
        %swap3A_866 = arith.constant 1 : i32
        %swap3A_867 = arith.constant 0 : i32
        %swap3A_868 = arith.constant 2 : i32
        %swap3A_869 = arith.index_cast %swap3A_866 : i32 to index
        %swap3A_870 = arith.index_cast %swap3A_867 : i32 to index
        %swap3A_871 = arith.index_cast %swap3A_868 : i32 to index
        %swap3A_872 = arith.index_cast %mul3A_840 : i32 to index
        %swap3A_873 = tpu.vector_load %arg5[%swap3A_869, %swap3A_870, %swap3A_871, %swap3A_872] {strides = array<i32>} : memref<8x4x4x768xf32, #tpu.memory_space<vmem>>, vector<1x1x1x16xf32>,
        %swap3A_874 = vector.shape_cast %swap3A_873 : vector<1x1x1x16xf32> to vector<16xf32>
        %swap3A_875 = vector.shape_cast %get3A_846 : vector<16xf32> to vector<1x1x1x16xf32>
        tpu.vector_store %arg5[%swap3A_869, %swap3A_870, %swap3A_871, %swap3A_872], %swap3A_875 {add = true, strides = array<i32>} : memref<8x4x4x768xf32, #tpu.memory_space<vmem>>, vector<1x1x1x16xf32>,
        %swap3A_876 = arith.constant 1 : i32
        %swap3A_877 = arith.constant 0 : i32
        %swap3A_878 = arith.constant 3 : i32
        %swap3A_879 = arith.index_cast %swap3A_876 : i32 to index
        %swap3A_880 = arith.index_cast %swap3A_877 : i32 to index
        %swap3A_881 = arith.index_cast %swap3A_878 : i32 to index
        %swap3A_882 = arith.index_cast %mul3A_840 : i32 to index
        %swap3A_883 = tpu.vector_load %arg5[%swap3A_879, %swap3A_880, %swap3A_881, %swap3A_882] {strides = array<i32>} : memref<8x4x4x768xf32, #tpu.memory_space<vmem>>, vector<1x1x1x16xf32>,
        %swap3A_884 = vector.shape_cast %swap3A_883 : vector<1x1x1x16xf32> to vector<16xf32>
        %swap3A_885 = vector.shape_cast %get3A_846 : vector<16xf32> to vector<1x1x1x16xf32>
        tpu.vector_store %arg5[%swap3A_879, %swap3A_880, %swap3A_881, %swap3A_882], %swap3A_885 {add = true, strides = array<i32>} : memref<8x4x4x768xf32, #tpu.memory_space<vmem>>, vector<1x1x1x16xf32>,
        %get3A_886 = arith.constant 1 : i32
        %get3A_887 = arith.constant 1 : i32
        %get3A_888 = arith.index_cast %get3A_886 : i32 to index
        %get3A_889 = arith.index_cast %get3A_887 : i32 to index
        %get3A_890 = arith.index_cast %mul3A_840 : i32 to index
        %get3A_891 = tpu.vector_load %arg6[%get3A_888, %get3A_889, %get3A_890] {strides = array<i32>} : memref<8x4x768xf32, #tpu.memory_space<vmem>>, vector<1x1x16xf32>,
        %get3A_892 = vector.shape_cast %get3A_891 : vector<1x1x16xf32> to vector<16xf32>
        %swap3A_893 = arith.constant 1 : i32
        %swap3A_894 = arith.constant 1 : i32
        %swap3A_895 = arith.constant 0 : i32
        %swap3A_896 = arith.index_cast %swap3A_893 : i32 to index
        %swap3A_897 = arith.index_cast %swap3A_894 : i32 to index
        %swap3A_898 = arith.index_cast %swap3A_895 : i32 to index
        %swap3A_899 = arith.index_cast %mul3A_840 : i32 to index
        %swap3A_900 = tpu.vector_load %arg5[%swap3A_896, %swap3A_897, %swap3A_898, %swap3A_899] {strides = array<i32>} : memref<8x4x4x768xf32, #tpu.memory_space<vmem>>, vector<1x1x1x16xf32>,
        %swap3A_901 = vector.shape_cast %swap3A_900 : vector<1x1x1x16xf32> to vector<16xf32>
        %swap3A_902 = vector.shape_cast %get3A_892 : vector<16xf32> to vector<1x1x1x16xf32>
        tpu.vector_store %arg5[%swap3A_896, %swap3A_897, %swap3A_898, %swap3A_899], %swap3A_902 {add = true, strides = array<i32>} : memref<8x4x4x768xf32, #tpu.memory_space<vmem>>, vector<1x1x1x16xf32>,
        %swap3A_903 = arith.constant 1 : i32
        %swap3A_904 = arith.constant 1 : i32
        %swap3A_905 = arith.constant 1 : i32
        %swap3A_906 = arith.index_cast %swap3A_903 : i32 to index
        %swap3A_907 = arith.index_cast %swap3A_904 : i32 to index
        %swap3A_908 = arith.index_cast %swap3A_905 : i32 to index
        %swap3A_909 = arith.index_cast %mul3A_840 : i32 to index
        %swap3A_910 = tpu.vector_load %arg5[%swap3A_906, %swap3A_907, %swap3A_908, %swap3A_909] {strides = array<i32>} : memref<8x4x4x768xf32, #tpu.memory_space<vmem>>, vector<1x1x1x16xf32>,
        %swap3A_911 = vector.shape_cast %swap3A_910 : vector<1x1x1x16xf32> to vector<16xf32>
        %swap3A_912 = vector.shape_cast %get3A_892 : vector<16xf32> to vector<1x1x1x16xf32>
        tpu.vector_store %arg5[%swap3A_906, %swap3A_907, %swap3A_908, %swap3A_909], %swap3A_912 {add = true, strides = array<i32>} : memref<8x4x4x768xf32, #tpu.memory_space<vmem>>, vector<1x1x1x16xf32>,
        %swap3A_913 = arith.constant 1 : i32
        %swap3A_914 = arith.constant 1 : i32
        %swap3A_915 = arith.constant 2 : i32
        %swap3A_916 = arith.index_cast %swap3A_913 : i32 to index
        %swap3A_917 = arith.index_cast %swap3A_914 : i32 to index
        %swap3A_918 = arith.index_cast %swap3A_915 : i32 to index
        %swap3A_919 = arith.index_cast %mul3A_840 : i32 to index
        %swap3A_920 = tpu.vector_load %arg5[%swap3A_916, %swap3A_917, %swap3A_918, %swap3A_919] {strides = array<i32>} : memref<8x4x4x768xf32, #tpu.memory_space<vmem>>, vector<1x1x1x16xf32>,
        %swap3A_921 = vector.shape_cast %swap3A_920 : vector<1x1x1x16xf32> to vector<16xf32>
        %swap3A_922 = vector.shape_cast %get3A_892 : vector<16xf32> to vector<1x1x1x16xf32>
        tpu.vector_store %arg5[%swap3A_916, %swap3A_917, %swap3A_918, %swap3A_919], %swap3A_922 {add = true, strides = array<i32>} : memref<8x4x4x768xf32, #tpu.memory_space<vmem>>, vector<1x1x1x16xf32>,
        %swap3A_923 = arith.constant 1 : i32
        %swap3A_924 = arith.constant 1 : i32
        %swap3A_925 = arith.constant 3 : i32
        %swap3A_926 = arith.index_cast %swap3A_923 : i32 to index
        %swap3A_927 = arith.index_cast %swap3A_924 : i32 to index
        %swap3A_928 = arith.index_cast %swap3A_925 : i32 to index
        %swap3A_929 = arith.index_cast %mul3A_840 : i32 to index
        %swap3A_930 = tpu.vector_load %arg5[%swap3A_926, %swap3A_927, %swap3A_928, %swap3A_929] {strides = array<i32>} : memref<8x4x4x768xf32, #tpu.memory_space<vmem>>, vector<1x1x1x16xf32>,
        %swap3A_931 = vector.shape_cast %swap3A_930 : vector<1x1x1x16xf32> to vector<16xf32>
        %swap3A_932 = vector.shape_cast %get3A_892 : vector<16xf32> to vector<1x1x1x16xf32>
        tpu.vector_store %arg5[%swap3A_926, %swap3A_927, %swap3A_928, %swap3A_929], %swap3A_932 {add = true, strides = array<i32>} : memref<8x4x4x768xf32, #tpu.memory_space<vmem>>, vector<1x1x1x16xf32>,
        %get3A_933 = arith.constant 1 : i32
        %get3A_934 = arith.constant 2 : i32
        %get3A_935 = arith.index_cast %get3A_933 : i32 to index
        %get3A_936 = arith.index_cast %get3A_934 : i32 to index
        %get3A_937 = arith.index_cast %mul3A_840 : i32 to index
        %get3A_938 = tpu.vector_load %arg6[%get3A_935, %get3A_936, %get3A_937] {strides = array<i32>} : memref<8x4x768xf32, #tpu.memory_space<vmem>>, vector<1x1x16xf32>,
        %get3A_939 = vector.shape_cast %get3A_938 : vector<1x1x16xf32> to vector<16xf32>
        %swap3A_940 = arith.constant 1 : i32
        %swap3A_941 = arith.constant 2 : i32
        %swap3A_942 = arith.constant 0 : i32
        %swap3A_943 = arith.index_cast %swap3A_940 : i32 to index
        %swap3A_944 = arith.index_cast %swap3A_941 : i32 to index
        %swap3A_945 = arith.index_cast %swap3A_942 : i32 to index
        %swap3A_946 = arith.index_cast %mul3A_840 : i32 to index
        %swap3A_947 = tpu.vector_load %arg5[%swap3A_943, %swap3A_944, %swap3A_945, %swap3A_946] {strides = array<i32>} : memref<8x4x4x768xf32, #tpu.memory_space<vmem>>, vector<1x1x1x16xf32>,
        %swap3A_948 = vector.shape_cast %swap3A_947 : vector<1x1x1x16xf32> to vector<16xf32>
        %swap3A_949 = vector.shape_cast %get3A_939 : vector<16xf32> to vector<1x1x1x16xf32>
        tpu.vector_store %arg5[%swap3A_943, %swap3A_944, %swap3A_945, %swap3A_946], %swap3A_949 {add = true, strides = array<i32>} : memref<8x4x4x768xf32, #tpu.memory_space<vmem>>, vector<1x1x1x16xf32>,
        %swap3A_950 = arith.constant 1 : i32
        %swap3A_951 = arith.constant 2 : i32
        %swap3A_952 = arith.constant 1 : i32
        %swap3A_953 = arith.index_cast %swap3A_950 : i32 to index
        %swap3A_954 = arith.index_cast %swap3A_951 : i32 to index
        %swap3A_955 = arith.index_cast %swap3A_952 : i32 to index
        %swap3A_956 = arith.index_cast %mul3A_840 : i32 to index
        %swap3A_957 = tpu.vector_load %arg5[%swap3A_953, %swap3A_954, %swap3A_955, %swap3A_956] {strides = array<i32>} : memref<8x4x4x768xf32, #tpu.memory_space<vmem>>, vector<1x1x1x16xf32>,
        %swap3A_958 = vector.shape_cast %swap3A_957 : vector<1x1x1x16xf32> to vector<16xf32>
        %swap3A_959 = vector.shape_cast %get3A_939 : vector<16xf32> to vector<1x1x1x16xf32>
        tpu.vector_store %arg5[%swap3A_953, %swap3A_954, %swap3A_955, %swap3A_956], %swap3A_959 {add = true, strides = array<i32>} : memref<8x4x4x768xf32, #tpu.memory_space<vmem>>, vector<1x1x1x16xf32>,
        %swap3A_960 = arith.constant 1 : i32
        %swap3A_961 = arith.constant 2 : i32
        %swap3A_962 = arith.constant 2 : i32
        %swap3A_963 = arith.index_cast %swap3A_960 : i32 to index
        %swap3A_964 = arith.index_cast %swap3A_961 : i32 to index
        %swap3A_965 = arith.index_cast %swap3A_962 : i32 to index
        %swap3A_966 = arith.index_cast %mul3A_840 : i32 to index
        %swap3A_967 = tpu.vector_load %arg5[%swap3A_963, %swap3A_964, %swap3A_965, %swap3A_966] {strides = array<i32>} : memref<8x4x4x768xf32, #tpu.memory_space<vmem>>, vector<1x1x1x16xf32>,
        %swap3A_968 = vector.shape_cast %swap3A_967 : vector<1x1x1x16xf32> to vector<16xf32>
        %swap3A_969 = vector.shape_cast %get3A_939 : vector<16xf32> to vector<1x1x1x16xf32>
        tpu.vector_store %arg5[%swap3A_963, %swap3A_964, %swap3A_965, %swap3A_966], %swap3A_969 {add = true, strides = array<i32>} : memref<8x4x4x768xf32, #tpu.memory_space<vmem>>, vector<1x1x1x16xf32>,
        %swap3A_970 = arith.constant 1 : i32
        %swap3A_971 = arith.constant 2 : i32
        %swap3A_972 = arith.constant 3 : i32
        %swap3A_973 = arith.index_cast %swap3A_970 : i32 to index
        %swap3A_974 = arith.index_cast %swap3A_971 : i32 to index
        %swap3A_975 = arith.index_cast %swap3A_972 : i32 to index
        %swap3A_976 = arith.index_cast %mul3A_840 : i32 to index
        %swap3A_977 = tpu.vector_load %arg5[%swap3A_973, %swap3A_974, %swap3A_975, %swap3A_976] {strides = array<i32>} : memref<8x4x4x768xf32, #tpu.memory_space<vmem>>, vector<1x1x1x16xf32>,
        %swap3A_978 = vector.shape_cast %swap3A_977 : vector<1x1x1x16xf32> to vector<16xf32>
        %swap3A_979 = vector.shape_cast %get3A_939 : vector<16xf32> to vector<1x1x1x16xf32>
        tpu.vector_store %arg5[%swap3A_973, %swap3A_974, %swap3A_975, %swap3A_976], %swap3A_979 {add = true, strides = array<i32>} : memref<8x4x4x768xf32, #tpu.memory_space<vmem>>, vector<1x1x1x16xf32>,
        %get3A_980 = arith.constant 1 : i32
        %get3A_981 = arith.constant 3 : i32
        %get3A_982 = arith.index_cast %get3A_980 : i32 to index
        %get3A_983 = arith.index_cast %get3A_981 : i32 to index
        %get3A_984 = arith.index_cast %mul3A_840 : i32 to index
        %get3A_985 = tpu.vector_load %arg6[%get3A_982, %get3A_983, %get3A_984] {strides = array<i32>} : memref<8x4x768xf32, #tpu.memory_space<vmem>>, vector<1x1x16xf32>,
        %get3A_986 = vector.shape_cast %get3A_985 : vector<1x1x16xf32> to vector<16xf32>
        %swap3A_987 = arith.constant 1 : i32
        %swap3A_988 = arith.constant 3 : i32
        %swap3A_989 = arith.constant 0 : i32
        %swap3A_990 = arith.index_cast %swap3A_987 : i32 to index
        %swap3A_991 = arith.index_cast %swap3A_988 : i32 to index
        %swap3A_992 = arith.index_cast %swap3A_989 : i32 to index
        %swap3A_993 = arith.index_cast %mul3A_840 : i32 to index
        %swap3A_994 = tpu.vector_load %arg5[%swap3A_990, %swap3A_991, %swap3A_992, %swap3A_993] {strides = array<i32>} : memref<8x4x4x768xf32, #tpu.memory_space<vmem>>, vector<1x1x1x16xf32>,
        %swap3A_995 = vector.shape_cast %swap3A_994 : vector<1x1x1x16xf32> to vector<16xf32>
        %swap3A_996 = vector.shape_cast %get3A_986 : vector<16xf32> to vector<1x1x1x16xf32>
        tpu.vector_store %arg5[%swap3A_990, %swap3A_991, %swap3A_992, %swap3A_993], %swap3A_996 {add = true, strides = array<i32>} : memref<8x4x4x768xf32, #tpu.memory_space<vmem>>, vector<1x1x1x16xf32>,
        %swap3A_997 = arith.constant 1 : i32
        %swap3A_998 = arith.constant 3 : i32
        %swap3A_999 = arith.constant 1 : i32
        %swap3A_1000 = arith.index_cast %swap3A_997 : i32 to index
        %swap3A_1001 = arith.index_cast %swap3A_998 : i32 to index
        %swap3A_1002 = arith.index_cast %swap3A_999 : i32 to index
        %swap3A_1003 = arith.index_cast %mul3A_840 : i32 to index
        %swap3A_1004 = tpu.vector_load %arg5[%swap3A_1000, %swap3A_1001, %swap3A_1002, %swap3A_1003] {strides = array<i32>} : memref<8x4x4x768xf32, #tpu.memory_space<vmem>>, vector<1x1x1x16xf32>,
        %swap3A_1005 = vector.shape_cast %swap3A_1004 : vector<1x1x1x16xf32> to vector<16xf32>
        %swap3A_1006 = vector.shape_cast %get3A_986 : vector<16xf32> to vector<1x1x1x16xf32>
        tpu.vector_store %arg5[%swap3A_1000, %swap3A_1001, %swap3A_1002, %swap3A_1003], %swap3A_1006 {add = true, strides = array<i32>} : memref<8x4x4x768xf32, #tpu.memory_space<vmem>>, vector<1x1x1x16xf32>,
        %swap3A_1007 = arith.constant 1 : i32
        %swap3A_1008 = arith.constant 3 : i32
        %swap3A_1009 = arith.constant 2 : i32
        %swap3A_1010 = arith.index_cast %swap3A_1007 : i32 to index
        %swap3A_1011 = arith.index_cast %swap3A_1008 : i32 to index
        %swap3A_1012 = arith.index_cast %swap3A_1009 : i32 to index
        %swap3A_1013 = arith.index_cast %mul3A_840 : i32 to index
        %swap3A_1014 = tpu.vector_load %arg5[%swap3A_1010, %swap3A_1011, %swap3A_1012, %swap3A_1013] {strides = array<i32>} : memref<8x4x4x768xf32, #tpu.memory_space<vmem>>, vector<1x1x1x16xf32>,
        %swap3A_1015 = vector.shape_cast %swap3A_1014 : vector<1x1x1x16xf32> to vector<16xf32>
        %swap3A_1016 = vector.shape_cast %get3A_986 : vector<16xf32> to vector<1x1x1x16xf32>
        tpu.vector_store %arg5[%swap3A_1010, %swap3A_1011, %swap3A_1012, %swap3A_1013], %swap3A_1016 {add = true, strides = array<i32>} : memref<8x4x4x768xf32, #tpu.memory_space<vmem>>, vector<1x1x1x16xf32>,
        %swap3A_1017 = arith.constant 1 : i32
        %swap3A_1018 = arith.constant 3 : i32
        %swap3A_1019 = arith.constant 3 : i32
        %swap3A_1020 = arith.index_cast %swap3A_1017 : i32 to index
        %swap3A_1021 = arith.index_cast %swap3A_1018 : i32 to index
        %swap3A_1022 = arith.index_cast %swap3A_1019 : i32 to index
        %swap3A_1023 = arith.index_cast %mul3A_840 : i32 to index
        %swap3A_1024 = tpu.vector_load %arg5[%swap3A_1020, %swap3A_1021, %swap3A_1022, %swap3A_1023] {strides = array<i32>} : memref<8x4x4x768xf32, #tpu.memory_space<vmem>>, vector<1x1x1x16xf32>,
        %swap3A_1025 = vector.shape_cast %swap3A_1024 : vector<1x1x1x16xf32> to vector<16xf32>
        %swap3A_1026 = vector.shape_cast %get3A_986 : vector<16xf32> to vector<1x1x1x16xf32>
        tpu.vector_store %arg5[%swap3A_1020, %swap3A_1021, %swap3A_1022, %swap3A_1023], %swap3A_1026 {add = true, strides = array<i32>} : memref<8x4x4x768xf32, #tpu.memory_space<vmem>>, vector<1x1x1x16xf32>,
      }
      %scan3A_327 = arith.constant 48 : i32
      %mul3A_328 = arith.constant 4 : i32
      %mul3A_329 = arith.muli %add3A_288, %mul3A_328 : i32
      %add3A_330 = arith.addi %mul3A_2, %mul3A_329 : i32
      %dma_start3A_331 = arith.constant 1 : i32
      %dma_start3A_332 = arith.constant 0 : i32
      %dma_start3A_333 = arith.constant 0 : i32
      %dma_start3A_334 = arith.constant 0 : i32
      %dma_start3A_335 = tpu.memref_slice %arg5[%dma_start3A_331, %dma_start3A_332, %dma_start3A_333, %dma_start3A_334] : memref<8x4x4x768xf32, #tpu.memory_space<vmem>> -> memref<1x4x4x768xf32, #tpu.memory_space<vmem>>
      %dma_start3A_336 = tpu.memref_squeeze %dma_start3A_335 : memref<1x4x4x768xf32, #tpu.memory_space<vmem>> -> memref<4x4x768xf32, #tpu.memory_space<vmem>>
      %dma_start3A_337 = arith.constant 0 : i32
      %dma_start3A_338 = arith.constant 0 : i32
      %dma_start3A_339 = tpu.memref_slice %arg4[%add3A_330, %dma_start3A_337, %dma_start3A_338] : memref<8192x4x768xf32, #tpu.memory_space<hbm>> -> memref<4x4x768xf32, #tpu.memory_space<hbm>>
      %dma_start3A_340 = arith.constant 0 : i32
      %dma_start3A_341 = arith.constant 0 : i32
      %dma_start3A_342 = tpu.memref_slice %arg4[%add3A_330, %dma_start3A_340, %dma_start3A_341] : memref<8192x4x768xf32, #tpu.memory_space<hbm>> -> memref<4x4x768xf32, #tpu.memory_space<hbm>>
      %dma_start3A_343 = arith.constant 0 : i32
      %dma_start3A_344 = arith.constant 0 : i32
      %dma_start3A_345 = arith.constant 0 : i32
      %dma_start3A_346 = tpu.memref_slice %arg5[%dma_start3A_331, %dma_start3A_343, %dma_start3A_344, %dma_start3A_345] : memref<8x4x4x768xf32, #tpu.memory_space<vmem>> -> memref<1x4x4x768xf32, #tpu.memory_space<vmem>>
      %dma_start3A_347 = tpu.memref_squeeze %dma_start3A_346 : memref<1x4x4x768xf32, #tpu.memory_space<vmem>> -> memref<4x4x768xf32, #tpu.memory_space<vmem>>
      tpu.enqueue_dma source(%dma_start3A_347 : memref<4x4x768xf32, #tpu.memory_space<vmem>>) target(%dma_start3A_342 : memref<4x4x768xf32, #tpu.memory_space<hbm>>) target_semaphore(%arg24 : memref<!tpu.dma_semaphore, #tpu.memory_space<semaphore_mem>>)
      %add3A_348 = arith.constant 4 : i32
      %add3A_349 = arith.addi %add3A_288, %add3A_348 : i32
      %sub3A_350 = arith.constant 8 : i32
      %sub3A_351 = arith.subi %add3A_349, %sub3A_350 : i32
      %ge3A_352 = arith.constant 0 : i32
      %ge3A_353 = arith.cmpi sge, %sub3A_351, %ge3A_352 : i32
      %convert_element_type3A_354 = arith.extui %ge3A_353 : i1 to i32
      %cond3A_355 = arith.constant 0 : i32
      %cond3A_356 = arith.cmpi ne, %convert_element_type3A_354, %cond3A_355 : i32
      scf.if %cond3A_356 {
        %add3A_838 = arith.constant 4 : i32
        %add3A_839 = arith.addi %add3A_288, %add3A_838 : i32
        %sub3A_840 = arith.constant 8 : i32
        %sub3A_841 = arith.subi %add3A_839, %sub3A_840 : i32
        %mul3A_842 = arith.constant 4 : i32
        %mul3A_843 = arith.muli %sub3A_841, %mul3A_842 : i32
        %add3A_844 = arith.addi %mul3A_2, %mul3A_843 : i32
        %dma_wait3A_845 = arith.constant 5 : i32
        %dma_wait3A_846 = arith.constant 0 : i32
        %dma_wait3A_847 = arith.constant 0 : i32
        %dma_wait3A_848 = arith.constant 0 : i32
        %dma_wait3A_849 = tpu.memref_slice %arg5[%dma_wait3A_845, %dma_wait3A_846, %dma_wait3A_847, %dma_wait3A_848] : memref<8x4x4x768xf32, #tpu.memory_space<vmem>> -> memref<1x4x4x768xf32, #tpu.memory_space<vmem>>
        %dma_wait3A_850 = tpu.memref_squeeze %dma_wait3A_849 : memref<1x4x4x768xf32, #tpu.memory_space<vmem>> -> memref<4x4x768xf32, #tpu.memory_space<vmem>>
        %dma_wait3A_851 = arith.constant 0 : i32
        %dma_wait3A_852 = arith.constant 0 : i32
        %dma_wait3A_853 = tpu.memref_slice %arg4[%add3A_844, %dma_wait3A_851, %dma_wait3A_852] : memref<8192x4x768xf32, #tpu.memory_space<hbm>> -> memref<4x4x768xf32, #tpu.memory_space<hbm>>
        %dma_wait3A_854 = arith.constant 0 : i32
        %dma_wait3A_855 = arith.constant 0 : i32
        %dma_wait3A_856 = tpu.memref_slice %arg4[%add3A_844, %dma_wait3A_854, %dma_wait3A_855] : memref<8192x4x768xf32, #tpu.memory_space<hbm>> -> memref<4x4x768xf32, #tpu.memory_space<hbm>>
        %dma_wait3A_857 = arith.constant 0 : i32
        %dma_wait3A_858 = arith.constant 0 : i32
        %dma_wait3A_859 = arith.constant 0 : i32
        %dma_wait3A_860 = tpu.memref_slice %arg5[%dma_wait3A_845, %dma_wait3A_857, %dma_wait3A_858, %dma_wait3A_859] : memref<8x4x4x768xf32, #tpu.memory_space<vmem>> -> memref<1x4x4x768xf32, #tpu.memory_space<vmem>>
        %dma_wait3A_861 = tpu.memref_squeeze %dma_wait3A_860 : memref<1x4x4x768xf32, #tpu.memory_space<vmem>> -> memref<4x4x768xf32, #tpu.memory_space<vmem>>
        tpu.wait_dma2 semaphore(%arg28 : memref<!tpu.dma_semaphore, #tpu.memory_space<semaphore_mem>>) src(%dma_wait3A_861 : memref<4x4x768xf32, #tpu.memory_space<vmem>>) dst(%dma_wait3A_856 : memref<4x4x768xf32, #tpu.memory_space<hbm>>)
      } else {
      }
      %add3A_357 = arith.constant 4 : i32
      %add3A_358 = arith.addi %add3A_288, %add3A_357 : i32
      %lt3A_359 = arith.constant 64 : i32
      %lt3A_360 = arith.cmpi slt, %add3A_358, %lt3A_359 : i32
      %convert_element_type3A_361 = arith.extui %lt3A_360 : i1 to i32
      %cond3A_362 = arith.constant 0 : i32
      %cond3A_363 = arith.cmpi ne, %convert_element_type3A_361, %cond3A_362 : i32
      scf.if %cond3A_363 {
        %add3A_838 = arith.constant 4 : i32
        %add3A_839 = arith.addi %add3A_288, %add3A_838 : i32
        %mul3A_840 = arith.constant 4 : i32
        %mul3A_841 = arith.muli %add3A_839, %mul3A_840 : i32
        %add3A_842 = arith.addi %mul3A_2, %mul3A_841 : i32
        %dma_start3A_843 = arith.constant 5 : i32
        %dma_start3A_844 = arith.constant 0 : i32
        %dma_start3A_845 = arith.constant 0 : i32
        %dma_start3A_846 = arith.constant 0 : i32
        %dma_start3A_847 = tpu.memref_slice %arg5[%dma_start3A_843, %dma_start3A_844, %dma_start3A_845, %dma_start3A_846] : memref<8x4x4x768xf32, #tpu.memory_space<vmem>> -> memref<1x4x4x768xf32, #tpu.memory_space<vmem>>
        %dma_start3A_848 = tpu.memref_squeeze %dma_start3A_847 : memref<1x4x4x768xf32, #tpu.memory_space<vmem>> -> memref<4x4x768xf32, #tpu.memory_space<vmem>>
        %dma_start3A_849 = arith.constant 0 : i32
        %dma_start3A_850 = arith.constant 0 : i32
        %dma_start3A_851 = tpu.memref_slice %arg2[%add3A_842, %dma_start3A_849, %dma_start3A_850] : memref<8192x4x768xf32, #tpu.memory_space<hbm>> -> memref<4x4x768xf32, #tpu.memory_space<hbm>>
        %dma_start3A_852 = arith.constant 0 : i32
        %dma_start3A_853 = arith.constant 0 : i32
        %dma_start3A_854 = arith.constant 0 : i32
        %dma_start3A_855 = tpu.memref_slice %arg5[%dma_start3A_843, %dma_start3A_852, %dma_start3A_853, %dma_start3A_854] : memref<8x4x4x768xf32, #tpu.memory_space<vmem>> -> memref<1x4x4x768xf32, #tpu.memory_space<vmem>>
        %dma_start3A_856 = tpu.memref_squeeze %dma_start3A_855 : memref<1x4x4x768xf32, #tpu.memory_space<vmem>> -> memref<4x4x768xf32, #tpu.memory_space<vmem>>
        %dma_start3A_857 = arith.constant 0 : i32
        %dma_start3A_858 = arith.constant 0 : i32
        %dma_start3A_859 = tpu.memref_slice %arg2[%add3A_842, %dma_start3A_857, %dma_start3A_858] : memref<8192x4x768xf32, #tpu.memory_space<hbm>> -> memref<4x4x768xf32, #tpu.memory_space<hbm>>
        tpu.enqueue_dma source(%dma_start3A_859 : memref<4x4x768xf32, #tpu.memory_space<hbm>>) target(%dma_start3A_856 : memref<4x4x768xf32, #tpu.memory_space<vmem>>) target_semaphore(%arg12 : memref<!tpu.dma_semaphore, #tpu.memory_space<semaphore_mem>>)
        %dma_start3A_860 = arith.constant 5 : i32
        %dma_start3A_861 = arith.constant 0 : i32
        %dma_start3A_862 = arith.constant 0 : i32
        %dma_start3A_863 = tpu.memref_slice %arg6[%dma_start3A_860, %dma_start3A_861, %dma_start3A_862] : memref<8x4x768xf32, #tpu.memory_space<vmem>> -> memref<1x4x768xf32, #tpu.memory_space<vmem>>
        %dma_start3A_864 = tpu.memref_squeeze %dma_start3A_863 : memref<1x4x768xf32, #tpu.memory_space<vmem>> -> memref<4x768xf32, #tpu.memory_space<vmem>>
        %dma_start3A_865 = arith.constant 0 : i32
        %dma_start3A_866 = tpu.memref_slice %arg3[%add3A_842, %dma_start3A_865] : memref<8192x768xf32, #tpu.memory_space<hbm>> -> memref<4x768xf32, #tpu.memory_space<hbm>>
        %dma_start3A_867 = arith.constant 0 : i32
        %dma_start3A_868 = arith.constant 0 : i32
        %dma_start3A_869 = tpu.memref_slice %arg6[%dma_start3A_860, %dma_start3A_867, %dma_start3A_868] : memref<8x4x768xf32, #tpu.memory_space<vmem>> -> memref<1x4x768xf32, #tpu.memory_space<vmem>>
        %dma_start3A_870 = tpu.memref_squeeze %dma_start3A_869 : memref<1x4x768xf32, #tpu.memory_space<vmem>> -> memref<4x768xf32, #tpu.memory_space<vmem>>
        %dma_start3A_871 = arith.constant 0 : i32
        %dma_start3A_872 = tpu.memref_slice %arg3[%add3A_842, %dma_start3A_871] : memref<8192x768xf32, #tpu.memory_space<hbm>> -> memref<4x768xf32, #tpu.memory_space<hbm>>
        tpu.enqueue_dma source(%dma_start3A_872 : memref<4x768xf32, #tpu.memory_space<hbm>>) target(%dma_start3A_870 : memref<4x768xf32, #tpu.memory_space<vmem>>) target_semaphore(%arg20 : memref<!tpu.dma_semaphore, #tpu.memory_space<semaphore_mem>>)
      } else {
      }
      %mul3A_364 = arith.constant 8 : i32
      %mul3A_365 = arith.muli %scan3A_210, %mul3A_364 : i32
      %add3A_366 = arith.constant 2 : i32
      %add3A_367 = arith.addi %mul3A_365, %add3A_366 : i32
      %mul3A_368 = arith.constant 4 : i32
      %mul3A_369 = arith.muli %add3A_367, %mul3A_368 : i32
      %add3A_370 = arith.addi %mul3A_2, %mul3A_369 : i32
      %dma_wait3A_371 = arith.constant 2 : i32
      %dma_wait3A_372 = arith.constant 0 : i32
      %dma_wait3A_373 = arith.constant 0 : i32
      %dma_wait3A_374 = arith.constant 0 : i32
      %dma_wait3A_375 = tpu.memref_slice %arg5[%dma_wait3A_371, %dma_wait3A_372, %dma_wait3A_373, %dma_wait3A_374] : memref<8x4x4x768xf32, #tpu.memory_space<vmem>> -> memref<1x4x4x768xf32, #tpu.memory_space<vmem>>
      %dma_wait3A_376 = tpu.memref_squeeze %dma_wait3A_375 : memref<1x4x4x768xf32, #tpu.memory_space<vmem>> -> memref<4x4x768xf32, #tpu.memory_space<vmem>>
      %dma_wait3A_377 = arith.constant 0 : i32
      %dma_wait3A_378 = arith.constant 0 : i32
      %dma_wait3A_379 = tpu.memref_slice %arg2[%add3A_370, %dma_wait3A_377, %dma_wait3A_378] : memref<8192x4x768xf32, #tpu.memory_space<hbm>> -> memref<4x4x768xf32, #tpu.memory_space<hbm>>
      %dma_wait3A_380 = arith.constant 0 : i32
      %dma_wait3A_381 = arith.constant 0 : i32
      %dma_wait3A_382 = arith.constant 0 : i32
      %dma_wait3A_383 = tpu.memref_slice %arg5[%dma_wait3A_371, %dma_wait3A_380, %dma_wait3A_381, %dma_wait3A_382] : memref<8x4x4x768xf32, #tpu.memory_space<vmem>> -> memref<1x4x4x768xf32, #tpu.memory_space<vmem>>
      %dma_wait3A_384 = tpu.memref_squeeze %dma_wait3A_383 : memref<1x4x4x768xf32, #tpu.memory_space<vmem>> -> memref<4x4x768xf32, #tpu.memory_space<vmem>>
      %dma_wait3A_385 = arith.constant 0 : i32
      %dma_wait3A_386 = arith.constant 0 : i32
      %dma_wait3A_387 = tpu.memref_slice %arg2[%add3A_370, %dma_wait3A_385, %dma_wait3A_386] : memref<8192x4x768xf32, #tpu.memory_space<hbm>> -> memref<4x4x768xf32, #tpu.memory_space<hbm>>
      tpu.wait_dma2 semaphore(%arg9 : memref<!tpu.dma_semaphore, #tpu.memory_space<semaphore_mem>>) src(%dma_wait3A_387 : memref<4x4x768xf32, #tpu.memory_space<hbm>>) dst(%dma_wait3A_384 : memref<4x4x768xf32, #tpu.memory_space<vmem>>)
      %dma_wait3A_388 = arith.constant 2 : i32
      %dma_wait3A_389 = arith.constant 0 : i32
      %dma_wait3A_390 = arith.constant 0 : i32
      %dma_wait3A_391 = tpu.memref_slice %arg6[%dma_wait3A_388, %dma_wait3A_389, %dma_wait3A_390] : memref<8x4x768xf32, #tpu.memory_space<vmem>> -> memref<1x4x768xf32, #tpu.memory_space<vmem>>
      %dma_wait3A_392 = tpu.memref_squeeze %dma_wait3A_391 : memref<1x4x768xf32, #tpu.memory_space<vmem>> -> memref<4x768xf32, #tpu.memory_space<vmem>>
      %dma_wait3A_393 = arith.constant 0 : i32
      %dma_wait3A_394 = tpu.memref_slice %arg3[%add3A_370, %dma_wait3A_393] : memref<8192x768xf32, #tpu.memory_space<hbm>> -> memref<4x768xf32, #tpu.memory_space<hbm>>
      %dma_wait3A_395 = arith.constant 0 : i32
      %dma_wait3A_396 = arith.constant 0 : i32
      %dma_wait3A_397 = tpu.memref_slice %arg6[%dma_wait3A_388, %dma_wait3A_395, %dma_wait3A_396] : memref<8x4x768xf32, #tpu.memory_space<vmem>> -> memref<1x4x768xf32, #tpu.memory_space<vmem>>
      %dma_wait3A_398 = tpu.memref_squeeze %dma_wait3A_397 : memref<1x4x768xf32, #tpu.memory_space<vmem>> -> memref<4x768xf32, #tpu.memory_space<vmem>>
      %dma_wait3A_399 = arith.constant 0 : i32
      %dma_wait3A_400 = tpu.memref_slice %arg3[%add3A_370, %dma_wait3A_399] : memref<8192x768xf32, #tpu.memory_space<hbm>> -> memref<4x768xf32, #tpu.memory_space<hbm>>
      tpu.wait_dma2 semaphore(%arg17 : memref<!tpu.dma_semaphore, #tpu.memory_space<semaphore_mem>>) src(%dma_wait3A_400 : memref<4x768xf32, #tpu.memory_space<hbm>>) dst(%dma_wait3A_398 : memref<4x768xf32, #tpu.memory_space<vmem>>)
      %scan3A_401 = arith.constant 0 : i32
      %scan3A_402 = arith.constant 0 : i32
      %scan3A_403 = arith.constant 48 : i32
      %scan3A_404 = arith.addi %scan3A_402, %scan3A_403 : i32
      %scan3A_405 = arith.constant 1 : i32
      scf.for %scan3A_838 = %scan3A_402 to %scan3A_404 step %scan3A_405  : i32 {
        %mul3A_839 = arith.constant 16 : i32
        %mul3A_840 = arith.muli %scan3A_838, %mul3A_839 : i32
        %get3A = arith.constant 2 : i32
        %get3A_841 = arith.constant 0 : i32
        %get3A_842 = arith.index_cast %get3A : i32 to index
        %get3A_843 = arith.index_cast %get3A_841 : i32 to index
        %get3A_844 = arith.index_cast %mul3A_840 : i32 to index
        %get3A_845 = tpu.vector_load %arg6[%get3A_842, %get3A_843, %get3A_844] {strides = array<i32>} : memref<8x4x768xf32, #tpu.memory_space<vmem>>, vector<1x1x16xf32>,
        %get3A_846 = vector.shape_cast %get3A_845 : vector<1x1x16xf32> to vector<16xf32>
        %swap3A = arith.constant 2 : i32
        %swap3A_847 = arith.constant 0 : i32
        %swap3A_848 = arith.constant 0 : i32
        %swap3A_849 = arith.index_cast %swap3A : i32 to index
        %swap3A_850 = arith.index_cast %swap3A_847 : i32 to index
        %swap3A_851 = arith.index_cast %swap3A_848 : i32 to index
        %swap3A_852 = arith.index_cast %mul3A_840 : i32 to index
        %swap3A_853 = tpu.vector_load %arg5[%swap3A_849, %swap3A_850, %swap3A_851, %swap3A_852] {strides = array<i32>} : memref<8x4x4x768xf32, #tpu.memory_space<vmem>>, vector<1x1x1x16xf32>,
        %swap3A_854 = vector.shape_cast %swap3A_853 : vector<1x1x1x16xf32> to vector<16xf32>
        %swap3A_855 = vector.shape_cast %get3A_846 : vector<16xf32> to vector<1x1x1x16xf32>
        tpu.vector_store %arg5[%swap3A_849, %swap3A_850, %swap3A_851, %swap3A_852], %swap3A_855 {add = true, strides = array<i32>} : memref<8x4x4x768xf32, #tpu.memory_space<vmem>>, vector<1x1x1x16xf32>,
        %swap3A_856 = arith.constant 2 : i32
        %swap3A_857 = arith.constant 0 : i32
        %swap3A_858 = arith.constant 1 : i32
        %swap3A_859 = arith.index_cast %swap3A_856 : i32 to index
        %swap3A_860 = arith.index_cast %swap3A_857 : i32 to index
        %swap3A_861 = arith.index_cast %swap3A_858 : i32 to index
        %swap3A_862 = arith.index_cast %mul3A_840 : i32 to index
        %swap3A_863 = tpu.vector_load %arg5[%swap3A_859, %swap3A_860, %swap3A_861, %swap3A_862] {strides = array<i32>} : memref<8x4x4x768xf32, #tpu.memory_space<vmem>>, vector<1x1x1x16xf32>,
        %swap3A_864 = vector.shape_cast %swap3A_863 : vector<1x1x1x16xf32> to vector<16xf32>
        %swap3A_865 = vector.shape_cast %get3A_846 : vector<16xf32> to vector<1x1x1x16xf32>
        tpu.vector_store %arg5[%swap3A_859, %swap3A_860, %swap3A_861, %swap3A_862], %swap3A_865 {add = true, strides = array<i32>} : memref<8x4x4x768xf32, #tpu.memory_space<vmem>>, vector<1x1x1x16xf32>,
        %swap3A_866 = arith.constant 2 : i32
        %swap3A_867 = arith.constant 0 : i32
        %swap3A_868 = arith.constant 2 : i32
        %swap3A_869 = arith.index_cast %swap3A_866 : i32 to index
        %swap3A_870 = arith.index_cast %swap3A_867 : i32 to index
        %swap3A_871 = arith.index_cast %swap3A_868 : i32 to index
        %swap3A_872 = arith.index_cast %mul3A_840 : i32 to index
        %swap3A_873 = tpu.vector_load %arg5[%swap3A_869, %swap3A_870, %swap3A_871, %swap3A_872] {strides = array<i32>} : memref<8x4x4x768xf32, #tpu.memory_space<vmem>>, vector<1x1x1x16xf32>,
        %swap3A_874 = vector.shape_cast %swap3A_873 : vector<1x1x1x16xf32> to vector<16xf32>
        %swap3A_875 = vector.shape_cast %get3A_846 : vector<16xf32> to vector<1x1x1x16xf32>
        tpu.vector_store %arg5[%swap3A_869, %swap3A_870, %swap3A_871, %swap3A_872], %swap3A_875 {add = true, strides = array<i32>} : memref<8x4x4x768xf32, #tpu.memory_space<vmem>>, vector<1x1x1x16xf32>,
        %swap3A_876 = arith.constant 2 : i32
        %swap3A_877 = arith.constant 0 : i32
        %swap3A_878 = arith.constant 3 : i32
        %swap3A_879 = arith.index_cast %swap3A_876 : i32 to index
        %swap3A_880 = arith.index_cast %swap3A_877 : i32 to index
        %swap3A_881 = arith.index_cast %swap3A_878 : i32 to index
        %swap3A_882 = arith.index_cast %mul3A_840 : i32 to index
        %swap3A_883 = tpu.vector_load %arg5[%swap3A_879, %swap3A_880, %swap3A_881, %swap3A_882] {strides = array<i32>} : memref<8x4x4x768xf32, #tpu.memory_space<vmem>>, vector<1x1x1x16xf32>,
        %swap3A_884 = vector.shape_cast %swap3A_883 : vector<1x1x1x16xf32> to vector<16xf32>
        %swap3A_885 = vector.shape_cast %get3A_846 : vector<16xf32> to vector<1x1x1x16xf32>
        tpu.vector_store %arg5[%swap3A_879, %swap3A_880, %swap3A_881, %swap3A_882], %swap3A_885 {add = true, strides = array<i32>} : memref<8x4x4x768xf32, #tpu.memory_space<vmem>>, vector<1x1x1x16xf32>,
        %get3A_886 = arith.constant 2 : i32
        %get3A_887 = arith.constant 1 : i32
        %get3A_888 = arith.index_cast %get3A_886 : i32 to index
        %get3A_889 = arith.index_cast %get3A_887 : i32 to index
        %get3A_890 = arith.index_cast %mul3A_840 : i32 to index
        %get3A_891 = tpu.vector_load %arg6[%get3A_888, %get3A_889, %get3A_890] {strides = array<i32>} : memref<8x4x768xf32, #tpu.memory_space<vmem>>, vector<1x1x16xf32>,
        %get3A_892 = vector.shape_cast %get3A_891 : vector<1x1x16xf32> to vector<16xf32>
        %swap3A_893 = arith.constant 2 : i32
        %swap3A_894 = arith.constant 1 : i32
        %swap3A_895 = arith.constant 0 : i32
        %swap3A_896 = arith.index_cast %swap3A_893 : i32 to index
        %swap3A_897 = arith.index_cast %swap3A_894 : i32 to index
        %swap3A_898 = arith.index_cast %swap3A_895 : i32 to index
        %swap3A_899 = arith.index_cast %mul3A_840 : i32 to index
        %swap3A_900 = tpu.vector_load %arg5[%swap3A_896, %swap3A_897, %swap3A_898, %swap3A_899] {strides = array<i32>} : memref<8x4x4x768xf32, #tpu.memory_space<vmem>>, vector<1x1x1x16xf32>,
        %swap3A_901 = vector.shape_cast %swap3A_900 : vector<1x1x1x16xf32> to vector<16xf32>
        %swap3A_902 = vector.shape_cast %get3A_892 : vector<16xf32> to vector<1x1x1x16xf32>
        tpu.vector_store %arg5[%swap3A_896, %swap3A_897, %swap3A_898, %swap3A_899], %swap3A_902 {add = true, strides = array<i32>} : memref<8x4x4x768xf32, #tpu.memory_space<vmem>>, vector<1x1x1x16xf32>,
        %swap3A_903 = arith.constant 2 : i32
        %swap3A_904 = arith.constant 1 : i32
        %swap3A_905 = arith.constant 1 : i32
        %swap3A_906 = arith.index_cast %swap3A_903 : i32 to index
        %swap3A_907 = arith.index_cast %swap3A_904 : i32 to index
        %swap3A_908 = arith.index_cast %swap3A_905 : i32 to index
        %swap3A_909 = arith.index_cast %mul3A_840 : i32 to index
        %swap3A_910 = tpu.vector_load %arg5[%swap3A_906, %swap3A_907, %swap3A_908, %swap3A_909] {strides = array<i32>} : memref<8x4x4x768xf32, #tpu.memory_space<vmem>>, vector<1x1x1x16xf32>,
        %swap3A_911 = vector.shape_cast %swap3A_910 : vector<1x1x1x16xf32> to vector<16xf32>
        %swap3A_912 = vector.shape_cast %get3A_892 : vector<16xf32> to vector<1x1x1x16xf32>
        tpu.vector_store %arg5[%swap3A_906, %swap3A_907, %swap3A_908, %swap3A_909], %swap3A_912 {add = true, strides = array<i32>} : memref<8x4x4x768xf32, #tpu.memory_space<vmem>>, vector<1x1x1x16xf32>,
        %swap3A_913 = arith.constant 2 : i32
        %swap3A_914 = arith.constant 1 : i32
        %swap3A_915 = arith.constant 2 : i32
        %swap3A_916 = arith.index_cast %swap3A_913 : i32 to index
        %swap3A_917 = arith.index_cast %swap3A_914 : i32 to index
        %swap3A_918 = arith.index_cast %swap3A_915 : i32 to index
        %swap3A_919 = arith.index_cast %mul3A_840 : i32 to index
        %swap3A_920 = tpu.vector_load %arg5[%swap3A_916, %swap3A_917, %swap3A_918, %swap3A_919] {strides = array<i32>} : memref<8x4x4x768xf32, #tpu.memory_space<vmem>>, vector<1x1x1x16xf32>,
        %swap3A_921 = vector.shape_cast %swap3A_920 : vector<1x1x1x16xf32> to vector<16xf32>
        %swap3A_922 = vector.shape_cast %get3A_892 : vector<16xf32> to vector<1x1x1x16xf32>
        tpu.vector_store %arg5[%swap3A_916, %swap3A_917, %swap3A_918, %swap3A_919], %swap3A_922 {add = true, strides = array<i32>} : memref<8x4x4x768xf32, #tpu.memory_space<vmem>>, vector<1x1x1x16xf32>,
        %swap3A_923 = arith.constant 2 : i32
        %swap3A_924 = arith.constant 1 : i32
        %swap3A_925 = arith.constant 3 : i32
        %swap3A_926 = arith.index_cast %swap3A_923 : i32 to index
        %swap3A_927 = arith.index_cast %swap3A_924 : i32 to index
        %swap3A_928 = arith.index_cast %swap3A_925 : i32 to index
        %swap3A_929 = arith.index_cast %mul3A_840 : i32 to index
        %swap3A_930 = tpu.vector_load %arg5[%swap3A_926, %swap3A_927, %swap3A_928, %swap3A_929] {strides = array<i32>} : memref<8x4x4x768xf32, #tpu.memory_space<vmem>>, vector<1x1x1x16xf32>,
        %swap3A_931 = vector.shape_cast %swap3A_930 : vector<1x1x1x16xf32> to vector<16xf32>
        %swap3A_932 = vector.shape_cast %get3A_892 : vector<16xf32> to vector<1x1x1x16xf32>
        tpu.vector_store %arg5[%swap3A_926, %swap3A_927, %swap3A_928, %swap3A_929], %swap3A_932 {add = true, strides = array<i32>} : memref<8x4x4x768xf32, #tpu.memory_space<vmem>>, vector<1x1x1x16xf32>,
        %get3A_933 = arith.constant 2 : i32
        %get3A_934 = arith.constant 2 : i32
        %get3A_935 = arith.index_cast %get3A_933 : i32 to index
        %get3A_936 = arith.index_cast %get3A_934 : i32 to index
        %get3A_937 = arith.index_cast %mul3A_840 : i32 to index
        %get3A_938 = tpu.vector_load %arg6[%get3A_935, %get3A_936, %get3A_937] {strides = array<i32>} : memref<8x4x768xf32, #tpu.memory_space<vmem>>, vector<1x1x16xf32>,
        %get3A_939 = vector.shape_cast %get3A_938 : vector<1x1x16xf32> to vector<16xf32>
        %swap3A_940 = arith.constant 2 : i32
        %swap3A_941 = arith.constant 2 : i32
        %swap3A_942 = arith.constant 0 : i32
        %swap3A_943 = arith.index_cast %swap3A_940 : i32 to index
        %swap3A_944 = arith.index_cast %swap3A_941 : i32 to index
        %swap3A_945 = arith.index_cast %swap3A_942 : i32 to index
        %swap3A_946 = arith.index_cast %mul3A_840 : i32 to index
        %swap3A_947 = tpu.vector_load %arg5[%swap3A_943, %swap3A_944, %swap3A_945, %swap3A_946] {strides = array<i32>} : memref<8x4x4x768xf32, #tpu.memory_space<vmem>>, vector<1x1x1x16xf32>,
        %swap3A_948 = vector.shape_cast %swap3A_947 : vector<1x1x1x16xf32> to vector<16xf32>
        %swap3A_949 = vector.shape_cast %get3A_939 : vector<16xf32> to vector<1x1x1x16xf32>
        tpu.vector_store %arg5[%swap3A_943, %swap3A_944, %swap3A_945, %swap3A_946], %swap3A_949 {add = true, strides = array<i32>} : memref<8x4x4x768xf32, #tpu.memory_space<vmem>>, vector<1x1x1x16xf32>,
        %swap3A_950 = arith.constant 2 : i32
        %swap3A_951 = arith.constant 2 : i32
        %swap3A_952 = arith.constant 1 : i32
        %swap3A_953 = arith.index_cast %swap3A_950 : i32 to index
        %swap3A_954 = arith.index_cast %swap3A_951 : i32 to index
        %swap3A_955 = arith.index_cast %swap3A_952 : i32 to index
        %swap3A_956 = arith.index_cast %mul3A_840 : i32 to index
        %swap3A_957 = tpu.vector_load %arg5[%swap3A_953, %swap3A_954, %swap3A_955, %swap3A_956] {strides = array<i32>} : memref<8x4x4x768xf32, #tpu.memory_space<vmem>>, vector<1x1x1x16xf32>,
        %swap3A_958 = vector.shape_cast %swap3A_957 : vector<1x1x1x16xf32> to vector<16xf32>
        %swap3A_959 = vector.shape_cast %get3A_939 : vector<16xf32> to vector<1x1x1x16xf32>
        tpu.vector_store %arg5[%swap3A_953, %swap3A_954, %swap3A_955, %swap3A_956], %swap3A_959 {add = true, strides = array<i32>} : memref<8x4x4x768xf32, #tpu.memory_space<vmem>>, vector<1x1x1x16xf32>,
        %swap3A_960 = arith.constant 2 : i32
        %swap3A_961 = arith.constant 2 : i32
        %swap3A_962 = arith.constant 2 : i32
        %swap3A_963 = arith.index_cast %swap3A_960 : i32 to index
        %swap3A_964 = arith.index_cast %swap3A_961 : i32 to index
        %swap3A_965 = arith.index_cast %swap3A_962 : i32 to index
        %swap3A_966 = arith.index_cast %mul3A_840 : i32 to index
        %swap3A_967 = tpu.vector_load %arg5[%swap3A_963, %swap3A_964, %swap3A_965, %swap3A_966] {strides = array<i32>} : memref<8x4x4x768xf32, #tpu.memory_space<vmem>>, vector<1x1x1x16xf32>,
        %swap3A_968 = vector.shape_cast %swap3A_967 : vector<1x1x1x16xf32> to vector<16xf32>
        %swap3A_969 = vector.shape_cast %get3A_939 : vector<16xf32> to vector<1x1x1x16xf32>
        tpu.vector_store %arg5[%swap3A_963, %swap3A_964, %swap3A_965, %swap3A_966], %swap3A_969 {add = true, strides = array<i32>} : memref<8x4x4x768xf32, #tpu.memory_space<vmem>>, vector<1x1x1x16xf32>,
        %swap3A_970 = arith.constant 2 : i32
        %swap3A_971 = arith.constant 2 : i32
        %swap3A_972 = arith.constant 3 : i32
        %swap3A_973 = arith.index_cast %swap3A_970 : i32 to index
        %swap3A_974 = arith.index_cast %swap3A_971 : i32 to index
        %swap3A_975 = arith.index_cast %swap3A_972 : i32 to index
        %swap3A_976 = arith.index_cast %mul3A_840 : i32 to index
        %swap3A_977 = tpu.vector_load %arg5[%swap3A_973, %swap3A_974, %swap3A_975, %swap3A_976] {strides = array<i32>} : memref<8x4x4x768xf32, #tpu.memory_space<vmem>>, vector<1x1x1x16xf32>,
        %swap3A_978 = vector.shape_cast %swap3A_977 : vector<1x1x1x16xf32> to vector<16xf32>
        %swap3A_979 = vector.shape_cast %get3A_939 : vector<16xf32> to vector<1x1x1x16xf32>
        tpu.vector_store %arg5[%swap3A_973, %swap3A_974, %swap3A_975, %swap3A_976], %swap3A_979 {add = true, strides = array<i32>} : memref<8x4x4x768xf32, #tpu.memory_space<vmem>>, vector<1x1x1x16xf32>,
        %get3A_980 = arith.constant 2 : i32
        %get3A_981 = arith.constant 3 : i32
        %get3A_982 = arith.index_cast %get3A_980 : i32 to index
        %get3A_983 = arith.index_cast %get3A_981 : i32 to index
        %get3A_984 = arith.index_cast %mul3A_840 : i32 to index
        %get3A_985 = tpu.vector_load %arg6[%get3A_982, %get3A_983, %get3A_984] {strides = array<i32>} : memref<8x4x768xf32, #tpu.memory_space<vmem>>, vector<1x1x16xf32>,
        %get3A_986 = vector.shape_cast %get3A_985 : vector<1x1x16xf32> to vector<16xf32>
        %swap3A_987 = arith.constant 2 : i32
        %swap3A_988 = arith.constant 3 : i32
        %swap3A_989 = arith.constant 0 : i32
        %swap3A_990 = arith.index_cast %swap3A_987 : i32 to index
        %swap3A_991 = arith.index_cast %swap3A_988 : i32 to index
        %swap3A_992 = arith.index_cast %swap3A_989 : i32 to index
        %swap3A_993 = arith.index_cast %mul3A_840 : i32 to index
        %swap3A_994 = tpu.vector_load %arg5[%swap3A_990, %swap3A_991, %swap3A_992, %swap3A_993] {strides = array<i32>} : memref<8x4x4x768xf32, #tpu.memory_space<vmem>>, vector<1x1x1x16xf32>,
        %swap3A_995 = vector.shape_cast %swap3A_994 : vector<1x1x1x16xf32> to vector<16xf32>
        %swap3A_996 = vector.shape_cast %get3A_986 : vector<16xf32> to vector<1x1x1x16xf32>
        tpu.vector_store %arg5[%swap3A_990, %swap3A_991, %swap3A_992, %swap3A_993], %swap3A_996 {add = true, strides = array<i32>} : memref<8x4x4x768xf32, #tpu.memory_space<vmem>>, vector<1x1x1x16xf32>,
        %swap3A_997 = arith.constant 2 : i32
        %swap3A_998 = arith.constant 3 : i32
        %swap3A_999 = arith.constant 1 : i32
        %swap3A_1000 = arith.index_cast %swap3A_997 : i32 to index
        %swap3A_1001 = arith.index_cast %swap3A_998 : i32 to index
        %swap3A_1002 = arith.index_cast %swap3A_999 : i32 to index
        %swap3A_1003 = arith.index_cast %mul3A_840 : i32 to index
        %swap3A_1004 = tpu.vector_load %arg5[%swap3A_1000, %swap3A_1001, %swap3A_1002, %swap3A_1003] {strides = array<i32>} : memref<8x4x4x768xf32, #tpu.memory_space<vmem>>, vector<1x1x1x16xf32>,
        %swap3A_1005 = vector.shape_cast %swap3A_1004 : vector<1x1x1x16xf32> to vector<16xf32>
        %swap3A_1006 = vector.shape_cast %get3A_986 : vector<16xf32> to vector<1x1x1x16xf32>
        tpu.vector_store %arg5[%swap3A_1000, %swap3A_1001, %swap3A_1002, %swap3A_1003], %swap3A_1006 {add = true, strides = array<i32>} : memref<8x4x4x768xf32, #tpu.memory_space<vmem>>, vector<1x1x1x16xf32>,
        %swap3A_1007 = arith.constant 2 : i32
        %swap3A_1008 = arith.constant 3 : i32
        %swap3A_1009 = arith.constant 2 : i32
        %swap3A_1010 = arith.index_cast %swap3A_1007 : i32 to index
        %swap3A_1011 = arith.index_cast %swap3A_1008 : i32 to index
        %swap3A_1012 = arith.index_cast %swap3A_1009 : i32 to index
        %swap3A_1013 = arith.index_cast %mul3A_840 : i32 to index
        %swap3A_1014 = tpu.vector_load %arg5[%swap3A_1010, %swap3A_1011, %swap3A_1012, %swap3A_1013] {strides = array<i32>} : memref<8x4x4x768xf32, #tpu.memory_space<vmem>>, vector<1x1x1x16xf32>,
        %swap3A_1015 = vector.shape_cast %swap3A_1014 : vector<1x1x1x16xf32> to vector<16xf32>
        %swap3A_1016 = vector.shape_cast %get3A_986 : vector<16xf32> to vector<1x1x1x16xf32>
        tpu.vector_store %arg5[%swap3A_1010, %swap3A_1011, %swap3A_1012, %swap3A_1013], %swap3A_1016 {add = true, strides = array<i32>} : memref<8x4x4x768xf32, #tpu.memory_space<vmem>>, vector<1x1x1x16xf32>,
        %swap3A_1017 = arith.constant 2 : i32
        %swap3A_1018 = arith.constant 3 : i32
        %swap3A_1019 = arith.constant 3 : i32
        %swap3A_1020 = arith.index_cast %swap3A_1017 : i32 to index
        %swap3A_1021 = arith.index_cast %swap3A_1018 : i32 to index
        %swap3A_1022 = arith.index_cast %swap3A_1019 : i32 to index
        %swap3A_1023 = arith.index_cast %mul3A_840 : i32 to index
        %swap3A_1024 = tpu.vector_load %arg5[%swap3A_1020, %swap3A_1021, %swap3A_1022, %swap3A_1023] {strides = array<i32>} : memref<8x4x4x768xf32, #tpu.memory_space<vmem>>, vector<1x1x1x16xf32>,
        %swap3A_1025 = vector.shape_cast %swap3A_1024 : vector<1x1x1x16xf32> to vector<16xf32>
        %swap3A_1026 = vector.shape_cast %get3A_986 : vector<16xf32> to vector<1x1x1x16xf32>
        tpu.vector_store %arg5[%swap3A_1020, %swap3A_1021, %swap3A_1022, %swap3A_1023], %swap3A_1026 {add = true, strides = array<i32>} : memref<8x4x4x768xf32, #tpu.memory_space<vmem>>, vector<1x1x1x16xf32>,
      }
      %scan3A_406 = arith.constant 48 : i32
      %mul3A_407 = arith.constant 4 : i32
      %mul3A_408 = arith.muli %add3A_367, %mul3A_407 : i32
      %add3A_409 = arith.addi %mul3A_2, %mul3A_408 : i32
      %dma_start3A_410 = arith.constant 2 : i32
      %dma_start3A_411 = arith.constant 0 : i32
      %dma_start3A_412 = arith.constant 0 : i32
      %dma_start3A_413 = arith.constant 0 : i32
      %dma_start3A_414 = tpu.memref_slice %arg5[%dma_start3A_410, %dma_start3A_411, %dma_start3A_412, %dma_start3A_413] : memref<8x4x4x768xf32, #tpu.memory_space<vmem>> -> memref<1x4x4x768xf32, #tpu.memory_space<vmem>>
      %dma_start3A_415 = tpu.memref_squeeze %dma_start3A_414 : memref<1x4x4x768xf32, #tpu.memory_space<vmem>> -> memref<4x4x768xf32, #tpu.memory_space<vmem>>
      %dma_start3A_416 = arith.constant 0 : i32
      %dma_start3A_417 = arith.constant 0 : i32
      %dma_start3A_418 = tpu.memref_slice %arg4[%add3A_409, %dma_start3A_416, %dma_start3A_417] : memref<8192x4x768xf32, #tpu.memory_space<hbm>> -> memref<4x4x768xf32, #tpu.memory_space<hbm>>
      %dma_start3A_419 = arith.constant 0 : i32
      %dma_start3A_420 = arith.constant 0 : i32
      %dma_start3A_421 = tpu.memref_slice %arg4[%add3A_409, %dma_start3A_419, %dma_start3A_420] : memref<8192x4x768xf32, #tpu.memory_space<hbm>> -> memref<4x4x768xf32, #tpu.memory_space<hbm>>
      %dma_start3A_422 = arith.constant 0 : i32
      %dma_start3A_423 = arith.constant 0 : i32
      %dma_start3A_424 = arith.constant 0 : i32
      %dma_start3A_425 = tpu.memref_slice %arg5[%dma_start3A_410, %dma_start3A_422, %dma_start3A_423, %dma_start3A_424] : memref<8x4x4x768xf32, #tpu.memory_space<vmem>> -> memref<1x4x4x768xf32, #tpu.memory_space<vmem>>
      %dma_start3A_426 = tpu.memref_squeeze %dma_start3A_425 : memref<1x4x4x768xf32, #tpu.memory_space<vmem>> -> memref<4x4x768xf32, #tpu.memory_space<vmem>>
      tpu.enqueue_dma source(%dma_start3A_426 : memref<4x4x768xf32, #tpu.memory_space<vmem>>) target(%dma_start3A_421 : memref<4x4x768xf32, #tpu.memory_space<hbm>>) target_semaphore(%arg25 : memref<!tpu.dma_semaphore, #tpu.memory_space<semaphore_mem>>)
      %add3A_427 = arith.constant 4 : i32
      %add3A_428 = arith.addi %add3A_367, %add3A_427 : i32
      %sub3A_429 = arith.constant 8 : i32
      %sub3A_430 = arith.subi %add3A_428, %sub3A_429 : i32
      %ge3A_431 = arith.constant 0 : i32
      %ge3A_432 = arith.cmpi sge, %sub3A_430, %ge3A_431 : i32
      %convert_element_type3A_433 = arith.extui %ge3A_432 : i1 to i32
      %cond3A_434 = arith.constant 0 : i32
      %cond3A_435 = arith.cmpi ne, %convert_element_type3A_433, %cond3A_434 : i32
      scf.if %cond3A_435 {
        %add3A_838 = arith.constant 4 : i32
        %add3A_839 = arith.addi %add3A_367, %add3A_838 : i32
        %sub3A_840 = arith.constant 8 : i32
        %sub3A_841 = arith.subi %add3A_839, %sub3A_840 : i32
        %mul3A_842 = arith.constant 4 : i32
        %mul3A_843 = arith.muli %sub3A_841, %mul3A_842 : i32
        %add3A_844 = arith.addi %mul3A_2, %mul3A_843 : i32
        %dma_wait3A_845 = arith.constant 6 : i32
        %dma_wait3A_846 = arith.constant 0 : i32
        %dma_wait3A_847 = arith.constant 0 : i32
        %dma_wait3A_848 = arith.constant 0 : i32
        %dma_wait3A_849 = tpu.memref_slice %arg5[%dma_wait3A_845, %dma_wait3A_846, %dma_wait3A_847, %dma_wait3A_848] : memref<8x4x4x768xf32, #tpu.memory_space<vmem>> -> memref<1x4x4x768xf32, #tpu.memory_space<vmem>>
        %dma_wait3A_850 = tpu.memref_squeeze %dma_wait3A_849 : memref<1x4x4x768xf32, #tpu.memory_space<vmem>> -> memref<4x4x768xf32, #tpu.memory_space<vmem>>
        %dma_wait3A_851 = arith.constant 0 : i32
        %dma_wait3A_852 = arith.constant 0 : i32
        %dma_wait3A_853 = tpu.memref_slice %arg4[%add3A_844, %dma_wait3A_851, %dma_wait3A_852] : memref<8192x4x768xf32, #tpu.memory_space<hbm>> -> memref<4x4x768xf32, #tpu.memory_space<hbm>>
        %dma_wait3A_854 = arith.constant 0 : i32
        %dma_wait3A_855 = arith.constant 0 : i32
        %dma_wait3A_856 = tpu.memref_slice %arg4[%add3A_844, %dma_wait3A_854, %dma_wait3A_855] : memref<8192x4x768xf32, #tpu.memory_space<hbm>> -> memref<4x4x768xf32, #tpu.memory_space<hbm>>
        %dma_wait3A_857 = arith.constant 0 : i32
        %dma_wait3A_858 = arith.constant 0 : i32
        %dma_wait3A_859 = arith.constant 0 : i32
        %dma_wait3A_860 = tpu.memref_slice %arg5[%dma_wait3A_845, %dma_wait3A_857, %dma_wait3A_858, %dma_wait3A_859] : memref<8x4x4x768xf32, #tpu.memory_space<vmem>> -> memref<1x4x4x768xf32, #tpu.memory_space<vmem>>
        %dma_wait3A_861 = tpu.memref_squeeze %dma_wait3A_860 : memref<1x4x4x768xf32, #tpu.memory_space<vmem>> -> memref<4x4x768xf32, #tpu.memory_space<vmem>>
        tpu.wait_dma2 semaphore(%arg29 : memref<!tpu.dma_semaphore, #tpu.memory_space<semaphore_mem>>) src(%dma_wait3A_861 : memref<4x4x768xf32, #tpu.memory_space<vmem>>) dst(%dma_wait3A_856 : memref<4x4x768xf32, #tpu.memory_space<hbm>>)
      } else {
      }
      %add3A_436 = arith.constant 4 : i32
      %add3A_437 = arith.addi %add3A_367, %add3A_436 : i32
      %lt3A_438 = arith.constant 64 : i32
      %lt3A_439 = arith.cmpi slt, %add3A_437, %lt3A_438 : i32
      %convert_element_type3A_440 = arith.extui %lt3A_439 : i1 to i32
      %cond3A_441 = arith.constant 0 : i32
      %cond3A_442 = arith.cmpi ne, %convert_element_type3A_440, %cond3A_441 : i32
      scf.if %cond3A_442 {
        %add3A_838 = arith.constant 4 : i32
        %add3A_839 = arith.addi %add3A_367, %add3A_838 : i32
        %mul3A_840 = arith.constant 4 : i32
        %mul3A_841 = arith.muli %add3A_839, %mul3A_840 : i32
        %add3A_842 = arith.addi %mul3A_2, %mul3A_841 : i32
        %dma_start3A_843 = arith.constant 6 : i32
        %dma_start3A_844 = arith.constant 0 : i32
        %dma_start3A_845 = arith.constant 0 : i32
        %dma_start3A_846 = arith.constant 0 : i32
        %dma_start3A_847 = tpu.memref_slice %arg5[%dma_start3A_843, %dma_start3A_844, %dma_start3A_845, %dma_start3A_846] : memref<8x4x4x768xf32, #tpu.memory_space<vmem>> -> memref<1x4x4x768xf32, #tpu.memory_space<vmem>>
        %dma_start3A_848 = tpu.memref_squeeze %dma_start3A_847 : memref<1x4x4x768xf32, #tpu.memory_space<vmem>> -> memref<4x4x768xf32, #tpu.memory_space<vmem>>
        %dma_start3A_849 = arith.constant 0 : i32
        %dma_start3A_850 = arith.constant 0 : i32
        %dma_start3A_851 = tpu.memref_slice %arg2[%add3A_842, %dma_start3A_849, %dma_start3A_850] : memref<8192x4x768xf32, #tpu.memory_space<hbm>> -> memref<4x4x768xf32, #tpu.memory_space<hbm>>
        %dma_start3A_852 = arith.constant 0 : i32
        %dma_start3A_853 = arith.constant 0 : i32
        %dma_start3A_854 = arith.constant 0 : i32
        %dma_start3A_855 = tpu.memref_slice %arg5[%dma_start3A_843, %dma_start3A_852, %dma_start3A_853, %dma_start3A_854] : memref<8x4x4x768xf32, #tpu.memory_space<vmem>> -> memref<1x4x4x768xf32, #tpu.memory_space<vmem>>
        %dma_start3A_856 = tpu.memref_squeeze %dma_start3A_855 : memref<1x4x4x768xf32, #tpu.memory_space<vmem>> -> memref<4x4x768xf32, #tpu.memory_space<vmem>>
        %dma_start3A_857 = arith.constant 0 : i32
        %dma_start3A_858 = arith.constant 0 : i32
        %dma_start3A_859 = tpu.memref_slice %arg2[%add3A_842, %dma_start3A_857, %dma_start3A_858] : memref<8192x4x768xf32, #tpu.memory_space<hbm>> -> memref<4x4x768xf32, #tpu.memory_space<hbm>>
        tpu.enqueue_dma source(%dma_start3A_859 : memref<4x4x768xf32, #tpu.memory_space<hbm>>) target(%dma_start3A_856 : memref<4x4x768xf32, #tpu.memory_space<vmem>>) target_semaphore(%arg13 : memref<!tpu.dma_semaphore, #tpu.memory_space<semaphore_mem>>)
        %dma_start3A_860 = arith.constant 6 : i32
        %dma_start3A_861 = arith.constant 0 : i32
        %dma_start3A_862 = arith.constant 0 : i32
        %dma_start3A_863 = tpu.memref_slice %arg6[%dma_start3A_860, %dma_start3A_861, %dma_start3A_862] : memref<8x4x768xf32, #tpu.memory_space<vmem>> -> memref<1x4x768xf32, #tpu.memory_space<vmem>>
        %dma_start3A_864 = tpu.memref_squeeze %dma_start3A_863 : memref<1x4x768xf32, #tpu.memory_space<vmem>> -> memref<4x768xf32, #tpu.memory_space<vmem>>
        %dma_start3A_865 = arith.constant 0 : i32
        %dma_start3A_866 = tpu.memref_slice %arg3[%add3A_842, %dma_start3A_865] : memref<8192x768xf32, #tpu.memory_space<hbm>> -> memref<4x768xf32, #tpu.memory_space<hbm>>
        %dma_start3A_867 = arith.constant 0 : i32
        %dma_start3A_868 = arith.constant 0 : i32
        %dma_start3A_869 = tpu.memref_slice %arg6[%dma_start3A_860, %dma_start3A_867, %dma_start3A_868] : memref<8x4x768xf32, #tpu.memory_space<vmem>> -> memref<1x4x768xf32, #tpu.memory_space<vmem>>
        %dma_start3A_870 = tpu.memref_squeeze %dma_start3A_869 : memref<1x4x768xf32, #tpu.memory_space<vmem>> -> memref<4x768xf32, #tpu.memory_space<vmem>>
        %dma_start3A_871 = arith.constant 0 : i32
        %dma_start3A_872 = tpu.memref_slice %arg3[%add3A_842, %dma_start3A_871] : memref<8192x768xf32, #tpu.memory_space<hbm>> -> memref<4x768xf32, #tpu.memory_space<hbm>>
        tpu.enqueue_dma source(%dma_start3A_872 : memref<4x768xf32, #tpu.memory_space<hbm>>) target(%dma_start3A_870 : memref<4x768xf32, #tpu.memory_space<vmem>>) target_semaphore(%arg21 : memref<!tpu.dma_semaphore, #tpu.memory_space<semaphore_mem>>)
      } else {
      }
      %mul3A_443 = arith.constant 8 : i32
      %mul3A_444 = arith.muli %scan3A_210, %mul3A_443 : i32
      %add3A_445 = arith.constant 3 : i32
      %add3A_446 = arith.addi %mul3A_444, %add3A_445 : i32
      %mul3A_447 = arith.constant 4 : i32
      %mul3A_448 = arith.muli %add3A_446, %mul3A_447 : i32
      %add3A_449 = arith.addi %mul3A_2, %mul3A_448 : i32
      %dma_wait3A_450 = arith.constant 3 : i32
      %dma_wait3A_451 = arith.constant 0 : i32
      %dma_wait3A_452 = arith.constant 0 : i32
      %dma_wait3A_453 = arith.constant 0 : i32
      %dma_wait3A_454 = tpu.memref_slice %arg5[%dma_wait3A_450, %dma_wait3A_451, %dma_wait3A_452, %dma_wait3A_453] : memref<8x4x4x768xf32, #tpu.memory_space<vmem>> -> memref<1x4x4x768xf32, #tpu.memory_space<vmem>>
      %dma_wait3A_455 = tpu.memref_squeeze %dma_wait3A_454 : memref<1x4x4x768xf32, #tpu.memory_space<vmem>> -> memref<4x4x768xf32, #tpu.memory_space<vmem>>
      %dma_wait3A_456 = arith.constant 0 : i32
      %dma_wait3A_457 = arith.constant 0 : i32
      %dma_wait3A_458 = tpu.memref_slice %arg2[%add3A_449, %dma_wait3A_456, %dma_wait3A_457] : memref<8192x4x768xf32, #tpu.memory_space<hbm>> -> memref<4x4x768xf32, #tpu.memory_space<hbm>>
      %dma_wait3A_459 = arith.constant 0 : i32
      %dma_wait3A_460 = arith.constant 0 : i32
      %dma_wait3A_461 = arith.constant 0 : i32
      %dma_wait3A_462 = tpu.memref_slice %arg5[%dma_wait3A_450, %dma_wait3A_459, %dma_wait3A_460, %dma_wait3A_461] : memref<8x4x4x768xf32, #tpu.memory_space<vmem>> -> memref<1x4x4x768xf32, #tpu.memory_space<vmem>>
      %dma_wait3A_463 = tpu.memref_squeeze %dma_wait3A_462 : memref<1x4x4x768xf32, #tpu.memory_space<vmem>> -> memref<4x4x768xf32, #tpu.memory_space<vmem>>
      %dma_wait3A_464 = arith.constant 0 : i32
      %dma_wait3A_465 = arith.constant 0 : i32
      %dma_wait3A_466 = tpu.memref_slice %arg2[%add3A_449, %dma_wait3A_464, %dma_wait3A_465] : memref<8192x4x768xf32, #tpu.memory_space<hbm>> -> memref<4x4x768xf32, #tpu.memory_space<hbm>>
      tpu.wait_dma2 semaphore(%arg10 : memref<!tpu.dma_semaphore, #tpu.memory_space<semaphore_mem>>) src(%dma_wait3A_466 : memref<4x4x768xf32, #tpu.memory_space<hbm>>) dst(%dma_wait3A_463 : memref<4x4x768xf32, #tpu.memory_space<vmem>>)
      %dma_wait3A_467 = arith.constant 3 : i32
      %dma_wait3A_468 = arith.constant 0 : i32
      %dma_wait3A_469 = arith.constant 0 : i32
      %dma_wait3A_470 = tpu.memref_slice %arg6[%dma_wait3A_467, %dma_wait3A_468, %dma_wait3A_469] : memref<8x4x768xf32, #tpu.memory_space<vmem>> -> memref<1x4x768xf32, #tpu.memory_space<vmem>>
      %dma_wait3A_471 = tpu.memref_squeeze %dma_wait3A_470 : memref<1x4x768xf32, #tpu.memory_space<vmem>> -> memref<4x768xf32, #tpu.memory_space<vmem>>
      %dma_wait3A_472 = arith.constant 0 : i32
      %dma_wait3A_473 = tpu.memref_slice %arg3[%add3A_449, %dma_wait3A_472] : memref<8192x768xf32, #tpu.memory_space<hbm>> -> memref<4x768xf32, #tpu.memory_space<hbm>>
      %dma_wait3A_474 = arith.constant 0 : i32
      %dma_wait3A_475 = arith.constant 0 : i32
      %dma_wait3A_476 = tpu.memref_slice %arg6[%dma_wait3A_467, %dma_wait3A_474, %dma_wait3A_475] : memref<8x4x768xf32, #tpu.memory_space<vmem>> -> memref<1x4x768xf32, #tpu.memory_space<vmem>>
      %dma_wait3A_477 = tpu.memref_squeeze %dma_wait3A_476 : memref<1x4x768xf32, #tpu.memory_space<vmem>> -> memref<4x768xf32, #tpu.memory_space<vmem>>
      %dma_wait3A_478 = arith.constant 0 : i32
      %dma_wait3A_479 = tpu.memref_slice %arg3[%add3A_449, %dma_wait3A_478] : memref<8192x768xf32, #tpu.memory_space<hbm>> -> memref<4x768xf32, #tpu.memory_space<hbm>>
      tpu.wait_dma2 semaphore(%arg18 : memref<!tpu.dma_semaphore, #tpu.memory_space<semaphore_mem>>) src(%dma_wait3A_479 : memref<4x768xf32, #tpu.memory_space<hbm>>) dst(%dma_wait3A_477 : memref<4x768xf32, #tpu.memory_space<vmem>>)
      %scan3A_480 = arith.constant 0 : i32
      %scan3A_481 = arith.constant 0 : i32
      %scan3A_482 = arith.constant 48 : i32
      %scan3A_483 = arith.addi %scan3A_481, %scan3A_482 : i32
      %scan3A_484 = arith.constant 1 : i32
      scf.for %scan3A_838 = %scan3A_481 to %scan3A_483 step %scan3A_484  : i32 {
        %mul3A_839 = arith.constant 16 : i32
        %mul3A_840 = arith.muli %scan3A_838, %mul3A_839 : i32
        %get3A = arith.constant 3 : i32
        %get3A_841 = arith.constant 0 : i32
        %get3A_842 = arith.index_cast %get3A : i32 to index
        %get3A_843 = arith.index_cast %get3A_841 : i32 to index
        %get3A_844 = arith.index_cast %mul3A_840 : i32 to index
        %get3A_845 = tpu.vector_load %arg6[%get3A_842, %get3A_843, %get3A_844] {strides = array<i32>} : memref<8x4x768xf32, #tpu.memory_space<vmem>>, vector<1x1x16xf32>,
        %get3A_846 = vector.shape_cast %get3A_845 : vector<1x1x16xf32> to vector<16xf32>
        %swap3A = arith.constant 3 : i32
        %swap3A_847 = arith.constant 0 : i32
        %swap3A_848 = arith.constant 0 : i32
        %swap3A_849 = arith.index_cast %swap3A : i32 to index
        %swap3A_850 = arith.index_cast %swap3A_847 : i32 to index
        %swap3A_851 = arith.index_cast %swap3A_848 : i32 to index
        %swap3A_852 = arith.index_cast %mul3A_840 : i32 to index
        %swap3A_853 = tpu.vector_load %arg5[%swap3A_849, %swap3A_850, %swap3A_851, %swap3A_852] {strides = array<i32>} : memref<8x4x4x768xf32, #tpu.memory_space<vmem>>, vector<1x1x1x16xf32>,
        %swap3A_854 = vector.shape_cast %swap3A_853 : vector<1x1x1x16xf32> to vector<16xf32>
        %swap3A_855 = vector.shape_cast %get3A_846 : vector<16xf32> to vector<1x1x1x16xf32>
        tpu.vector_store %arg5[%swap3A_849, %swap3A_850, %swap3A_851, %swap3A_852], %swap3A_855 {add = true, strides = array<i32>} : memref<8x4x4x768xf32, #tpu.memory_space<vmem>>, vector<1x1x1x16xf32>,
        %swap3A_856 = arith.constant 3 : i32
        %swap3A_857 = arith.constant 0 : i32
        %swap3A_858 = arith.constant 1 : i32
        %swap3A_859 = arith.index_cast %swap3A_856 : i32 to index
        %swap3A_860 = arith.index_cast %swap3A_857 : i32 to index
        %swap3A_861 = arith.index_cast %swap3A_858 : i32 to index
        %swap3A_862 = arith.index_cast %mul3A_840 : i32 to index
        %swap3A_863 = tpu.vector_load %arg5[%swap3A_859, %swap3A_860, %swap3A_861, %swap3A_862] {strides = array<i32>} : memref<8x4x4x768xf32, #tpu.memory_space<vmem>>, vector<1x1x1x16xf32>,
        %swap3A_864 = vector.shape_cast %swap3A_863 : vector<1x1x1x16xf32> to vector<16xf32>
        %swap3A_865 = vector.shape_cast %get3A_846 : vector<16xf32> to vector<1x1x1x16xf32>
        tpu.vector_store %arg5[%swap3A_859, %swap3A_860, %swap3A_861, %swap3A_862], %swap3A_865 {add = true, strides = array<i32>} : memref<8x4x4x768xf32, #tpu.memory_space<vmem>>, vector<1x1x1x16xf32>,
        %swap3A_866 = arith.constant 3 : i32
        %swap3A_867 = arith.constant 0 : i32
        %swap3A_868 = arith.constant 2 : i32
        %swap3A_869 = arith.index_cast %swap3A_866 : i32 to index
        %swap3A_870 = arith.index_cast %swap3A_867 : i32 to index
        %swap3A_871 = arith.index_cast %swap3A_868 : i32 to index
        %swap3A_872 = arith.index_cast %mul3A_840 : i32 to index
        %swap3A_873 = tpu.vector_load %arg5[%swap3A_869, %swap3A_870, %swap3A_871, %swap3A_872] {strides = array<i32>} : memref<8x4x4x768xf32, #tpu.memory_space<vmem>>, vector<1x1x1x16xf32>,
        %swap3A_874 = vector.shape_cast %swap3A_873 : vector<1x1x1x16xf32> to vector<16xf32>
        %swap3A_875 = vector.shape_cast %get3A_846 : vector<16xf32> to vector<1x1x1x16xf32>
        tpu.vector_store %arg5[%swap3A_869, %swap3A_870, %swap3A_871, %swap3A_872], %swap3A_875 {add = true, strides = array<i32>} : memref<8x4x4x768xf32, #tpu.memory_space<vmem>>, vector<1x1x1x16xf32>,
        %swap3A_876 = arith.constant 3 : i32
        %swap3A_877 = arith.constant 0 : i32
        %swap3A_878 = arith.constant 3 : i32
        %swap3A_879 = arith.index_cast %swap3A_876 : i32 to index
        %swap3A_880 = arith.index_cast %swap3A_877 : i32 to index
        %swap3A_881 = arith.index_cast %swap3A_878 : i32 to index
        %swap3A_882 = arith.index_cast %mul3A_840 : i32 to index
        %swap3A_883 = tpu.vector_load %arg5[%swap3A_879, %swap3A_880, %swap3A_881, %swap3A_882] {strides = array<i32>} : memref<8x4x4x768xf32, #tpu.memory_space<vmem>>, vector<1x1x1x16xf32>,
        %swap3A_884 = vector.shape_cast %swap3A_883 : vector<1x1x1x16xf32> to vector<16xf32>
        %swap3A_885 = vector.shape_cast %get3A_846 : vector<16xf32> to vector<1x1x1x16xf32>
        tpu.vector_store %arg5[%swap3A_879, %swap3A_880, %swap3A_881, %swap3A_882], %swap3A_885 {add = true, strides = array<i32>} : memref<8x4x4x768xf32, #tpu.memory_space<vmem>>, vector<1x1x1x16xf32>,
        %get3A_886 = arith.constant 3 : i32
        %get3A_887 = arith.constant 1 : i32
        %get3A_888 = arith.index_cast %get3A_886 : i32 to index
        %get3A_889 = arith.index_cast %get3A_887 : i32 to index
        %get3A_890 = arith.index_cast %mul3A_840 : i32 to index
        %get3A_891 = tpu.vector_load %arg6[%get3A_888, %get3A_889, %get3A_890] {strides = array<i32>} : memref<8x4x768xf32, #tpu.memory_space<vmem>>, vector<1x1x16xf32>,
        %get3A_892 = vector.shape_cast %get3A_891 : vector<1x1x16xf32> to vector<16xf32>
        %swap3A_893 = arith.constant 3 : i32
        %swap3A_894 = arith.constant 1 : i32
        %swap3A_895 = arith.constant 0 : i32
        %swap3A_896 = arith.index_cast %swap3A_893 : i32 to index
        %swap3A_897 = arith.index_cast %swap3A_894 : i32 to index
        %swap3A_898 = arith.index_cast %swap3A_895 : i32 to index
        %swap3A_899 = arith.index_cast %mul3A_840 : i32 to index
        %swap3A_900 = tpu.vector_load %arg5[%swap3A_896, %swap3A_897, %swap3A_898, %swap3A_899] {strides = array<i32>} : memref<8x4x4x768xf32, #tpu.memory_space<vmem>>, vector<1x1x1x16xf32>,
        %swap3A_901 = vector.shape_cast %swap3A_900 : vector<1x1x1x16xf32> to vector<16xf32>
        %swap3A_902 = vector.shape_cast %get3A_892 : vector<16xf32> to vector<1x1x1x16xf32>
        tpu.vector_store %arg5[%swap3A_896, %swap3A_897, %swap3A_898, %swap3A_899], %swap3A_902 {add = true, strides = array<i32>} : memref<8x4x4x768xf32, #tpu.memory_space<vmem>>, vector<1x1x1x16xf32>,
        %swap3A_903 = arith.constant 3 : i32
        %swap3A_904 = arith.constant 1 : i32
        %swap3A_905 = arith.constant 1 : i32
        %swap3A_906 = arith.index_cast %swap3A_903 : i32 to index
        %swap3A_907 = arith.index_cast %swap3A_904 : i32 to index
        %swap3A_908 = arith.index_cast %swap3A_905 : i32 to index
        %swap3A_909 = arith.index_cast %mul3A_840 : i32 to index
        %swap3A_910 = tpu.vector_load %arg5[%swap3A_906, %swap3A_907, %swap3A_908, %swap3A_909] {strides = array<i32>} : memref<8x4x4x768xf32, #tpu.memory_space<vmem>>, vector<1x1x1x16xf32>,
        %swap3A_911 = vector.shape_cast %swap3A_910 : vector<1x1x1x16xf32> to vector<16xf32>
        %swap3A_912 = vector.shape_cast %get3A_892 : vector<16xf32> to vector<1x1x1x16xf32>
        tpu.vector_store %arg5[%swap3A_906, %swap3A_907, %swap3A_908, %swap3A_909], %swap3A_912 {add = true, strides = array<i32>} : memref<8x4x4x768xf32, #tpu.memory_space<vmem>>, vector<1x1x1x16xf32>,
        %swap3A_913 = arith.constant 3 : i32
        %swap3A_914 = arith.constant 1 : i32
        %swap3A_915 = arith.constant 2 : i32
        %swap3A_916 = arith.index_cast %swap3A_913 : i32 to index
        %swap3A_917 = arith.index_cast %swap3A_914 : i32 to index
        %swap3A_918 = arith.index_cast %swap3A_915 : i32 to index
        %swap3A_919 = arith.index_cast %mul3A_840 : i32 to index
        %swap3A_920 = tpu.vector_load %arg5[%swap3A_916, %swap3A_917, %swap3A_918, %swap3A_919] {strides = array<i32>} : memref<8x4x4x768xf32, #tpu.memory_space<vmem>>, vector<1x1x1x16xf32>,
        %swap3A_921 = vector.shape_cast %swap3A_920 : vector<1x1x1x16xf32> to vector<16xf32>
        %swap3A_922 = vector.shape_cast %get3A_892 : vector<16xf32> to vector<1x1x1x16xf32>
        tpu.vector_store %arg5[%swap3A_916, %swap3A_917, %swap3A_918, %swap3A_919], %swap3A_922 {add = true, strides = array<i32>} : memref<8x4x4x768xf32, #tpu.memory_space<vmem>>, vector<1x1x1x16xf32>,
        %swap3A_923 = arith.constant 3 : i32
        %swap3A_924 = arith.constant 1 : i32
        %swap3A_925 = arith.constant 3 : i32
        %swap3A_926 = arith.index_cast %swap3A_923 : i32 to index
        %swap3A_927 = arith.index_cast %swap3A_924 : i32 to index
        %swap3A_928 = arith.index_cast %swap3A_925 : i32 to index
        %swap3A_929 = arith.index_cast %mul3A_840 : i32 to index
        %swap3A_930 = tpu.vector_load %arg5[%swap3A_926, %swap3A_927, %swap3A_928, %swap3A_929] {strides = array<i32>} : memref<8x4x4x768xf32, #tpu.memory_space<vmem>>, vector<1x1x1x16xf32>,
        %swap3A_931 = vector.shape_cast %swap3A_930 : vector<1x1x1x16xf32> to vector<16xf32>
        %swap3A_932 = vector.shape_cast %get3A_892 : vector<16xf32> to vector<1x1x1x16xf32>
        tpu.vector_store %arg5[%swap3A_926, %swap3A_927, %swap3A_928, %swap3A_929], %swap3A_932 {add = true, strides = array<i32>} : memref<8x4x4x768xf32, #tpu.memory_space<vmem>>, vector<1x1x1x16xf32>,
        %get3A_933 = arith.constant 3 : i32
        %get3A_934 = arith.constant 2 : i32
        %get3A_935 = arith.index_cast %get3A_933 : i32 to index
        %get3A_936 = arith.index_cast %get3A_934 : i32 to index
        %get3A_937 = arith.index_cast %mul3A_840 : i32 to index
        %get3A_938 = tpu.vector_load %arg6[%get3A_935, %get3A_936, %get3A_937] {strides = array<i32>} : memref<8x4x768xf32, #tpu.memory_space<vmem>>, vector<1x1x16xf32>,
        %get3A_939 = vector.shape_cast %get3A_938 : vector<1x1x16xf32> to vector<16xf32>
        %swap3A_940 = arith.constant 3 : i32
        %swap3A_941 = arith.constant 2 : i32
        %swap3A_942 = arith.constant 0 : i32
        %swap3A_943 = arith.index_cast %swap3A_940 : i32 to index
        %swap3A_944 = arith.index_cast %swap3A_941 : i32 to index
        %swap3A_945 = arith.index_cast %swap3A_942 : i32 to index
        %swap3A_946 = arith.index_cast %mul3A_840 : i32 to index
        %swap3A_947 = tpu.vector_load %arg5[%swap3A_943, %swap3A_944, %swap3A_945, %swap3A_946] {strides = array<i32>} : memref<8x4x4x768xf32, #tpu.memory_space<vmem>>, vector<1x1x1x16xf32>,
        %swap3A_948 = vector.shape_cast %swap3A_947 : vector<1x1x1x16xf32> to vector<16xf32>
        %swap3A_949 = vector.shape_cast %get3A_939 : vector<16xf32> to vector<1x1x1x16xf32>
        tpu.vector_store %arg5[%swap3A_943, %swap3A_944, %swap3A_945, %swap3A_946], %swap3A_949 {add = true, strides = array<i32>} : memref<8x4x4x768xf32, #tpu.memory_space<vmem>>, vector<1x1x1x16xf32>,
        %swap3A_950 = arith.constant 3 : i32
        %swap3A_951 = arith.constant 2 : i32
        %swap3A_952 = arith.constant 1 : i32
        %swap3A_953 = arith.index_cast %swap3A_950 : i32 to index
        %swap3A_954 = arith.index_cast %swap3A_951 : i32 to index
        %swap3A_955 = arith.index_cast %swap3A_952 : i32 to index
        %swap3A_956 = arith.index_cast %mul3A_840 : i32 to index
        %swap3A_957 = tpu.vector_load %arg5[%swap3A_953, %swap3A_954, %swap3A_955, %swap3A_956] {strides = array<i32>} : memref<8x4x4x768xf32, #tpu.memory_space<vmem>>, vector<1x1x1x16xf32>,
        %swap3A_958 = vector.shape_cast %swap3A_957 : vector<1x1x1x16xf32> to vector<16xf32>
        %swap3A_959 = vector.shape_cast %get3A_939 : vector<16xf32> to vector<1x1x1x16xf32>
        tpu.vector_store %arg5[%swap3A_953, %swap3A_954, %swap3A_955, %swap3A_956], %swap3A_959 {add = true, strides = array<i32>} : memref<8x4x4x768xf32, #tpu.memory_space<vmem>>, vector<1x1x1x16xf32>,
        %swap3A_960 = arith.constant 3 : i32
        %swap3A_961 = arith.constant 2 : i32
        %swap3A_962 = arith.constant 2 : i32
        %swap3A_963 = arith.index_cast %swap3A_960 : i32 to index
        %swap3A_964 = arith.index_cast %swap3A_961 : i32 to index
        %swap3A_965 = arith.index_cast %swap3A_962 : i32 to index
        %swap3A_966 = arith.index_cast %mul3A_840 : i32 to index
        %swap3A_967 = tpu.vector_load %arg5[%swap3A_963, %swap3A_964, %swap3A_965, %swap3A_966] {strides = array<i32>} : memref<8x4x4x768xf32, #tpu.memory_space<vmem>>, vector<1x1x1x16xf32>,
        %swap3A_968 = vector.shape_cast %swap3A_967 : vector<1x1x1x16xf32> to vector<16xf32>
        %swap3A_969 = vector.shape_cast %get3A_939 : vector<16xf32> to vector<1x1x1x16xf32>
        tpu.vector_store %arg5[%swap3A_963, %swap3A_964, %swap3A_965, %swap3A_966], %swap3A_969 {add = true, strides = array<i32>} : memref<8x4x4x768xf32, #tpu.memory_space<vmem>>, vector<1x1x1x16xf32>,
        %swap3A_970 = arith.constant 3 : i32
        %swap3A_971 = arith.constant 2 : i32
        %swap3A_972 = arith.constant 3 : i32
        %swap3A_973 = arith.index_cast %swap3A_970 : i32 to index
        %swap3A_974 = arith.index_cast %swap3A_971 : i32 to index
        %swap3A_975 = arith.index_cast %swap3A_972 : i32 to index
        %swap3A_976 = arith.index_cast %mul3A_840 : i32 to index
        %swap3A_977 = tpu.vector_load %arg5[%swap3A_973, %swap3A_974, %swap3A_975, %swap3A_976] {strides = array<i32>} : memref<8x4x4x768xf32, #tpu.memory_space<vmem>>, vector<1x1x1x16xf32>,
        %swap3A_978 = vector.shape_cast %swap3A_977 : vector<1x1x1x16xf32> to vector<16xf32>
        %swap3A_979 = vector.shape_cast %get3A_939 : vector<16xf32> to vector<1x1x1x16xf32>
        tpu.vector_store %arg5[%swap3A_973, %swap3A_974, %swap3A_975, %swap3A_976], %swap3A_979 {add = true, strides = array<i32>} : memref<8x4x4x768xf32, #tpu.memory_space<vmem>>, vector<1x1x1x16xf32>,
        %get3A_980 = arith.constant 3 : i32
        %get3A_981 = arith.constant 3 : i32
        %get3A_982 = arith.index_cast %get3A_980 : i32 to index
        %get3A_983 = arith.index_cast %get3A_981 : i32 to index
        %get3A_984 = arith.index_cast %mul3A_840 : i32 to index
        %get3A_985 = tpu.vector_load %arg6[%get3A_982, %get3A_983, %get3A_984] {strides = array<i32>} : memref<8x4x768xf32, #tpu.memory_space<vmem>>, vector<1x1x16xf32>,
        %get3A_986 = vector.shape_cast %get3A_985 : vector<1x1x16xf32> to vector<16xf32>
        %swap3A_987 = arith.constant 3 : i32
        %swap3A_988 = arith.constant 3 : i32
        %swap3A_989 = arith.constant 0 : i32
        %swap3A_990 = arith.index_cast %swap3A_987 : i32 to index
        %swap3A_991 = arith.index_cast %swap3A_988 : i32 to index
        %swap3A_992 = arith.index_cast %swap3A_989 : i32 to index
        %swap3A_993 = arith.index_cast %mul3A_840 : i32 to index
        %swap3A_994 = tpu.vector_load %arg5[%swap3A_990, %swap3A_991, %swap3A_992, %swap3A_993] {strides = array<i32>} : memref<8x4x4x768xf32, #tpu.memory_space<vmem>>, vector<1x1x1x16xf32>,
        %swap3A_995 = vector.shape_cast %swap3A_994 : vector<1x1x1x16xf32> to vector<16xf32>
        %swap3A_996 = vector.shape_cast %get3A_986 : vector<16xf32> to vector<1x1x1x16xf32>
        tpu.vector_store %arg5[%swap3A_990, %swap3A_991, %swap3A_992, %swap3A_993], %swap3A_996 {add = true, strides = array<i32>} : memref<8x4x4x768xf32, #tpu.memory_space<vmem>>, vector<1x1x1x16xf32>,
        %swap3A_997 = arith.constant 3 : i32
        %swap3A_998 = arith.constant 3 : i32
        %swap3A_999 = arith.constant 1 : i32
        %swap3A_1000 = arith.index_cast %swap3A_997 : i32 to index
        %swap3A_1001 = arith.index_cast %swap3A_998 : i32 to index
        %swap3A_1002 = arith.index_cast %swap3A_999 : i32 to index
        %swap3A_1003 = arith.index_cast %mul3A_840 : i32 to index
        %swap3A_1004 = tpu.vector_load %arg5[%swap3A_1000, %swap3A_1001, %swap3A_1002, %swap3A_1003] {strides = array<i32>} : memref<8x4x4x768xf32, #tpu.memory_space<vmem>>, vector<1x1x1x16xf32>,
        %swap3A_1005 = vector.shape_cast %swap3A_1004 : vector<1x1x1x16xf32> to vector<16xf32>
        %swap3A_1006 = vector.shape_cast %get3A_986 : vector<16xf32> to vector<1x1x1x16xf32>
        tpu.vector_store %arg5[%swap3A_1000, %swap3A_1001, %swap3A_1002, %swap3A_1003], %swap3A_1006 {add = true, strides = array<i32>} : memref<8x4x4x768xf32, #tpu.memory_space<vmem>>, vector<1x1x1x16xf32>,
        %swap3A_1007 = arith.constant 3 : i32
        %swap3A_1008 = arith.constant 3 : i32
        %swap3A_1009 = arith.constant 2 : i32
        %swap3A_1010 = arith.index_cast %swap3A_1007 : i32 to index
        %swap3A_1011 = arith.index_cast %swap3A_1008 : i32 to index
        %swap3A_1012 = arith.index_cast %swap3A_1009 : i32 to index
        %swap3A_1013 = arith.index_cast %mul3A_840 : i32 to index
        %swap3A_1014 = tpu.vector_load %arg5[%swap3A_1010, %swap3A_1011, %swap3A_1012, %swap3A_1013] {strides = array<i32>} : memref<8x4x4x768xf32, #tpu.memory_space<vmem>>, vector<1x1x1x16xf32>,
        %swap3A_1015 = vector.shape_cast %swap3A_1014 : vector<1x1x1x16xf32> to vector<16xf32>
        %swap3A_1016 = vector.shape_cast %get3A_986 : vector<16xf32> to vector<1x1x1x16xf32>
        tpu.vector_store %arg5[%swap3A_1010, %swap3A_1011, %swap3A_1012, %swap3A_1013], %swap3A_1016 {add = true, strides = array<i32>} : memref<8x4x4x768xf32, #tpu.memory_space<vmem>>, vector<1x1x1x16xf32>,
        %swap3A_1017 = arith.constant 3 : i32
        %swap3A_1018 = arith.constant 3 : i32
        %swap3A_1019 = arith.constant 3 : i32
        %swap3A_1020 = arith.index_cast %swap3A_1017 : i32 to index
        %swap3A_1021 = arith.index_cast %swap3A_1018 : i32 to index
        %swap3A_1022 = arith.index_cast %swap3A_1019 : i32 to index
        %swap3A_1023 = arith.index_cast %mul3A_840 : i32 to index
        %swap3A_1024 = tpu.vector_load %arg5[%swap3A_1020, %swap3A_1021, %swap3A_1022, %swap3A_1023] {strides = array<i32>} : memref<8x4x4x768xf32, #tpu.memory_space<vmem>>, vector<1x1x1x16xf32>,
        %swap3A_1025 = vector.shape_cast %swap3A_1024 : vector<1x1x1x16xf32> to vector<16xf32>
        %swap3A_1026 = vector.shape_cast %get3A_986 : vector<16xf32> to vector<1x1x1x16xf32>
        tpu.vector_store %arg5[%swap3A_1020, %swap3A_1021, %swap3A_1022, %swap3A_1023], %swap3A_1026 {add = true, strides = array<i32>} : memref<8x4x4x768xf32, #tpu.memory_space<vmem>>, vector<1x1x1x16xf32>,
      }
      %scan3A_485 = arith.constant 48 : i32
      %mul3A_486 = arith.constant 4 : i32
      %mul3A_487 = arith.muli %add3A_446, %mul3A_486 : i32
      %add3A_488 = arith.addi %mul3A_2, %mul3A_487 : i32
      %dma_start3A_489 = arith.constant 3 : i32
      %dma_start3A_490 = arith.constant 0 : i32
      %dma_start3A_491 = arith.constant 0 : i32
      %dma_start3A_492 = arith.constant 0 : i32
      %dma_start3A_493 = tpu.memref_slice %arg5[%dma_start3A_489, %dma_start3A_490, %dma_start3A_491, %dma_start3A_492] : memref<8x4x4x768xf32, #tpu.memory_space<vmem>> -> memref<1x4x4x768xf32, #tpu.memory_space<vmem>>
      %dma_start3A_494 = tpu.memref_squeeze %dma_start3A_493 : memref<1x4x4x768xf32, #tpu.memory_space<vmem>> -> memref<4x4x768xf32, #tpu.memory_space<vmem>>
      %dma_start3A_495 = arith.constant 0 : i32
      %dma_start3A_496 = arith.constant 0 : i32
      %dma_start3A_497 = tpu.memref_slice %arg4[%add3A_488, %dma_start3A_495, %dma_start3A_496] : memref<8192x4x768xf32, #tpu.memory_space<hbm>> -> memref<4x4x768xf32, #tpu.memory_space<hbm>>
      %dma_start3A_498 = arith.constant 0 : i32
      %dma_start3A_499 = arith.constant 0 : i32
      %dma_start3A_500 = tpu.memref_slice %arg4[%add3A_488, %dma_start3A_498, %dma_start3A_499] : memref<8192x4x768xf32, #tpu.memory_space<hbm>> -> memref<4x4x768xf32, #tpu.memory_space<hbm>>
      %dma_start3A_501 = arith.constant 0 : i32
      %dma_start3A_502 = arith.constant 0 : i32
      %dma_start3A_503 = arith.constant 0 : i32
      %dma_start3A_504 = tpu.memref_slice %arg5[%dma_start3A_489, %dma_start3A_501, %dma_start3A_502, %dma_start3A_503] : memref<8x4x4x768xf32, #tpu.memory_space<vmem>> -> memref<1x4x4x768xf32, #tpu.memory_space<vmem>>
      %dma_start3A_505 = tpu.memref_squeeze %dma_start3A_504 : memref<1x4x4x768xf32, #tpu.memory_space<vmem>> -> memref<4x4x768xf32, #tpu.memory_space<vmem>>
      tpu.enqueue_dma source(%dma_start3A_505 : memref<4x4x768xf32, #tpu.memory_space<vmem>>) target(%dma_start3A_500 : memref<4x4x768xf32, #tpu.memory_space<hbm>>) target_semaphore(%arg26 : memref<!tpu.dma_semaphore, #tpu.memory_space<semaphore_mem>>)
      %add3A_506 = arith.constant 4 : i32
      %add3A_507 = arith.addi %add3A_446, %add3A_506 : i32
      %sub3A_508 = arith.constant 8 : i32
      %sub3A_509 = arith.subi %add3A_507, %sub3A_508 : i32
      %ge3A_510 = arith.constant 0 : i32
      %ge3A_511 = arith.cmpi sge, %sub3A_509, %ge3A_510 : i32
      %convert_element_type3A_512 = arith.extui %ge3A_511 : i1 to i32
      %cond3A_513 = arith.constant 0 : i32
      %cond3A_514 = arith.cmpi ne, %convert_element_type3A_512, %cond3A_513 : i32
      scf.if %cond3A_514 {
        %add3A_838 = arith.constant 4 : i32
        %add3A_839 = arith.addi %add3A_446, %add3A_838 : i32
        %sub3A_840 = arith.constant 8 : i32
        %sub3A_841 = arith.subi %add3A_839, %sub3A_840 : i32
        %mul3A_842 = arith.constant 4 : i32
        %mul3A_843 = arith.muli %sub3A_841, %mul3A_842 : i32
        %add3A_844 = arith.addi %mul3A_2, %mul3A_843 : i32
        %dma_wait3A_845 = arith.constant 7 : i32
        %dma_wait3A_846 = arith.constant 0 : i32
        %dma_wait3A_847 = arith.constant 0 : i32
        %dma_wait3A_848 = arith.constant 0 : i32
        %dma_wait3A_849 = tpu.memref_slice %arg5[%dma_wait3A_845, %dma_wait3A_846, %dma_wait3A_847, %dma_wait3A_848] : memref<8x4x4x768xf32, #tpu.memory_space<vmem>> -> memref<1x4x4x768xf32, #tpu.memory_space<vmem>>
        %dma_wait3A_850 = tpu.memref_squeeze %dma_wait3A_849 : memref<1x4x4x768xf32, #tpu.memory_space<vmem>> -> memref<4x4x768xf32, #tpu.memory_space<vmem>>
        %dma_wait3A_851 = arith.constant 0 : i32
        %dma_wait3A_852 = arith.constant 0 : i32
        %dma_wait3A_853 = tpu.memref_slice %arg4[%add3A_844, %dma_wait3A_851, %dma_wait3A_852] : memref<8192x4x768xf32, #tpu.memory_space<hbm>> -> memref<4x4x768xf32, #tpu.memory_space<hbm>>
        %dma_wait3A_854 = arith.constant 0 : i32
        %dma_wait3A_855 = arith.constant 0 : i32
        %dma_wait3A_856 = tpu.memref_slice %arg4[%add3A_844, %dma_wait3A_854, %dma_wait3A_855] : memref<8192x4x768xf32, #tpu.memory_space<hbm>> -> memref<4x4x768xf32, #tpu.memory_space<hbm>>
        %dma_wait3A_857 = arith.constant 0 : i32
        %dma_wait3A_858 = arith.constant 0 : i32
        %dma_wait3A_859 = arith.constant 0 : i32
        %dma_wait3A_860 = tpu.memref_slice %arg5[%dma_wait3A_845, %dma_wait3A_857, %dma_wait3A_858, %dma_wait3A_859] : memref<8x4x4x768xf32, #tpu.memory_space<vmem>> -> memref<1x4x4x768xf32, #tpu.memory_space<vmem>>
        %dma_wait3A_861 = tpu.memref_squeeze %dma_wait3A_860 : memref<1x4x4x768xf32, #tpu.memory_space<vmem>> -> memref<4x4x768xf32, #tpu.memory_space<vmem>>
        tpu.wait_dma2 semaphore(%arg30 : memref<!tpu.dma_semaphore, #tpu.memory_space<semaphore_mem>>) src(%dma_wait3A_861 : memref<4x4x768xf32, #tpu.memory_space<vmem>>) dst(%dma_wait3A_856 : memref<4x4x768xf32, #tpu.memory_space<hbm>>)
      } else {
      }
      %add3A_515 = arith.constant 4 : i32
      %add3A_516 = arith.addi %add3A_446, %add3A_515 : i32
      %lt3A_517 = arith.constant 64 : i32
      %lt3A_518 = arith.cmpi slt, %add3A_516, %lt3A_517 : i32
      %convert_element_type3A_519 = arith.extui %lt3A_518 : i1 to i32
      %cond3A_520 = arith.constant 0 : i32
      %cond3A_521 = arith.cmpi ne, %convert_element_type3A_519, %cond3A_520 : i32
      scf.if %cond3A_521 {
        %add3A_838 = arith.constant 4 : i32
        %add3A_839 = arith.addi %add3A_446, %add3A_838 : i32
        %mul3A_840 = arith.constant 4 : i32
        %mul3A_841 = arith.muli %add3A_839, %mul3A_840 : i32
        %add3A_842 = arith.addi %mul3A_2, %mul3A_841 : i32
        %dma_start3A_843 = arith.constant 7 : i32
        %dma_start3A_844 = arith.constant 0 : i32
        %dma_start3A_845 = arith.constant 0 : i32
        %dma_start3A_846 = arith.constant 0 : i32
        %dma_start3A_847 = tpu.memref_slice %arg5[%dma_start3A_843, %dma_start3A_844, %dma_start3A_845, %dma_start3A_846] : memref<8x4x4x768xf32, #tpu.memory_space<vmem>> -> memref<1x4x4x768xf32, #tpu.memory_space<vmem>>
        %dma_start3A_848 = tpu.memref_squeeze %dma_start3A_847 : memref<1x4x4x768xf32, #tpu.memory_space<vmem>> -> memref<4x4x768xf32, #tpu.memory_space<vmem>>
        %dma_start3A_849 = arith.constant 0 : i32
        %dma_start3A_850 = arith.constant 0 : i32
        %dma_start3A_851 = tpu.memref_slice %arg2[%add3A_842, %dma_start3A_849, %dma_start3A_850] : memref<8192x4x768xf32, #tpu.memory_space<hbm>> -> memref<4x4x768xf32, #tpu.memory_space<hbm>>
        %dma_start3A_852 = arith.constant 0 : i32
        %dma_start3A_853 = arith.constant 0 : i32
        %dma_start3A_854 = arith.constant 0 : i32
        %dma_start3A_855 = tpu.memref_slice %arg5[%dma_start3A_843, %dma_start3A_852, %dma_start3A_853, %dma_start3A_854] : memref<8x4x4x768xf32, #tpu.memory_space<vmem>> -> memref<1x4x4x768xf32, #tpu.memory_space<vmem>>
        %dma_start3A_856 = tpu.memref_squeeze %dma_start3A_855 : memref<1x4x4x768xf32, #tpu.memory_space<vmem>> -> memref<4x4x768xf32, #tpu.memory_space<vmem>>
        %dma_start3A_857 = arith.constant 0 : i32
        %dma_start3A_858 = arith.constant 0 : i32
        %dma_start3A_859 = tpu.memref_slice %arg2[%add3A_842, %dma_start3A_857, %dma_start3A_858] : memref<8192x4x768xf32, #tpu.memory_space<hbm>> -> memref<4x4x768xf32, #tpu.memory_space<hbm>>
        tpu.enqueue_dma source(%dma_start3A_859 : memref<4x4x768xf32, #tpu.memory_space<hbm>>) target(%dma_start3A_856 : memref<4x4x768xf32, #tpu.memory_space<vmem>>) target_semaphore(%arg14 : memref<!tpu.dma_semaphore, #tpu.memory_space<semaphore_mem>>)
        %dma_start3A_860 = arith.constant 7 : i32
        %dma_start3A_861 = arith.constant 0 : i32
        %dma_start3A_862 = arith.constant 0 : i32
        %dma_start3A_863 = tpu.memref_slice %arg6[%dma_start3A_860, %dma_start3A_861, %dma_start3A_862] : memref<8x4x768xf32, #tpu.memory_space<vmem>> -> memref<1x4x768xf32, #tpu.memory_space<vmem>>
        %dma_start3A_864 = tpu.memref_squeeze %dma_start3A_863 : memref<1x4x768xf32, #tpu.memory_space<vmem>> -> memref<4x768xf32, #tpu.memory_space<vmem>>
        %dma_start3A_865 = arith.constant 0 : i32
        %dma_start3A_866 = tpu.memref_slice %arg3[%add3A_842, %dma_start3A_865] : memref<8192x768xf32, #tpu.memory_space<hbm>> -> memref<4x768xf32, #tpu.memory_space<hbm>>
        %dma_start3A_867 = arith.constant 0 : i32
        %dma_start3A_868 = arith.constant 0 : i32
        %dma_start3A_869 = tpu.memref_slice %arg6[%dma_start3A_860, %dma_start3A_867, %dma_start3A_868] : memref<8x4x768xf32, #tpu.memory_space<vmem>> -> memref<1x4x768xf32, #tpu.memory_space<vmem>>
        %dma_start3A_870 = tpu.memref_squeeze %dma_start3A_869 : memref<1x4x768xf32, #tpu.memory_space<vmem>> -> memref<4x768xf32, #tpu.memory_space<vmem>>
        %dma_start3A_871 = arith.constant 0 : i32
        %dma_start3A_872 = tpu.memref_slice %arg3[%add3A_842, %dma_start3A_871] : memref<8192x768xf32, #tpu.memory_space<hbm>> -> memref<4x768xf32, #tpu.memory_space<hbm>>
        tpu.enqueue_dma source(%dma_start3A_872 : memref<4x768xf32, #tpu.memory_space<hbm>>) target(%dma_start3A_870 : memref<4x768xf32, #tpu.memory_space<vmem>>) target_semaphore(%arg22 : memref<!tpu.dma_semaphore, #tpu.memory_space<semaphore_mem>>)
      } else {
      }
      %mul3A_522 = arith.constant 8 : i32
      %mul3A_523 = arith.muli %scan3A_210, %mul3A_522 : i32
      %add3A_524 = arith.constant 4 : i32
      %add3A_525 = arith.addi %mul3A_523, %add3A_524 : i32
      %mul3A_526 = arith.constant 4 : i32
      %mul3A_527 = arith.muli %add3A_525, %mul3A_526 : i32
      %add3A_528 = arith.addi %mul3A_2, %mul3A_527 : i32
      %dma_wait3A_529 = arith.constant 4 : i32
      %dma_wait3A_530 = arith.constant 0 : i32
      %dma_wait3A_531 = arith.constant 0 : i32
      %dma_wait3A_532 = arith.constant 0 : i32
      %dma_wait3A_533 = tpu.memref_slice %arg5[%dma_wait3A_529, %dma_wait3A_530, %dma_wait3A_531, %dma_wait3A_532] : memref<8x4x4x768xf32, #tpu.memory_space<vmem>> -> memref<1x4x4x768xf32, #tpu.memory_space<vmem>>
      %dma_wait3A_534 = tpu.memref_squeeze %dma_wait3A_533 : memref<1x4x4x768xf32, #tpu.memory_space<vmem>> -> memref<4x4x768xf32, #tpu.memory_space<vmem>>
      %dma_wait3A_535 = arith.constant 0 : i32
      %dma_wait3A_536 = arith.constant 0 : i32
      %dma_wait3A_537 = tpu.memref_slice %arg2[%add3A_528, %dma_wait3A_535, %dma_wait3A_536] : memref<8192x4x768xf32, #tpu.memory_space<hbm>> -> memref<4x4x768xf32, #tpu.memory_space<hbm>>
      %dma_wait3A_538 = arith.constant 0 : i32
      %dma_wait3A_539 = arith.constant 0 : i32
      %dma_wait3A_540 = arith.constant 0 : i32
      %dma_wait3A_541 = tpu.memref_slice %arg5[%dma_wait3A_529, %dma_wait3A_538, %dma_wait3A_539, %dma_wait3A_540] : memref<8x4x4x768xf32, #tpu.memory_space<vmem>> -> memref<1x4x4x768xf32, #tpu.memory_space<vmem>>
      %dma_wait3A_542 = tpu.memref_squeeze %dma_wait3A_541 : memref<1x4x4x768xf32, #tpu.memory_space<vmem>> -> memref<4x4x768xf32, #tpu.memory_space<vmem>>
      %dma_wait3A_543 = arith.constant 0 : i32
      %dma_wait3A_544 = arith.constant 0 : i32
      %dma_wait3A_545 = tpu.memref_slice %arg2[%add3A_528, %dma_wait3A_543, %dma_wait3A_544] : memref<8192x4x768xf32, #tpu.memory_space<hbm>> -> memref<4x4x768xf32, #tpu.memory_space<hbm>>
      tpu.wait_dma2 semaphore(%arg11 : memref<!tpu.dma_semaphore, #tpu.memory_space<semaphore_mem>>) src(%dma_wait3A_545 : memref<4x4x768xf32, #tpu.memory_space<hbm>>) dst(%dma_wait3A_542 : memref<4x4x768xf32, #tpu.memory_space<vmem>>)
      %dma_wait3A_546 = arith.constant 4 : i32
      %dma_wait3A_547 = arith.constant 0 : i32
      %dma_wait3A_548 = arith.constant 0 : i32
      %dma_wait3A_549 = tpu.memref_slice %arg6[%dma_wait3A_546, %dma_wait3A_547, %dma_wait3A_548] : memref<8x4x768xf32, #tpu.memory_space<vmem>> -> memref<1x4x768xf32, #tpu.memory_space<vmem>>
      %dma_wait3A_550 = tpu.memref_squeeze %dma_wait3A_549 : memref<1x4x768xf32, #tpu.memory_space<vmem>> -> memref<4x768xf32, #tpu.memory_space<vmem>>
      %dma_wait3A_551 = arith.constant 0 : i32
      %dma_wait3A_552 = tpu.memref_slice %arg3[%add3A_528, %dma_wait3A_551] : memref<8192x768xf32, #tpu.memory_space<hbm>> -> memref<4x768xf32, #tpu.memory_space<hbm>>
      %dma_wait3A_553 = arith.constant 0 : i32
      %dma_wait3A_554 = arith.constant 0 : i32
      %dma_wait3A_555 = tpu.memref_slice %arg6[%dma_wait3A_546, %dma_wait3A_553, %dma_wait3A_554] : memref<8x4x768xf32, #tpu.memory_space<vmem>> -> memref<1x4x768xf32, #tpu.memory_space<vmem>>
      %dma_wait3A_556 = tpu.memref_squeeze %dma_wait3A_555 : memref<1x4x768xf32, #tpu.memory_space<vmem>> -> memref<4x768xf32, #tpu.memory_space<vmem>>
      %dma_wait3A_557 = arith.constant 0 : i32
      %dma_wait3A_558 = tpu.memref_slice %arg3[%add3A_528, %dma_wait3A_557] : memref<8192x768xf32, #tpu.memory_space<hbm>> -> memref<4x768xf32, #tpu.memory_space<hbm>>
      tpu.wait_dma2 semaphore(%arg19 : memref<!tpu.dma_semaphore, #tpu.memory_space<semaphore_mem>>) src(%dma_wait3A_558 : memref<4x768xf32, #tpu.memory_space<hbm>>) dst(%dma_wait3A_556 : memref<4x768xf32, #tpu.memory_space<vmem>>)
      %scan3A_559 = arith.constant 0 : i32
      %scan3A_560 = arith.constant 0 : i32
      %scan3A_561 = arith.constant 48 : i32
      %scan3A_562 = arith.addi %scan3A_560, %scan3A_561 : i32
      %scan3A_563 = arith.constant 1 : i32
      scf.for %scan3A_838 = %scan3A_560 to %scan3A_562 step %scan3A_563  : i32 {
        %mul3A_839 = arith.constant 16 : i32
        %mul3A_840 = arith.muli %scan3A_838, %mul3A_839 : i32
        %get3A = arith.constant 4 : i32
        %get3A_841 = arith.constant 0 : i32
        %get3A_842 = arith.index_cast %get3A : i32 to index
        %get3A_843 = arith.index_cast %get3A_841 : i32 to index
        %get3A_844 = arith.index_cast %mul3A_840 : i32 to index
        %get3A_845 = tpu.vector_load %arg6[%get3A_842, %get3A_843, %get3A_844] {strides = array<i32>} : memref<8x4x768xf32, #tpu.memory_space<vmem>>, vector<1x1x16xf32>,
        %get3A_846 = vector.shape_cast %get3A_845 : vector<1x1x16xf32> to vector<16xf32>
        %swap3A = arith.constant 4 : i32
        %swap3A_847 = arith.constant 0 : i32
        %swap3A_848 = arith.constant 0 : i32
        %swap3A_849 = arith.index_cast %swap3A : i32 to index
        %swap3A_850 = arith.index_cast %swap3A_847 : i32 to index
        %swap3A_851 = arith.index_cast %swap3A_848 : i32 to index
        %swap3A_852 = arith.index_cast %mul3A_840 : i32 to index
        %swap3A_853 = tpu.vector_load %arg5[%swap3A_849, %swap3A_850, %swap3A_851, %swap3A_852] {strides = array<i32>} : memref<8x4x4x768xf32, #tpu.memory_space<vmem>>, vector<1x1x1x16xf32>,
        %swap3A_854 = vector.shape_cast %swap3A_853 : vector<1x1x1x16xf32> to vector<16xf32>
        %swap3A_855 = vector.shape_cast %get3A_846 : vector<16xf32> to vector<1x1x1x16xf32>
        tpu.vector_store %arg5[%swap3A_849, %swap3A_850, %swap3A_851, %swap3A_852], %swap3A_855 {add = true, strides = array<i32>} : memref<8x4x4x768xf32, #tpu.memory_space<vmem>>, vector<1x1x1x16xf32>,
        %swap3A_856 = arith.constant 4 : i32
        %swap3A_857 = arith.constant 0 : i32
        %swap3A_858 = arith.constant 1 : i32
        %swap3A_859 = arith.index_cast %swap3A_856 : i32 to index
        %swap3A_860 = arith.index_cast %swap3A_857 : i32 to index
        %swap3A_861 = arith.index_cast %swap3A_858 : i32 to index
        %swap3A_862 = arith.index_cast %mul3A_840 : i32 to index
        %swap3A_863 = tpu.vector_load %arg5[%swap3A_859, %swap3A_860, %swap3A_861, %swap3A_862] {strides = array<i32>} : memref<8x4x4x768xf32, #tpu.memory_space<vmem>>, vector<1x1x1x16xf32>,
        %swap3A_864 = vector.shape_cast %swap3A_863 : vector<1x1x1x16xf32> to vector<16xf32>
        %swap3A_865 = vector.shape_cast %get3A_846 : vector<16xf32> to vector<1x1x1x16xf32>
        tpu.vector_store %arg5[%swap3A_859, %swap3A_860, %swap3A_861, %swap3A_862], %swap3A_865 {add = true, strides = array<i32>} : memref<8x4x4x768xf32, #tpu.memory_space<vmem>>, vector<1x1x1x16xf32>,
        %swap3A_866 = arith.constant 4 : i32
        %swap3A_867 = arith.constant 0 : i32
        %swap3A_868 = arith.constant 2 : i32
        %swap3A_869 = arith.index_cast %swap3A_866 : i32 to index
        %swap3A_870 = arith.index_cast %swap3A_867 : i32 to index
        %swap3A_871 = arith.index_cast %swap3A_868 : i32 to index
        %swap3A_872 = arith.index_cast %mul3A_840 : i32 to index
        %swap3A_873 = tpu.vector_load %arg5[%swap3A_869, %swap3A_870, %swap3A_871, %swap3A_872] {strides = array<i32>} : memref<8x4x4x768xf32, #tpu.memory_space<vmem>>, vector<1x1x1x16xf32>,
        %swap3A_874 = vector.shape_cast %swap3A_873 : vector<1x1x1x16xf32> to vector<16xf32>
        %swap3A_875 = vector.shape_cast %get3A_846 : vector<16xf32> to vector<1x1x1x16xf32>
        tpu.vector_store %arg5[%swap3A_869, %swap3A_870, %swap3A_871, %swap3A_872], %swap3A_875 {add = true, strides = array<i32>} : memref<8x4x4x768xf32, #tpu.memory_space<vmem>>, vector<1x1x1x16xf32>,
        %swap3A_876 = arith.constant 4 : i32
        %swap3A_877 = arith.constant 0 : i32
        %swap3A_878 = arith.constant 3 : i32
        %swap3A_879 = arith.index_cast %swap3A_876 : i32 to index
        %swap3A_880 = arith.index_cast %swap3A_877 : i32 to index
        %swap3A_881 = arith.index_cast %swap3A_878 : i32 to index
        %swap3A_882 = arith.index_cast %mul3A_840 : i32 to index
        %swap3A_883 = tpu.vector_load %arg5[%swap3A_879, %swap3A_880, %swap3A_881, %swap3A_882] {strides = array<i32>} : memref<8x4x4x768xf32, #tpu.memory_space<vmem>>, vector<1x1x1x16xf32>,
        %swap3A_884 = vector.shape_cast %swap3A_883 : vector<1x1x1x16xf32> to vector<16xf32>
        %swap3A_885 = vector.shape_cast %get3A_846 : vector<16xf32> to vector<1x1x1x16xf32>
        tpu.vector_store %arg5[%swap3A_879, %swap3A_880, %swap3A_881, %swap3A_882], %swap3A_885 {add = true, strides = array<i32>} : memref<8x4x4x768xf32, #tpu.memory_space<vmem>>, vector<1x1x1x16xf32>,
        %get3A_886 = arith.constant 4 : i32
        %get3A_887 = arith.constant 1 : i32
        %get3A_888 = arith.index_cast %get3A_886 : i32 to index
        %get3A_889 = arith.index_cast %get3A_887 : i32 to index
        %get3A_890 = arith.index_cast %mul3A_840 : i32 to index
        %get3A_891 = tpu.vector_load %arg6[%get3A_888, %get3A_889, %get3A_890] {strides = array<i32>} : memref<8x4x768xf32, #tpu.memory_space<vmem>>, vector<1x1x16xf32>,
        %get3A_892 = vector.shape_cast %get3A_891 : vector<1x1x16xf32> to vector<16xf32>
        %swap3A_893 = arith.constant 4 : i32
        %swap3A_894 = arith.constant 1 : i32
        %swap3A_895 = arith.constant 0 : i32
        %swap3A_896 = arith.index_cast %swap3A_893 : i32 to index
        %swap3A_897 = arith.index_cast %swap3A_894 : i32 to index
        %swap3A_898 = arith.index_cast %swap3A_895 : i32 to index
        %swap3A_899 = arith.index_cast %mul3A_840 : i32 to index
        %swap3A_900 = tpu.vector_load %arg5[%swap3A_896, %swap3A_897, %swap3A_898, %swap3A_899] {strides = array<i32>} : memref<8x4x4x768xf32, #tpu.memory_space<vmem>>, vector<1x1x1x16xf32>,
        %swap3A_901 = vector.shape_cast %swap3A_900 : vector<1x1x1x16xf32> to vector<16xf32>
        %swap3A_902 = vector.shape_cast %get3A_892 : vector<16xf32> to vector<1x1x1x16xf32>
        tpu.vector_store %arg5[%swap3A_896, %swap3A_897, %swap3A_898, %swap3A_899], %swap3A_902 {add = true, strides = array<i32>} : memref<8x4x4x768xf32, #tpu.memory_space<vmem>>, vector<1x1x1x16xf32>,
        %swap3A_903 = arith.constant 4 : i32
        %swap3A_904 = arith.constant 1 : i32
        %swap3A_905 = arith.constant 1 : i32
        %swap3A_906 = arith.index_cast %swap3A_903 : i32 to index
        %swap3A_907 = arith.index_cast %swap3A_904 : i32 to index
        %swap3A_908 = arith.index_cast %swap3A_905 : i32 to index
        %swap3A_909 = arith.index_cast %mul3A_840 : i32 to index
        %swap3A_910 = tpu.vector_load %arg5[%swap3A_906, %swap3A_907, %swap3A_908, %swap3A_909] {strides = array<i32>} : memref<8x4x4x768xf32, #tpu.memory_space<vmem>>, vector<1x1x1x16xf32>,
        %swap3A_911 = vector.shape_cast %swap3A_910 : vector<1x1x1x16xf32> to vector<16xf32>
        %swap3A_912 = vector.shape_cast %get3A_892 : vector<16xf32> to vector<1x1x1x16xf32>
        tpu.vector_store %arg5[%swap3A_906, %swap3A_907, %swap3A_908, %swap3A_909], %swap3A_912 {add = true, strides = array<i32>} : memref<8x4x4x768xf32, #tpu.memory_space<vmem>>, vector<1x1x1x16xf32>,
        %swap3A_913 = arith.constant 4 : i32
        %swap3A_914 = arith.constant 1 : i32
        %swap3A_915 = arith.constant 2 : i32
        %swap3A_916 = arith.index_cast %swap3A_913 : i32 to index
        %swap3A_917 = arith.index_cast %swap3A_914 : i32 to index
        %swap3A_918 = arith.index_cast %swap3A_915 : i32 to index
        %swap3A_919 = arith.index_cast %mul3A_840 : i32 to index
        %swap3A_920 = tpu.vector_load %arg5[%swap3A_916, %swap3A_917, %swap3A_918, %swap3A_919] {strides = array<i32>} : memref<8x4x4x768xf32, #tpu.memory_space<vmem>>, vector<1x1x1x16xf32>,
        %swap3A_921 = vector.shape_cast %swap3A_920 : vector<1x1x1x16xf32> to vector<16xf32>
        %swap3A_922 = vector.shape_cast %get3A_892 : vector<16xf32> to vector<1x1x1x16xf32>
        tpu.vector_store %arg5[%swap3A_916, %swap3A_917, %swap3A_918, %swap3A_919], %swap3A_922 {add = true, strides = array<i32>} : memref<8x4x4x768xf32, #tpu.memory_space<vmem>>, vector<1x1x1x16xf32>,
        %swap3A_923 = arith.constant 4 : i32
        %swap3A_924 = arith.constant 1 : i32
        %swap3A_925 = arith.constant 3 : i32
        %swap3A_926 = arith.index_cast %swap3A_923 : i32 to index
        %swap3A_927 = arith.index_cast %swap3A_924 : i32 to index
        %swap3A_928 = arith.index_cast %swap3A_925 : i32 to index
        %swap3A_929 = arith.index_cast %mul3A_840 : i32 to index
        %swap3A_930 = tpu.vector_load %arg5[%swap3A_926, %swap3A_927, %swap3A_928, %swap3A_929] {strides = array<i32>} : memref<8x4x4x768xf32, #tpu.memory_space<vmem>>, vector<1x1x1x16xf32>,
        %swap3A_931 = vector.shape_cast %swap3A_930 : vector<1x1x1x16xf32> to vector<16xf32>
        %swap3A_932 = vector.shape_cast %get3A_892 : vector<16xf32> to vector<1x1x1x16xf32>
        tpu.vector_store %arg5[%swap3A_926, %swap3A_927, %swap3A_928, %swap3A_929], %swap3A_932 {add = true, strides = array<i32>} : memref<8x4x4x768xf32, #tpu.memory_space<vmem>>, vector<1x1x1x16xf32>,
        %get3A_933 = arith.constant 4 : i32
        %get3A_934 = arith.constant 2 : i32
        %get3A_935 = arith.index_cast %get3A_933 : i32 to index
        %get3A_936 = arith.index_cast %get3A_934 : i32 to index
        %get3A_937 = arith.index_cast %mul3A_840 : i32 to index
        %get3A_938 = tpu.vector_load %arg6[%get3A_935, %get3A_936, %get3A_937] {strides = array<i32>} : memref<8x4x768xf32, #tpu.memory_space<vmem>>, vector<1x1x16xf32>,
        %get3A_939 = vector.shape_cast %get3A_938 : vector<1x1x16xf32> to vector<16xf32>
        %swap3A_940 = arith.constant 4 : i32
        %swap3A_941 = arith.constant 2 : i32
        %swap3A_942 = arith.constant 0 : i32
        %swap3A_943 = arith.index_cast %swap3A_940 : i32 to index
        %swap3A_944 = arith.index_cast %swap3A_941 : i32 to index
        %swap3A_945 = arith.index_cast %swap3A_942 : i32 to index
        %swap3A_946 = arith.index_cast %mul3A_840 : i32 to index
        %swap3A_947 = tpu.vector_load %arg5[%swap3A_943, %swap3A_944, %swap3A_945, %swap3A_946] {strides = array<i32>} : memref<8x4x4x768xf32, #tpu.memory_space<vmem>>, vector<1x1x1x16xf32>,
        %swap3A_948 = vector.shape_cast %swap3A_947 : vector<1x1x1x16xf32> to vector<16xf32>
        %swap3A_949 = vector.shape_cast %get3A_939 : vector<16xf32> to vector<1x1x1x16xf32>
        tpu.vector_store %arg5[%swap3A_943, %swap3A_944, %swap3A_945, %swap3A_946], %swap3A_949 {add = true, strides = array<i32>} : memref<8x4x4x768xf32, #tpu.memory_space<vmem>>, vector<1x1x1x16xf32>,
        %swap3A_950 = arith.constant 4 : i32
        %swap3A_951 = arith.constant 2 : i32
        %swap3A_952 = arith.constant 1 : i32
        %swap3A_953 = arith.index_cast %swap3A_950 : i32 to index
        %swap3A_954 = arith.index_cast %swap3A_951 : i32 to index
        %swap3A_955 = arith.index_cast %swap3A_952 : i32 to index
        %swap3A_956 = arith.index_cast %mul3A_840 : i32 to index
        %swap3A_957 = tpu.vector_load %arg5[%swap3A_953, %swap3A_954, %swap3A_955, %swap3A_956] {strides = array<i32>} : memref<8x4x4x768xf32, #tpu.memory_space<vmem>>, vector<1x1x1x16xf32>,
        %swap3A_958 = vector.shape_cast %swap3A_957 : vector<1x1x1x16xf32> to vector<16xf32>
        %swap3A_959 = vector.shape_cast %get3A_939 : vector<16xf32> to vector<1x1x1x16xf32>
        tpu.vector_store %arg5[%swap3A_953, %swap3A_954, %swap3A_955, %swap3A_956], %swap3A_959 {add = true, strides = array<i32>} : memref<8x4x4x768xf32, #tpu.memory_space<vmem>>, vector<1x1x1x16xf32>,
        %swap3A_960 = arith.constant 4 : i32
        %swap3A_961 = arith.constant 2 : i32
        %swap3A_962 = arith.constant 2 : i32
        %swap3A_963 = arith.index_cast %swap3A_960 : i32 to index
        %swap3A_964 = arith.index_cast %swap3A_961 : i32 to index
        %swap3A_965 = arith.index_cast %swap3A_962 : i32 to index
        %swap3A_966 = arith.index_cast %mul3A_840 : i32 to index
        %swap3A_967 = tpu.vector_load %arg5[%swap3A_963, %swap3A_964, %swap3A_965, %swap3A_966] {strides = array<i32>} : memref<8x4x4x768xf32, #tpu.memory_space<vmem>>, vector<1x1x1x16xf32>,
        %swap3A_968 = vector.shape_cast %swap3A_967 : vector<1x1x1x16xf32> to vector<16xf32>
        %swap3A_969 = vector.shape_cast %get3A_939 : vector<16xf32> to vector<1x1x1x16xf32>
        tpu.vector_store %arg5[%swap3A_963, %swap3A_964, %swap3A_965, %swap3A_966], %swap3A_969 {add = true, strides = array<i32>} : memref<8x4x4x768xf32, #tpu.memory_space<vmem>>, vector<1x1x1x16xf32>,
        %swap3A_970 = arith.constant 4 : i32
        %swap3A_971 = arith.constant 2 : i32
        %swap3A_972 = arith.constant 3 : i32
        %swap3A_973 = arith.index_cast %swap3A_970 : i32 to index
        %swap3A_974 = arith.index_cast %swap3A_971 : i32 to index
        %swap3A_975 = arith.index_cast %swap3A_972 : i32 to index
        %swap3A_976 = arith.index_cast %mul3A_840 : i32 to index
        %swap3A_977 = tpu.vector_load %arg5[%swap3A_973, %swap3A_974, %swap3A_975, %swap3A_976] {strides = array<i32>} : memref<8x4x4x768xf32, #tpu.memory_space<vmem>>, vector<1x1x1x16xf32>,
        %swap3A_978 = vector.shape_cast %swap3A_977 : vector<1x1x1x16xf32> to vector<16xf32>
        %swap3A_979 = vector.shape_cast %get3A_939 : vector<16xf32> to vector<1x1x1x16xf32>
        tpu.vector_store %arg5[%swap3A_973, %swap3A_974, %swap3A_975, %swap3A_976], %swap3A_979 {add = true, strides = array<i32>} : memref<8x4x4x768xf32, #tpu.memory_space<vmem>>, vector<1x1x1x16xf32>,
        %get3A_980 = arith.constant 4 : i32
        %get3A_981 = arith.constant 3 : i32
        %get3A_982 = arith.index_cast %get3A_980 : i32 to index
        %get3A_983 = arith.index_cast %get3A_981 : i32 to index
        %get3A_984 = arith.index_cast %mul3A_840 : i32 to index
        %get3A_985 = tpu.vector_load %arg6[%get3A_982, %get3A_983, %get3A_984] {strides = array<i32>} : memref<8x4x768xf32, #tpu.memory_space<vmem>>, vector<1x1x16xf32>,
        %get3A_986 = vector.shape_cast %get3A_985 : vector<1x1x16xf32> to vector<16xf32>
        %swap3A_987 = arith.constant 4 : i32
        %swap3A_988 = arith.constant 3 : i32
        %swap3A_989 = arith.constant 0 : i32
        %swap3A_990 = arith.index_cast %swap3A_987 : i32 to index
        %swap3A_991 = arith.index_cast %swap3A_988 : i32 to index
        %swap3A_992 = arith.index_cast %swap3A_989 : i32 to index
        %swap3A_993 = arith.index_cast %mul3A_840 : i32 to index
        %swap3A_994 = tpu.vector_load %arg5[%swap3A_990, %swap3A_991, %swap3A_992, %swap3A_993] {strides = array<i32>} : memref<8x4x4x768xf32, #tpu.memory_space<vmem>>, vector<1x1x1x16xf32>,
        %swap3A_995 = vector.shape_cast %swap3A_994 : vector<1x1x1x16xf32> to vector<16xf32>
        %swap3A_996 = vector.shape_cast %get3A_986 : vector<16xf32> to vector<1x1x1x16xf32>
        tpu.vector_store %arg5[%swap3A_990, %swap3A_991, %swap3A_992, %swap3A_993], %swap3A_996 {add = true, strides = array<i32>} : memref<8x4x4x768xf32, #tpu.memory_space<vmem>>, vector<1x1x1x16xf32>,
        %swap3A_997 = arith.constant 4 : i32
        %swap3A_998 = arith.constant 3 : i32
        %swap3A_999 = arith.constant 1 : i32
        %swap3A_1000 = arith.index_cast %swap3A_997 : i32 to index
        %swap3A_1001 = arith.index_cast %swap3A_998 : i32 to index
        %swap3A_1002 = arith.index_cast %swap3A_999 : i32 to index
        %swap3A_1003 = arith.index_cast %mul3A_840 : i32 to index
        %swap3A_1004 = tpu.vector_load %arg5[%swap3A_1000, %swap3A_1001, %swap3A_1002, %swap3A_1003] {strides = array<i32>} : memref<8x4x4x768xf32, #tpu.memory_space<vmem>>, vector<1x1x1x16xf32>,
        %swap3A_1005 = vector.shape_cast %swap3A_1004 : vector<1x1x1x16xf32> to vector<16xf32>
        %swap3A_1006 = vector.shape_cast %get3A_986 : vector<16xf32> to vector<1x1x1x16xf32>
        tpu.vector_store %arg5[%swap3A_1000, %swap3A_1001, %swap3A_1002, %swap3A_1003], %swap3A_1006 {add = true, strides = array<i32>} : memref<8x4x4x768xf32, #tpu.memory_space<vmem>>, vector<1x1x1x16xf32>,
        %swap3A_1007 = arith.constant 4 : i32
        %swap3A_1008 = arith.constant 3 : i32
        %swap3A_1009 = arith.constant 2 : i32
        %swap3A_1010 = arith.index_cast %swap3A_1007 : i32 to index
        %swap3A_1011 = arith.index_cast %swap3A_1008 : i32 to index
        %swap3A_1012 = arith.index_cast %swap3A_1009 : i32 to index
        %swap3A_1013 = arith.index_cast %mul3A_840 : i32 to index
        %swap3A_1014 = tpu.vector_load %arg5[%swap3A_1010, %swap3A_1011, %swap3A_1012, %swap3A_1013] {strides = array<i32>} : memref<8x4x4x768xf32, #tpu.memory_space<vmem>>, vector<1x1x1x16xf32>,
        %swap3A_1015 = vector.shape_cast %swap3A_1014 : vector<1x1x1x16xf32> to vector<16xf32>
        %swap3A_1016 = vector.shape_cast %get3A_986 : vector<16xf32> to vector<1x1x1x16xf32>
        tpu.vector_store %arg5[%swap3A_1010, %swap3A_1011, %swap3A_1012, %swap3A_1013], %swap3A_1016 {add = true, strides = array<i32>} : memref<8x4x4x768xf32, #tpu.memory_space<vmem>>, vector<1x1x1x16xf32>,
        %swap3A_1017 = arith.constant 4 : i32
        %swap3A_1018 = arith.constant 3 : i32
        %swap3A_1019 = arith.constant 3 : i32
        %swap3A_1020 = arith.index_cast %swap3A_1017 : i32 to index
        %swap3A_1021 = arith.index_cast %swap3A_1018 : i32 to index
        %swap3A_1022 = arith.index_cast %swap3A_1019 : i32 to index
        %swap3A_1023 = arith.index_cast %mul3A_840 : i32 to index
        %swap3A_1024 = tpu.vector_load %arg5[%swap3A_1020, %swap3A_1021, %swap3A_1022, %swap3A_1023] {strides = array<i32>} : memref<8x4x4x768xf32, #tpu.memory_space<vmem>>, vector<1x1x1x16xf32>,
        %swap3A_1025 = vector.shape_cast %swap3A_1024 : vector<1x1x1x16xf32> to vector<16xf32>
        %swap3A_1026 = vector.shape_cast %get3A_986 : vector<16xf32> to vector<1x1x1x16xf32>
        tpu.vector_store %arg5[%swap3A_1020, %swap3A_1021, %swap3A_1022, %swap3A_1023], %swap3A_1026 {add = true, strides = array<i32>} : memref<8x4x4x768xf32, #tpu.memory_space<vmem>>, vector<1x1x1x16xf32>,
      }
      %scan3A_564 = arith.constant 48 : i32
      %mul3A_565 = arith.constant 4 : i32
      %mul3A_566 = arith.muli %add3A_525, %mul3A_565 : i32
      %add3A_567 = arith.addi %mul3A_2, %mul3A_566 : i32
      %dma_start3A_568 = arith.constant 4 : i32
      %dma_start3A_569 = arith.constant 0 : i32
      %dma_start3A_570 = arith.constant 0 : i32
      %dma_start3A_571 = arith.constant 0 : i32
      %dma_start3A_572 = tpu.memref_slice %arg5[%dma_start3A_568, %dma_start3A_569, %dma_start3A_570, %dma_start3A_571] : memref<8x4x4x768xf32, #tpu.memory_space<vmem>> -> memref<1x4x4x768xf32, #tpu.memory_space<vmem>>
      %dma_start3A_573 = tpu.memref_squeeze %dma_start3A_572 : memref<1x4x4x768xf32, #tpu.memory_space<vmem>> -> memref<4x4x768xf32, #tpu.memory_space<vmem>>
      %dma_start3A_574 = arith.constant 0 : i32
      %dma_start3A_575 = arith.constant 0 : i32
      %dma_start3A_576 = tpu.memref_slice %arg4[%add3A_567, %dma_start3A_574, %dma_start3A_575] : memref<8192x4x768xf32, #tpu.memory_space<hbm>> -> memref<4x4x768xf32, #tpu.memory_space<hbm>>
      %dma_start3A_577 = arith.constant 0 : i32
      %dma_start3A_578 = arith.constant 0 : i32
      %dma_start3A_579 = tpu.memref_slice %arg4[%add3A_567, %dma_start3A_577, %dma_start3A_578] : memref<8192x4x768xf32, #tpu.memory_space<hbm>> -> memref<4x4x768xf32, #tpu.memory_space<hbm>>
      %dma_start3A_580 = arith.constant 0 : i32
      %dma_start3A_581 = arith.constant 0 : i32
      %dma_start3A_582 = arith.constant 0 : i32
      %dma_start3A_583 = tpu.memref_slice %arg5[%dma_start3A_568, %dma_start3A_580, %dma_start3A_581, %dma_start3A_582] : memref<8x4x4x768xf32, #tpu.memory_space<vmem>> -> memref<1x4x4x768xf32, #tpu.memory_space<vmem>>
      %dma_start3A_584 = tpu.memref_squeeze %dma_start3A_583 : memref<1x4x4x768xf32, #tpu.memory_space<vmem>> -> memref<4x4x768xf32, #tpu.memory_space<vmem>>
      tpu.enqueue_dma source(%dma_start3A_584 : memref<4x4x768xf32, #tpu.memory_space<vmem>>) target(%dma_start3A_579 : memref<4x4x768xf32, #tpu.memory_space<hbm>>) target_semaphore(%arg27 : memref<!tpu.dma_semaphore, #tpu.memory_space<semaphore_mem>>)
      %add3A_585 = arith.constant 4 : i32
      %add3A_586 = arith.addi %add3A_525, %add3A_585 : i32
      %sub3A_587 = arith.constant 8 : i32
      %sub3A_588 = arith.subi %add3A_586, %sub3A_587 : i32
      %ge3A_589 = arith.constant 0 : i32
      %ge3A_590 = arith.cmpi sge, %sub3A_588, %ge3A_589 : i32
      %convert_element_type3A_591 = arith.extui %ge3A_590 : i1 to i32
      %cond3A_592 = arith.constant 0 : i32
      %cond3A_593 = arith.cmpi ne, %convert_element_type3A_591, %cond3A_592 : i32
      scf.if %cond3A_593 {
        %add3A_838 = arith.constant 4 : i32
        %add3A_839 = arith.addi %add3A_525, %add3A_838 : i32
        %sub3A_840 = arith.constant 8 : i32
        %sub3A_841 = arith.subi %add3A_839, %sub3A_840 : i32
        %mul3A_842 = arith.constant 4 : i32
        %mul3A_843 = arith.muli %sub3A_841, %mul3A_842 : i32
        %add3A_844 = arith.addi %mul3A_2, %mul3A_843 : i32
        %dma_wait3A_845 = arith.constant 0 : i32
        %dma_wait3A_846 = arith.constant 0 : i32
        %dma_wait3A_847 = arith.constant 0 : i32
        %dma_wait3A_848 = arith.constant 0 : i32
        %dma_wait3A_849 = tpu.memref_slice %arg5[%dma_wait3A_845, %dma_wait3A_846, %dma_wait3A_847, %dma_wait3A_848] : memref<8x4x4x768xf32, #tpu.memory_space<vmem>> -> memref<1x4x4x768xf32, #tpu.memory_space<vmem>>
        %dma_wait3A_850 = tpu.memref_squeeze %dma_wait3A_849 : memref<1x4x4x768xf32, #tpu.memory_space<vmem>> -> memref<4x4x768xf32, #tpu.memory_space<vmem>>
        %dma_wait3A_851 = arith.constant 0 : i32
        %dma_wait3A_852 = arith.constant 0 : i32
        %dma_wait3A_853 = tpu.memref_slice %arg4[%add3A_844, %dma_wait3A_851, %dma_wait3A_852] : memref<8192x4x768xf32, #tpu.memory_space<hbm>> -> memref<4x4x768xf32, #tpu.memory_space<hbm>>
        %dma_wait3A_854 = arith.constant 0 : i32
        %dma_wait3A_855 = arith.constant 0 : i32
        %dma_wait3A_856 = tpu.memref_slice %arg4[%add3A_844, %dma_wait3A_854, %dma_wait3A_855] : memref<8192x4x768xf32, #tpu.memory_space<hbm>> -> memref<4x4x768xf32, #tpu.memory_space<hbm>>
        %dma_wait3A_857 = arith.constant 0 : i32
        %dma_wait3A_858 = arith.constant 0 : i32
        %dma_wait3A_859 = arith.constant 0 : i32
        %dma_wait3A_860 = tpu.memref_slice %arg5[%dma_wait3A_845, %dma_wait3A_857, %dma_wait3A_858, %dma_wait3A_859] : memref<8x4x4x768xf32, #tpu.memory_space<vmem>> -> memref<1x4x4x768xf32, #tpu.memory_space<vmem>>
        %dma_wait3A_861 = tpu.memref_squeeze %dma_wait3A_860 : memref<1x4x4x768xf32, #tpu.memory_space<vmem>> -> memref<4x4x768xf32, #tpu.memory_space<vmem>>
        tpu.wait_dma2 semaphore(%arg23 : memref<!tpu.dma_semaphore, #tpu.memory_space<semaphore_mem>>) src(%dma_wait3A_861 : memref<4x4x768xf32, #tpu.memory_space<vmem>>) dst(%dma_wait3A_856 : memref<4x4x768xf32, #tpu.memory_space<hbm>>)
      } else {
      }
      %add3A_594 = arith.constant 4 : i32
      %add3A_595 = arith.addi %add3A_525, %add3A_594 : i32
      %lt3A_596 = arith.constant 64 : i32
      %lt3A_597 = arith.cmpi slt, %add3A_595, %lt3A_596 : i32
      %convert_element_type3A_598 = arith.extui %lt3A_597 : i1 to i32
      %cond3A_599 = arith.constant 0 : i32
      %cond3A_600 = arith.cmpi ne, %convert_element_type3A_598, %cond3A_599 : i32
      scf.if %cond3A_600 {
        %add3A_838 = arith.constant 4 : i32
        %add3A_839 = arith.addi %add3A_525, %add3A_838 : i32
        %mul3A_840 = arith.constant 4 : i32
        %mul3A_841 = arith.muli %add3A_839, %mul3A_840 : i32
        %add3A_842 = arith.addi %mul3A_2, %mul3A_841 : i32
        %dma_start3A_843 = arith.constant 0 : i32
        %dma_start3A_844 = arith.constant 0 : i32
        %dma_start3A_845 = arith.constant 0 : i32
        %dma_start3A_846 = arith.constant 0 : i32
        %dma_start3A_847 = tpu.memref_slice %arg5[%dma_start3A_843, %dma_start3A_844, %dma_start3A_845, %dma_start3A_846] : memref<8x4x4x768xf32, #tpu.memory_space<vmem>> -> memref<1x4x4x768xf32, #tpu.memory_space<vmem>>
        %dma_start3A_848 = tpu.memref_squeeze %dma_start3A_847 : memref<1x4x4x768xf32, #tpu.memory_space<vmem>> -> memref<4x4x768xf32, #tpu.memory_space<vmem>>
        %dma_start3A_849 = arith.constant 0 : i32
        %dma_start3A_850 = arith.constant 0 : i32
        %dma_start3A_851 = tpu.memref_slice %arg2[%add3A_842, %dma_start3A_849, %dma_start3A_850] : memref<8192x4x768xf32, #tpu.memory_space<hbm>> -> memref<4x4x768xf32, #tpu.memory_space<hbm>>
        %dma_start3A_852 = arith.constant 0 : i32
        %dma_start3A_853 = arith.constant 0 : i32
        %dma_start3A_854 = arith.constant 0 : i32
        %dma_start3A_855 = tpu.memref_slice %arg5[%dma_start3A_843, %dma_start3A_852, %dma_start3A_853, %dma_start3A_854] : memref<8x4x4x768xf32, #tpu.memory_space<vmem>> -> memref<1x4x4x768xf32, #tpu.memory_space<vmem>>
        %dma_start3A_856 = tpu.memref_squeeze %dma_start3A_855 : memref<1x4x4x768xf32, #tpu.memory_space<vmem>> -> memref<4x4x768xf32, #tpu.memory_space<vmem>>
        %dma_start3A_857 = arith.constant 0 : i32
        %dma_start3A_858 = arith.constant 0 : i32
        %dma_start3A_859 = tpu.memref_slice %arg2[%add3A_842, %dma_start3A_857, %dma_start3A_858] : memref<8192x4x768xf32, #tpu.memory_space<hbm>> -> memref<4x4x768xf32, #tpu.memory_space<hbm>>
        tpu.enqueue_dma source(%dma_start3A_859 : memref<4x4x768xf32, #tpu.memory_space<hbm>>) target(%dma_start3A_856 : memref<4x4x768xf32, #tpu.memory_space<vmem>>) target_semaphore(%arg7 : memref<!tpu.dma_semaphore, #tpu.memory_space<semaphore_mem>>)
        %dma_start3A_860 = arith.constant 0 : i32
        %dma_start3A_861 = arith.constant 0 : i32
        %dma_start3A_862 = arith.constant 0 : i32
        %dma_start3A_863 = tpu.memref_slice %arg6[%dma_start3A_860, %dma_start3A_861, %dma_start3A_862] : memref<8x4x768xf32, #tpu.memory_space<vmem>> -> memref<1x4x768xf32, #tpu.memory_space<vmem>>
        %dma_start3A_864 = tpu.memref_squeeze %dma_start3A_863 : memref<1x4x768xf32, #tpu.memory_space<vmem>> -> memref<4x768xf32, #tpu.memory_space<vmem>>
        %dma_start3A_865 = arith.constant 0 : i32
        %dma_start3A_866 = tpu.memref_slice %arg3[%add3A_842, %dma_start3A_865] : memref<8192x768xf32, #tpu.memory_space<hbm>> -> memref<4x768xf32, #tpu.memory_space<hbm>>
        %dma_start3A_867 = arith.constant 0 : i32
        %dma_start3A_868 = arith.constant 0 : i32
        %dma_start3A_869 = tpu.memref_slice %arg6[%dma_start3A_860, %dma_start3A_867, %dma_start3A_868] : memref<8x4x768xf32, #tpu.memory_space<vmem>> -> memref<1x4x768xf32, #tpu.memory_space<vmem>>
        %dma_start3A_870 = tpu.memref_squeeze %dma_start3A_869 : memref<1x4x768xf32, #tpu.memory_space<vmem>> -> memref<4x768xf32, #tpu.memory_space<vmem>>
        %dma_start3A_871 = arith.constant 0 : i32
        %dma_start3A_872 = tpu.memref_slice %arg3[%add3A_842, %dma_start3A_871] : memref<8192x768xf32, #tpu.memory_space<hbm>> -> memref<4x768xf32, #tpu.memory_space<hbm>>
        tpu.enqueue_dma source(%dma_start3A_872 : memref<4x768xf32, #tpu.memory_space<hbm>>) target(%dma_start3A_870 : memref<4x768xf32, #tpu.memory_space<vmem>>) target_semaphore(%arg15 : memref<!tpu.dma_semaphore, #tpu.memory_space<semaphore_mem>>)
      } else {
      }
      %mul3A_601 = arith.constant 8 : i32
      %mul3A_602 = arith.muli %scan3A_210, %mul3A_601 : i32
      %add3A_603 = arith.constant 5 : i32
      %add3A_604 = arith.addi %mul3A_602, %add3A_603 : i32
      %mul3A_605 = arith.constant 4 : i32
      %mul3A_606 = arith.muli %add3A_604, %mul3A_605 : i32
      %add3A_607 = arith.addi %mul3A_2, %mul3A_606 : i32
      %dma_wait3A_608 = arith.constant 5 : i32
      %dma_wait3A_609 = arith.constant 0 : i32
      %dma_wait3A_610 = arith.constant 0 : i32
      %dma_wait3A_611 = arith.constant 0 : i32
      %dma_wait3A_612 = tpu.memref_slice %arg5[%dma_wait3A_608, %dma_wait3A_609, %dma_wait3A_610, %dma_wait3A_611] : memref<8x4x4x768xf32, #tpu.memory_space<vmem>> -> memref<1x4x4x768xf32, #tpu.memory_space<vmem>>
      %dma_wait3A_613 = tpu.memref_squeeze %dma_wait3A_612 : memref<1x4x4x768xf32, #tpu.memory_space<vmem>> -> memref<4x4x768xf32, #tpu.memory_space<vmem>>
      %dma_wait3A_614 = arith.constant 0 : i32
      %dma_wait3A_615 = arith.constant 0 : i32
      %dma_wait3A_616 = tpu.memref_slice %arg2[%add3A_607, %dma_wait3A_614, %dma_wait3A_615] : memref<8192x4x768xf32, #tpu.memory_space<hbm>> -> memref<4x4x768xf32, #tpu.memory_space<hbm>>
      %dma_wait3A_617 = arith.constant 0 : i32
      %dma_wait3A_618 = arith.constant 0 : i32
      %dma_wait3A_619 = arith.constant 0 : i32
      %dma_wait3A_620 = tpu.memref_slice %arg5[%dma_wait3A_608, %dma_wait3A_617, %dma_wait3A_618, %dma_wait3A_619] : memref<8x4x4x768xf32, #tpu.memory_space<vmem>> -> memref<1x4x4x768xf32, #tpu.memory_space<vmem>>
      %dma_wait3A_621 = tpu.memref_squeeze %dma_wait3A_620 : memref<1x4x4x768xf32, #tpu.memory_space<vmem>> -> memref<4x4x768xf32, #tpu.memory_space<vmem>>
      %dma_wait3A_622 = arith.constant 0 : i32
      %dma_wait3A_623 = arith.constant 0 : i32
      %dma_wait3A_624 = tpu.memref_slice %arg2[%add3A_607, %dma_wait3A_622, %dma_wait3A_623] : memref<8192x4x768xf32, #tpu.memory_space<hbm>> -> memref<4x4x768xf32, #tpu.memory_space<hbm>>
      tpu.wait_dma2 semaphore(%arg12 : memref<!tpu.dma_semaphore, #tpu.memory_space<semaphore_mem>>) src(%dma_wait3A_624 : memref<4x4x768xf32, #tpu.memory_space<hbm>>) dst(%dma_wait3A_621 : memref<4x4x768xf32, #tpu.memory_space<vmem>>)
      %dma_wait3A_625 = arith.constant 5 : i32
      %dma_wait3A_626 = arith.constant 0 : i32
      %dma_wait3A_627 = arith.constant 0 : i32
      %dma_wait3A_628 = tpu.memref_slice %arg6[%dma_wait3A_625, %dma_wait3A_626, %dma_wait3A_627] : memref<8x4x768xf32, #tpu.memory_space<vmem>> -> memref<1x4x768xf32, #tpu.memory_space<vmem>>
      %dma_wait3A_629 = tpu.memref_squeeze %dma_wait3A_628 : memref<1x4x768xf32, #tpu.memory_space<vmem>> -> memref<4x768xf32, #tpu.memory_space<vmem>>
      %dma_wait3A_630 = arith.constant 0 : i32
      %dma_wait3A_631 = tpu.memref_slice %arg3[%add3A_607, %dma_wait3A_630] : memref<8192x768xf32, #tpu.memory_space<hbm>> -> memref<4x768xf32, #tpu.memory_space<hbm>>
      %dma_wait3A_632 = arith.constant 0 : i32
      %dma_wait3A_633 = arith.constant 0 : i32
      %dma_wait3A_634 = tpu.memref_slice %arg6[%dma_wait3A_625, %dma_wait3A_632, %dma_wait3A_633] : memref<8x4x768xf32, #tpu.memory_space<vmem>> -> memref<1x4x768xf32, #tpu.memory_space<vmem>>
      %dma_wait3A_635 = tpu.memref_squeeze %dma_wait3A_634 : memref<1x4x768xf32, #tpu.memory_space<vmem>> -> memref<4x768xf32, #tpu.memory_space<vmem>>
      %dma_wait3A_636 = arith.constant 0 : i32
      %dma_wait3A_637 = tpu.memref_slice %arg3[%add3A_607, %dma_wait3A_636] : memref<8192x768xf32, #tpu.memory_space<hbm>> -> memref<4x768xf32, #tpu.memory_space<hbm>>
      tpu.wait_dma2 semaphore(%arg20 : memref<!tpu.dma_semaphore, #tpu.memory_space<semaphore_mem>>) src(%dma_wait3A_637 : memref<4x768xf32, #tpu.memory_space<hbm>>) dst(%dma_wait3A_635 : memref<4x768xf32, #tpu.memory_space<vmem>>)
      %scan3A_638 = arith.constant 0 : i32
      %scan3A_639 = arith.constant 0 : i32
      %scan3A_640 = arith.constant 48 : i32
      %scan3A_641 = arith.addi %scan3A_639, %scan3A_640 : i32
      %scan3A_642 = arith.constant 1 : i32
      scf.for %scan3A_838 = %scan3A_639 to %scan3A_641 step %scan3A_642  : i32 {
        %mul3A_839 = arith.constant 16 : i32
        %mul3A_840 = arith.muli %scan3A_838, %mul3A_839 : i32
        %get3A = arith.constant 5 : i32
        %get3A_841 = arith.constant 0 : i32
        %get3A_842 = arith.index_cast %get3A : i32 to index
        %get3A_843 = arith.index_cast %get3A_841 : i32 to index
        %get3A_844 = arith.index_cast %mul3A_840 : i32 to index
        %get3A_845 = tpu.vector_load %arg6[%get3A_842, %get3A_843, %get3A_844] {strides = array<i32>} : memref<8x4x768xf32, #tpu.memory_space<vmem>>, vector<1x1x16xf32>,
        %get3A_846 = vector.shape_cast %get3A_845 : vector<1x1x16xf32> to vector<16xf32>
        %swap3A = arith.constant 5 : i32
        %swap3A_847 = arith.constant 0 : i32
        %swap3A_848 = arith.constant 0 : i32
        %swap3A_849 = arith.index_cast %swap3A : i32 to index
        %swap3A_850 = arith.index_cast %swap3A_847 : i32 to index
        %swap3A_851 = arith.index_cast %swap3A_848 : i32 to index
        %swap3A_852 = arith.index_cast %mul3A_840 : i32 to index
        %swap3A_853 = tpu.vector_load %arg5[%swap3A_849, %swap3A_850, %swap3A_851, %swap3A_852] {strides = array<i32>} : memref<8x4x4x768xf32, #tpu.memory_space<vmem>>, vector<1x1x1x16xf32>,
        %swap3A_854 = vector.shape_cast %swap3A_853 : vector<1x1x1x16xf32> to vector<16xf32>
        %swap3A_855 = vector.shape_cast %get3A_846 : vector<16xf32> to vector<1x1x1x16xf32>
        tpu.vector_store %arg5[%swap3A_849, %swap3A_850, %swap3A_851, %swap3A_852], %swap3A_855 {add = true, strides = array<i32>} : memref<8x4x4x768xf32, #tpu.memory_space<vmem>>, vector<1x1x1x16xf32>,
        %swap3A_856 = arith.constant 5 : i32
        %swap3A_857 = arith.constant 0 : i32
        %swap3A_858 = arith.constant 1 : i32
        %swap3A_859 = arith.index_cast %swap3A_856 : i32 to index
        %swap3A_860 = arith.index_cast %swap3A_857 : i32 to index
        %swap3A_861 = arith.index_cast %swap3A_858 : i32 to index
        %swap3A_862 = arith.index_cast %mul3A_840 : i32 to index
        %swap3A_863 = tpu.vector_load %arg5[%swap3A_859, %swap3A_860, %swap3A_861, %swap3A_862] {strides = array<i32>} : memref<8x4x4x768xf32, #tpu.memory_space<vmem>>, vector<1x1x1x16xf32>,
        %swap3A_864 = vector.shape_cast %swap3A_863 : vector<1x1x1x16xf32> to vector<16xf32>
        %swap3A_865 = vector.shape_cast %get3A_846 : vector<16xf32> to vector<1x1x1x16xf32>
        tpu.vector_store %arg5[%swap3A_859, %swap3A_860, %swap3A_861, %swap3A_862], %swap3A_865 {add = true, strides = array<i32>} : memref<8x4x4x768xf32, #tpu.memory_space<vmem>>, vector<1x1x1x16xf32>,
        %swap3A_866 = arith.constant 5 : i32
        %swap3A_867 = arith.constant 0 : i32
        %swap3A_868 = arith.constant 2 : i32
        %swap3A_869 = arith.index_cast %swap3A_866 : i32 to index
        %swap3A_870 = arith.index_cast %swap3A_867 : i32 to index
        %swap3A_871 = arith.index_cast %swap3A_868 : i32 to index
        %swap3A_872 = arith.index_cast %mul3A_840 : i32 to index
        %swap3A_873 = tpu.vector_load %arg5[%swap3A_869, %swap3A_870, %swap3A_871, %swap3A_872] {strides = array<i32>} : memref<8x4x4x768xf32, #tpu.memory_space<vmem>>, vector<1x1x1x16xf32>,
        %swap3A_874 = vector.shape_cast %swap3A_873 : vector<1x1x1x16xf32> to vector<16xf32>
        %swap3A_875 = vector.shape_cast %get3A_846 : vector<16xf32> to vector<1x1x1x16xf32>
        tpu.vector_store %arg5[%swap3A_869, %swap3A_870, %swap3A_871, %swap3A_872], %swap3A_875 {add = true, strides = array<i32>} : memref<8x4x4x768xf32, #tpu.memory_space<vmem>>, vector<1x1x1x16xf32>,
        %swap3A_876 = arith.constant 5 : i32
        %swap3A_877 = arith.constant 0 : i32
        %swap3A_878 = arith.constant 3 : i32
        %swap3A_879 = arith.index_cast %swap3A_876 : i32 to index
        %swap3A_880 = arith.index_cast %swap3A_877 : i32 to index
        %swap3A_881 = arith.index_cast %swap3A_878 : i32 to index
        %swap3A_882 = arith.index_cast %mul3A_840 : i32 to index
        %swap3A_883 = tpu.vector_load %arg5[%swap3A_879, %swap3A_880, %swap3A_881, %swap3A_882] {strides = array<i32>} : memref<8x4x4x768xf32, #tpu.memory_space<vmem>>, vector<1x1x1x16xf32>,
        %swap3A_884 = vector.shape_cast %swap3A_883 : vector<1x1x1x16xf32> to vector<16xf32>
        %swap3A_885 = vector.shape_cast %get3A_846 : vector<16xf32> to vector<1x1x1x16xf32>
        tpu.vector_store %arg5[%swap3A_879, %swap3A_880, %swap3A_881, %swap3A_882], %swap3A_885 {add = true, strides = array<i32>} : memref<8x4x4x768xf32, #tpu.memory_space<vmem>>, vector<1x1x1x16xf32>,
        %get3A_886 = arith.constant 5 : i32
        %get3A_887 = arith.constant 1 : i32
        %get3A_888 = arith.index_cast %get3A_886 : i32 to index
        %get3A_889 = arith.index_cast %get3A_887 : i32 to index
        %get3A_890 = arith.index_cast %mul3A_840 : i32 to index
        %get3A_891 = tpu.vector_load %arg6[%get3A_888, %get3A_889, %get3A_890] {strides = array<i32>} : memref<8x4x768xf32, #tpu.memory_space<vmem>>, vector<1x1x16xf32>,
        %get3A_892 = vector.shape_cast %get3A_891 : vector<1x1x16xf32> to vector<16xf32>
        %swap3A_893 = arith.constant 5 : i32
        %swap3A_894 = arith.constant 1 : i32
        %swap3A_895 = arith.constant 0 : i32
        %swap3A_896 = arith.index_cast %swap3A_893 : i32 to index
        %swap3A_897 = arith.index_cast %swap3A_894 : i32 to index
        %swap3A_898 = arith.index_cast %swap3A_895 : i32 to index
        %swap3A_899 = arith.index_cast %mul3A_840 : i32 to index
        %swap3A_900 = tpu.vector_load %arg5[%swap3A_896, %swap3A_897, %swap3A_898, %swap3A_899] {strides = array<i32>} : memref<8x4x4x768xf32, #tpu.memory_space<vmem>>, vector<1x1x1x16xf32>,
        %swap3A_901 = vector.shape_cast %swap3A_900 : vector<1x1x1x16xf32> to vector<16xf32>
        %swap3A_902 = vector.shape_cast %get3A_892 : vector<16xf32> to vector<1x1x1x16xf32>
        tpu.vector_store %arg5[%swap3A_896, %swap3A_897, %swap3A_898, %swap3A_899], %swap3A_902 {add = true, strides = array<i32>} : memref<8x4x4x768xf32, #tpu.memory_space<vmem>>, vector<1x1x1x16xf32>,
        %swap3A_903 = arith.constant 5 : i32
        %swap3A_904 = arith.constant 1 : i32
        %swap3A_905 = arith.constant 1 : i32
        %swap3A_906 = arith.index_cast %swap3A_903 : i32 to index
        %swap3A_907 = arith.index_cast %swap3A_904 : i32 to index
        %swap3A_908 = arith.index_cast %swap3A_905 : i32 to index
        %swap3A_909 = arith.index_cast %mul3A_840 : i32 to index
        %swap3A_910 = tpu.vector_load %arg5[%swap3A_906, %swap3A_907, %swap3A_908, %swap3A_909] {strides = array<i32>} : memref<8x4x4x768xf32, #tpu.memory_space<vmem>>, vector<1x1x1x16xf32>,
        %swap3A_911 = vector.shape_cast %swap3A_910 : vector<1x1x1x16xf32> to vector<16xf32>
        %swap3A_912 = vector.shape_cast %get3A_892 : vector<16xf32> to vector<1x1x1x16xf32>
        tpu.vector_store %arg5[%swap3A_906, %swap3A_907, %swap3A_908, %swap3A_909], %swap3A_912 {add = true, strides = array<i32>} : memref<8x4x4x768xf32, #tpu.memory_space<vmem>>, vector<1x1x1x16xf32>,
        %swap3A_913 = arith.constant 5 : i32
        %swap3A_914 = arith.constant 1 : i32
        %swap3A_915 = arith.constant 2 : i32
        %swap3A_916 = arith.index_cast %swap3A_913 : i32 to index
        %swap3A_917 = arith.index_cast %swap3A_914 : i32 to index
        %swap3A_918 = arith.index_cast %swap3A_915 : i32 to index
        %swap3A_919 = arith.index_cast %mul3A_840 : i32 to index
        %swap3A_920 = tpu.vector_load %arg5[%swap3A_916, %swap3A_917, %swap3A_918, %swap3A_919] {strides = array<i32>} : memref<8x4x4x768xf32, #tpu.memory_space<vmem>>, vector<1x1x1x16xf32>,
        %swap3A_921 = vector.shape_cast %swap3A_920 : vector<1x1x1x16xf32> to vector<16xf32>
        %swap3A_922 = vector.shape_cast %get3A_892 : vector<16xf32> to vector<1x1x1x16xf32>
        tpu.vector_store %arg5[%swap3A_916, %swap3A_917, %swap3A_918, %swap3A_919], %swap3A_922 {add = true, strides = array<i32>} : memref<8x4x4x768xf32, #tpu.memory_space<vmem>>, vector<1x1x1x16xf32>,
        %swap3A_923 = arith.constant 5 : i32
        %swap3A_924 = arith.constant 1 : i32
        %swap3A_925 = arith.constant 3 : i32
        %swap3A_926 = arith.index_cast %swap3A_923 : i32 to index
        %swap3A_927 = arith.index_cast %swap3A_924 : i32 to index
        %swap3A_928 = arith.index_cast %swap3A_925 : i32 to index
        %swap3A_929 = arith.index_cast %mul3A_840 : i32 to index
        %swap3A_930 = tpu.vector_load %arg5[%swap3A_926, %swap3A_927, %swap3A_928, %swap3A_929] {strides = array<i32>} : memref<8x4x4x768xf32, #tpu.memory_space<vmem>>, vector<1x1x1x16xf32>,
        %swap3A_931 = vector.shape_cast %swap3A_930 : vector<1x1x1x16xf32> to vector<16xf32>
        %swap3A_932 = vector.shape_cast %get3A_892 : vector<16xf32> to vector<1x1x1x16xf32>
        tpu.vector_store %arg5[%swap3A_926, %swap3A_927, %swap3A_928, %swap3A_929], %swap3A_932 {add = true, strides = array<i32>} : memref<8x4x4x768xf32, #tpu.memory_space<vmem>>, vector<1x1x1x16xf32>,
        %get3A_933 = arith.constant 5 : i32
        %get3A_934 = arith.constant 2 : i32
        %get3A_935 = arith.index_cast %get3A_933 : i32 to index
        %get3A_936 = arith.index_cast %get3A_934 : i32 to index
        %get3A_937 = arith.index_cast %mul3A_840 : i32 to index
        %get3A_938 = tpu.vector_load %arg6[%get3A_935, %get3A_936, %get3A_937] {strides = array<i32>} : memref<8x4x768xf32, #tpu.memory_space<vmem>>, vector<1x1x16xf32>,
        %get3A_939 = vector.shape_cast %get3A_938 : vector<1x1x16xf32> to vector<16xf32>
        %swap3A_940 = arith.constant 5 : i32
        %swap3A_941 = arith.constant 2 : i32
        %swap3A_942 = arith.constant 0 : i32
        %swap3A_943 = arith.index_cast %swap3A_940 : i32 to index
        %swap3A_944 = arith.index_cast %swap3A_941 : i32 to index
        %swap3A_945 = arith.index_cast %swap3A_942 : i32 to index
        %swap3A_946 = arith.index_cast %mul3A_840 : i32 to index
        %swap3A_947 = tpu.vector_load %arg5[%swap3A_943, %swap3A_944, %swap3A_945, %swap3A_946] {strides = array<i32>} : memref<8x4x4x768xf32, #tpu.memory_space<vmem>>, vector<1x1x1x16xf32>,
        %swap3A_948 = vector.shape_cast %swap3A_947 : vector<1x1x1x16xf32> to vector<16xf32>
        %swap3A_949 = vector.shape_cast %get3A_939 : vector<16xf32> to vector<1x1x1x16xf32>
        tpu.vector_store %arg5[%swap3A_943, %swap3A_944, %swap3A_945, %swap3A_946], %swap3A_949 {add = true, strides = array<i32>} : memref<8x4x4x768xf32, #tpu.memory_space<vmem>>, vector<1x1x1x16xf32>,
        %swap3A_950 = arith.constant 5 : i32
        %swap3A_951 = arith.constant 2 : i32
        %swap3A_952 = arith.constant 1 : i32
        %swap3A_953 = arith.index_cast %swap3A_950 : i32 to index
        %swap3A_954 = arith.index_cast %swap3A_951 : i32 to index
        %swap3A_955 = arith.index_cast %swap3A_952 : i32 to index
        %swap3A_956 = arith.index_cast %mul3A_840 : i32 to index
        %swap3A_957 = tpu.vector_load %arg5[%swap3A_953, %swap3A_954, %swap3A_955, %swap3A_956] {strides = array<i32>} : memref<8x4x4x768xf32, #tpu.memory_space<vmem>>, vector<1x1x1x16xf32>,
        %swap3A_958 = vector.shape_cast %swap3A_957 : vector<1x1x1x16xf32> to vector<16xf32>
        %swap3A_959 = vector.shape_cast %get3A_939 : vector<16xf32> to vector<1x1x1x16xf32>
        tpu.vector_store %arg5[%swap3A_953, %swap3A_954, %swap3A_955, %swap3A_956], %swap3A_959 {add = true, strides = array<i32>} : memref<8x4x4x768xf32, #tpu.memory_space<vmem>>, vector<1x1x1x16xf32>,
        %swap3A_960 = arith.constant 5 : i32
        %swap3A_961 = arith.constant 2 : i32
        %swap3A_962 = arith.constant 2 : i32
        %swap3A_963 = arith.index_cast %swap3A_960 : i32 to index
        %swap3A_964 = arith.index_cast %swap3A_961 : i32 to index
        %swap3A_965 = arith.index_cast %swap3A_962 : i32 to index
        %swap3A_966 = arith.index_cast %mul3A_840 : i32 to index
        %swap3A_967 = tpu.vector_load %arg5[%swap3A_963, %swap3A_964, %swap3A_965, %swap3A_966] {strides = array<i32>} : memref<8x4x4x768xf32, #tpu.memory_space<vmem>>, vector<1x1x1x16xf32>,
        %swap3A_968 = vector.shape_cast %swap3A_967 : vector<1x1x1x16xf32> to vector<16xf32>
        %swap3A_969 = vector.shape_cast %get3A_939 : vector<16xf32> to vector<1x1x1x16xf32>
        tpu.vector_store %arg5[%swap3A_963, %swap3A_964, %swap3A_965, %swap3A_966], %swap3A_969 {add = true, strides = array<i32>} : memref<8x4x4x768xf32, #tpu.memory_space<vmem>>, vector<1x1x1x16xf32>,
        %swap3A_970 = arith.constant 5 : i32
        %swap3A_971 = arith.constant 2 : i32
        %swap3A_972 = arith.constant 3 : i32
        %swap3A_973 = arith.index_cast %swap3A_970 : i32 to index
        %swap3A_974 = arith.index_cast %swap3A_971 : i32 to index
        %swap3A_975 = arith.index_cast %swap3A_972 : i32 to index
        %swap3A_976 = arith.index_cast %mul3A_840 : i32 to index
        %swap3A_977 = tpu.vector_load %arg5[%swap3A_973, %swap3A_974, %swap3A_975, %swap3A_976] {strides = array<i32>} : memref<8x4x4x768xf32, #tpu.memory_space<vmem>>, vector<1x1x1x16xf32>,
        %swap3A_978 = vector.shape_cast %swap3A_977 : vector<1x1x1x16xf32> to vector<16xf32>
        %swap3A_979 = vector.shape_cast %get3A_939 : vector<16xf32> to vector<1x1x1x16xf32>
        tpu.vector_store %arg5[%swap3A_973, %swap3A_974, %swap3A_975, %swap3A_976], %swap3A_979 {add = true, strides = array<i32>} : memref<8x4x4x768xf32, #tpu.memory_space<vmem>>, vector<1x1x1x16xf32>,
        %get3A_980 = arith.constant 5 : i32
        %get3A_981 = arith.constant 3 : i32
        %get3A_982 = arith.index_cast %get3A_980 : i32 to index
        %get3A_983 = arith.index_cast %get3A_981 : i32 to index
        %get3A_984 = arith.index_cast %mul3A_840 : i32 to index
        %get3A_985 = tpu.vector_load %arg6[%get3A_982, %get3A_983, %get3A_984] {strides = array<i32>} : memref<8x4x768xf32, #tpu.memory_space<vmem>>, vector<1x1x16xf32>,
        %get3A_986 = vector.shape_cast %get3A_985 : vector<1x1x16xf32> to vector<16xf32>
        %swap3A_987 = arith.constant 5 : i32
        %swap3A_988 = arith.constant 3 : i32
        %swap3A_989 = arith.constant 0 : i32
        %swap3A_990 = arith.index_cast %swap3A_987 : i32 to index
        %swap3A_991 = arith.index_cast %swap3A_988 : i32 to index
        %swap3A_992 = arith.index_cast %swap3A_989 : i32 to index
        %swap3A_993 = arith.index_cast %mul3A_840 : i32 to index
        %swap3A_994 = tpu.vector_load %arg5[%swap3A_990, %swap3A_991, %swap3A_992, %swap3A_993] {strides = array<i32>} : memref<8x4x4x768xf32, #tpu.memory_space<vmem>>, vector<1x1x1x16xf32>,
        %swap3A_995 = vector.shape_cast %swap3A_994 : vector<1x1x1x16xf32> to vector<16xf32>
        %swap3A_996 = vector.shape_cast %get3A_986 : vector<16xf32> to vector<1x1x1x16xf32>
        tpu.vector_store %arg5[%swap3A_990, %swap3A_991, %swap3A_992, %swap3A_993], %swap3A_996 {add = true, strides = array<i32>} : memref<8x4x4x768xf32, #tpu.memory_space<vmem>>, vector<1x1x1x16xf32>,
        %swap3A_997 = arith.constant 5 : i32
        %swap3A_998 = arith.constant 3 : i32
        %swap3A_999 = arith.constant 1 : i32
        %swap3A_1000 = arith.index_cast %swap3A_997 : i32 to index
        %swap3A_1001 = arith.index_cast %swap3A_998 : i32 to index
        %swap3A_1002 = arith.index_cast %swap3A_999 : i32 to index
        %swap3A_1003 = arith.index_cast %mul3A_840 : i32 to index
        %swap3A_1004 = tpu.vector_load %arg5[%swap3A_1000, %swap3A_1001, %swap3A_1002, %swap3A_1003] {strides = array<i32>} : memref<8x4x4x768xf32, #tpu.memory_space<vmem>>, vector<1x1x1x16xf32>,
        %swap3A_1005 = vector.shape_cast %swap3A_1004 : vector<1x1x1x16xf32> to vector<16xf32>
        %swap3A_1006 = vector.shape_cast %get3A_986 : vector<16xf32> to vector<1x1x1x16xf32>
        tpu.vector_store %arg5[%swap3A_1000, %swap3A_1001, %swap3A_1002, %swap3A_1003], %swap3A_1006 {add = true, strides = array<i32>} : memref<8x4x4x768xf32, #tpu.memory_space<vmem>>, vector<1x1x1x16xf32>,
        %swap3A_1007 = arith.constant 5 : i32
        %swap3A_1008 = arith.constant 3 : i32
        %swap3A_1009 = arith.constant 2 : i32
        %swap3A_1010 = arith.index_cast %swap3A_1007 : i32 to index
        %swap3A_1011 = arith.index_cast %swap3A_1008 : i32 to index
        %swap3A_1012 = arith.index_cast %swap3A_1009 : i32 to index
        %swap3A_1013 = arith.index_cast %mul3A_840 : i32 to index
        %swap3A_1014 = tpu.vector_load %arg5[%swap3A_1010, %swap3A_1011, %swap3A_1012, %swap3A_1013] {strides = array<i32>} : memref<8x4x4x768xf32, #tpu.memory_space<vmem>>, vector<1x1x1x16xf32>,
        %swap3A_1015 = vector.shape_cast %swap3A_1014 : vector<1x1x1x16xf32> to vector<16xf32>
        %swap3A_1016 = vector.shape_cast %get3A_986 : vector<16xf32> to vector<1x1x1x16xf32>
        tpu.vector_store %arg5[%swap3A_1010, %swap3A_1011, %swap3A_1012, %swap3A_1013], %swap3A_1016 {add = true, strides = array<i32>} : memref<8x4x4x768xf32, #tpu.memory_space<vmem>>, vector<1x1x1x16xf32>,
        %swap3A_1017 = arith.constant 5 : i32
        %swap3A_1018 = arith.constant 3 : i32
        %swap3A_1019 = arith.constant 3 : i32
        %swap3A_1020 = arith.index_cast %swap3A_1017 : i32 to index
        %swap3A_1021 = arith.index_cast %swap3A_1018 : i32 to index
        %swap3A_1022 = arith.index_cast %swap3A_1019 : i32 to index
        %swap3A_1023 = arith.index_cast %mul3A_840 : i32 to index
        %swap3A_1024 = tpu.vector_load %arg5[%swap3A_1020, %swap3A_1021, %swap3A_1022, %swap3A_1023] {strides = array<i32>} : memref<8x4x4x768xf32, #tpu.memory_space<vmem>>, vector<1x1x1x16xf32>,
        %swap3A_1025 = vector.shape_cast %swap3A_1024 : vector<1x1x1x16xf32> to vector<16xf32>
        %swap3A_1026 = vector.shape_cast %get3A_986 : vector<16xf32> to vector<1x1x1x16xf32>
        tpu.vector_store %arg5[%swap3A_1020, %swap3A_1021, %swap3A_1022, %swap3A_1023], %swap3A_1026 {add = true, strides = array<i32>} : memref<8x4x4x768xf32, #tpu.memory_space<vmem>>, vector<1x1x1x16xf32>,
      }
      %scan3A_643 = arith.constant 48 : i32
      %mul3A_644 = arith.constant 4 : i32
      %mul3A_645 = arith.muli %add3A_604, %mul3A_644 : i32
      %add3A_646 = arith.addi %mul3A_2, %mul3A_645 : i32
      %dma_start3A_647 = arith.constant 5 : i32
      %dma_start3A_648 = arith.constant 0 : i32
      %dma_start3A_649 = arith.constant 0 : i32
      %dma_start3A_650 = arith.constant 0 : i32
      %dma_start3A_651 = tpu.memref_slice %arg5[%dma_start3A_647, %dma_start3A_648, %dma_start3A_649, %dma_start3A_650] : memref<8x4x4x768xf32, #tpu.memory_space<vmem>> -> memref<1x4x4x768xf32, #tpu.memory_space<vmem>>
      %dma_start3A_652 = tpu.memref_squeeze %dma_start3A_651 : memref<1x4x4x768xf32, #tpu.memory_space<vmem>> -> memref<4x4x768xf32, #tpu.memory_space<vmem>>
      %dma_start3A_653 = arith.constant 0 : i32
      %dma_start3A_654 = arith.constant 0 : i32
      %dma_start3A_655 = tpu.memref_slice %arg4[%add3A_646, %dma_start3A_653, %dma_start3A_654] : memref<8192x4x768xf32, #tpu.memory_space<hbm>> -> memref<4x4x768xf32, #tpu.memory_space<hbm>>
      %dma_start3A_656 = arith.constant 0 : i32
      %dma_start3A_657 = arith.constant 0 : i32
      %dma_start3A_658 = tpu.memref_slice %arg4[%add3A_646, %dma_start3A_656, %dma_start3A_657] : memref<8192x4x768xf32, #tpu.memory_space<hbm>> -> memref<4x4x768xf32, #tpu.memory_space<hbm>>
      %dma_start3A_659 = arith.constant 0 : i32
      %dma_start3A_660 = arith.constant 0 : i32
      %dma_start3A_661 = arith.constant 0 : i32
      %dma_start3A_662 = tpu.memref_slice %arg5[%dma_start3A_647, %dma_start3A_659, %dma_start3A_660, %dma_start3A_661] : memref<8x4x4x768xf32, #tpu.memory_space<vmem>> -> memref<1x4x4x768xf32, #tpu.memory_space<vmem>>
      %dma_start3A_663 = tpu.memref_squeeze %dma_start3A_662 : memref<1x4x4x768xf32, #tpu.memory_space<vmem>> -> memref<4x4x768xf32, #tpu.memory_space<vmem>>
      tpu.enqueue_dma source(%dma_start3A_663 : memref<4x4x768xf32, #tpu.memory_space<vmem>>) target(%dma_start3A_658 : memref<4x4x768xf32, #tpu.memory_space<hbm>>) target_semaphore(%arg28 : memref<!tpu.dma_semaphore, #tpu.memory_space<semaphore_mem>>)
      %add3A_664 = arith.constant 4 : i32
      %add3A_665 = arith.addi %add3A_604, %add3A_664 : i32
      %sub3A_666 = arith.constant 8 : i32
      %sub3A_667 = arith.subi %add3A_665, %sub3A_666 : i32
      %ge3A_668 = arith.constant 0 : i32
      %ge3A_669 = arith.cmpi sge, %sub3A_667, %ge3A_668 : i32
      %convert_element_type3A_670 = arith.extui %ge3A_669 : i1 to i32
      %cond3A_671 = arith.constant 0 : i32
      %cond3A_672 = arith.cmpi ne, %convert_element_type3A_670, %cond3A_671 : i32
      scf.if %cond3A_672 {
        %add3A_838 = arith.constant 4 : i32
        %add3A_839 = arith.addi %add3A_604, %add3A_838 : i32
        %sub3A_840 = arith.constant 8 : i32
        %sub3A_841 = arith.subi %add3A_839, %sub3A_840 : i32
        %mul3A_842 = arith.constant 4 : i32
        %mul3A_843 = arith.muli %sub3A_841, %mul3A_842 : i32
        %add3A_844 = arith.addi %mul3A_2, %mul3A_843 : i32
        %dma_wait3A_845 = arith.constant 1 : i32
        %dma_wait3A_846 = arith.constant 0 : i32
        %dma_wait3A_847 = arith.constant 0 : i32
        %dma_wait3A_848 = arith.constant 0 : i32
        %dma_wait3A_849 = tpu.memref_slice %arg5[%dma_wait3A_845, %dma_wait3A_846, %dma_wait3A_847, %dma_wait3A_848] : memref<8x4x4x768xf32, #tpu.memory_space<vmem>> -> memref<1x4x4x768xf32, #tpu.memory_space<vmem>>
        %dma_wait3A_850 = tpu.memref_squeeze %dma_wait3A_849 : memref<1x4x4x768xf32, #tpu.memory_space<vmem>> -> memref<4x4x768xf32, #tpu.memory_space<vmem>>
        %dma_wait3A_851 = arith.constant 0 : i32
        %dma_wait3A_852 = arith.constant 0 : i32
        %dma_wait3A_853 = tpu.memref_slice %arg4[%add3A_844, %dma_wait3A_851, %dma_wait3A_852] : memref<8192x4x768xf32, #tpu.memory_space<hbm>> -> memref<4x4x768xf32, #tpu.memory_space<hbm>>
        %dma_wait3A_854 = arith.constant 0 : i32
        %dma_wait3A_855 = arith.constant 0 : i32
        %dma_wait3A_856 = tpu.memref_slice %arg4[%add3A_844, %dma_wait3A_854, %dma_wait3A_855] : memref<8192x4x768xf32, #tpu.memory_space<hbm>> -> memref<4x4x768xf32, #tpu.memory_space<hbm>>
        %dma_wait3A_857 = arith.constant 0 : i32
        %dma_wait3A_858 = arith.constant 0 : i32
        %dma_wait3A_859 = arith.constant 0 : i32
        %dma_wait3A_860 = tpu.memref_slice %arg5[%dma_wait3A_845, %dma_wait3A_857, %dma_wait3A_858, %dma_wait3A_859] : memref<8x4x4x768xf32, #tpu.memory_space<vmem>> -> memref<1x4x4x768xf32, #tpu.memory_space<vmem>>
        %dma_wait3A_861 = tpu.memref_squeeze %dma_wait3A_860 : memref<1x4x4x768xf32, #tpu.memory_space<vmem>> -> memref<4x4x768xf32, #tpu.memory_space<vmem>>
        tpu.wait_dma2 semaphore(%arg24 : memref<!tpu.dma_semaphore, #tpu.memory_space<semaphore_mem>>) src(%dma_wait3A_861 : memref<4x4x768xf32, #tpu.memory_space<vmem>>) dst(%dma_wait3A_856 : memref<4x4x768xf32, #tpu.memory_space<hbm>>)
      } else {
      }
      %add3A_673 = arith.constant 4 : i32
      %add3A_674 = arith.addi %add3A_604, %add3A_673 : i32
      %lt3A_675 = arith.constant 64 : i32
      %lt3A_676 = arith.cmpi slt, %add3A_674, %lt3A_675 : i32
      %convert_element_type3A_677 = arith.extui %lt3A_676 : i1 to i32
      %cond3A_678 = arith.constant 0 : i32
      %cond3A_679 = arith.cmpi ne, %convert_element_type3A_677, %cond3A_678 : i32
      scf.if %cond3A_679 {
        %add3A_838 = arith.constant 4 : i32
        %add3A_839 = arith.addi %add3A_604, %add3A_838 : i32
        %mul3A_840 = arith.constant 4 : i32
        %mul3A_841 = arith.muli %add3A_839, %mul3A_840 : i32
        %add3A_842 = arith.addi %mul3A_2, %mul3A_841 : i32
        %dma_start3A_843 = arith.constant 1 : i32
        %dma_start3A_844 = arith.constant 0 : i32
        %dma_start3A_845 = arith.constant 0 : i32
        %dma_start3A_846 = arith.constant 0 : i32
        %dma_start3A_847 = tpu.memref_slice %arg5[%dma_start3A_843, %dma_start3A_844, %dma_start3A_845, %dma_start3A_846] : memref<8x4x4x768xf32, #tpu.memory_space<vmem>> -> memref<1x4x4x768xf32, #tpu.memory_space<vmem>>
        %dma_start3A_848 = tpu.memref_squeeze %dma_start3A_847 : memref<1x4x4x768xf32, #tpu.memory_space<vmem>> -> memref<4x4x768xf32, #tpu.memory_space<vmem>>
        %dma_start3A_849 = arith.constant 0 : i32
        %dma_start3A_850 = arith.constant 0 : i32
        %dma_start3A_851 = tpu.memref_slice %arg2[%add3A_842, %dma_start3A_849, %dma_start3A_850] : memref<8192x4x768xf32, #tpu.memory_space<hbm>> -> memref<4x4x768xf32, #tpu.memory_space<hbm>>
        %dma_start3A_852 = arith.constant 0 : i32
        %dma_start3A_853 = arith.constant 0 : i32
        %dma_start3A_854 = arith.constant 0 : i32
        %dma_start3A_855 = tpu.memref_slice %arg5[%dma_start3A_843, %dma_start3A_852, %dma_start3A_853, %dma_start3A_854] : memref<8x4x4x768xf32, #tpu.memory_space<vmem>> -> memref<1x4x4x768xf32, #tpu.memory_space<vmem>>
        %dma_start3A_856 = tpu.memref_squeeze %dma_start3A_855 : memref<1x4x4x768xf32, #tpu.memory_space<vmem>> -> memref<4x4x768xf32, #tpu.memory_space<vmem>>
        %dma_start3A_857 = arith.constant 0 : i32
        %dma_start3A_858 = arith.constant 0 : i32
        %dma_start3A_859 = tpu.memref_slice %arg2[%add3A_842, %dma_start3A_857, %dma_start3A_858] : memref<8192x4x768xf32, #tpu.memory_space<hbm>> -> memref<4x4x768xf32, #tpu.memory_space<hbm>>
        tpu.enqueue_dma source(%dma_start3A_859 : memref<4x4x768xf32, #tpu.memory_space<hbm>>) target(%dma_start3A_856 : memref<4x4x768xf32, #tpu.memory_space<vmem>>) target_semaphore(%arg8 : memref<!tpu.dma_semaphore, #tpu.memory_space<semaphore_mem>>)
        %dma_start3A_860 = arith.constant 1 : i32
        %dma_start3A_861 = arith.constant 0 : i32
        %dma_start3A_862 = arith.constant 0 : i32
        %dma_start3A_863 = tpu.memref_slice %arg6[%dma_start3A_860, %dma_start3A_861, %dma_start3A_862] : memref<8x4x768xf32, #tpu.memory_space<vmem>> -> memref<1x4x768xf32, #tpu.memory_space<vmem>>
        %dma_start3A_864 = tpu.memref_squeeze %dma_start3A_863 : memref<1x4x768xf32, #tpu.memory_space<vmem>> -> memref<4x768xf32, #tpu.memory_space<vmem>>
        %dma_start3A_865 = arith.constant 0 : i32
        %dma_start3A_866 = tpu.memref_slice %arg3[%add3A_842, %dma_start3A_865] : memref<8192x768xf32, #tpu.memory_space<hbm>> -> memref<4x768xf32, #tpu.memory_space<hbm>>
        %dma_start3A_867 = arith.constant 0 : i32
        %dma_start3A_868 = arith.constant 0 : i32
        %dma_start3A_869 = tpu.memref_slice %arg6[%dma_start3A_860, %dma_start3A_867, %dma_start3A_868] : memref<8x4x768xf32, #tpu.memory_space<vmem>> -> memref<1x4x768xf32, #tpu.memory_space<vmem>>
        %dma_start3A_870 = tpu.memref_squeeze %dma_start3A_869 : memref<1x4x768xf32, #tpu.memory_space<vmem>> -> memref<4x768xf32, #tpu.memory_space<vmem>>
        %dma_start3A_871 = arith.constant 0 : i32
        %dma_start3A_872 = tpu.memref_slice %arg3[%add3A_842, %dma_start3A_871] : memref<8192x768xf32, #tpu.memory_space<hbm>> -> memref<4x768xf32, #tpu.memory_space<hbm>>
        tpu.enqueue_dma source(%dma_start3A_872 : memref<4x768xf32, #tpu.memory_space<hbm>>) target(%dma_start3A_870 : memref<4x768xf32, #tpu.memory_space<vmem>>) target_semaphore(%arg16 : memref<!tpu.dma_semaphore, #tpu.memory_space<semaphore_mem>>)
      } else {
      }
      %mul3A_680 = arith.constant 8 : i32
      %mul3A_681 = arith.muli %scan3A_210, %mul3A_680 : i32
      %add3A_682 = arith.constant 6 : i32
      %add3A_683 = arith.addi %mul3A_681, %add3A_682 : i32
      %mul3A_684 = arith.constant 4 : i32
      %mul3A_685 = arith.muli %add3A_683, %mul3A_684 : i32
      %add3A_686 = arith.addi %mul3A_2, %mul3A_685 : i32
      %dma_wait3A_687 = arith.constant 6 : i32
      %dma_wait3A_688 = arith.constant 0 : i32
      %dma_wait3A_689 = arith.constant 0 : i32
      %dma_wait3A_690 = arith.constant 0 : i32
      %dma_wait3A_691 = tpu.memref_slice %arg5[%dma_wait3A_687, %dma_wait3A_688, %dma_wait3A_689, %dma_wait3A_690] : memref<8x4x4x768xf32, #tpu.memory_space<vmem>> -> memref<1x4x4x768xf32, #tpu.memory_space<vmem>>
      %dma_wait3A_692 = tpu.memref_squeeze %dma_wait3A_691 : memref<1x4x4x768xf32, #tpu.memory_space<vmem>> -> memref<4x4x768xf32, #tpu.memory_space<vmem>>
      %dma_wait3A_693 = arith.constant 0 : i32
      %dma_wait3A_694 = arith.constant 0 : i32
      %dma_wait3A_695 = tpu.memref_slice %arg2[%add3A_686, %dma_wait3A_693, %dma_wait3A_694] : memref<8192x4x768xf32, #tpu.memory_space<hbm>> -> memref<4x4x768xf32, #tpu.memory_space<hbm>>
      %dma_wait3A_696 = arith.constant 0 : i32
      %dma_wait3A_697 = arith.constant 0 : i32
      %dma_wait3A_698 = arith.constant 0 : i32
      %dma_wait3A_699 = tpu.memref_slice %arg5[%dma_wait3A_687, %dma_wait3A_696, %dma_wait3A_697, %dma_wait3A_698] : memref<8x4x4x768xf32, #tpu.memory_space<vmem>> -> memref<1x4x4x768xf32, #tpu.memory_space<vmem>>
      %dma_wait3A_700 = tpu.memref_squeeze %dma_wait3A_699 : memref<1x4x4x768xf32, #tpu.memory_space<vmem>> -> memref<4x4x768xf32, #tpu.memory_space<vmem>>
      %dma_wait3A_701 = arith.constant 0 : i32
      %dma_wait3A_702 = arith.constant 0 : i32
      %dma_wait3A_703 = tpu.memref_slice %arg2[%add3A_686, %dma_wait3A_701, %dma_wait3A_702] : memref<8192x4x768xf32, #tpu.memory_space<hbm>> -> memref<4x4x768xf32, #tpu.memory_space<hbm>>
      tpu.wait_dma2 semaphore(%arg13 : memref<!tpu.dma_semaphore, #tpu.memory_space<semaphore_mem>>) src(%dma_wait3A_703 : memref<4x4x768xf32, #tpu.memory_space<hbm>>) dst(%dma_wait3A_700 : memref<4x4x768xf32, #tpu.memory_space<vmem>>)
      %dma_wait3A_704 = arith.constant 6 : i32
      %dma_wait3A_705 = arith.constant 0 : i32
      %dma_wait3A_706 = arith.constant 0 : i32
      %dma_wait3A_707 = tpu.memref_slice %arg6[%dma_wait3A_704, %dma_wait3A_705, %dma_wait3A_706] : memref<8x4x768xf32, #tpu.memory_space<vmem>> -> memref<1x4x768xf32, #tpu.memory_space<vmem>>
      %dma_wait3A_708 = tpu.memref_squeeze %dma_wait3A_707 : memref<1x4x768xf32, #tpu.memory_space<vmem>> -> memref<4x768xf32, #tpu.memory_space<vmem>>
      %dma_wait3A_709 = arith.constant 0 : i32
      %dma_wait3A_710 = tpu.memref_slice %arg3[%add3A_686, %dma_wait3A_709] : memref<8192x768xf32, #tpu.memory_space<hbm>> -> memref<4x768xf32, #tpu.memory_space<hbm>>
      %dma_wait3A_711 = arith.constant 0 : i32
      %dma_wait3A_712 = arith.constant 0 : i32
      %dma_wait3A_713 = tpu.memref_slice %arg6[%dma_wait3A_704, %dma_wait3A_711, %dma_wait3A_712] : memref<8x4x768xf32, #tpu.memory_space<vmem>> -> memref<1x4x768xf32, #tpu.memory_space<vmem>>
      %dma_wait3A_714 = tpu.memref_squeeze %dma_wait3A_713 : memref<1x4x768xf32, #tpu.memory_space<vmem>> -> memref<4x768xf32, #tpu.memory_space<vmem>>
      %dma_wait3A_715 = arith.constant 0 : i32
      %dma_wait3A_716 = tpu.memref_slice %arg3[%add3A_686, %dma_wait3A_715] : memref<8192x768xf32, #tpu.memory_space<hbm>> -> memref<4x768xf32, #tpu.memory_space<hbm>>
      tpu.wait_dma2 semaphore(%arg21 : memref<!tpu.dma_semaphore, #tpu.memory_space<semaphore_mem>>) src(%dma_wait3A_716 : memref<4x768xf32, #tpu.memory_space<hbm>>) dst(%dma_wait3A_714 : memref<4x768xf32, #tpu.memory_space<vmem>>)
      %scan3A_717 = arith.constant 0 : i32
      %scan3A_718 = arith.constant 0 : i32
      %scan3A_719 = arith.constant 48 : i32
      %scan3A_720 = arith.addi %scan3A_718, %scan3A_719 : i32
      %scan3A_721 = arith.constant 1 : i32
      scf.for %scan3A_838 = %scan3A_718 to %scan3A_720 step %scan3A_721  : i32 {
        %mul3A_839 = arith.constant 16 : i32
        %mul3A_840 = arith.muli %scan3A_838, %mul3A_839 : i32
        %get3A = arith.constant 6 : i32
        %get3A_841 = arith.constant 0 : i32
        %get3A_842 = arith.index_cast %get3A : i32 to index
        %get3A_843 = arith.index_cast %get3A_841 : i32 to index
        %get3A_844 = arith.index_cast %mul3A_840 : i32 to index
        %get3A_845 = tpu.vector_load %arg6[%get3A_842, %get3A_843, %get3A_844] {strides = array<i32>} : memref<8x4x768xf32, #tpu.memory_space<vmem>>, vector<1x1x16xf32>,
        %get3A_846 = vector.shape_cast %get3A_845 : vector<1x1x16xf32> to vector<16xf32>
        %swap3A = arith.constant 6 : i32
        %swap3A_847 = arith.constant 0 : i32
        %swap3A_848 = arith.constant 0 : i32
        %swap3A_849 = arith.index_cast %swap3A : i32 to index
        %swap3A_850 = arith.index_cast %swap3A_847 : i32 to index
        %swap3A_851 = arith.index_cast %swap3A_848 : i32 to index
        %swap3A_852 = arith.index_cast %mul3A_840 : i32 to index
        %swap3A_853 = tpu.vector_load %arg5[%swap3A_849, %swap3A_850, %swap3A_851, %swap3A_852] {strides = array<i32>} : memref<8x4x4x768xf32, #tpu.memory_space<vmem>>, vector<1x1x1x16xf32>,
        %swap3A_854 = vector.shape_cast %swap3A_853 : vector<1x1x1x16xf32> to vector<16xf32>
        %swap3A_855 = vector.shape_cast %get3A_846 : vector<16xf32> to vector<1x1x1x16xf32>
        tpu.vector_store %arg5[%swap3A_849, %swap3A_850, %swap3A_851, %swap3A_852], %swap3A_855 {add = true, strides = array<i32>} : memref<8x4x4x768xf32, #tpu.memory_space<vmem>>, vector<1x1x1x16xf32>,
        %swap3A_856 = arith.constant 6 : i32
        %swap3A_857 = arith.constant 0 : i32
        %swap3A_858 = arith.constant 1 : i32
        %swap3A_859 = arith.index_cast %swap3A_856 : i32 to index
        %swap3A_860 = arith.index_cast %swap3A_857 : i32 to index
        %swap3A_861 = arith.index_cast %swap3A_858 : i32 to index
        %swap3A_862 = arith.index_cast %mul3A_840 : i32 to index
        %swap3A_863 = tpu.vector_load %arg5[%swap3A_859, %swap3A_860, %swap3A_861, %swap3A_862] {strides = array<i32>} : memref<8x4x4x768xf32, #tpu.memory_space<vmem>>, vector<1x1x1x16xf32>,
        %swap3A_864 = vector.shape_cast %swap3A_863 : vector<1x1x1x16xf32> to vector<16xf32>
        %swap3A_865 = vector.shape_cast %get3A_846 : vector<16xf32> to vector<1x1x1x16xf32>
        tpu.vector_store %arg5[%swap3A_859, %swap3A_860, %swap3A_861, %swap3A_862], %swap3A_865 {add = true, strides = array<i32>} : memref<8x4x4x768xf32, #tpu.memory_space<vmem>>, vector<1x1x1x16xf32>,
        %swap3A_866 = arith.constant 6 : i32
        %swap3A_867 = arith.constant 0 : i32
        %swap3A_868 = arith.constant 2 : i32
        %swap3A_869 = arith.index_cast %swap3A_866 : i32 to index
        %swap3A_870 = arith.index_cast %swap3A_867 : i32 to index
        %swap3A_871 = arith.index_cast %swap3A_868 : i32 to index
        %swap3A_872 = arith.index_cast %mul3A_840 : i32 to index
        %swap3A_873 = tpu.vector_load %arg5[%swap3A_869, %swap3A_870, %swap3A_871, %swap3A_872] {strides = array<i32>} : memref<8x4x4x768xf32, #tpu.memory_space<vmem>>, vector<1x1x1x16xf32>,
        %swap3A_874 = vector.shape_cast %swap3A_873 : vector<1x1x1x16xf32> to vector<16xf32>
        %swap3A_875 = vector.shape_cast %get3A_846 : vector<16xf32> to vector<1x1x1x16xf32>
        tpu.vector_store %arg5[%swap3A_869, %swap3A_870, %swap3A_871, %swap3A_872], %swap3A_875 {add = true, strides = array<i32>} : memref<8x4x4x768xf32, #tpu.memory_space<vmem>>, vector<1x1x1x16xf32>,
        %swap3A_876 = arith.constant 6 : i32
        %swap3A_877 = arith.constant 0 : i32
        %swap3A_878 = arith.constant 3 : i32
        %swap3A_879 = arith.index_cast %swap3A_876 : i32 to index
        %swap3A_880 = arith.index_cast %swap3A_877 : i32 to index
        %swap3A_881 = arith.index_cast %swap3A_878 : i32 to index
        %swap3A_882 = arith.index_cast %mul3A_840 : i32 to index
        %swap3A_883 = tpu.vector_load %arg5[%swap3A_879, %swap3A_880, %swap3A_881, %swap3A_882] {strides = array<i32>} : memref<8x4x4x768xf32, #tpu.memory_space<vmem>>, vector<1x1x1x16xf32>,
        %swap3A_884 = vector.shape_cast %swap3A_883 : vector<1x1x1x16xf32> to vector<16xf32>
        %swap3A_885 = vector.shape_cast %get3A_846 : vector<16xf32> to vector<1x1x1x16xf32>
        tpu.vector_store %arg5[%swap3A_879, %swap3A_880, %swap3A_881, %swap3A_882], %swap3A_885 {add = true, strides = array<i32>} : memref<8x4x4x768xf32, #tpu.memory_space<vmem>>, vector<1x1x1x16xf32>,
        %get3A_886 = arith.constant 6 : i32
        %get3A_887 = arith.constant 1 : i32
        %get3A_888 = arith.index_cast %get3A_886 : i32 to index
        %get3A_889 = arith.index_cast %get3A_887 : i32 to index
        %get3A_890 = arith.index_cast %mul3A_840 : i32 to index
        %get3A_891 = tpu.vector_load %arg6[%get3A_888, %get3A_889, %get3A_890] {strides = array<i32>} : memref<8x4x768xf32, #tpu.memory_space<vmem>>, vector<1x1x16xf32>,
        %get3A_892 = vector.shape_cast %get3A_891 : vector<1x1x16xf32> to vector<16xf32>
        %swap3A_893 = arith.constant 6 : i32
        %swap3A_894 = arith.constant 1 : i32
        %swap3A_895 = arith.constant 0 : i32
        %swap3A_896 = arith.index_cast %swap3A_893 : i32 to index
        %swap3A_897 = arith.index_cast %swap3A_894 : i32 to index
        %swap3A_898 = arith.index_cast %swap3A_895 : i32 to index
        %swap3A_899 = arith.index_cast %mul3A_840 : i32 to index
        %swap3A_900 = tpu.vector_load %arg5[%swap3A_896, %swap3A_897, %swap3A_898, %swap3A_899] {strides = array<i32>} : memref<8x4x4x768xf32, #tpu.memory_space<vmem>>, vector<1x1x1x16xf32>,
        %swap3A_901 = vector.shape_cast %swap3A_900 : vector<1x1x1x16xf32> to vector<16xf32>
        %swap3A_902 = vector.shape_cast %get3A_892 : vector<16xf32> to vector<1x1x1x16xf32>
        tpu.vector_store %arg5[%swap3A_896, %swap3A_897, %swap3A_898, %swap3A_899], %swap3A_902 {add = true, strides = array<i32>} : memref<8x4x4x768xf32, #tpu.memory_space<vmem>>, vector<1x1x1x16xf32>,
        %swap3A_903 = arith.constant 6 : i32
        %swap3A_904 = arith.constant 1 : i32
        %swap3A_905 = arith.constant 1 : i32
        %swap3A_906 = arith.index_cast %swap3A_903 : i32 to index
        %swap3A_907 = arith.index_cast %swap3A_904 : i32 to index
        %swap3A_908 = arith.index_cast %swap3A_905 : i32 to index
        %swap3A_909 = arith.index_cast %mul3A_840 : i32 to index
        %swap3A_910 = tpu.vector_load %arg5[%swap3A_906, %swap3A_907, %swap3A_908, %swap3A_909] {strides = array<i32>} : memref<8x4x4x768xf32, #tpu.memory_space<vmem>>, vector<1x1x1x16xf32>,
        %swap3A_911 = vector.shape_cast %swap3A_910 : vector<1x1x1x16xf32> to vector<16xf32>
        %swap3A_912 = vector.shape_cast %get3A_892 : vector<16xf32> to vector<1x1x1x16xf32>
        tpu.vector_store %arg5[%swap3A_906, %swap3A_907, %swap3A_908, %swap3A_909], %swap3A_912 {add = true, strides = array<i32>} : memref<8x4x4x768xf32, #tpu.memory_space<vmem>>, vector<1x1x1x16xf32>,
        %swap3A_913 = arith.constant 6 : i32
        %swap3A_914 = arith.constant 1 : i32
        %swap3A_915 = arith.constant 2 : i32
        %swap3A_916 = arith.index_cast %swap3A_913 : i32 to index
        %swap3A_917 = arith.index_cast %swap3A_914 : i32 to index
        %swap3A_918 = arith.index_cast %swap3A_915 : i32 to index
        %swap3A_919 = arith.index_cast %mul3A_840 : i32 to index
        %swap3A_920 = tpu.vector_load %arg5[%swap3A_916, %swap3A_917, %swap3A_918, %swap3A_919] {strides = array<i32>} : memref<8x4x4x768xf32, #tpu.memory_space<vmem>>, vector<1x1x1x16xf32>,
        %swap3A_921 = vector.shape_cast %swap3A_920 : vector<1x1x1x16xf32> to vector<16xf32>
        %swap3A_922 = vector.shape_cast %get3A_892 : vector<16xf32> to vector<1x1x1x16xf32>
        tpu.vector_store %arg5[%swap3A_916, %swap3A_917, %swap3A_918, %swap3A_919], %swap3A_922 {add = true, strides = array<i32>} : memref<8x4x4x768xf32, #tpu.memory_space<vmem>>, vector<1x1x1x16xf32>,
        %swap3A_923 = arith.constant 6 : i32
        %swap3A_924 = arith.constant 1 : i32
        %swap3A_925 = arith.constant 3 : i32
        %swap3A_926 = arith.index_cast %swap3A_923 : i32 to index
        %swap3A_927 = arith.index_cast %swap3A_924 : i32 to index
        %swap3A_928 = arith.index_cast %swap3A_925 : i32 to index
        %swap3A_929 = arith.index_cast %mul3A_840 : i32 to index
        %swap3A_930 = tpu.vector_load %arg5[%swap3A_926, %swap3A_927, %swap3A_928, %swap3A_929] {strides = array<i32>} : memref<8x4x4x768xf32, #tpu.memory_space<vmem>>, vector<1x1x1x16xf32>,
        %swap3A_931 = vector.shape_cast %swap3A_930 : vector<1x1x1x16xf32> to vector<16xf32>
        %swap3A_932 = vector.shape_cast %get3A_892 : vector<16xf32> to vector<1x1x1x16xf32>
        tpu.vector_store %arg5[%swap3A_926, %swap3A_927, %swap3A_928, %swap3A_929], %swap3A_932 {add = true, strides = array<i32>} : memref<8x4x4x768xf32, #tpu.memory_space<vmem>>, vector<1x1x1x16xf32>,
        %get3A_933 = arith.constant 6 : i32
        %get3A_934 = arith.constant 2 : i32
        %get3A_935 = arith.index_cast %get3A_933 : i32 to index
        %get3A_936 = arith.index_cast %get3A_934 : i32 to index
        %get3A_937 = arith.index_cast %mul3A_840 : i32 to index
        %get3A_938 = tpu.vector_load %arg6[%get3A_935, %get3A_936, %get3A_937] {strides = array<i32>} : memref<8x4x768xf32, #tpu.memory_space<vmem>>, vector<1x1x16xf32>,
        %get3A_939 = vector.shape_cast %get3A_938 : vector<1x1x16xf32> to vector<16xf32>
        %swap3A_940 = arith.constant 6 : i32
        %swap3A_941 = arith.constant 2 : i32
        %swap3A_942 = arith.constant 0 : i32
        %swap3A_943 = arith.index_cast %swap3A_940 : i32 to index
        %swap3A_944 = arith.index_cast %swap3A_941 : i32 to index
        %swap3A_945 = arith.index_cast %swap3A_942 : i32 to index
        %swap3A_946 = arith.index_cast %mul3A_840 : i32 to index
        %swap3A_947 = tpu.vector_load %arg5[%swap3A_943, %swap3A_944, %swap3A_945, %swap3A_946] {strides = array<i32>} : memref<8x4x4x768xf32, #tpu.memory_space<vmem>>, vector<1x1x1x16xf32>,
        %swap3A_948 = vector.shape_cast %swap3A_947 : vector<1x1x1x16xf32> to vector<16xf32>
        %swap3A_949 = vector.shape_cast %get3A_939 : vector<16xf32> to vector<1x1x1x16xf32>
        tpu.vector_store %arg5[%swap3A_943, %swap3A_944, %swap3A_945, %swap3A_946], %swap3A_949 {add = true, strides = array<i32>} : memref<8x4x4x768xf32, #tpu.memory_space<vmem>>, vector<1x1x1x16xf32>,
        %swap3A_950 = arith.constant 6 : i32
        %swap3A_951 = arith.constant 2 : i32
        %swap3A_952 = arith.constant 1 : i32
        %swap3A_953 = arith.index_cast %swap3A_950 : i32 to index
        %swap3A_954 = arith.index_cast %swap3A_951 : i32 to index
        %swap3A_955 = arith.index_cast %swap3A_952 : i32 to index
        %swap3A_956 = arith.index_cast %mul3A_840 : i32 to index
        %swap3A_957 = tpu.vector_load %arg5[%swap3A_953, %swap3A_954, %swap3A_955, %swap3A_956] {strides = array<i32>} : memref<8x4x4x768xf32, #tpu.memory_space<vmem>>, vector<1x1x1x16xf32>,
        %swap3A_958 = vector.shape_cast %swap3A_957 : vector<1x1x1x16xf32> to vector<16xf32>
        %swap3A_959 = vector.shape_cast %get3A_939 : vector<16xf32> to vector<1x1x1x16xf32>
        tpu.vector_store %arg5[%swap3A_953, %swap3A_954, %swap3A_955, %swap3A_956], %swap3A_959 {add = true, strides = array<i32>} : memref<8x4x4x768xf32, #tpu.memory_space<vmem>>, vector<1x1x1x16xf32>,
        %swap3A_960 = arith.constant 6 : i32
        %swap3A_961 = arith.constant 2 : i32
        %swap3A_962 = arith.constant 2 : i32
        %swap3A_963 = arith.index_cast %swap3A_960 : i32 to index
        %swap3A_964 = arith.index_cast %swap3A_961 : i32 to index
        %swap3A_965 = arith.index_cast %swap3A_962 : i32 to index
        %swap3A_966 = arith.index_cast %mul3A_840 : i32 to index
        %swap3A_967 = tpu.vector_load %arg5[%swap3A_963, %swap3A_964, %swap3A_965, %swap3A_966] {strides = array<i32>} : memref<8x4x4x768xf32, #tpu.memory_space<vmem>>, vector<1x1x1x16xf32>,
        %swap3A_968 = vector.shape_cast %swap3A_967 : vector<1x1x1x16xf32> to vector<16xf32>
        %swap3A_969 = vector.shape_cast %get3A_939 : vector<16xf32> to vector<1x1x1x16xf32>
        tpu.vector_store %arg5[%swap3A_963, %swap3A_964, %swap3A_965, %swap3A_966], %swap3A_969 {add = true, strides = array<i32>} : memref<8x4x4x768xf32, #tpu.memory_space<vmem>>, vector<1x1x1x16xf32>,
        %swap3A_970 = arith.constant 6 : i32
        %swap3A_971 = arith.constant 2 : i32
        %swap3A_972 = arith.constant 3 : i32
        %swap3A_973 = arith.index_cast %swap3A_970 : i32 to index
        %swap3A_974 = arith.index_cast %swap3A_971 : i32 to index
        %swap3A_975 = arith.index_cast %swap3A_972 : i32 to index
        %swap3A_976 = arith.index_cast %mul3A_840 : i32 to index
        %swap3A_977 = tpu.vector_load %arg5[%swap3A_973, %swap3A_974, %swap3A_975, %swap3A_976] {strides = array<i32>} : memref<8x4x4x768xf32, #tpu.memory_space<vmem>>, vector<1x1x1x16xf32>,
        %swap3A_978 = vector.shape_cast %swap3A_977 : vector<1x1x1x16xf32> to vector<16xf32>
        %swap3A_979 = vector.shape_cast %get3A_939 : vector<16xf32> to vector<1x1x1x16xf32>
        tpu.vector_store %arg5[%swap3A_973, %swap3A_974, %swap3A_975, %swap3A_976], %swap3A_979 {add = true, strides = array<i32>} : memref<8x4x4x768xf32, #tpu.memory_space<vmem>>, vector<1x1x1x16xf32>,
        %get3A_980 = arith.constant 6 : i32
        %get3A_981 = arith.constant 3 : i32
        %get3A_982 = arith.index_cast %get3A_980 : i32 to index
        %get3A_983 = arith.index_cast %get3A_981 : i32 to index
        %get3A_984 = arith.index_cast %mul3A_840 : i32 to index
        %get3A_985 = tpu.vector_load %arg6[%get3A_982, %get3A_983, %get3A_984] {strides = array<i32>} : memref<8x4x768xf32, #tpu.memory_space<vmem>>, vector<1x1x16xf32>,
        %get3A_986 = vector.shape_cast %get3A_985 : vector<1x1x16xf32> to vector<16xf32>
        %swap3A_987 = arith.constant 6 : i32
        %swap3A_988 = arith.constant 3 : i32
        %swap3A_989 = arith.constant 0 : i32
        %swap3A_990 = arith.index_cast %swap3A_987 : i32 to index
        %swap3A_991 = arith.index_cast %swap3A_988 : i32 to index
        %swap3A_992 = arith.index_cast %swap3A_989 : i32 to index
        %swap3A_993 = arith.index_cast %mul3A_840 : i32 to index
        %swap3A_994 = tpu.vector_load %arg5[%swap3A_990, %swap3A_991, %swap3A_992, %swap3A_993] {strides = array<i32>} : memref<8x4x4x768xf32, #tpu.memory_space<vmem>>, vector<1x1x1x16xf32>,
        %swap3A_995 = vector.shape_cast %swap3A_994 : vector<1x1x1x16xf32> to vector<16xf32>
        %swap3A_996 = vector.shape_cast %get3A_986 : vector<16xf32> to vector<1x1x1x16xf32>
        tpu.vector_store %arg5[%swap3A_990, %swap3A_991, %swap3A_992, %swap3A_993], %swap3A_996 {add = true, strides = array<i32>} : memref<8x4x4x768xf32, #tpu.memory_space<vmem>>, vector<1x1x1x16xf32>,
        %swap3A_997 = arith.constant 6 : i32
        %swap3A_998 = arith.constant 3 : i32
        %swap3A_999 = arith.constant 1 : i32
        %swap3A_1000 = arith.index_cast %swap3A_997 : i32 to index
        %swap3A_1001 = arith.index_cast %swap3A_998 : i32 to index
        %swap3A_1002 = arith.index_cast %swap3A_999 : i32 to index
        %swap3A_1003 = arith.index_cast %mul3A_840 : i32 to index
        %swap3A_1004 = tpu.vector_load %arg5[%swap3A_1000, %swap3A_1001, %swap3A_1002, %swap3A_1003] {strides = array<i32>} : memref<8x4x4x768xf32, #tpu.memory_space<vmem>>, vector<1x1x1x16xf32>,
        %swap3A_1005 = vector.shape_cast %swap3A_1004 : vector<1x1x1x16xf32> to vector<16xf32>
        %swap3A_1006 = vector.shape_cast %get3A_986 : vector<16xf32> to vector<1x1x1x16xf32>
        tpu.vector_store %arg5[%swap3A_1000, %swap3A_1001, %swap3A_1002, %swap3A_1003], %swap3A_1006 {add = true, strides = array<i32>} : memref<8x4x4x768xf32, #tpu.memory_space<vmem>>, vector<1x1x1x16xf32>,
        %swap3A_1007 = arith.constant 6 : i32
        %swap3A_1008 = arith.constant 3 : i32
        %swap3A_1009 = arith.constant 2 : i32
        %swap3A_1010 = arith.index_cast %swap3A_1007 : i32 to index
        %swap3A_1011 = arith.index_cast %swap3A_1008 : i32 to index
        %swap3A_1012 = arith.index_cast %swap3A_1009 : i32 to index
        %swap3A_1013 = arith.index_cast %mul3A_840 : i32 to index
        %swap3A_1014 = tpu.vector_load %arg5[%swap3A_1010, %swap3A_1011, %swap3A_1012, %swap3A_1013] {strides = array<i32>} : memref<8x4x4x768xf32, #tpu.memory_space<vmem>>, vector<1x1x1x16xf32>,
        %swap3A_1015 = vector.shape_cast %swap3A_1014 : vector<1x1x1x16xf32> to vector<16xf32>
        %swap3A_1016 = vector.shape_cast %get3A_986 : vector<16xf32> to vector<1x1x1x16xf32>
        tpu.vector_store %arg5[%swap3A_1010, %swap3A_1011, %swap3A_1012, %swap3A_1013], %swap3A_1016 {add = true, strides = array<i32>} : memref<8x4x4x768xf32, #tpu.memory_space<vmem>>, vector<1x1x1x16xf32>,
        %swap3A_1017 = arith.constant 6 : i32
        %swap3A_1018 = arith.constant 3 : i32
        %swap3A_1019 = arith.constant 3 : i32
        %swap3A_1020 = arith.index_cast %swap3A_1017 : i32 to index
        %swap3A_1021 = arith.index_cast %swap3A_1018 : i32 to index
        %swap3A_1022 = arith.index_cast %swap3A_1019 : i32 to index
        %swap3A_1023 = arith.index_cast %mul3A_840 : i32 to index
        %swap3A_1024 = tpu.vector_load %arg5[%swap3A_1020, %swap3A_1021, %swap3A_1022, %swap3A_1023] {strides = array<i32>} : memref<8x4x4x768xf32, #tpu.memory_space<vmem>>, vector<1x1x1x16xf32>,
        %swap3A_1025 = vector.shape_cast %swap3A_1024 : vector<1x1x1x16xf32> to vector<16xf32>
        %swap3A_1026 = vector.shape_cast %get3A_986 : vector<16xf32> to vector<1x1x1x16xf32>
        tpu.vector_store %arg5[%swap3A_1020, %swap3A_1021, %swap3A_1022, %swap3A_1023], %swap3A_1026 {add = true, strides = array<i32>} : memref<8x4x4x768xf32, #tpu.memory_space<vmem>>, vector<1x1x1x16xf32>,
      }
      %scan3A_722 = arith.constant 48 : i32
      %mul3A_723 = arith.constant 4 : i32
      %mul3A_724 = arith.muli %add3A_683, %mul3A_723 : i32
      %add3A_725 = arith.addi %mul3A_2, %mul3A_724 : i32
      %dma_start3A_726 = arith.constant 6 : i32
      %dma_start3A_727 = arith.constant 0 : i32
      %dma_start3A_728 = arith.constant 0 : i32
      %dma_start3A_729 = arith.constant 0 : i32
      %dma_start3A_730 = tpu.memref_slice %arg5[%dma_start3A_726, %dma_start3A_727, %dma_start3A_728, %dma_start3A_729] : memref<8x4x4x768xf32, #tpu.memory_space<vmem>> -> memref<1x4x4x768xf32, #tpu.memory_space<vmem>>
      %dma_start3A_731 = tpu.memref_squeeze %dma_start3A_730 : memref<1x4x4x768xf32, #tpu.memory_space<vmem>> -> memref<4x4x768xf32, #tpu.memory_space<vmem>>
      %dma_start3A_732 = arith.constant 0 : i32
      %dma_start3A_733 = arith.constant 0 : i32
      %dma_start3A_734 = tpu.memref_slice %arg4[%add3A_725, %dma_start3A_732, %dma_start3A_733] : memref<8192x4x768xf32, #tpu.memory_space<hbm>> -> memref<4x4x768xf32, #tpu.memory_space<hbm>>
      %dma_start3A_735 = arith.constant 0 : i32
      %dma_start3A_736 = arith.constant 0 : i32
      %dma_start3A_737 = tpu.memref_slice %arg4[%add3A_725, %dma_start3A_735, %dma_start3A_736] : memref<8192x4x768xf32, #tpu.memory_space<hbm>> -> memref<4x4x768xf32, #tpu.memory_space<hbm>>
      %dma_start3A_738 = arith.constant 0 : i32
      %dma_start3A_739 = arith.constant 0 : i32
      %dma_start3A_740 = arith.constant 0 : i32
      %dma_start3A_741 = tpu.memref_slice %arg5[%dma_start3A_726, %dma_start3A_738, %dma_start3A_739, %dma_start3A_740] : memref<8x4x4x768xf32, #tpu.memory_space<vmem>> -> memref<1x4x4x768xf32, #tpu.memory_space<vmem>>
      %dma_start3A_742 = tpu.memref_squeeze %dma_start3A_741 : memref<1x4x4x768xf32, #tpu.memory_space<vmem>> -> memref<4x4x768xf32, #tpu.memory_space<vmem>>
      tpu.enqueue_dma source(%dma_start3A_742 : memref<4x4x768xf32, #tpu.memory_space<vmem>>) target(%dma_start3A_737 : memref<4x4x768xf32, #tpu.memory_space<hbm>>) target_semaphore(%arg29 : memref<!tpu.dma_semaphore, #tpu.memory_space<semaphore_mem>>)
      %add3A_743 = arith.constant 4 : i32
      %add3A_744 = arith.addi %add3A_683, %add3A_743 : i32
      %sub3A_745 = arith.constant 8 : i32
      %sub3A_746 = arith.subi %add3A_744, %sub3A_745 : i32
      %ge3A_747 = arith.constant 0 : i32
      %ge3A_748 = arith.cmpi sge, %sub3A_746, %ge3A_747 : i32
      %convert_element_type3A_749 = arith.extui %ge3A_748 : i1 to i32
      %cond3A_750 = arith.constant 0 : i32
      %cond3A_751 = arith.cmpi ne, %convert_element_type3A_749, %cond3A_750 : i32
      scf.if %cond3A_751 {
        %add3A_838 = arith.constant 4 : i32
        %add3A_839 = arith.addi %add3A_683, %add3A_838 : i32
        %sub3A_840 = arith.constant 8 : i32
        %sub3A_841 = arith.subi %add3A_839, %sub3A_840 : i32
        %mul3A_842 = arith.constant 4 : i32
        %mul3A_843 = arith.muli %sub3A_841, %mul3A_842 : i32
        %add3A_844 = arith.addi %mul3A_2, %mul3A_843 : i32
        %dma_wait3A_845 = arith.constant 2 : i32
        %dma_wait3A_846 = arith.constant 0 : i32
        %dma_wait3A_847 = arith.constant 0 : i32
        %dma_wait3A_848 = arith.constant 0 : i32
        %dma_wait3A_849 = tpu.memref_slice %arg5[%dma_wait3A_845, %dma_wait3A_846, %dma_wait3A_847, %dma_wait3A_848] : memref<8x4x4x768xf32, #tpu.memory_space<vmem>> -> memref<1x4x4x768xf32, #tpu.memory_space<vmem>>
        %dma_wait3A_850 = tpu.memref_squeeze %dma_wait3A_849 : memref<1x4x4x768xf32, #tpu.memory_space<vmem>> -> memref<4x4x768xf32, #tpu.memory_space<vmem>>
        %dma_wait3A_851 = arith.constant 0 : i32
        %dma_wait3A_852 = arith.constant 0 : i32
        %dma_wait3A_853 = tpu.memref_slice %arg4[%add3A_844, %dma_wait3A_851, %dma_wait3A_852] : memref<8192x4x768xf32, #tpu.memory_space<hbm>> -> memref<4x4x768xf32, #tpu.memory_space<hbm>>
        %dma_wait3A_854 = arith.constant 0 : i32
        %dma_wait3A_855 = arith.constant 0 : i32
        %dma_wait3A_856 = tpu.memref_slice %arg4[%add3A_844, %dma_wait3A_854, %dma_wait3A_855] : memref<8192x4x768xf32, #tpu.memory_space<hbm>> -> memref<4x4x768xf32, #tpu.memory_space<hbm>>
        %dma_wait3A_857 = arith.constant 0 : i32
        %dma_wait3A_858 = arith.constant 0 : i32
        %dma_wait3A_859 = arith.constant 0 : i32
        %dma_wait3A_860 = tpu.memref_slice %arg5[%dma_wait3A_845, %dma_wait3A_857, %dma_wait3A_858, %dma_wait3A_859] : memref<8x4x4x768xf32, #tpu.memory_space<vmem>> -> memref<1x4x4x768xf32, #tpu.memory_space<vmem>>
        %dma_wait3A_861 = tpu.memref_squeeze %dma_wait3A_860 : memref<1x4x4x768xf32, #tpu.memory_space<vmem>> -> memref<4x4x768xf32, #tpu.memory_space<vmem>>
        tpu.wait_dma2 semaphore(%arg25 : memref<!tpu.dma_semaphore, #tpu.memory_space<semaphore_mem>>) src(%dma_wait3A_861 : memref<4x4x768xf32, #tpu.memory_space<vmem>>) dst(%dma_wait3A_856 : memref<4x4x768xf32, #tpu.memory_space<hbm>>)
      } else {
      }
      %add3A_752 = arith.constant 4 : i32
      %add3A_753 = arith.addi %add3A_683, %add3A_752 : i32
      %lt3A_754 = arith.constant 64 : i32
      %lt3A_755 = arith.cmpi slt, %add3A_753, %lt3A_754 : i32
      %convert_element_type3A_756 = arith.extui %lt3A_755 : i1 to i32
      %cond3A_757 = arith.constant 0 : i32
      %cond3A_758 = arith.cmpi ne, %convert_element_type3A_756, %cond3A_757 : i32
      scf.if %cond3A_758 {
        %add3A_838 = arith.constant 4 : i32
        %add3A_839 = arith.addi %add3A_683, %add3A_838 : i32
        %mul3A_840 = arith.constant 4 : i32
        %mul3A_841 = arith.muli %add3A_839, %mul3A_840 : i32
        %add3A_842 = arith.addi %mul3A_2, %mul3A_841 : i32
        %dma_start3A_843 = arith.constant 2 : i32
        %dma_start3A_844 = arith.constant 0 : i32
        %dma_start3A_845 = arith.constant 0 : i32
        %dma_start3A_846 = arith.constant 0 : i32
        %dma_start3A_847 = tpu.memref_slice %arg5[%dma_start3A_843, %dma_start3A_844, %dma_start3A_845, %dma_start3A_846] : memref<8x4x4x768xf32, #tpu.memory_space<vmem>> -> memref<1x4x4x768xf32, #tpu.memory_space<vmem>>
        %dma_start3A_848 = tpu.memref_squeeze %dma_start3A_847 : memref<1x4x4x768xf32, #tpu.memory_space<vmem>> -> memref<4x4x768xf32, #tpu.memory_space<vmem>>
        %dma_start3A_849 = arith.constant 0 : i32
        %dma_start3A_850 = arith.constant 0 : i32
        %dma_start3A_851 = tpu.memref_slice %arg2[%add3A_842, %dma_start3A_849, %dma_start3A_850] : memref<8192x4x768xf32, #tpu.memory_space<hbm>> -> memref<4x4x768xf32, #tpu.memory_space<hbm>>
        %dma_start3A_852 = arith.constant 0 : i32
        %dma_start3A_853 = arith.constant 0 : i32
        %dma_start3A_854 = arith.constant 0 : i32
        %dma_start3A_855 = tpu.memref_slice %arg5[%dma_start3A_843, %dma_start3A_852, %dma_start3A_853, %dma_start3A_854] : memref<8x4x4x768xf32, #tpu.memory_space<vmem>> -> memref<1x4x4x768xf32, #tpu.memory_space<vmem>>
        %dma_start3A_856 = tpu.memref_squeeze %dma_start3A_855 : memref<1x4x4x768xf32, #tpu.memory_space<vmem>> -> memref<4x4x768xf32, #tpu.memory_space<vmem>>
        %dma_start3A_857 = arith.constant 0 : i32
        %dma_start3A_858 = arith.constant 0 : i32
        %dma_start3A_859 = tpu.memref_slice %arg2[%add3A_842, %dma_start3A_857, %dma_start3A_858] : memref<8192x4x768xf32, #tpu.memory_space<hbm>> -> memref<4x4x768xf32, #tpu.memory_space<hbm>>
        tpu.enqueue_dma source(%dma_start3A_859 : memref<4x4x768xf32, #tpu.memory_space<hbm>>) target(%dma_start3A_856 : memref<4x4x768xf32, #tpu.memory_space<vmem>>) target_semaphore(%arg9 : memref<!tpu.dma_semaphore, #tpu.memory_space<semaphore_mem>>)
        %dma_start3A_860 = arith.constant 2 : i32
        %dma_start3A_861 = arith.constant 0 : i32
        %dma_start3A_862 = arith.constant 0 : i32
        %dma_start3A_863 = tpu.memref_slice %arg6[%dma_start3A_860, %dma_start3A_861, %dma_start3A_862] : memref<8x4x768xf32, #tpu.memory_space<vmem>> -> memref<1x4x768xf32, #tpu.memory_space<vmem>>
        %dma_start3A_864 = tpu.memref_squeeze %dma_start3A_863 : memref<1x4x768xf32, #tpu.memory_space<vmem>> -> memref<4x768xf32, #tpu.memory_space<vmem>>
        %dma_start3A_865 = arith.constant 0 : i32
        %dma_start3A_866 = tpu.memref_slice %arg3[%add3A_842, %dma_start3A_865] : memref<8192x768xf32, #tpu.memory_space<hbm>> -> memref<4x768xf32, #tpu.memory_space<hbm>>
        %dma_start3A_867 = arith.constant 0 : i32
        %dma_start3A_868 = arith.constant 0 : i32
        %dma_start3A_869 = tpu.memref_slice %arg6[%dma_start3A_860, %dma_start3A_867, %dma_start3A_868] : memref<8x4x768xf32, #tpu.memory_space<vmem>> -> memref<1x4x768xf32, #tpu.memory_space<vmem>>
        %dma_start3A_870 = tpu.memref_squeeze %dma_start3A_869 : memref<1x4x768xf32, #tpu.memory_space<vmem>> -> memref<4x768xf32, #tpu.memory_space<vmem>>
        %dma_start3A_871 = arith.constant 0 : i32
        %dma_start3A_872 = tpu.memref_slice %arg3[%add3A_842, %dma_start3A_871] : memref<8192x768xf32, #tpu.memory_space<hbm>> -> memref<4x768xf32, #tpu.memory_space<hbm>>
        tpu.enqueue_dma source(%dma_start3A_872 : memref<4x768xf32, #tpu.memory_space<hbm>>) target(%dma_start3A_870 : memref<4x768xf32, #tpu.memory_space<vmem>>) target_semaphore(%arg17 : memref<!tpu.dma_semaphore, #tpu.memory_space<semaphore_mem>>)
      } else {
      }
      %mul3A_759 = arith.constant 8 : i32
      %mul3A_760 = arith.muli %scan3A_210, %mul3A_759 : i32
      %add3A_761 = arith.constant 7 : i32
      %add3A_762 = arith.addi %mul3A_760, %add3A_761 : i32
      %mul3A_763 = arith.constant 4 : i32
      %mul3A_764 = arith.muli %add3A_762, %mul3A_763 : i32
      %add3A_765 = arith.addi %mul3A_2, %mul3A_764 : i32
      %dma_wait3A_766 = arith.constant 7 : i32
      %dma_wait3A_767 = arith.constant 0 : i32
      %dma_wait3A_768 = arith.constant 0 : i32
      %dma_wait3A_769 = arith.constant 0 : i32
      %dma_wait3A_770 = tpu.memref_slice %arg5[%dma_wait3A_766, %dma_wait3A_767, %dma_wait3A_768, %dma_wait3A_769] : memref<8x4x4x768xf32, #tpu.memory_space<vmem>> -> memref<1x4x4x768xf32, #tpu.memory_space<vmem>>
      %dma_wait3A_771 = tpu.memref_squeeze %dma_wait3A_770 : memref<1x4x4x768xf32, #tpu.memory_space<vmem>> -> memref<4x4x768xf32, #tpu.memory_space<vmem>>
      %dma_wait3A_772 = arith.constant 0 : i32
      %dma_wait3A_773 = arith.constant 0 : i32
      %dma_wait3A_774 = tpu.memref_slice %arg2[%add3A_765, %dma_wait3A_772, %dma_wait3A_773] : memref<8192x4x768xf32, #tpu.memory_space<hbm>> -> memref<4x4x768xf32, #tpu.memory_space<hbm>>
      %dma_wait3A_775 = arith.constant 0 : i32
      %dma_wait3A_776 = arith.constant 0 : i32
      %dma_wait3A_777 = arith.constant 0 : i32
      %dma_wait3A_778 = tpu.memref_slice %arg5[%dma_wait3A_766, %dma_wait3A_775, %dma_wait3A_776, %dma_wait3A_777] : memref<8x4x4x768xf32, #tpu.memory_space<vmem>> -> memref<1x4x4x768xf32, #tpu.memory_space<vmem>>
      %dma_wait3A_779 = tpu.memref_squeeze %dma_wait3A_778 : memref<1x4x4x768xf32, #tpu.memory_space<vmem>> -> memref<4x4x768xf32, #tpu.memory_space<vmem>>
      %dma_wait3A_780 = arith.constant 0 : i32
      %dma_wait3A_781 = arith.constant 0 : i32
      %dma_wait3A_782 = tpu.memref_slice %arg2[%add3A_765, %dma_wait3A_780, %dma_wait3A_781] : memref<8192x4x768xf32, #tpu.memory_space<hbm>> -> memref<4x4x768xf32, #tpu.memory_space<hbm>>
      tpu.wait_dma2 semaphore(%arg14 : memref<!tpu.dma_semaphore, #tpu.memory_space<semaphore_mem>>) src(%dma_wait3A_782 : memref<4x4x768xf32, #tpu.memory_space<hbm>>) dst(%dma_wait3A_779 : memref<4x4x768xf32, #tpu.memory_space<vmem>>)
      %dma_wait3A_783 = arith.constant 7 : i32
      %dma_wait3A_784 = arith.constant 0 : i32
      %dma_wait3A_785 = arith.constant 0 : i32
      %dma_wait3A_786 = tpu.memref_slice %arg6[%dma_wait3A_783, %dma_wait3A_784, %dma_wait3A_785] : memref<8x4x768xf32, #tpu.memory_space<vmem>> -> memref<1x4x768xf32, #tpu.memory_space<vmem>>
      %dma_wait3A_787 = tpu.memref_squeeze %dma_wait3A_786 : memref<1x4x768xf32, #tpu.memory_space<vmem>> -> memref<4x768xf32, #tpu.memory_space<vmem>>
      %dma_wait3A_788 = arith.constant 0 : i32
      %dma_wait3A_789 = tpu.memref_slice %arg3[%add3A_765, %dma_wait3A_788] : memref<8192x768xf32, #tpu.memory_space<hbm>> -> memref<4x768xf32, #tpu.memory_space<hbm>>
      %dma_wait3A_790 = arith.constant 0 : i32
      %dma_wait3A_791 = arith.constant 0 : i32
      %dma_wait3A_792 = tpu.memref_slice %arg6[%dma_wait3A_783, %dma_wait3A_790, %dma_wait3A_791] : memref<8x4x768xf32, #tpu.memory_space<vmem>> -> memref<1x4x768xf32, #tpu.memory_space<vmem>>
      %dma_wait3A_793 = tpu.memref_squeeze %dma_wait3A_792 : memref<1x4x768xf32, #tpu.memory_space<vmem>> -> memref<4x768xf32, #tpu.memory_space<vmem>>
      %dma_wait3A_794 = arith.constant 0 : i32
      %dma_wait3A_795 = tpu.memref_slice %arg3[%add3A_765, %dma_wait3A_794] : memref<8192x768xf32, #tpu.memory_space<hbm>> -> memref<4x768xf32, #tpu.memory_space<hbm>>
      tpu.wait_dma2 semaphore(%arg22 : memref<!tpu.dma_semaphore, #tpu.memory_space<semaphore_mem>>) src(%dma_wait3A_795 : memref<4x768xf32, #tpu.memory_space<hbm>>) dst(%dma_wait3A_793 : memref<4x768xf32, #tpu.memory_space<vmem>>)
      %scan3A_796 = arith.constant 0 : i32
      %scan3A_797 = arith.constant 0 : i32
      %scan3A_798 = arith.constant 48 : i32
      %scan3A_799 = arith.addi %scan3A_797, %scan3A_798 : i32
      %scan3A_800 = arith.constant 1 : i32
      scf.for %scan3A_838 = %scan3A_797 to %scan3A_799 step %scan3A_800  : i32 {
        %mul3A_839 = arith.constant 16 : i32
        %mul3A_840 = arith.muli %scan3A_838, %mul3A_839 : i32
        %get3A = arith.constant 7 : i32
        %get3A_841 = arith.constant 0 : i32
        %get3A_842 = arith.index_cast %get3A : i32 to index
        %get3A_843 = arith.index_cast %get3A_841 : i32 to index
        %get3A_844 = arith.index_cast %mul3A_840 : i32 to index
        %get3A_845 = tpu.vector_load %arg6[%get3A_842, %get3A_843, %get3A_844] {strides = array<i32>} : memref<8x4x768xf32, #tpu.memory_space<vmem>>, vector<1x1x16xf32>,
        %get3A_846 = vector.shape_cast %get3A_845 : vector<1x1x16xf32> to vector<16xf32>
        %swap3A = arith.constant 7 : i32
        %swap3A_847 = arith.constant 0 : i32
        %swap3A_848 = arith.constant 0 : i32
        %swap3A_849 = arith.index_cast %swap3A : i32 to index
        %swap3A_850 = arith.index_cast %swap3A_847 : i32 to index
        %swap3A_851 = arith.index_cast %swap3A_848 : i32 to index
        %swap3A_852 = arith.index_cast %mul3A_840 : i32 to index
        %swap3A_853 = tpu.vector_load %arg5[%swap3A_849, %swap3A_850, %swap3A_851, %swap3A_852] {strides = array<i32>} : memref<8x4x4x768xf32, #tpu.memory_space<vmem>>, vector<1x1x1x16xf32>,
        %swap3A_854 = vector.shape_cast %swap3A_853 : vector<1x1x1x16xf32> to vector<16xf32>
        %swap3A_855 = vector.shape_cast %get3A_846 : vector<16xf32> to vector<1x1x1x16xf32>
        tpu.vector_store %arg5[%swap3A_849, %swap3A_850, %swap3A_851, %swap3A_852], %swap3A_855 {add = true, strides = array<i32>} : memref<8x4x4x768xf32, #tpu.memory_space<vmem>>, vector<1x1x1x16xf32>,
        %swap3A_856 = arith.constant 7 : i32
        %swap3A_857 = arith.constant 0 : i32
        %swap3A_858 = arith.constant 1 : i32
        %swap3A_859 = arith.index_cast %swap3A_856 : i32 to index
        %swap3A_860 = arith.index_cast %swap3A_857 : i32 to index
        %swap3A_861 = arith.index_cast %swap3A_858 : i32 to index
        %swap3A_862 = arith.index_cast %mul3A_840 : i32 to index
        %swap3A_863 = tpu.vector_load %arg5[%swap3A_859, %swap3A_860, %swap3A_861, %swap3A_862] {strides = array<i32>} : memref<8x4x4x768xf32, #tpu.memory_space<vmem>>, vector<1x1x1x16xf32>,
        %swap3A_864 = vector.shape_cast %swap3A_863 : vector<1x1x1x16xf32> to vector<16xf32>
        %swap3A_865 = vector.shape_cast %get3A_846 : vector<16xf32> to vector<1x1x1x16xf32>
        tpu.vector_store %arg5[%swap3A_859, %swap3A_860, %swap3A_861, %swap3A_862], %swap3A_865 {add = true, strides = array<i32>} : memref<8x4x4x768xf32, #tpu.memory_space<vmem>>, vector<1x1x1x16xf32>,
        %swap3A_866 = arith.constant 7 : i32
        %swap3A_867 = arith.constant 0 : i32
        %swap3A_868 = arith.constant 2 : i32
        %swap3A_869 = arith.index_cast %swap3A_866 : i32 to index
        %swap3A_870 = arith.index_cast %swap3A_867 : i32 to index
        %swap3A_871 = arith.index_cast %swap3A_868 : i32 to index
        %swap3A_872 = arith.index_cast %mul3A_840 : i32 to index
        %swap3A_873 = tpu.vector_load %arg5[%swap3A_869, %swap3A_870, %swap3A_871, %swap3A_872] {strides = array<i32>} : memref<8x4x4x768xf32, #tpu.memory_space<vmem>>, vector<1x1x1x16xf32>,
        %swap3A_874 = vector.shape_cast %swap3A_873 : vector<1x1x1x16xf32> to vector<16xf32>
        %swap3A_875 = vector.shape_cast %get3A_846 : vector<16xf32> to vector<1x1x1x16xf32>
        tpu.vector_store %arg5[%swap3A_869, %swap3A_870, %swap3A_871, %swap3A_872], %swap3A_875 {add = true, strides = array<i32>} : memref<8x4x4x768xf32, #tpu.memory_space<vmem>>, vector<1x1x1x16xf32>,
        %swap3A_876 = arith.constant 7 : i32
        %swap3A_877 = arith.constant 0 : i32
        %swap3A_878 = arith.constant 3 : i32
        %swap3A_879 = arith.index_cast %swap3A_876 : i32 to index
        %swap3A_880 = arith.index_cast %swap3A_877 : i32 to index
        %swap3A_881 = arith.index_cast %swap3A_878 : i32 to index
        %swap3A_882 = arith.index_cast %mul3A_840 : i32 to index
        %swap3A_883 = tpu.vector_load %arg5[%swap3A_879, %swap3A_880, %swap3A_881, %swap3A_882] {strides = array<i32>} : memref<8x4x4x768xf32, #tpu.memory_space<vmem>>, vector<1x1x1x16xf32>,
        %swap3A_884 = vector.shape_cast %swap3A_883 : vector<1x1x1x16xf32> to vector<16xf32>
        %swap3A_885 = vector.shape_cast %get3A_846 : vector<16xf32> to vector<1x1x1x16xf32>
        tpu.vector_store %arg5[%swap3A_879, %swap3A_880, %swap3A_881, %swap3A_882], %swap3A_885 {add = true, strides = array<i32>} : memref<8x4x4x768xf32, #tpu.memory_space<vmem>>, vector<1x1x1x16xf32>,
        %get3A_886 = arith.constant 7 : i32
        %get3A_887 = arith.constant 1 : i32
        %get3A_888 = arith.index_cast %get3A_886 : i32 to index
        %get3A_889 = arith.index_cast %get3A_887 : i32 to index
        %get3A_890 = arith.index_cast %mul3A_840 : i32 to index
        %get3A_891 = tpu.vector_load %arg6[%get3A_888, %get3A_889, %get3A_890] {strides = array<i32>} : memref<8x4x768xf32, #tpu.memory_space<vmem>>, vector<1x1x16xf32>,
        %get3A_892 = vector.shape_cast %get3A_891 : vector<1x1x16xf32> to vector<16xf32>
        %swap3A_893 = arith.constant 7 : i32
        %swap3A_894 = arith.constant 1 : i32
        %swap3A_895 = arith.constant 0 : i32
        %swap3A_896 = arith.index_cast %swap3A_893 : i32 to index
        %swap3A_897 = arith.index_cast %swap3A_894 : i32 to index
        %swap3A_898 = arith.index_cast %swap3A_895 : i32 to index
        %swap3A_899 = arith.index_cast %mul3A_840 : i32 to index
        %swap3A_900 = tpu.vector_load %arg5[%swap3A_896, %swap3A_897, %swap3A_898, %swap3A_899] {strides = array<i32>} : memref<8x4x4x768xf32, #tpu.memory_space<vmem>>, vector<1x1x1x16xf32>,
        %swap3A_901 = vector.shape_cast %swap3A_900 : vector<1x1x1x16xf32> to vector<16xf32>
        %swap3A_902 = vector.shape_cast %get3A_892 : vector<16xf32> to vector<1x1x1x16xf32>
        tpu.vector_store %arg5[%swap3A_896, %swap3A_897, %swap3A_898, %swap3A_899], %swap3A_902 {add = true, strides = array<i32>} : memref<8x4x4x768xf32, #tpu.memory_space<vmem>>, vector<1x1x1x16xf32>,
        %swap3A_903 = arith.constant 7 : i32
        %swap3A_904 = arith.constant 1 : i32
        %swap3A_905 = arith.constant 1 : i32
        %swap3A_906 = arith.index_cast %swap3A_903 : i32 to index
        %swap3A_907 = arith.index_cast %swap3A_904 : i32 to index
        %swap3A_908 = arith.index_cast %swap3A_905 : i32 to index
        %swap3A_909 = arith.index_cast %mul3A_840 : i32 to index
        %swap3A_910 = tpu.vector_load %arg5[%swap3A_906, %swap3A_907, %swap3A_908, %swap3A_909] {strides = array<i32>} : memref<8x4x4x768xf32, #tpu.memory_space<vmem>>, vector<1x1x1x16xf32>,
        %swap3A_911 = vector.shape_cast %swap3A_910 : vector<1x1x1x16xf32> to vector<16xf32>
        %swap3A_912 = vector.shape_cast %get3A_892 : vector<16xf32> to vector<1x1x1x16xf32>
        tpu.vector_store %arg5[%swap3A_906, %swap3A_907, %swap3A_908, %swap3A_909], %swap3A_912 {add = true, strides = array<i32>} : memref<8x4x4x768xf32, #tpu.memory_space<vmem>>, vector<1x1x1x16xf32>,
        %swap3A_913 = arith.constant 7 : i32
        %swap3A_914 = arith.constant 1 : i32
        %swap3A_915 = arith.constant 2 : i32
        %swap3A_916 = arith.index_cast %swap3A_913 : i32 to index
        %swap3A_917 = arith.index_cast %swap3A_914 : i32 to index
        %swap3A_918 = arith.index_cast %swap3A_915 : i32 to index
        %swap3A_919 = arith.index_cast %mul3A_840 : i32 to index
        %swap3A_920 = tpu.vector_load %arg5[%swap3A_916, %swap3A_917, %swap3A_918, %swap3A_919] {strides = array<i32>} : memref<8x4x4x768xf32, #tpu.memory_space<vmem>>, vector<1x1x1x16xf32>,
        %swap3A_921 = vector.shape_cast %swap3A_920 : vector<1x1x1x16xf32> to vector<16xf32>
        %swap3A_922 = vector.shape_cast %get3A_892 : vector<16xf32> to vector<1x1x1x16xf32>
        tpu.vector_store %arg5[%swap3A_916, %swap3A_917, %swap3A_918, %swap3A_919], %swap3A_922 {add = true, strides = array<i32>} : memref<8x4x4x768xf32, #tpu.memory_space<vmem>>, vector<1x1x1x16xf32>,
        %swap3A_923 = arith.constant 7 : i32
        %swap3A_924 = arith.constant 1 : i32
        %swap3A_925 = arith.constant 3 : i32
        %swap3A_926 = arith.index_cast %swap3A_923 : i32 to index
        %swap3A_927 = arith.index_cast %swap3A_924 : i32 to index
        %swap3A_928 = arith.index_cast %swap3A_925 : i32 to index
        %swap3A_929 = arith.index_cast %mul3A_840 : i32 to index
        %swap3A_930 = tpu.vector_load %arg5[%swap3A_926, %swap3A_927, %swap3A_928, %swap3A_929] {strides = array<i32>} : memref<8x4x4x768xf32, #tpu.memory_space<vmem>>, vector<1x1x1x16xf32>,
        %swap3A_931 = vector.shape_cast %swap3A_930 : vector<1x1x1x16xf32> to vector<16xf32>
        %swap3A_932 = vector.shape_cast %get3A_892 : vector<16xf32> to vector<1x1x1x16xf32>
        tpu.vector_store %arg5[%swap3A_926, %swap3A_927, %swap3A_928, %swap3A_929], %swap3A_932 {add = true, strides = array<i32>} : memref<8x4x4x768xf32, #tpu.memory_space<vmem>>, vector<1x1x1x16xf32>,
        %get3A_933 = arith.constant 7 : i32
        %get3A_934 = arith.constant 2 : i32
        %get3A_935 = arith.index_cast %get3A_933 : i32 to index
        %get3A_936 = arith.index_cast %get3A_934 : i32 to index
        %get3A_937 = arith.index_cast %mul3A_840 : i32 to index
        %get3A_938 = tpu.vector_load %arg6[%get3A_935, %get3A_936, %get3A_937] {strides = array<i32>} : memref<8x4x768xf32, #tpu.memory_space<vmem>>, vector<1x1x16xf32>,
        %get3A_939 = vector.shape_cast %get3A_938 : vector<1x1x16xf32> to vector<16xf32>
        %swap3A_940 = arith.constant 7 : i32
        %swap3A_941 = arith.constant 2 : i32
        %swap3A_942 = arith.constant 0 : i32
        %swap3A_943 = arith.index_cast %swap3A_940 : i32 to index
        %swap3A_944 = arith.index_cast %swap3A_941 : i32 to index
        %swap3A_945 = arith.index_cast %swap3A_942 : i32 to index
        %swap3A_946 = arith.index_cast %mul3A_840 : i32 to index
        %swap3A_947 = tpu.vector_load %arg5[%swap3A_943, %swap3A_944, %swap3A_945, %swap3A_946] {strides = array<i32>} : memref<8x4x4x768xf32, #tpu.memory_space<vmem>>, vector<1x1x1x16xf32>,
        %swap3A_948 = vector.shape_cast %swap3A_947 : vector<1x1x1x16xf32> to vector<16xf32>
        %swap3A_949 = vector.shape_cast %get3A_939 : vector<16xf32> to vector<1x1x1x16xf32>
        tpu.vector_store %arg5[%swap3A_943, %swap3A_944, %swap3A_945, %swap3A_946], %swap3A_949 {add = true, strides = array<i32>} : memref<8x4x4x768xf32, #tpu.memory_space<vmem>>, vector<1x1x1x16xf32>,
        %swap3A_950 = arith.constant 7 : i32
        %swap3A_951 = arith.constant 2 : i32
        %swap3A_952 = arith.constant 1 : i32
        %swap3A_953 = arith.index_cast %swap3A_950 : i32 to index
        %swap3A_954 = arith.index_cast %swap3A_951 : i32 to index
        %swap3A_955 = arith.index_cast %swap3A_952 : i32 to index
        %swap3A_956 = arith.index_cast %mul3A_840 : i32 to index
        %swap3A_957 = tpu.vector_load %arg5[%swap3A_953, %swap3A_954, %swap3A_955, %swap3A_956] {strides = array<i32>} : memref<8x4x4x768xf32, #tpu.memory_space<vmem>>, vector<1x1x1x16xf32>,
        %swap3A_958 = vector.shape_cast %swap3A_957 : vector<1x1x1x16xf32> to vector<16xf32>
        %swap3A_959 = vector.shape_cast %get3A_939 : vector<16xf32> to vector<1x1x1x16xf32>
        tpu.vector_store %arg5[%swap3A_953, %swap3A_954, %swap3A_955, %swap3A_956], %swap3A_959 {add = true, strides = array<i32>} : memref<8x4x4x768xf32, #tpu.memory_space<vmem>>, vector<1x1x1x16xf32>,
        %swap3A_960 = arith.constant 7 : i32
        %swap3A_961 = arith.constant 2 : i32
        %swap3A_962 = arith.constant 2 : i32
        %swap3A_963 = arith.index_cast %swap3A_960 : i32 to index
        %swap3A_964 = arith.index_cast %swap3A_961 : i32 to index
        %swap3A_965 = arith.index_cast %swap3A_962 : i32 to index
        %swap3A_966 = arith.index_cast %mul3A_840 : i32 to index
        %swap3A_967 = tpu.vector_load %arg5[%swap3A_963, %swap3A_964, %swap3A_965, %swap3A_966] {strides = array<i32>} : memref<8x4x4x768xf32, #tpu.memory_space<vmem>>, vector<1x1x1x16xf32>,
        %swap3A_968 = vector.shape_cast %swap3A_967 : vector<1x1x1x16xf32> to vector<16xf32>
        %swap3A_969 = vector.shape_cast %get3A_939 : vector<16xf32> to vector<1x1x1x16xf32>
        tpu.vector_store %arg5[%swap3A_963, %swap3A_964, %swap3A_965, %swap3A_966], %swap3A_969 {add = true, strides = array<i32>} : memref<8x4x4x768xf32, #tpu.memory_space<vmem>>, vector<1x1x1x16xf32>,
        %swap3A_970 = arith.constant 7 : i32
        %swap3A_971 = arith.constant 2 : i32
        %swap3A_972 = arith.constant 3 : i32
        %swap3A_973 = arith.index_cast %swap3A_970 : i32 to index
        %swap3A_974 = arith.index_cast %swap3A_971 : i32 to index
        %swap3A_975 = arith.index_cast %swap3A_972 : i32 to index
        %swap3A_976 = arith.index_cast %mul3A_840 : i32 to index
        %swap3A_977 = tpu.vector_load %arg5[%swap3A_973, %swap3A_974, %swap3A_975, %swap3A_976] {strides = array<i32>} : memref<8x4x4x768xf32, #tpu.memory_space<vmem>>, vector<1x1x1x16xf32>,
        %swap3A_978 = vector.shape_cast %swap3A_977 : vector<1x1x1x16xf32> to vector<16xf32>
        %swap3A_979 = vector.shape_cast %get3A_939 : vector<16xf32> to vector<1x1x1x16xf32>
        tpu.vector_store %arg5[%swap3A_973, %swap3A_974, %swap3A_975, %swap3A_976], %swap3A_979 {add = true, strides = array<i32>} : memref<8x4x4x768xf32, #tpu.memory_space<vmem>>, vector<1x1x1x16xf32>,
        %get3A_980 = arith.constant 7 : i32
        %get3A_981 = arith.constant 3 : i32
        %get3A_982 = arith.index_cast %get3A_980 : i32 to index
        %get3A_983 = arith.index_cast %get3A_981 : i32 to index
        %get3A_984 = arith.index_cast %mul3A_840 : i32 to index
        %get3A_985 = tpu.vector_load %arg6[%get3A_982, %get3A_983, %get3A_984] {strides = array<i32>} : memref<8x4x768xf32, #tpu.memory_space<vmem>>, vector<1x1x16xf32>,
        %get3A_986 = vector.shape_cast %get3A_985 : vector<1x1x16xf32> to vector<16xf32>
        %swap3A_987 = arith.constant 7 : i32
        %swap3A_988 = arith.constant 3 : i32
        %swap3A_989 = arith.constant 0 : i32
        %swap3A_990 = arith.index_cast %swap3A_987 : i32 to index
        %swap3A_991 = arith.index_cast %swap3A_988 : i32 to index
        %swap3A_992 = arith.index_cast %swap3A_989 : i32 to index
        %swap3A_993 = arith.index_cast %mul3A_840 : i32 to index
        %swap3A_994 = tpu.vector_load %arg5[%swap3A_990, %swap3A_991, %swap3A_992, %swap3A_993] {strides = array<i32>} : memref<8x4x4x768xf32, #tpu.memory_space<vmem>>, vector<1x1x1x16xf32>,
        %swap3A_995 = vector.shape_cast %swap3A_994 : vector<1x1x1x16xf32> to vector<16xf32>
        %swap3A_996 = vector.shape_cast %get3A_986 : vector<16xf32> to vector<1x1x1x16xf32>
        tpu.vector_store %arg5[%swap3A_990, %swap3A_991, %swap3A_992, %swap3A_993], %swap3A_996 {add = true, strides = array<i32>} : memref<8x4x4x768xf32, #tpu.memory_space<vmem>>, vector<1x1x1x16xf32>,
        %swap3A_997 = arith.constant 7 : i32
        %swap3A_998 = arith.constant 3 : i32
        %swap3A_999 = arith.constant 1 : i32
        %swap3A_1000 = arith.index_cast %swap3A_997 : i32 to index
        %swap3A_1001 = arith.index_cast %swap3A_998 : i32 to index
        %swap3A_1002 = arith.index_cast %swap3A_999 : i32 to index
        %swap3A_1003 = arith.index_cast %mul3A_840 : i32 to index
        %swap3A_1004 = tpu.vector_load %arg5[%swap3A_1000, %swap3A_1001, %swap3A_1002, %swap3A_1003] {strides = array<i32>} : memref<8x4x4x768xf32, #tpu.memory_space<vmem>>, vector<1x1x1x16xf32>,
        %swap3A_1005 = vector.shape_cast %swap3A_1004 : vector<1x1x1x16xf32> to vector<16xf32>
        %swap3A_1006 = vector.shape_cast %get3A_986 : vector<16xf32> to vector<1x1x1x16xf32>
        tpu.vector_store %arg5[%swap3A_1000, %swap3A_1001, %swap3A_1002, %swap3A_1003], %swap3A_1006 {add = true, strides = array<i32>} : memref<8x4x4x768xf32, #tpu.memory_space<vmem>>, vector<1x1x1x16xf32>,
        %swap3A_1007 = arith.constant 7 : i32
        %swap3A_1008 = arith.constant 3 : i32
        %swap3A_1009 = arith.constant 2 : i32
        %swap3A_1010 = arith.index_cast %swap3A_1007 : i32 to index
        %swap3A_1011 = arith.index_cast %swap3A_1008 : i32 to index
        %swap3A_1012 = arith.index_cast %swap3A_1009 : i32 to index
        %swap3A_1013 = arith.index_cast %mul3A_840 : i32 to index
        %swap3A_1014 = tpu.vector_load %arg5[%swap3A_1010, %swap3A_1011, %swap3A_1012, %swap3A_1013] {strides = array<i32>} : memref<8x4x4x768xf32, #tpu.memory_space<vmem>>, vector<1x1x1x16xf32>,
        %swap3A_1015 = vector.shape_cast %swap3A_1014 : vector<1x1x1x16xf32> to vector<16xf32>
        %swap3A_1016 = vector.shape_cast %get3A_986 : vector<16xf32> to vector<1x1x1x16xf32>
        tpu.vector_store %arg5[%swap3A_1010, %swap3A_1011, %swap3A_1012, %swap3A_1013], %swap3A_1016 {add = true, strides = array<i32>} : memref<8x4x4x768xf32, #tpu.memory_space<vmem>>, vector<1x1x1x16xf32>,
        %swap3A_1017 = arith.constant 7 : i32
        %swap3A_1018 = arith.constant 3 : i32
        %swap3A_1019 = arith.constant 3 : i32
        %swap3A_1020 = arith.index_cast %swap3A_1017 : i32 to index
        %swap3A_1021 = arith.index_cast %swap3A_1018 : i32 to index
        %swap3A_1022 = arith.index_cast %swap3A_1019 : i32 to index
        %swap3A_1023 = arith.index_cast %mul3A_840 : i32 to index
        %swap3A_1024 = tpu.vector_load %arg5[%swap3A_1020, %swap3A_1021, %swap3A_1022, %swap3A_1023] {strides = array<i32>} : memref<8x4x4x768xf32, #tpu.memory_space<vmem>>, vector<1x1x1x16xf32>,
        %swap3A_1025 = vector.shape_cast %swap3A_1024 : vector<1x1x1x16xf32> to vector<16xf32>
        %swap3A_1026 = vector.shape_cast %get3A_986 : vector<16xf32> to vector<1x1x1x16xf32>
        tpu.vector_store %arg5[%swap3A_1020, %swap3A_1021, %swap3A_1022, %swap3A_1023], %swap3A_1026 {add = true, strides = array<i32>} : memref<8x4x4x768xf32, #tpu.memory_space<vmem>>, vector<1x1x1x16xf32>,
      }
      %scan3A_801 = arith.constant 48 : i32
      %mul3A_802 = arith.constant 4 : i32
      %mul3A_803 = arith.muli %add3A_762, %mul3A_802 : i32
      %add3A_804 = arith.addi %mul3A_2, %mul3A_803 : i32
      %dma_start3A_805 = arith.constant 7 : i32
      %dma_start3A_806 = arith.constant 0 : i32
      %dma_start3A_807 = arith.constant 0 : i32
      %dma_start3A_808 = arith.constant 0 : i32
      %dma_start3A_809 = tpu.memref_slice %arg5[%dma_start3A_805, %dma_start3A_806, %dma_start3A_807, %dma_start3A_808] : memref<8x4x4x768xf32, #tpu.memory_space<vmem>> -> memref<1x4x4x768xf32, #tpu.memory_space<vmem>>
      %dma_start3A_810 = tpu.memref_squeeze %dma_start3A_809 : memref<1x4x4x768xf32, #tpu.memory_space<vmem>> -> memref<4x4x768xf32, #tpu.memory_space<vmem>>
      %dma_start3A_811 = arith.constant 0 : i32
      %dma_start3A_812 = arith.constant 0 : i32
      %dma_start3A_813 = tpu.memref_slice %arg4[%add3A_804, %dma_start3A_811, %dma_start3A_812] : memref<8192x4x768xf32, #tpu.memory_space<hbm>> -> memref<4x4x768xf32, #tpu.memory_space<hbm>>
      %dma_start3A_814 = arith.constant 0 : i32
      %dma_start3A_815 = arith.constant 0 : i32
      %dma_start3A_816 = tpu.memref_slice %arg4[%add3A_804, %dma_start3A_814, %dma_start3A_815] : memref<8192x4x768xf32, #tpu.memory_space<hbm>> -> memref<4x4x768xf32, #tpu.memory_space<hbm>>
      %dma_start3A_817 = arith.constant 0 : i32
      %dma_start3A_818 = arith.constant 0 : i32
      %dma_start3A_819 = arith.constant 0 : i32
      %dma_start3A_820 = tpu.memref_slice %arg5[%dma_start3A_805, %dma_start3A_817, %dma_start3A_818, %dma_start3A_819] : memref<8x4x4x768xf32, #tpu.memory_space<vmem>> -> memref<1x4x4x768xf32, #tpu.memory_space<vmem>>
      %dma_start3A_821 = tpu.memref_squeeze %dma_start3A_820 : memref<1x4x4x768xf32, #tpu.memory_space<vmem>> -> memref<4x4x768xf32, #tpu.memory_space<vmem>>
      tpu.enqueue_dma source(%dma_start3A_821 : memref<4x4x768xf32, #tpu.memory_space<vmem>>) target(%dma_start3A_816 : memref<4x4x768xf32, #tpu.memory_space<hbm>>) target_semaphore(%arg30 : memref<!tpu.dma_semaphore, #tpu.memory_space<semaphore_mem>>)
      %add3A_822 = arith.constant 4 : i32
      %add3A_823 = arith.addi %add3A_762, %add3A_822 : i32
      %sub3A_824 = arith.constant 8 : i32
      %sub3A_825 = arith.subi %add3A_823, %sub3A_824 : i32
      %ge3A_826 = arith.constant 0 : i32
      %ge3A_827 = arith.cmpi sge, %sub3A_825, %ge3A_826 : i32
      %convert_element_type3A_828 = arith.extui %ge3A_827 : i1 to i32
      %cond3A_829 = arith.constant 0 : i32
      %cond3A_830 = arith.cmpi ne, %convert_element_type3A_828, %cond3A_829 : i32
      scf.if %cond3A_830 {
        %add3A_838 = arith.constant 4 : i32
        %add3A_839 = arith.addi %add3A_762, %add3A_838 : i32
        %sub3A_840 = arith.constant 8 : i32
        %sub3A_841 = arith.subi %add3A_839, %sub3A_840 : i32
        %mul3A_842 = arith.constant 4 : i32
        %mul3A_843 = arith.muli %sub3A_841, %mul3A_842 : i32
        %add3A_844 = arith.addi %mul3A_2, %mul3A_843 : i32
        %dma_wait3A_845 = arith.constant 3 : i32
        %dma_wait3A_846 = arith.constant 0 : i32
        %dma_wait3A_847 = arith.constant 0 : i32
        %dma_wait3A_848 = arith.constant 0 : i32
        %dma_wait3A_849 = tpu.memref_slice %arg5[%dma_wait3A_845, %dma_wait3A_846, %dma_wait3A_847, %dma_wait3A_848] : memref<8x4x4x768xf32, #tpu.memory_space<vmem>> -> memref<1x4x4x768xf32, #tpu.memory_space<vmem>>
        %dma_wait3A_850 = tpu.memref_squeeze %dma_wait3A_849 : memref<1x4x4x768xf32, #tpu.memory_space<vmem>> -> memref<4x4x768xf32, #tpu.memory_space<vmem>>
        %dma_wait3A_851 = arith.constant 0 : i32
        %dma_wait3A_852 = arith.constant 0 : i32
        %dma_wait3A_853 = tpu.memref_slice %arg4[%add3A_844, %dma_wait3A_851, %dma_wait3A_852] : memref<8192x4x768xf32, #tpu.memory_space<hbm>> -> memref<4x4x768xf32, #tpu.memory_space<hbm>>
        %dma_wait3A_854 = arith.constant 0 : i32
        %dma_wait3A_855 = arith.constant 0 : i32
        %dma_wait3A_856 = tpu.memref_slice %arg4[%add3A_844, %dma_wait3A_854, %dma_wait3A_855] : memref<8192x4x768xf32, #tpu.memory_space<hbm>> -> memref<4x4x768xf32, #tpu.memory_space<hbm>>
        %dma_wait3A_857 = arith.constant 0 : i32
        %dma_wait3A_858 = arith.constant 0 : i32
        %dma_wait3A_859 = arith.constant 0 : i32
        %dma_wait3A_860 = tpu.memref_slice %arg5[%dma_wait3A_845, %dma_wait3A_857, %dma_wait3A_858, %dma_wait3A_859] : memref<8x4x4x768xf32, #tpu.memory_space<vmem>> -> memref<1x4x4x768xf32, #tpu.memory_space<vmem>>
        %dma_wait3A_861 = tpu.memref_squeeze %dma_wait3A_860 : memref<1x4x4x768xf32, #tpu.memory_space<vmem>> -> memref<4x4x768xf32, #tpu.memory_space<vmem>>
        tpu.wait_dma2 semaphore(%arg26 : memref<!tpu.dma_semaphore, #tpu.memory_space<semaphore_mem>>) src(%dma_wait3A_861 : memref<4x4x768xf32, #tpu.memory_space<vmem>>) dst(%dma_wait3A_856 : memref<4x4x768xf32, #tpu.memory_space<hbm>>)
      } else {
      }
      %add3A_831 = arith.constant 4 : i32
      %add3A_832 = arith.addi %add3A_762, %add3A_831 : i32
      %lt3A_833 = arith.constant 64 : i32
      %lt3A_834 = arith.cmpi slt, %add3A_832, %lt3A_833 : i32
      %convert_element_type3A_835 = arith.extui %lt3A_834 : i1 to i32
      %cond3A_836 = arith.constant 0 : i32
      %cond3A_837 = arith.cmpi ne, %convert_element_type3A_835, %cond3A_836 : i32
      scf.if %cond3A_837 {
        %add3A_838 = arith.constant 4 : i32
        %add3A_839 = arith.addi %add3A_762, %add3A_838 : i32
        %mul3A_840 = arith.constant 4 : i32
        %mul3A_841 = arith.muli %add3A_839, %mul3A_840 : i32
        %add3A_842 = arith.addi %mul3A_2, %mul3A_841 : i32
        %dma_start3A_843 = arith.constant 3 : i32
        %dma_start3A_844 = arith.constant 0 : i32
        %dma_start3A_845 = arith.constant 0 : i32
        %dma_start3A_846 = arith.constant 0 : i32
        %dma_start3A_847 = tpu.memref_slice %arg5[%dma_start3A_843, %dma_start3A_844, %dma_start3A_845, %dma_start3A_846] : memref<8x4x4x768xf32, #tpu.memory_space<vmem>> -> memref<1x4x4x768xf32, #tpu.memory_space<vmem>>
        %dma_start3A_848 = tpu.memref_squeeze %dma_start3A_847 : memref<1x4x4x768xf32, #tpu.memory_space<vmem>> -> memref<4x4x768xf32, #tpu.memory_space<vmem>>
        %dma_start3A_849 = arith.constant 0 : i32
        %dma_start3A_850 = arith.constant 0 : i32
        %dma_start3A_851 = tpu.memref_slice %arg2[%add3A_842, %dma_start3A_849, %dma_start3A_850] : memref<8192x4x768xf32, #tpu.memory_space<hbm>> -> memref<4x4x768xf32, #tpu.memory_space<hbm>>
        %dma_start3A_852 = arith.constant 0 : i32
        %dma_start3A_853 = arith.constant 0 : i32
        %dma_start3A_854 = arith.constant 0 : i32
        %dma_start3A_855 = tpu.memref_slice %arg5[%dma_start3A_843, %dma_start3A_852, %dma_start3A_853, %dma_start3A_854] : memref<8x4x4x768xf32, #tpu.memory_space<vmem>> -> memref<1x4x4x768xf32, #tpu.memory_space<vmem>>
        %dma_start3A_856 = tpu.memref_squeeze %dma_start3A_855 : memref<1x4x4x768xf32, #tpu.memory_space<vmem>> -> memref<4x4x768xf32, #tpu.memory_space<vmem>>
        %dma_start3A_857 = arith.constant 0 : i32
        %dma_start3A_858 = arith.constant 0 : i32
        %dma_start3A_859 = tpu.memref_slice %arg2[%add3A_842, %dma_start3A_857, %dma_start3A_858] : memref<8192x4x768xf32, #tpu.memory_space<hbm>> -> memref<4x4x768xf32, #tpu.memory_space<hbm>>
        tpu.enqueue_dma source(%dma_start3A_859 : memref<4x4x768xf32, #tpu.memory_space<hbm>>) target(%dma_start3A_856 : memref<4x4x768xf32, #tpu.memory_space<vmem>>) target_semaphore(%arg10 : memref<!tpu.dma_semaphore, #tpu.memory_space<semaphore_mem>>)
        %dma_start3A_860 = arith.constant 3 : i32
        %dma_start3A_861 = arith.constant 0 : i32
        %dma_start3A_862 = arith.constant 0 : i32
        %dma_start3A_863 = tpu.memref_slice %arg6[%dma_start3A_860, %dma_start3A_861, %dma_start3A_862] : memref<8x4x768xf32, #tpu.memory_space<vmem>> -> memref<1x4x768xf32, #tpu.memory_space<vmem>>
        %dma_start3A_864 = tpu.memref_squeeze %dma_start3A_863 : memref<1x4x768xf32, #tpu.memory_space<vmem>> -> memref<4x768xf32, #tpu.memory_space<vmem>>
        %dma_start3A_865 = arith.constant 0 : i32
        %dma_start3A_866 = tpu.memref_slice %arg3[%add3A_842, %dma_start3A_865] : memref<8192x768xf32, #tpu.memory_space<hbm>> -> memref<4x768xf32, #tpu.memory_space<hbm>>
        %dma_start3A_867 = arith.constant 0 : i32
        %dma_start3A_868 = arith.constant 0 : i32
        %dma_start3A_869 = tpu.memref_slice %arg6[%dma_start3A_860, %dma_start3A_867, %dma_start3A_868] : memref<8x4x768xf32, #tpu.memory_space<vmem>> -> memref<1x4x768xf32, #tpu.memory_space<vmem>>
        %dma_start3A_870 = tpu.memref_squeeze %dma_start3A_869 : memref<1x4x768xf32, #tpu.memory_space<vmem>> -> memref<4x768xf32, #tpu.memory_space<vmem>>
        %dma_start3A_871 = arith.constant 0 : i32
        %dma_start3A_872 = tpu.memref_slice %arg3[%add3A_842, %dma_start3A_871] : memref<8192x768xf32, #tpu.memory_space<hbm>> -> memref<4x768xf32, #tpu.memory_space<hbm>>
        tpu.enqueue_dma source(%dma_start3A_872 : memref<4x768xf32, #tpu.memory_space<hbm>>) target(%dma_start3A_870 : memref<4x768xf32, #tpu.memory_space<vmem>>) target_semaphore(%arg18 : memref<!tpu.dma_semaphore, #tpu.memory_space<semaphore_mem>>)
      } else {
      }
    }
    %scan3A_134 = arith.constant 8 : i32
    %add3A_135 = arith.constant 240 : i32
    %add3A_136 = arith.addi %mul3A_2, %add3A_135 : i32
    %dma_wait3A = arith.constant 4 : i32
    %dma_wait3A_137 = arith.constant 0 : i32
    %dma_wait3A_138 = arith.constant 0 : i32
    %dma_wait3A_139 = arith.constant 0 : i32
    %dma_wait3A_140 = tpu.memref_slice %arg5[%dma_wait3A, %dma_wait3A_137, %dma_wait3A_138, %dma_wait3A_139] : memref<8x4x4x768xf32, #tpu.memory_space<vmem>> -> memref<1x4x4x768xf32, #tpu.memory_space<vmem>>
    %dma_wait3A_141 = tpu.memref_squeeze %dma_wait3A_140 : memref<1x4x4x768xf32, #tpu.memory_space<vmem>> -> memref<4x4x768xf32, #tpu.memory_space<vmem>>
    %dma_wait3A_142 = arith.constant 0 : i32
    %dma_wait3A_143 = arith.constant 0 : i32
    %dma_wait3A_144 = tpu.memref_slice %arg4[%add3A_136, %dma_wait3A_142, %dma_wait3A_143] : memref<8192x4x768xf32, #tpu.memory_space<hbm>> -> memref<4x4x768xf32, #tpu.memory_space<hbm>>
    %dma_wait3A_145 = arith.constant 0 : i32
    %dma_wait3A_146 = arith.constant 0 : i32
    %dma_wait3A_147 = tpu.memref_slice %arg4[%add3A_136, %dma_wait3A_145, %dma_wait3A_146] : memref<8192x4x768xf32, #tpu.memory_space<hbm>> -> memref<4x4x768xf32, #tpu.memory_space<hbm>>
    %dma_wait3A_148 = arith.constant 0 : i32
    %dma_wait3A_149 = arith.constant 0 : i32
    %dma_wait3A_150 = arith.constant 0 : i32
    %dma_wait3A_151 = tpu.memref_slice %arg5[%dma_wait3A, %dma_wait3A_148, %dma_wait3A_149, %dma_wait3A_150] : memref<8x4x4x768xf32, #tpu.memory_space<vmem>> -> memref<1x4x4x768xf32, #tpu.memory_space<vmem>>
    %dma_wait3A_152 = tpu.memref_squeeze %dma_wait3A_151 : memref<1x4x4x768xf32, #tpu.memory_space<vmem>> -> memref<4x4x768xf32, #tpu.memory_space<vmem>>
    tpu.wait_dma2 semaphore(%arg27 : memref<!tpu.dma_semaphore, #tpu.memory_space<semaphore_mem>>) src(%dma_wait3A_152 : memref<4x4x768xf32, #tpu.memory_space<vmem>>) dst(%dma_wait3A_147 : memref<4x4x768xf32, #tpu.memory_space<hbm>>)
    %add3A_153 = arith.constant 244 : i32
    %add3A_154 = arith.addi %mul3A_2, %add3A_153 : i32
    %dma_wait3A_155 = arith.constant 5 : i32
    %dma_wait3A_156 = arith.constant 0 : i32
    %dma_wait3A_157 = arith.constant 0 : i32
    %dma_wait3A_158 = arith.constant 0 : i32
    %dma_wait3A_159 = tpu.memref_slice %arg5[%dma_wait3A_155, %dma_wait3A_156, %dma_wait3A_157, %dma_wait3A_158] : memref<8x4x4x768xf32, #tpu.memory_space<vmem>> -> memref<1x4x4x768xf32, #tpu.memory_space<vmem>>
    %dma_wait3A_160 = tpu.memref_squeeze %dma_wait3A_159 : memref<1x4x4x768xf32, #tpu.memory_space<vmem>> -> memref<4x4x768xf32, #tpu.memory_space<vmem>>
    %dma_wait3A_161 = arith.constant 0 : i32
    %dma_wait3A_162 = arith.constant 0 : i32
    %dma_wait3A_163 = tpu.memref_slice %arg4[%add3A_154, %dma_wait3A_161, %dma_wait3A_162] : memref<8192x4x768xf32, #tpu.memory_space<hbm>> -> memref<4x4x768xf32, #tpu.memory_space<hbm>>
    %dma_wait3A_164 = arith.constant 0 : i32
    %dma_wait3A_165 = arith.constant 0 : i32
    %dma_wait3A_166 = tpu.memref_slice %arg4[%add3A_154, %dma_wait3A_164, %dma_wait3A_165] : memref<8192x4x768xf32, #tpu.memory_space<hbm>> -> memref<4x4x768xf32, #tpu.memory_space<hbm>>
    %dma_wait3A_167 = arith.constant 0 : i32
    %dma_wait3A_168 = arith.constant 0 : i32
    %dma_wait3A_169 = arith.constant 0 : i32
    %dma_wait3A_170 = tpu.memref_slice %arg5[%dma_wait3A_155, %dma_wait3A_167, %dma_wait3A_168, %dma_wait3A_169] : memref<8x4x4x768xf32, #tpu.memory_space<vmem>> -> memref<1x4x4x768xf32, #tpu.memory_space<vmem>>
    %dma_wait3A_171 = tpu.memref_squeeze %dma_wait3A_170 : memref<1x4x4x768xf32, #tpu.memory_space<vmem>> -> memref<4x4x768xf32, #tpu.memory_space<vmem>>
    tpu.wait_dma2 semaphore(%arg28 : memref<!tpu.dma_semaphore, #tpu.memory_space<semaphore_mem>>) src(%dma_wait3A_171 : memref<4x4x768xf32, #tpu.memory_space<vmem>>) dst(%dma_wait3A_166 : memref<4x4x768xf32, #tpu.memory_space<hbm>>)
    %add3A_172 = arith.constant 248 : i32
    %add3A_173 = arith.addi %mul3A_2, %add3A_172 : i32
    %dma_wait3A_174 = arith.constant 6 : i32
    %dma_wait3A_175 = arith.constant 0 : i32
    %dma_wait3A_176 = arith.constant 0 : i32
    %dma_wait3A_177 = arith.constant 0 : i32
    %dma_wait3A_178 = tpu.memref_slice %arg5[%dma_wait3A_174, %dma_wait3A_175, %dma_wait3A_176, %dma_wait3A_177] : memref<8x4x4x768xf32, #tpu.memory_space<vmem>> -> memref<1x4x4x768xf32, #tpu.memory_space<vmem>>
    %dma_wait3A_179 = tpu.memref_squeeze %dma_wait3A_178 : memref<1x4x4x768xf32, #tpu.memory_space<vmem>> -> memref<4x4x768xf32, #tpu.memory_space<vmem>>
    %dma_wait3A_180 = arith.constant 0 : i32
    %dma_wait3A_181 = arith.constant 0 : i32
    %dma_wait3A_182 = tpu.memref_slice %arg4[%add3A_173, %dma_wait3A_180, %dma_wait3A_181] : memref<8192x4x768xf32, #tpu.memory_space<hbm>> -> memref<4x4x768xf32, #tpu.memory_space<hbm>>
    %dma_wait3A_183 = arith.constant 0 : i32
    %dma_wait3A_184 = arith.constant 0 : i32
    %dma_wait3A_185 = tpu.memref_slice %arg4[%add3A_173, %dma_wait3A_183, %dma_wait3A_184] : memref<8192x4x768xf32, #tpu.memory_space<hbm>> -> memref<4x4x768xf32, #tpu.memory_space<hbm>>
    %dma_wait3A_186 = arith.constant 0 : i32
    %dma_wait3A_187 = arith.constant 0 : i32
    %dma_wait3A_188 = arith.constant 0 : i32
    %dma_wait3A_189 = tpu.memref_slice %arg5[%dma_wait3A_174, %dma_wait3A_186, %dma_wait3A_187, %dma_wait3A_188] : memref<8x4x4x768xf32, #tpu.memory_space<vmem>> -> memref<1x4x4x768xf32, #tpu.memory_space<vmem>>
    %dma_wait3A_190 = tpu.memref_squeeze %dma_wait3A_189 : memref<1x4x4x768xf32, #tpu.memory_space<vmem>> -> memref<4x4x768xf32, #tpu.memory_space<vmem>>
    tpu.wait_dma2 semaphore(%arg29 : memref<!tpu.dma_semaphore, #tpu.memory_space<semaphore_mem>>) src(%dma_wait3A_190 : memref<4x4x768xf32, #tpu.memory_space<vmem>>) dst(%dma_wait3A_185 : memref<4x4x768xf32, #tpu.memory_space<hbm>>)
    %add3A_191 = arith.constant 252 : i32
    %add3A_192 = arith.addi %mul3A_2, %add3A_191 : i32
    %dma_wait3A_193 = arith.constant 7 : i32
    %dma_wait3A_194 = arith.constant 0 : i32
    %dma_wait3A_195 = arith.constant 0 : i32
    %dma_wait3A_196 = arith.constant 0 : i32
    %dma_wait3A_197 = tpu.memref_slice %arg5[%dma_wait3A_193, %dma_wait3A_194, %dma_wait3A_195, %dma_wait3A_196] : memref<8x4x4x768xf32, #tpu.memory_space<vmem>> -> memref<1x4x4x768xf32, #tpu.memory_space<vmem>>
    %dma_wait3A_198 = tpu.memref_squeeze %dma_wait3A_197 : memref<1x4x4x768xf32, #tpu.memory_space<vmem>> -> memref<4x4x768xf32, #tpu.memory_space<vmem>>
    %dma_wait3A_199 = arith.constant 0 : i32
    %dma_wait3A_200 = arith.constant 0 : i32
    %dma_wait3A_201 = tpu.memref_slice %arg4[%add3A_192, %dma_wait3A_199, %dma_wait3A_200] : memref<8192x4x768xf32, #tpu.memory_space<hbm>> -> memref<4x4x768xf32, #tpu.memory_space<hbm>>
    %dma_wait3A_202 = arith.constant 0 : i32
    %dma_wait3A_203 = arith.constant 0 : i32
    %dma_wait3A_204 = tpu.memref_slice %arg4[%add3A_192, %dma_wait3A_202, %dma_wait3A_203] : memref<8192x4x768xf32, #tpu.memory_space<hbm>> -> memref<4x4x768xf32, #tpu.memory_space<hbm>>
    %dma_wait3A_205 = arith.constant 0 : i32
    %dma_wait3A_206 = arith.constant 0 : i32
    %dma_wait3A_207 = arith.constant 0 : i32
    %dma_wait3A_208 = tpu.memref_slice %arg5[%dma_wait3A_193, %dma_wait3A_205, %dma_wait3A_206, %dma_wait3A_207] : memref<8x4x4x768xf32, #tpu.memory_space<vmem>> -> memref<1x4x4x768xf32, #tpu.memory_space<vmem>>
    %dma_wait3A_209 = tpu.memref_squeeze %dma_wait3A_208 : memref<1x4x4x768xf32, #tpu.memory_space<vmem>> -> memref<4x4x768xf32, #tpu.memory_space<vmem>>
    tpu.wait_dma2 semaphore(%arg30 : memref<!tpu.dma_semaphore, #tpu.memory_space<semaphore_mem>>) src(%dma_wait3A_209 : memref<4x4x768xf32, #tpu.memory_space<vmem>>) dst(%dma_wait3A_204 : memref<4x4x768xf32, #tpu.memory_space<hbm>>)
    return
  }
}

</mosaic_0001>

<sc_bundles>
// kernel: kernel.3.cloned.1.call-start
scs
__scs_entry_jumppad:
0x0: {  	(pc) =	sbr.rel $0x88, $3  }
0x1: {  	(tag) =	ssettag $0x0;
	lr =	simm.s32 $0x1  }
0x2: {  	[smem:$0x3F9F] =	sst lr;
	_ =	strace $0xD0000000  }
0x3: {  	_ = 	snop  }
0x4: {  	_ = 	snop  }
0x5: {  	_ = 	snop  }
0x6: {  	_ = 	snop  }
0x7: {  	_ = 	snop  }
__scs_overlays_trampoline_lowered:
0x8: {  	[smem:$0x3FAE] =	sst s0  }
0x9: {  	[smem:$0x3FAF] =	sst s1  }
0xa: {  	[smem:$0x3FB0] =	sst s2  }
0xb: {  	[smem:$0x3FB1] =	sst s3  }
0xc: {  	[smem:$0x3FB2] =	sst s4  }
0xd: {  	[smem:$0x3FB3] =	sst s5  }
0xe: {  	[smem:$0x3FB4] =	sst s6  }
0xf: {  	[smem:$0x3FB5] =	sst s7  }
0x10: {  	[smem:$0x3FB6] =	sst s8  }
0x11: {  	[smem:$0x3FB7] =	sst s9;
	s0 =	simm.s32 @!p0 $0x0  }
0x12: {  	s1 =	sld [smem:$0x3F9D];
	s0 =	simm.s32 @p0 $0x1  }
0x13: {  	[smem:$0x3FB8] =	sst s0;
	s0 =	simm.s32 @!p1 $0x0  }
0x14: {  	s2 =	sld [smem:$0x3F9C];
	s0 =	simm.s32 @p1 $0x1  }
0x15: {  	[smem:$0x3FB9] =	sst s0;
	s0 =	simm.s32 @!p2 $0x0  }
0x16: {  	s3 =	sld [smem:$0x3FDB];
	s0 =	simm.s32 @p2 $0x1  }
0x17: {  	s4 =	simm.s32 $0x1BF5;
	[smem:$0x3FBB] =	sst s0  }
0x18: {  	s0 =	sld [smem:$0x3F9E];
	_ =	swait.ge [sflag:s4], $0x0  }
0x19: {  	s7 =	sld [smem:$0x3F9F]  }
0x1a: {  	s8 =	sadd.s32 $0xFFFFE003, lr  }
0x1b: {  	s9 =	sadd.s32 $0xFFFFFEF7, lr;
	s5 =	simm.s32 $0xFFFFFFFF;
	p2 =	slt.u32 s8, $0xFFFFF086  }
0x1c: {  	p1 =	slt.u32 s9, $0xF7A;
	s5 =	simm.s32 @!p2 $0x0  }
0x1d: {  	s5 =	simm.s32 @p1 $0x1;
	p0 =	seq.s32 s7, s2  }
0x1e: {  	s7 =	smul.u32 @!p0 $0xF7A, s2;
	p2 =	seq.s32 @!p0 s5, $0x0  }
0x1f: {  	s9 =	smul.u32 $0xF7A, s1;
	s8 =	simm.s32 @!p0 $0x1BF5;
	p2 =	por !p2, p0  }
0x20: {  	[sflag:s8] =	ssyncset.s32 @!p0 $0xFFFFF086;
	s6 =	sadd.s32 @!p0 s3, s7;
	s7 =	simm.s32 @!p0 $0x108  }
0x21: {  	s3 =	sadd.s32 s3, s9;
	s6 =	sadd.s32 @!p0 $0x88, s6;
	s7 =	simm.s32 @p2 $0x1082  }
0x22: {  	[simem:s7], [sflag:s8] =	dma.local @!p0 [hbm:s6], $0xF7A  }
0x23: {  	s9 =	sor.u32 $0xD0000000, s2;
	s6 =	simm.s32 $0x108;
	_ =	swait.ge @!p0 [sflag:s8], $0x0  }
0x24: {  	s3 =	sadd.s32 $0x88, s3;
	s6 =	simm.s32 @!p1 $0x1082;
	[sflag:s4] =	ssyncset.s32 $0xFFFFF086  }
0x25: {  	[simem:s6], [sflag:s4] =	dma.local [hbm:s3], $0xF7A  }
0x26: {  	[smem:$0x3F9F] =	sst s1;
	(tag) =	ssettag s2;
	_ =	strace s9  }
0x27: {  	s1 =	sld [smem:$0x3FAF]  }
0x28: {  	s2 =	sld [smem:$0x3FB0]  }
0x29: {  	s4 =	sld [smem:$0x3FB2]  }
0x2a: {  	p0 =	seq.s32 s5, $0x0;
	s5 =	sld [smem:$0x3FB3]  }
0x2b: {  	s6 =	sld [smem:$0x3FB4]  }
0x2c: {  	s7 =	sld [smem:$0x3FB5]  }
0x2d: {  	s3 =	simm.s32 $0x108;
	s8 =	sld [smem:$0x3FB6]  }
0x2e: {  	s3 =	simm.s32 @!p0 $0x1082;
	s9 =	sld [smem:$0x3FB7]  }
0x2f: {  	lr =	sadd.s32 s0, s3;
	s0 =	sld [smem:$0x3FAE]  }
0x30: {  	s3 =	sld [smem:$0x3FB1]  }
0x31: {  	[smem:$0x3FBA] =	sst s10  }
0x32: {  	s10 =	sld [smem:$0x3FB8];
	_ =	sdelay $0x3  }
0x33: {  	p0 =	seq.s32 s10, $0x1;
	s10 =	sld [smem:$0x3FBA];
	_ =	sdelay $0x3  }
0x34: {  	[smem:$0x3FBA] =	sst s10  }
0x35: {  	s10 =	sld [smem:$0x3FB9];
	_ =	sdelay $0x3  }
0x36: {  	p1 =	seq.s32 s10, $0x1;
	s10 =	sld [smem:$0x3FBA];
	_ =	sdelay $0x3  }
0x37: {  	[smem:$0x3FBA] =	sst s10  }
0x38: {  	s10 =	sld [smem:$0x3FBB]  }
0x39: {  	_ = 	snop;
	(pc) =	sbr.ind lr, $3  }
0x3a: {  	_ = 	snop  }
0x3b: {  	_ = 	snop  }
0x3c: {  	p2 =	seq.s32 s10, $0x1;
	s10 =	sld [smem:$0x3FBA]  }
0x3d: {  	_ =	shalt  }
0x3e: {  	_ =	shalt  }
0x3f: {  	_ =	shalt  }
0x40: {  	_ =	shalt  }
0x41: {  	_ =	shalt  }
0x42: {  	_ =	shalt  }
0x43: {  	_ =	shalt  }
0x44: {  	_ =	shalt  }
0x45: {  	_ =	shalt  }
0x46: {  	_ =	shalt  }
0x47: {  	_ =	shalt  }
0x48: {  	_ =	shalt  }
0x49: {  	_ =	shalt  }
0x4a: {  	_ =	shalt  }
0x4b: {  	_ =	shalt  }
0x4c: {  	_ =	shalt  }
0x4d: {  	_ =	shalt  }
0x4e: {  	_ =	shalt  }
0x4f: {  	_ =	shalt  }
0x50: {  	_ =	shalt  }
0x51: {  	_ =	shalt  }
0x52: {  	_ =	shalt  }
0x53: {  	_ =	shalt  }
0x54: {  	_ =	shalt  }
0x55: {  	_ =	shalt  }
0x56: {  	_ =	shalt  }
0x57: {  	_ =	shalt  }
0x58: {  	_ =	shalt  }
0x59: {  	_ =	shalt  }
0x5a: {  	_ =	shalt  }
0x5b: {  	_ =	shalt  }
0x5c: {  	_ =	shalt  }
0x5d: {  	_ =	shalt  }
0x5e: {  	_ =	shalt  }
0x5f: {  	_ =	shalt  }
0x60: {  	_ =	shalt  }
0x61: {  	_ =	shalt  }
0x62: {  	_ =	shalt  }
0x63: {  	_ =	shalt  }
0x64: {  	_ =	shalt  }
0x65: {  	_ =	shalt  }
0x66: {  	_ =	shalt  }
0x67: {  	_ =	shalt  }
0x68: {  	_ =	shalt  }
0x69: {  	_ =	shalt  }
0x6a: {  	_ =	shalt  }
0x6b: {  	_ =	shalt  }
0x6c: {  	_ =	shalt  }
0x6d: {  	_ =	shalt  }
0x6e: {  	_ =	shalt  }
0x6f: {  	_ =	shalt  }
0x70: {  	_ =	shalt  }
0x71: {  	_ =	shalt  }
0x72: {  	_ =	shalt  }
0x73: {  	_ =	shalt  }
0x74: {  	_ =	shalt  }
0x75: {  	_ =	shalt  }
0x76: {  	_ =	shalt  }
0x77: {  	_ =	shalt  }
0x78: {  	_ =	shalt  }
0x79: {  	_ =	shalt  }
0x7a: {  	_ =	shalt  }
0x7b: {  	_ =	shalt  }
0x7c: {  	_ =	shalt  }
0x7d: {  	_ =	shalt  }
0x7e: {  	_ =	shalt  }
0x7f: {  	_ =	shalt  }
0x80: {  	_ =	shalt  }
0x81: {  	_ =	shalt  }
0x82: {  	_ =	shalt  }
0x83: {  	_ =	shalt  }
0x84: {  	_ =	shalt  }
0x85: {  	_ =	shalt  }
0x86: {  	_ =	shalt  }
0x87: {  	_ =	shalt  }
.Lfunc_end0:
.L_simem_size_0:
called_computation_lowered:
.L_overlay_start_0:
0x88: {  	s2 =	sld [smem:$0x3FD9]  }
0x89: {  	s3 =	sld [smem:$0x3FFE];
	_ =	sdelay $0x1  }
0x8a: {  	s1 =	srdreg.scid  }
0x8b: {  	s0 =	sand.u32 $0x1, s1  }
0x8c: {  	s18 =	sshll.u32 s0, $0xA;
	s2 =	sadd.s32 s3, s2  }
0x8d: {  	s2 =	sadd.s32 s2, s18  }
0x8e: {  	[smem:$0x3FC6] =	sst s2  }
0x8f: {  	_ = 	snop  }
0x90: {  	s2 =	sld [smem:$0x3FC9]  }
0x91: {  	s19 =	sld [smem:$0x3FC8]  }
0x92: {  	s4 =	sld [smem:$0x3FD0];
	(tm) =	ssettm $0x1  }
0x93: {  	s5 =	sld [smem:$0x3FFB];
	_ =	sdelay $0x3  }
0x94: {  	_ =	strace s5  }
0x95: {  	s5 =	sld [smem:$0x3FFC];
	_ =	sdelay $0x3  }
0x96: {  	_ =	strace s5  }
0x97: {  	s5 =	sld [smem:$0x3FFD];
	_ =	sdelay $0x3  }
0x98: {  	_ =	strace s5  }
0x99: {  	_ =	strace $0x8FFFFFFF  }
0x9a: {  	s20 =	sld [smem:$0x3FDB];
	_ =	sdelay $0x1  }
0x9b: {  	s6 =	simm.s32 $_scs_section_size  }
0x9c: {  	s7 =	simm.s32 $_size__tile_overlayer_lowered;
	s8 =	simm.s32 $_tile_overlayer_lowered  }
0x9d: {  	s23 =	simm.s32 $0x1BFF;
	s22 =	sshll.u32 s8, $0x1;
	s5 =	sadd.s32 s6, s20  }
0x9e: {  	s9 =	simm.s32 $0x0;
	s21 =	sshll.u32 s7, $0x1;
	s7 =	sadd.s32 s22, s5  }
0x9f: {  	[timem:s9], [sflag:s23] =	dma.local [hbm:s7], s21  }
0xa0: {  	_ =	swait.ge [sflag:s23], s21  }
0xa1: {  	s6 =	ssub.s32 $0x0, s21;
	[sflag:s23] =	ssyncset.done $0x0  }
0xa2: {  	[sflag:s23] =	ssyncadd.s32 s6;
	_ =	sdelay $0x1  }
0xa3: {  	s24 =	simm.s32 $0x1B8B  }
0xa4: {  	_ =	swait.ge [sflag:s24], $0x1  }
0xa5: {  	[sflag:s24] =	ssyncset.done $0x0  }
0xa6: {  	s25 =	simm.s32 $0x1B8E;
	[sflag:s24] =	ssyncadd.s32 $0xFFFFFFFF  }
0xa7: {  	s26 =	simm.s32 $execute0_lowered;
	[smem:$0x3FD2] =	sst s25  }
0xa8: {  	s6 =	sshll.u32 s26, $0x1;
	_ =	strace $0x80000046;
	[dreg:$0x1] =	wrdreg $0xFFFFFFFF  }
0xa9: {  	s28 =	simm.s32 $_size_execute0_lowered;
	s5 =	sadd.s32 s5, s6;
	[dreg:$0x0] =	wrdreg $0x0  }
0xaa: {  	s6 =	sshll.u32 s28, $0x1;
	[dreg:$0x2] =	wrdreg s5  }
0xab: {  	[dreg:$0x3] =	wrdreg s6  }
0xac: {  	[dreg:$0x4] =	wrdreg $0xC0  }
0xad: {  	_ =	task [dreg:s9], $0x5FFFF  }
0xae: {  	[dreg:$0x1] =	wrdreg $0xFFFFFFFF  }
0xaf: {  	[dreg:$0x0] =	wrdreg $0x60  }
0xb0: {  	[dreg:$0x2] =	wrdreg s2  }
0xb1: {  	[dreg:$0x3] =	wrdreg s19  }
0xb2: {  	[dreg:$0x4] =	wrdreg s4  }
0xb3: {  	[dreg:$0x5] =	wrdreg $0x9  }
0xb4: {  	_ =	task.clear_ibuf [dreg:s9], $0x6FFFF;
	_ =	strace $0x90000046  }
0xb5: {  	s29 =	simm.s32 $0x9;
	_ =	strace $0x80000048  }
0xb6: {  	_ =	swait.ge [sflag:s29], $0x1  }
0xb7: {  	[sflag:s29] =	ssyncadd.s32 $0xFFFFFFFF  }
0xb8: {  	_ =	strace $0x90000048  }
0xb9: {  	_ =	sfence  }
0xba: {  	s30 =	sld [smem:$0x0];
	_ =	sdelay $0x2  }
0xbb: {  	s31 =	sshll.u32 s1, $0xD;
	s1 =	sshrl.u32 s1, $0x2  }
0xbc: {  	s3 =	sand.u32 $0x4000, s31;
	s1 =	sadd.s32 s1, s30  }
0xbd: {  	s0 =	sor.u32 s3, s0;
	s1 =	sshll.u32 s1, $0x11  }
0xbe: {  	s0 =	sor.u32 s1, s0  }
0xbf: {  	s0 =	sadd.s32 $0x8F2B, s0  }
0xc0: {  	[sflag:s0] =	ssyncadd.remote.s32 $0x1  }
0xc1: {  	_ =	sfence.sel $0xFFFF  }
0xc2: {  	[dreg:$0x0] =	wrdreg $0xFFFFFFFF;
	(pc) =	sbr.abs _section_cstart, $3  }
0xc3: {  	[dreg:$0x1] =	wrdreg $0xFFFFFFFF  }
0xc4: {  	_ =	task.clear_ibuf [dreg:s9], $0x2FFFF;
	_ =	strace $0x9FFFFFFF  }
0xc5: {  	(tm) =	ssettm $0x7FFFFFFF  }
tec
execute0_lowered:
.L_overlay_start_1:
0x0: {  	(tag) =	ssettag $0x1  }
0x1: {  	s1 =	rddreg [dreg:$0x0]  }
0x2: {  	s3 =	rddreg [dreg:$0x1]  }
0x3: {  	s4 =	rddreg [dreg:$0x2]  }
0x4: {  	s0 =	srdreg.scid;
	s2 =	stileid.u32;
	s5 =	simm.s32 $0x0  }
0x5: {  	s29 =	simm.s32 $0x5;
	s31 =	simm.s32 $0xD;
	s0 =	sand.u32 $0x1, s0  }
0x6: {  	s2 =	sshll.u32 s2, $0x9;
	[smem:$0x7FF] =	sst s5;
	s6 =	sshll.u32 s0, $0x8  }
0x7: {  	_ =	strace $0x80000047;
	s0 =	ssub.s32 $0x2, s0;
	s6 =	sor.u32 s6, s2  }
0x8: {  	s9 =	sshrl.u32 s0, $0x1;
	s2 =	smul.u32 $0x180, s6;
	s7 =	sshrl.u32 s6, $0x3  }
0x9: {  	s8 =	sor.u32 $0x8, s6;
	s0 =	ssub.s32 s0, s9;
	s21 =	sor.u32 $0x10, s6  }
0xa: {  	s15 =	sor.u32 $0xC, s6;
	s22 =	sor.u32 $0x14, s6;
	[dreg:$0xc] =	wrdreg s21  }
0xb: {  	s9 =	sadd.s32 $0x40, s3;
	s23 =	sor.u32 $0x18, s6;
	[dreg:$0xd] =	wrdreg s22  }
0xc: {  	s24 =	sor.u32 $0x1C, s6;
	s25 =	sor.u32 $0x20, s6;
	[dreg:$0xe] =	wrdreg s23  }
0xd: {  	s26 =	sor.u32 $0x24, s6;
	s28 =	sor.u32 $0x28, s6;
	[dreg:$0xf] =	wrdreg s24  }
0xe: {  	s30 =	sor.u32 $0x2C, s6;
	s7 =	smul.u32 $0x300, s7;
	[dreg:$0x10] =	wrdreg s25  }
0xf: {  	s10 =	smul.u32 $0x180, s8;
	s8 =	sshrl.u32 s8, $0x3;
	[dreg:$0x11] =	wrdreg s26  }
0x10: {  	s16 =	smul.u32 $0x180, s15;
	s11 =	sshrl.u32 s15, $0x3;
	[dreg:$0x12] =	wrdreg s28  }
0x11: {  	[dreg:$0x13] =	wrdreg s30;
	s0 =	smax.u32 s0, $0x1;
	s25 =	simm.s32 $0x200  }
0x12: {  	s26 =	simm.s32 $0x400;
	s24 =	simm.s32 $0xC000;
	s23 =	simm.s32 $0x11  }
0x13: {  	s21 =	simm.s32 $0x13;
	s12 =	sadd.s32 s1, s2;
	[dreg:$0x14] =	wrdreg s0  }
0x14: {  	s22 =	simm.s32 $0x8;
	s17 =	sadd.s32 s3, s7;
	[dreg:$0x4] =	wrdreg s12  }
0x15: {  	s8 =	smul.u32 $0x300, s8;
	s12 =	sadd.s32 $0x600, s12;
	[dreg:$0x5] =	wrdreg s17  }
0x16: {  	s11 =	smul.u32 $0x300, s11;
	s7 =	sadd.s32 s7, s9;
	[dreg:$0x6] =	wrdreg s12  }
0x17: {  	s18 =	sadd.s32 s1, s10;
	s2 =	sadd.s32 s1, s16;
	[dreg:$0x7] =	wrdreg s7  }
.Ltmp0:
0x18: {  	s16 =	simm.s32 $0x6;
	[dreg:$0x8] =	wrdreg s18;
	(pc) =	sbr.rel .LBB2_1-.Ltmp0, $4  }
0x19: {  	s10 =	simm.s32 $0x0;
	s19 =	sadd.s32 s3, s8;
	[dreg:$0xa] =	wrdreg s2  }
0x1a: {  	s20 =	sadd.s32 s11, s9;
	s17 =	simm.s32 $0xE;
	s18 =	simm.s32 $0x12  }
0x1b: {  	s2 =	simm.s32 $0x10;
	s8 =	simm.s32 $0x14;
	[dreg:$0x9] =	wrdreg s19  }
0x1c: {  	[dreg:$0xb] =	wrdreg s20;
	s19 =	simm.s32 $0x7;
	s20 =	simm.s32 $0xF  }
.LBB2_20:
0x1d: {  	s0 =	simm.s32 $0x15  }
0x1e: {  	_ =	swait.ge [sflag:s0], $0x3000  }
0x1f: {  	[sflag:s0] =	ssyncset.done $0x0  }
0x20: {  	s15 =	simm.s32 $0x16;
	[sflag:s0] =	ssyncadd.s32 $0xFFFFD000  }
0x21: {  	_ =	swait.ge [sflag:s15], $0x3000  }
0x22: {  	[sflag:s15] =	ssyncset.done $0x0  }
0x23: {  	s28 =	simm.s32 $0x17;
	[sflag:s15] =	ssyncadd.s32 $0xFFFFD000  }
0x24: {  	_ =	swait.ge [sflag:s28], $0x3000  }
0x25: {  	[sflag:s28] =	ssyncset.done $0x0  }
0x26: {  	s7 =	simm.s32 $0x18;
	[sflag:s28] =	ssyncadd.s32 $0xFFFFD000  }
0x27: {  	_ =	swait.ge [sflag:s7], $0x3000  }
0x28: {  	s10 =	rddreg [dreg:$0x15]  }
0x29: {  	s30 =	rddreg [dreg:$0x14];
	s10 =	sadd.s32 $0x1, s10  }
0x2a: {  	p0 =	sne.s32 s10, s30  }
.Ltmp1:
0x2b: {  	_ = 	snop;
	(pc) =	sbr.rel @!p0 .LBB2_21-.Ltmp1, $3  }
0x2c: {  	_ =	sdelay $0x1  }
0x2d: {  	[sflag:s7] =	ssyncset.done $0x0  }
0x2e: {  	[sflag:s7] =	ssyncadd.s32 $0xFFFFD000  }
.LBB2_1:
0x2f: {  	[dreg:$0x15] =	wrdreg s10  }
0x30: {  	s0 =	rddreg [dreg:$0x4]  }
0x31: {  	[tilespmem:s5], [sflag:$0x1] =	stream.linear.gather [hbm4b:s0+s5], $0x3000, $0x38;
	[tilespmem:$0x1E000] =	vst v63  }
0x32: {  	s13 =	rddreg [dreg:$0x5];
	s7 =	simm.s32 $0x18000  }
0x33: {  	[tilespmem:s7], [sflag:$0x9] =	stream.strided.gather [hbm4b:s13+s25], $0xC00, s26, s25, $0x38;
	[tilespmem:$0x1E000] =	vst v63  }
0x34: {  	s14 =	rddreg [dreg:$0x6];
	s15 =	simm.s32 $0x3000  }
0x35: {  	[tilespmem:s15], [sflag:$0x2] =	stream.linear.gather [hbm4b:s14+s5], $0x3000, $0x38;
	[tilespmem:$0x1E000] =	vst v63  }
0x36: {  	s28 =	rddreg [dreg:$0x7];
	s30 =	simm.s32 $0x18C00  }
0x37: {  	[tilespmem:s30], [sflag:$0xA] =	stream.strided.gather [hbm4b:s28+s25], $0xC00, s26, s25, $0x38;
	[tilespmem:$0x1E000] =	vst v63  }
0x38: {  	s10 =	rddreg [dreg:$0x8];
	s11 =	simm.s32 $0x6000  }
0x39: {  	[tilespmem:s11], [sflag:$0x3] =	stream.linear.gather [hbm4b:s10+s5], $0x3000, $0x38;
	[tilespmem:$0x1E000] =	vst v63  }
0x3a: {  	s12 =	rddreg [dreg:$0x9];
	s13 =	simm.s32 $0x19800  }
0x3b: {  	[tilespmem:s13], [sflag:$0xB] =	stream.strided.gather [hbm4b:s12+s25], $0xC00, s26, s25, $0x38;
	[tilespmem:$0x1E000] =	vst v63  }
0x3c: {  	s14 =	rddreg [dreg:$0xa];
	s15 =	simm.s32 $0x9000  }
0x3d: {  	[tilespmem:s15], [sflag:$0x4] =	stream.linear.gather [hbm4b:s14+s5], $0x3000, $0x38;
	[tilespmem:$0x1E000] =	vst v63  }
0x3e: {  	s28 =	rddreg [dreg:$0xb];
	s30 =	simm.s32 $0x1A400;
	s13 =	simm.s32 $0x0  }
0x3f: {  	[tilespmem:s30], [sflag:$0xC] =	stream.strided.gather [hbm4b:s28+s25], $0xC00, s26, s25, $0x38;
	[tilespmem:$0x1E000] =	vst v63  }
.LBB2_2:
0x40: {  	s0 =	simm.s32 $0x1  }
0x41: {  	_ =	swait.ge [sflag:s0], $0x3000  }
0x42: {  	[sflag:s0] =	ssyncset.done $0x0  }
0x43: {  	s10 =	simm.s32 $0x9;
	[sflag:s0] =	ssyncadd.s32 $0xFFFFD000  }
0x44: {  	s15 =	simm.s32 $0x0;
	_ =	swait.ge [sflag:s10], $0xC00  }
0x45: {  	s7 =	sand.u32 $0x70, s15;
	s0 =	sand.u32 $0xE00, s15;
	[sflag:s10] =	ssyncset.done $0x0  }
0x46: {  	s0 =	sor.u32 s7, s0;
	[sflag:s10] =	ssyncadd.s32 $0xFFFFF400  }
0x47: {  	v0 =	vld [tilespmem:s0+$0x18000];
	_ =	sdelay $0x4  }
0x48: {  	s7 =	sor.u32 $0x80, s0;
	[tilespmem:s0+$0x0] =	vst.add.f32.msk $0xffff, v0  }
0x49: {  	s28 =	sor.u32 $0x100, s0;
	[tilespmem:s7+$0x0] =	vst.add.f32.msk $0xffff, v0  }
0x4a: {  	s30 =	sor.u32 $0x180, s0;
	[tilespmem:s28+$0x0] =	vst.add.f32.msk $0xffff, v0  }
0x4b: {  	[tilespmem:s30+$0x0] =	vst.add.f32.msk $0xffff, v0  }
0x4c: {  	v1 =	vld [tilespmem:s0+$0x18080]  }
0x4d: {  	s10 =	simm.s32 $0x10;
	s7 =	simm.s32 $0x40;
	v0 =	vld [tilespmem:s0+$0x18100]  }
.LBB2_3:
0x4e: {  	s15 =	smov.u32 s10  }
0x4f: {  	s11 =	sand.u32 $0x70, s10;
	s12 =	sand.u32 $0xE00, s7;
	v2 =	vld [tilespmem:s0+$0x18180];
	s15 =	sadd.s32 $0x10, s10  }
0x50: {  	p0 =	sne.s32 s10, $0x2F0;
	s11 =	sor.u32 s11, s12  }
0x51: {  	v3 =	vld [tilespmem:s11+$0x18000]  }
0x52: {  	[tilespmem:s0+$0xD80] =	vst.add.f32.msk $0xffff, v1  }
0x53: {  	[tilespmem:s0+$0xD00] =	vst.add.f32.msk $0xffff, v1  }
0x54: {  	[tilespmem:s0+$0xC00] =	vst.add.f32.msk $0xffff, v1  }
0x55: {  	[tilespmem:s0+$0x1980] =	vst.add.f32.msk $0xffff, v0  }
0x56: {  	[tilespmem:s0+$0xC80] =	vst.add.f32.msk $0xffff, v1  }
0x57: {  	[tilespmem:s0+$0x2580] =	vst.add.f32.msk $0xffff, v2  }
0x58: {  	[tilespmem:s0+$0x1900] =	vst.add.f32.msk $0xffff, v0  }
0x59: {  	[tilespmem:s0+$0x2500] =	vst.add.f32.msk $0xffff, v2  }
0x5a: {  	[tilespmem:s0+$0x1880] =	vst.add.f32.msk $0xffff, v0  }
0x5b: {  	[tilespmem:s0+$0x1800] =	vst.add.f32.msk $0xffff, v0  }
0x5c: {  	[tilespmem:s0+$0x2480] =	vst.add.f32.msk $0xffff, v2  }
0x5d: {  	[tilespmem:s0+$0x2400] =	vst.add.f32.msk $0xffff, v2;
	s0 =	smov.u32 s11  }
0x5e: {  	[tilespmem:s0+$0x0] =	vst.add.f32.msk $0xffff, v3;
	s10 =	sor.u32 $0x80, s0  }
.Ltmp2:
0x5f: {  	[tilespmem:s10+$0x0] =	vst.add.f32.msk $0xffff, v3;
	s10 =	sor.u32 $0x100, s0;
	(pc) =	sbr.rel @p0 .LBB2_3-.Ltmp2, $4  }
0x60: {  	[tilespmem:s10+$0x0] =	vst.add.f32.msk $0xffff, v3;
	s10 =	sor.u32 $0x180, s0  }
0x61: {  	[tilespmem:s10+$0x0] =	vst.add.f32.msk $0xffff, v3  }
0x62: {  	v1 =	vld [tilespmem:s0+$0x18080]  }
0x63: {  	s7 =	sadd.s32 $0x40, s7;
	s10 =	smov.u32 s15;
	v0 =	vld [tilespmem:s0+$0x18100]  }
0x64: {  	_ =	sdelay $0x1  }
0x65: {  	v2 =	vld [tilespmem:s0+$0x18180]  }
0x66: {  	[tilespmem:s0+$0xD80] =	vst.add.f32.msk $0xffff, v1  }
0x67: {  	[tilespmem:s0+$0xD00] =	vst.add.f32.msk $0xffff, v1  }
0x68: {  	[tilespmem:s0+$0xC00] =	vst.add.f32.msk $0xffff, v1  }
0x69: {  	[tilespmem:s0+$0xC80] =	vst.add.f32.msk $0xffff, v1  }
0x6a: {  	[tilespmem:s0+$0x1980] =	vst.add.f32.msk $0xffff, v0  }
0x6b: {  	[tilespmem:s0+$0x1900] =	vst.add.f32.msk $0xffff, v0  }
0x6c: {  	[tilespmem:s0+$0x1880] =	vst.add.f32.msk $0xffff, v0  }
0x6d: {  	s7 =	sshll.u32 s13, $0x5;
	[tilespmem:s0+$0x1800] =	vst.add.f32.msk $0xffff, v0  }
0x6e: {  	s10 =	sadd.s32 s6, s7;
	[tilespmem:s0+$0x2580] =	vst.add.f32.msk $0xffff, v2  }
0x6f: {  	s10 =	smul.u32 $0x180, s10;
	[tilespmem:s0+$0x2500] =	vst.add.f32.msk $0xffff, v2  }
0x70: {  	p0 =	seq.s32 s13, $0x0;
	[tilespmem:s0+$0x2480] =	vst.add.f32.msk $0xffff, v2  }
0x71: {  	s11 =	sadd.s32 s4, s10;
	[tilespmem:s0+$0x2400] =	vst.add.f32.msk $0xffff, v2;
	s0 =	simm.s32 @!p0 $0x15  }
0x72: {  	[hbm4b:s11+s5] =	stream.linear.scatter [tilespmem:s5], [sflag:$0x11], $0x3000, $0x38;
	[tilespmem:$0x1E000] =	vst v63  }
0x73: {  	_ =	swait.ge @!p0 [sflag:s0], $0x3000  }
0x74: {  	s12 =	rddreg [dreg:$0xc]  }
0x75: {  	s10 =	sadd.s32 s12, s7  }
0x76: {  	[sflag:s0] =	ssyncset.done @!p0 $0x0;
	s11 =	smul.u32 $0x180, s10  }
0x77: {  	[sflag:s0] =	ssyncadd.s32 @!p0 $0xFFFFD000;
	s14 =	sshrl.u32 s10, $0x3  }
0x78: {  	s12 =	simm.s32 $0x0;
	s0 =	smul.u32 $0x300, s14;
	s15 =	sadd.s32 s1, s11  }
0x79: {  	[tilespmem:s24], [sflag:$0x5] =	stream.linear.gather [hbm4b:s15+s12], $0x3000, $0x38;
	[tilespmem:$0x1E000] =	vst v63  }
0x7a: {  	s28 =	simm.s32 $0x1B000;
	s30 =	simm.s32 $0x2;
	s0 =	sadd.s32 s3, s0  }
0x7b: {  	[tilespmem:s28], [sflag:$0xD] =	stream.strided.gather [hbm4b:s0+s25], $0xC00, s26, s25, $0x38;
	[tilespmem:$0x1E000] =	vst v63  }
0x7c: {  	_ =	swait.ge [sflag:s30], $0x3000  }
0x7d: {  	[sflag:s30] =	ssyncset.done $0x0  }
0x7e: {  	s14 =	simm.s32 $0xA;
	[sflag:s30] =	ssyncadd.s32 $0xFFFFD000  }
0x7f: {  	_ =	swait.ge [sflag:s14], $0xC00  }
0x80: {  	s10 =	sand.u32 $0x70, s12;
	s12 =	sand.u32 $0xE00, s12;
	[sflag:s14] =	ssyncset.done $0x0  }
0x81: {  	s0 =	sor.u32 s10, s12;
	[sflag:s14] =	ssyncadd.s32 $0xFFFFF400  }
0x82: {  	v0 =	vld [tilespmem:s0+$0x18C00];
	_ =	sdelay $0x3  }
0x83: {  	s10 =	sor.u32 $0x3000, s0  }
0x84: {  	s14 =	sor.u32 $0x3080, s0;
	[tilespmem:s10+$0x0] =	vst.add.f32.msk $0xffff, v0  }
0x85: {  	s15 =	sor.u32 $0x3100, s0;
	[tilespmem:s14+$0x0] =	vst.add.f32.msk $0xffff, v0  }
0x86: {  	s24 =	sor.u32 $0x3180, s0;
	[tilespmem:s15+$0x0] =	vst.add.f32.msk $0xffff, v0  }
0x87: {  	[tilespmem:s24+$0x0] =	vst.add.f32.msk $0xffff, v0  }
0x88: {  	v2 =	vld [tilespmem:s0+$0x18C80]  }
0x89: {  	s28 =	simm.s32 $0x10;
	s15 =	simm.s32 $0x40  }
0x8a: {  	s10 =	sand.u32 $0x70, s28;
	s30 =	sand.u32 $0xE00, s15;
	v3 =	vld [tilespmem:s0+$0x18D00]  }
0x8b: {  	s12 =	sor.u32 s10, s30;
	v1 =	vld [tilespmem:s0+$0x18D80]  }
0x8c: {  	v0 =	vld [tilespmem:s12+$0x18C00]  }
0x8d: {  	[tilespmem:s0+$0x3C00] =	vst.add.f32.msk $0xffff, v2  }
0x8e: {  	[tilespmem:s0+$0x3C80] =	vst.add.f32.msk $0xffff, v2  }
0x8f: {  	[tilespmem:s0+$0x3D00] =	vst.add.f32.msk $0xffff, v2  }
0x90: {  	[tilespmem:s0+$0x3D80] =	vst.add.f32.msk $0xffff, v2  }
0x91: {  	[tilespmem:s0+$0x4800] =	vst.add.f32.msk $0xffff, v3  }
0x92: {  	[tilespmem:s0+$0x4880] =	vst.add.f32.msk $0xffff, v3  }
0x93: {  	[tilespmem:s0+$0x4900] =	vst.add.f32.msk $0xffff, v3  }
0x94: {  	[tilespmem:s0+$0x4980] =	vst.add.f32.msk $0xffff, v3  }
0x95: {  	s24 =	simm.s32 $0x20;
	[tilespmem:s0+$0x5400] =	vst.add.f32.msk $0xffff, v1  }
.LBB2_5:
0x96: {  	p1 =	sne.s32 s24, $0x2F0;
	[tilespmem:s0+$0x5480] =	vst.add.f32.msk $0xffff, v1  }
0x97: {  	[tilespmem:s0+$0x5500] =	vst.add.f32.msk $0xffff, v1  }
0x98: {  	s10 =	sor.u32 $0x3000, s12;
	[tilespmem:s0+$0x5580] =	vst.add.f32.msk $0xffff, v1;
	s0 =	smov.u32 s12  }
0x99: {  	[tilespmem:s10+$0x0] =	vst.add.f32.msk $0xffff, v0;
	s10 =	sor.u32 $0x3080, s0  }
0x9a: {  	[tilespmem:s10+$0x0] =	vst.add.f32.msk $0xffff, v0;
	s10 =	sor.u32 $0x3100, s0  }
0x9b: {  	[tilespmem:s10+$0x0] =	vst.add.f32.msk $0xffff, v0;
	s10 =	sor.u32 $0x3180, s0  }
0x9c: {  	[tilespmem:s10+$0x0] =	vst.add.f32.msk $0xffff, v0  }
0x9d: {  	s15 =	sadd.s32 $0x40, s15;
	v2 =	vld [tilespmem:s0+$0x18C80]  }
0x9e: {  	s12 =	sand.u32 $0xE00, s15;
	s10 =	sand.u32 $0x70, s24;
	v3 =	vld [tilespmem:s0+$0x18D00]  }
0x9f: {  	s12 =	sor.u32 s10, s12;
	v1 =	vld [tilespmem:s0+$0x18D80]  }
0xa0: {  	v0 =	vld [tilespmem:s12+$0x18C00];
	_ =	sdelay $0x1  }
0xa1: {  	[tilespmem:s0+$0x3C00] =	vst.add.f32.msk $0xffff, v2  }
0xa2: {  	[tilespmem:s0+$0x3C80] =	vst.add.f32.msk $0xffff, v2  }
0xa3: {  	[tilespmem:s0+$0x3D00] =	vst.add.f32.msk $0xffff, v2  }
0xa4: {  	[tilespmem:s0+$0x3D80] =	vst.add.f32.msk $0xffff, v2  }
.Ltmp3:
0xa5: {  	[tilespmem:s0+$0x4800] =	vst.add.f32.msk $0xffff, v3;
	(pc) =	sbr.rel @p1 .LBB2_5-.Ltmp3, $4  }
0xa6: {  	[tilespmem:s0+$0x4880] =	vst.add.f32.msk $0xffff, v3  }
0xa7: {  	[tilespmem:s0+$0x4900] =	vst.add.f32.msk $0xffff, v3  }
0xa8: {  	[tilespmem:s0+$0x4980] =	vst.add.f32.msk $0xffff, v3  }
0xa9: {  	s24 =	sadd.s32 $0x10, s24;
	[tilespmem:s0+$0x5400] =	vst.add.f32.msk $0xffff, v1  }
0xaa: {  	[tilespmem:s0+$0x5480] =	vst.add.f32.msk $0xffff, v1  }
0xab: {  	[tilespmem:s0+$0x5500] =	vst.add.f32.msk $0xffff, v1  }
0xac: {  	s10 =	sor.u32 $0x3000, s12;
	[tilespmem:s0+$0x5580] =	vst.add.f32.msk $0xffff, v1  }
0xad: {  	s14 =	sor.u32 $0x3080, s12;
	[tilespmem:s10+$0x0] =	vst.add.f32.msk $0xffff, v0  }
0xae: {  	s15 =	sor.u32 $0x3100, s12;
	[tilespmem:s14+$0x0] =	vst.add.f32.msk $0xffff, v0  }
0xaf: {  	s24 =	sor.u32 $0x3180, s12;
	[tilespmem:s15+$0x0] =	vst.add.f32.msk $0xffff, v0  }
0xb0: {  	[tilespmem:s24+$0x0] =	vst.add.f32.msk $0xffff, v0  }
0xb1: {  	v0 =	vld [tilespmem:s12+$0x18C80];
	_ =	sdelay $0x2  }
0xb2: {  	v1 =	vld [tilespmem:s12+$0x18D00]  }
0xb3: {  	v2 =	vld [tilespmem:s12+$0x18D80]  }
0xb4: {  	[tilespmem:s12+$0x3C00] =	vst.add.f32.msk $0xffff, v0  }
0xb5: {  	[tilespmem:s12+$0x3C80] =	vst.add.f32.msk $0xffff, v0  }
0xb6: {  	[tilespmem:s12+$0x3D00] =	vst.add.f32.msk $0xffff, v0  }
0xb7: {  	[tilespmem:s12+$0x3D80] =	vst.add.f32.msk $0xffff, v0  }
0xb8: {  	[tilespmem:s12+$0x4800] =	vst.add.f32.msk $0xffff, v1  }
0xb9: {  	[tilespmem:s12+$0x4880] =	vst.add.f32.msk $0xffff, v1  }
0xba: {  	[tilespmem:s12+$0x4900] =	vst.add.f32.msk $0xffff, v1  }
0xbb: {  	s10 =	sadd.s32 s7, s6;
	[tilespmem:s12+$0x4980] =	vst.add.f32.msk $0xffff, v1  }
0xbc: {  	s0 =	smul.u32 $0x180, s10;
	[tilespmem:s12+$0x5400] =	vst.add.f32.msk $0xffff, v2  }
0xbd: {  	[tilespmem:s12+$0x5480] =	vst.add.f32.msk $0xffff, v2  }
0xbe: {  	s28 =	sadd.s32 s4, s0;
	[tilespmem:s12+$0x5500] =	vst.add.f32.msk $0xffff, v2  }
0xbf: {  	s14 =	simm.s32 $0x3000;
	s10 =	simm.s32 @!p0 $0x16;
	s0 =	sadd.s32 $0x600, s28;
	[tilespmem:s12+$0x5580] =	vst.add.f32.msk $0xffff, v2  }
0xc0: {  	[hbm4b:s0+s5] =	stream.linear.scatter [tilespmem:s14], [sflag:$0x12], $0x3000, $0x38;
	[tilespmem:$0x1E000] =	vst v63  }
0xc1: {  	_ =	swait.ge @!p0 [sflag:s10], $0x3000  }
0xc2: {  	s15 =	rddreg [dreg:$0xd]  }
0xc3: {  	s24 =	sadd.s32 s15, s7  }
0xc4: {  	[sflag:s10] =	ssyncset.done @!p0 $0x0;
	s0 =	smul.u32 $0x180, s24  }
0xc5: {  	[sflag:s10] =	ssyncadd.s32 @!p0 $0xFFFFD000;
	s15 =	simm.s32 $0x0;
	s14 =	sshrl.u32 s24, $0x3  }
0xc6: {  	s10 =	smul.u32 $0x300, s14;
	s14 =	simm.s32 $0xF000;
	s24 =	sadd.s32 s1, s0  }
0xc7: {  	[tilespmem:s14], [sflag:$0x6] =	stream.linear.gather [hbm4b:s24+s15], $0x3000, $0x38;
	[tilespmem:$0x1E000] =	vst v63  }
0xc8: {  	s10 =	sadd.s32 s10, s9;
	s14 =	simm.s32 $0x1BC00;
	s24 =	simm.s32 $0x3  }
0xc9: {  	[tilespmem:s14], [sflag:$0xE] =	stream.strided.gather [hbm4b:s10+s25], $0xC00, s26, s25, $0x38;
	[tilespmem:$0x1E000] =	vst v63  }
0xca: {  	_ =	swait.ge [sflag:s24], $0x3000  }
0xcb: {  	[sflag:s24] =	ssyncset.done $0x0  }
0xcc: {  	s10 =	simm.s32 $0xB;
	[sflag:s24] =	ssyncadd.s32 $0xFFFFD000  }
0xcd: {  	_ =	swait.ge [sflag:s10], $0xC00  }
0xce: {  	s12 =	sand.u32 $0x70, s15;
	s24 =	sand.u32 $0xE00, s15;
	[sflag:s10] =	ssyncset.done $0x0  }
0xcf: {  	s30 =	sor.u32 s12, s24;
	[sflag:s10] =	ssyncadd.s32 $0xFFFFF400  }
0xd0: {  	v0 =	vld [tilespmem:s30+$0x19800];
	_ =	sdelay $0x3  }
0xd1: {  	s10 =	sor.u32 $0x6000, s30  }
0xd2: {  	s15 =	sor.u32 $0x6080, s30;
	[tilespmem:s10+$0x0] =	vst.add.f32.msk $0xffff, v0  }
0xd3: {  	s24 =	sor.u32 $0x6100, s30;
	[tilespmem:s15+$0x0] =	vst.add.f32.msk $0xffff, v0  }
0xd4: {  	s12 =	sor.u32 $0x6180, s30;
	[tilespmem:s24+$0x0] =	vst.add.f32.msk $0xffff, v0  }
0xd5: {  	[tilespmem:s12+$0x0] =	vst.add.f32.msk $0xffff, v0  }
0xd6: {  	v2 =	vld [tilespmem:s30+$0x19880]  }
0xd7: {  	s14 =	simm.s32 $0x10;
	s15 =	simm.s32 $0x40  }
0xd8: {  	s10 =	sand.u32 $0x70, s14;
	s24 =	sand.u32 $0xE00, s15;
	v3 =	vld [tilespmem:s30+$0x19900]  }
0xd9: {  	s12 =	sor.u32 s10, s24;
	v1 =	vld [tilespmem:s30+$0x19980]  }
0xda: {  	v0 =	vld [tilespmem:s12+$0x19800]  }
0xdb: {  	[tilespmem:s30+$0x6C00] =	vst.add.f32.msk $0xffff, v2  }
0xdc: {  	[tilespmem:s30+$0x6C80] =	vst.add.f32.msk $0xffff, v2  }
0xdd: {  	[tilespmem:s30+$0x6D00] =	vst.add.f32.msk $0xffff, v2  }
0xde: {  	[tilespmem:s30+$0x6D80] =	vst.add.f32.msk $0xffff, v2  }
0xdf: {  	[tilespmem:s30+$0x7800] =	vst.add.f32.msk $0xffff, v3  }
0xe0: {  	[tilespmem:s30+$0x7880] =	vst.add.f32.msk $0xffff, v3  }
0xe1: {  	[tilespmem:s30+$0x7900] =	vst.add.f32.msk $0xffff, v3  }
0xe2: {  	[tilespmem:s30+$0x7980] =	vst.add.f32.msk $0xffff, v3  }
0xe3: {  	s24 =	simm.s32 $0x20;
	[tilespmem:s30+$0x8400] =	vst.add.f32.msk $0xffff, v1  }
.LBB2_7:
0xe4: {  	p1 =	sne.s32 s24, $0x2F0;
	[tilespmem:s30+$0x8480] =	vst.add.f32.msk $0xffff, v1  }
0xe5: {  	[tilespmem:s30+$0x8500] =	vst.add.f32.msk $0xffff, v1  }
0xe6: {  	s10 =	sor.u32 $0x6000, s12;
	[tilespmem:s30+$0x8580] =	vst.add.f32.msk $0xffff, v1;
	s30 =	smov.u32 s12  }
0xe7: {  	[tilespmem:s10+$0x0] =	vst.add.f32.msk $0xffff, v0;
	s10 =	sor.u32 $0x6080, s30  }
0xe8: {  	[tilespmem:s10+$0x0] =	vst.add.f32.msk $0xffff, v0;
	s10 =	sor.u32 $0x6100, s30  }
0xe9: {  	[tilespmem:s10+$0x0] =	vst.add.f32.msk $0xffff, v0;
	s10 =	sor.u32 $0x6180, s30  }
0xea: {  	[tilespmem:s10+$0x0] =	vst.add.f32.msk $0xffff, v0  }
0xeb: {  	s15 =	sadd.s32 $0x40, s15;
	v2 =	vld [tilespmem:s30+$0x19880]  }
0xec: {  	s12 =	sand.u32 $0xE00, s15;
	s10 =	sand.u32 $0x70, s24;
	v3 =	vld [tilespmem:s30+$0x19900]  }
0xed: {  	s12 =	sor.u32 s10, s12;
	v1 =	vld [tilespmem:s30+$0x19980]  }
0xee: {  	v0 =	vld [tilespmem:s12+$0x19800];
	_ =	sdelay $0x1  }
0xef: {  	[tilespmem:s30+$0x6C00] =	vst.add.f32.msk $0xffff, v2  }
0xf0: {  	[tilespmem:s30+$0x6C80] =	vst.add.f32.msk $0xffff, v2  }
0xf1: {  	[tilespmem:s30+$0x6D00] =	vst.add.f32.msk $0xffff, v2  }
0xf2: {  	[tilespmem:s30+$0x6D80] =	vst.add.f32.msk $0xffff, v2  }
.Ltmp4:
0xf3: {  	[tilespmem:s30+$0x7800] =	vst.add.f32.msk $0xffff, v3;
	(pc) =	sbr.rel @p1 .LBB2_7-.Ltmp4, $4  }
0xf4: {  	[tilespmem:s30+$0x7880] =	vst.add.f32.msk $0xffff, v3  }
0xf5: {  	[tilespmem:s30+$0x7900] =	vst.add.f32.msk $0xffff, v3  }
0xf6: {  	[tilespmem:s30+$0x7980] =	vst.add.f32.msk $0xffff, v3  }
0xf7: {  	s24 =	sadd.s32 $0x10, s24;
	[tilespmem:s30+$0x8400] =	vst.add.f32.msk $0xffff, v1  }
0xf8: {  	[tilespmem:s30+$0x8480] =	vst.add.f32.msk $0xffff, v1  }
0xf9: {  	[tilespmem:s30+$0x8500] =	vst.add.f32.msk $0xffff, v1  }
0xfa: {  	s10 =	sor.u32 $0x6000, s12;
	[tilespmem:s30+$0x8580] =	vst.add.f32.msk $0xffff, v1  }
0xfb: {  	s14 =	sor.u32 $0x6080, s12;
	[tilespmem:s10+$0x0] =	vst.add.f32.msk $0xffff, v0  }
0xfc: {  	s15 =	sor.u32 $0x6100, s12;
	[tilespmem:s14+$0x0] =	vst.add.f32.msk $0xffff, v0  }
0xfd: {  	s24 =	sor.u32 $0x6180, s12;
	[tilespmem:s15+$0x0] =	vst.add.f32.msk $0xffff, v0  }
0xfe: {  	[tilespmem:s24+$0x0] =	vst.add.f32.msk $0xffff, v0  }
0xff: {  	v0 =	vld [tilespmem:s12+$0x19880];
	_ =	sdelay $0x2  }
0x100: {  	v1 =	vld [tilespmem:s12+$0x19900]  }
0x101: {  	v2 =	vld [tilespmem:s12+$0x19980]  }
0x102: {  	[tilespmem:s12+$0x6C00] =	vst.add.f32.msk $0xffff, v0  }
0x103: {  	[tilespmem:s12+$0x6C80] =	vst.add.f32.msk $0xffff, v0  }
0x104: {  	[tilespmem:s12+$0x6D00] =	vst.add.f32.msk $0xffff, v0  }
0x105: {  	[tilespmem:s12+$0x6D80] =	vst.add.f32.msk $0xffff, v0  }
0x106: {  	[tilespmem:s12+$0x7800] =	vst.add.f32.msk $0xffff, v1  }
0x107: {  	[tilespmem:s12+$0x7880] =	vst.add.f32.msk $0xffff, v1  }
0x108: {  	[tilespmem:s12+$0x7900] =	vst.add.f32.msk $0xffff, v1  }
0x109: {  	[tilespmem:s12+$0x7980] =	vst.add.f32.msk $0xffff, v1  }
0x10a: {  	[tilespmem:s12+$0x8400] =	vst.add.f32.msk $0xffff, v2  }
0x10b: {  	[tilespmem:s12+$0x8480] =	vst.add.f32.msk $0xffff, v2  }
0x10c: {  	[tilespmem:s12+$0x8500] =	vst.add.f32.msk $0xffff, v2  }
0x10d: {  	s10 =	simm.s32 @!p0 $0x17;
	s14 =	sadd.s32 $0xC00, s28;
	s15 =	simm.s32 $0x6000;
	[tilespmem:s12+$0x8580] =	vst.add.f32.msk $0xffff, v2  }
0x10e: {  	[hbm4b:s14+s5] =	stream.linear.scatter [tilespmem:s15], [sflag:$0x13], $0x3000, $0x38;
	[tilespmem:$0x1E000] =	vst v63  }
0x10f: {  	_ =	swait.ge @!p0 [sflag:s10], $0x3000  }
0x110: {  	s24 =	rddreg [dreg:$0xe]  }
0x111: {  	s12 =	sadd.s32 s24, s7  }
0x112: {  	[sflag:s10] =	ssyncset.done @!p0 $0x0;
	s30 =	smul.u32 $0x180, s12  }
0x113: {  	s15 =	simm.s32 $0x0;
	[sflag:s10] =	ssyncadd.s32 @!p0 $0xFFFFD000;
	s14 =	sshrl.u32 s12, $0x3  }
0x114: {  	s10 =	smul.u32 $0x300, s14;
	s14 =	simm.s32 $0x12000;
	s24 =	sadd.s32 s1, s30  }
0x115: {  	[tilespmem:s14], [sflag:$0x7] =	stream.linear.gather [hbm4b:s24+s15], $0x3000, $0x38;
	[tilespmem:$0x1E000] =	vst v63  }
0x116: {  	s10 =	sadd.s32 s3, s10;
	s14 =	simm.s32 $0x1C800;
	s24 =	simm.s32 $0x4  }
0x117: {  	[tilespmem:s14], [sflag:$0xF] =	stream.strided.gather [hbm4b:s10+s25], $0xC00, s26, s25, $0x38;
	[tilespmem:$0x1E000] =	vst v63  }
0x118: {  	_ =	swait.ge [sflag:s24], $0x3000  }
0x119: {  	[sflag:s24] =	ssyncset.done $0x0  }
0x11a: {  	s10 =	simm.s32 $0xC;
	[sflag:s24] =	ssyncadd.s32 $0xFFFFD000  }
0x11b: {  	_ =	swait.ge [sflag:s10], $0xC00  }
0x11c: {  	s12 =	sand.u32 $0x70, s15;
	s24 =	sand.u32 $0xE00, s15;
	[sflag:s10] =	ssyncset.done $0x0  }
0x11d: {  	s12 =	sor.u32 s12, s24;
	[sflag:s10] =	ssyncadd.s32 $0xFFFFF400  }
0x11e: {  	v0 =	vld [tilespmem:s12+$0x1A400];
	_ =	sdelay $0x3  }
0x11f: {  	s10 =	sor.u32 $0x9000, s12  }
0x120: {  	s15 =	sor.u32 $0x9080, s12;
	[tilespmem:s10+$0x0] =	vst.add.f32.msk $0xffff, v0  }
0x121: {  	s24 =	sor.u32 $0x9100, s12;
	[tilespmem:s15+$0x0] =	vst.add.f32.msk $0xffff, v0  }
0x122: {  	s14 =	sor.u32 $0x9180, s12;
	[tilespmem:s24+$0x0] =	vst.add.f32.msk $0xffff, v0  }
0x123: {  	[tilespmem:s14+$0x0] =	vst.add.f32.msk $0xffff, v0  }
0x124: {  	v2 =	vld [tilespmem:s12+$0x1A480]  }
0x125: {  	s15 =	simm.s32 $0x10;
	s24 =	simm.s32 $0x40  }
0x126: {  	s10 =	sand.u32 $0x70, s15;
	s14 =	sand.u32 $0xE00, s24;
	v3 =	vld [tilespmem:s12+$0x1A500]  }
0x127: {  	s15 =	sor.u32 s10, s14;
	v1 =	vld [tilespmem:s12+$0x1A580]  }
0x128: {  	v0 =	vld [tilespmem:s15+$0x1A400]  }
0x129: {  	[tilespmem:s12+$0x9C00] =	vst.add.f32.msk $0xffff, v2  }
0x12a: {  	[tilespmem:s12+$0x9C80] =	vst.add.f32.msk $0xffff, v2  }
0x12b: {  	[tilespmem:s12+$0x9D00] =	vst.add.f32.msk $0xffff, v2  }
0x12c: {  	[tilespmem:s12+$0x9D80] =	vst.add.f32.msk $0xffff, v2  }
0x12d: {  	[tilespmem:s12+$0xA800] =	vst.add.f32.msk $0xffff, v3  }
0x12e: {  	[tilespmem:s12+$0xA880] =	vst.add.f32.msk $0xffff, v3  }
0x12f: {  	[tilespmem:s12+$0xA900] =	vst.add.f32.msk $0xffff, v3  }
0x130: {  	[tilespmem:s12+$0xA980] =	vst.add.f32.msk $0xffff, v3  }
0x131: {  	s10 =	simm.s32 $0x20;
	[tilespmem:s12+$0xB400] =	vst.add.f32.msk $0xffff, v1  }
.LBB2_9:
0x132: {  	p1 =	sne.s32 s10, $0x2F0;
	[tilespmem:s12+$0xB480] =	vst.add.f32.msk $0xffff, v1  }
0x133: {  	[tilespmem:s12+$0xB500] =	vst.add.f32.msk $0xffff, v1  }
0x134: {  	s14 =	sor.u32 $0x9000, s15;
	[tilespmem:s12+$0xB580] =	vst.add.f32.msk $0xffff, v1;
	s12 =	smov.u32 s15  }
0x135: {  	[tilespmem:s14+$0x0] =	vst.add.f32.msk $0xffff, v0;
	s14 =	sor.u32 $0x9080, s12  }
0x136: {  	[tilespmem:s14+$0x0] =	vst.add.f32.msk $0xffff, v0;
	s14 =	sor.u32 $0x9100, s12  }
0x137: {  	[tilespmem:s14+$0x0] =	vst.add.f32.msk $0xffff, v0;
	s14 =	sor.u32 $0x9180, s12  }
0x138: {  	[tilespmem:s14+$0x0] =	vst.add.f32.msk $0xffff, v0  }
0x139: {  	s24 =	sadd.s32 $0x40, s24;
	v2 =	vld [tilespmem:s12+$0x1A480]  }
0x13a: {  	s15 =	sand.u32 $0xE00, s24;
	s14 =	sand.u32 $0x70, s10;
	v3 =	vld [tilespmem:s12+$0x1A500]  }
0x13b: {  	s15 =	sor.u32 s14, s15;
	v1 =	vld [tilespmem:s12+$0x1A580]  }
0x13c: {  	v0 =	vld [tilespmem:s15+$0x1A400];
	_ =	sdelay $0x1  }
0x13d: {  	[tilespmem:s12+$0x9C00] =	vst.add.f32.msk $0xffff, v2  }
0x13e: {  	[tilespmem:s12+$0x9C80] =	vst.add.f32.msk $0xffff, v2  }
0x13f: {  	[tilespmem:s12+$0x9D00] =	vst.add.f32.msk $0xffff, v2  }
0x140: {  	[tilespmem:s12+$0x9D80] =	vst.add.f32.msk $0xffff, v2  }
.Ltmp5:
0x141: {  	[tilespmem:s12+$0xA800] =	vst.add.f32.msk $0xffff, v3;
	(pc) =	sbr.rel @p1 .LBB2_9-.Ltmp5, $4  }
0x142: {  	[tilespmem:s12+$0xA880] =	vst.add.f32.msk $0xffff, v3  }
0x143: {  	[tilespmem:s12+$0xA900] =	vst.add.f32.msk $0xffff, v3  }
0x144: {  	[tilespmem:s12+$0xA980] =	vst.add.f32.msk $0xffff, v3  }
0x145: {  	s10 =	sadd.s32 $0x10, s10;
	[tilespmem:s12+$0xB400] =	vst.add.f32.msk $0xffff, v1  }
0x146: {  	[tilespmem:s12+$0xB480] =	vst.add.f32.msk $0xffff, v1  }
0x147: {  	[tilespmem:s12+$0xB500] =	vst.add.f32.msk $0xffff, v1  }
0x148: {  	s10 =	sor.u32 $0x9000, s15;
	[tilespmem:s12+$0xB580] =	vst.add.f32.msk $0xffff, v1  }
0x149: {  	s14 =	sor.u32 $0x9080, s15;
	[tilespmem:s10+$0x0] =	vst.add.f32.msk $0xffff, v0  }
0x14a: {  	s24 =	sor.u32 $0x9100, s15;
	[tilespmem:s14+$0x0] =	vst.add.f32.msk $0xffff, v0  }
0x14b: {  	s12 =	sor.u32 $0x9180, s15;
	[tilespmem:s24+$0x0] =	vst.add.f32.msk $0xffff, v0  }
0x14c: {  	[tilespmem:s12+$0x0] =	vst.add.f32.msk $0xffff, v0  }
0x14d: {  	v0 =	vld [tilespmem:s15+$0x1A480];
	_ =	sdelay $0x2  }
0x14e: {  	v1 =	vld [tilespmem:s15+$0x1A500]  }
0x14f: {  	v2 =	vld [tilespmem:s15+$0x1A580]  }
0x150: {  	[tilespmem:s15+$0x9C00] =	vst.add.f32.msk $0xffff, v0  }
0x151: {  	[tilespmem:s15+$0x9C80] =	vst.add.f32.msk $0xffff, v0  }
0x152: {  	[tilespmem:s15+$0x9D00] =	vst.add.f32.msk $0xffff, v0  }
0x153: {  	[tilespmem:s15+$0x9D80] =	vst.add.f32.msk $0xffff, v0  }
0x154: {  	[tilespmem:s15+$0xA800] =	vst.add.f32.msk $0xffff, v1  }
0x155: {  	[tilespmem:s15+$0xA880] =	vst.add.f32.msk $0xffff, v1  }
0x156: {  	[tilespmem:s15+$0xA900] =	vst.add.f32.msk $0xffff, v1  }
0x157: {  	[tilespmem:s15+$0xA980] =	vst.add.f32.msk $0xffff, v1  }
0x158: {  	[tilespmem:s15+$0xB400] =	vst.add.f32.msk $0xffff, v2  }
0x159: {  	[tilespmem:s15+$0xB480] =	vst.add.f32.msk $0xffff, v2  }
0x15a: {  	[tilespmem:s15+$0xB500] =	vst.add.f32.msk $0xffff, v2  }
0x15b: {  	s10 =	simm.s32 @!p0 $0x18;
	s14 =	sadd.s32 $0x1200, s28;
	[tilespmem:s15+$0xB580] =	vst.add.f32.msk $0xffff, v2;
	s15 =	simm.s32 $0x9000  }
0x15c: {  	[hbm4b:s14+s5] =	stream.linear.scatter [tilespmem:s15], [sflag:$0x14], $0x3000, $0x38;
	[tilespmem:$0x1E000] =	vst v63  }
0x15d: {  	_ =	swait.ge @!p0 [sflag:s10], $0x3000  }
0x15e: {  	s24 =	rddreg [dreg:$0xf]  }
0x15f: {  	s12 =	sadd.s32 s24, s7  }
0x160: {  	[sflag:s10] =	ssyncset.done @!p0 $0x0;
	s28 =	smul.u32 $0x180, s12  }
0x161: {  	s14 =	simm.s32 $0x0;
	[sflag:s10] =	ssyncadd.s32 @!p0 $0xFFFFD000;
	s12 =	sshrl.u32 s12, $0x3  }
0x162: {  	s24 =	simm.s32 $0x15000;
	s10 =	smul.u32 $0x300, s12;
	s15 =	sadd.s32 s1, s28  }
0x163: {  	[tilespmem:s24], [sflag:$0x8] =	stream.linear.gather [hbm4b:s15+s14], $0x3000, $0x38;
	[tilespmem:$0x1E000] =	vst v63  }
0x164: {  	s10 =	sadd.s32 s10, s9;
	s24 =	simm.s32 $0x1D400  }
0x165: {  	[tilespmem:s24], [sflag:$0x10] =	stream.strided.gather [hbm4b:s10+s25], $0xC00, s26, s25, $0x38;
	[tilespmem:$0x1E000] =	vst v63  }
0x166: {  	_ =	swait.ge [sflag:s29], $0x3000  }
0x167: {  	[sflag:s29] =	ssyncset.done $0x0  }
0x168: {  	[sflag:s29] =	ssyncadd.s32 $0xFFFFD000  }
0x169: {  	_ =	swait.ge [sflag:s31], $0xC00  }
0x16a: {  	s15 =	sand.u32 $0x70, s14;
	s24 =	sand.u32 $0xE00, s14;
	[sflag:s31] =	ssyncset.done $0x0  }
0x16b: {  	s12 =	sor.u32 s15, s24;
	[sflag:s31] =	ssyncadd.s32 $0xFFFFF400  }
0x16c: {  	v0 =	vld [tilespmem:s12+$0x1B000];
	_ =	sdelay $0x3  }
0x16d: {  	s10 =	sor.u32 $0xC000, s12  }
0x16e: {  	s14 =	sor.u32 $0xC080, s12;
	[tilespmem:s10+$0x0] =	vst.add.f32.msk $0xffff, v0  }
0x16f: {  	s15 =	sor.u32 $0xC100, s12;
	[tilespmem:s14+$0x0] =	vst.add.f32.msk $0xffff, v0  }
0x170: {  	s24 =	sor.u32 $0xC180, s12;
	[tilespmem:s15+$0x0] =	vst.add.f32.msk $0xffff, v0  }
0x171: {  	[tilespmem:s24+$0x0] =	vst.add.f32.msk $0xffff, v0  }
0x172: {  	v2 =	vld [tilespmem:s12+$0x1B080]  }
0x173: {  	s14 =	simm.s32 $0x10;
	s24 =	simm.s32 $0x40  }
0x174: {  	s10 =	sand.u32 $0x70, s14;
	s15 =	sand.u32 $0xE00, s24;
	v3 =	vld [tilespmem:s12+$0x1B100]  }
0x175: {  	v1 =	vld [tilespmem:s12+$0x1B180];
	s15 =	sor.u32 s10, s15  }
0x176: {  	v0 =	vld [tilespmem:s15+$0x1B000]  }
0x177: {  	[tilespmem:s12+$0xCC00] =	vst.add.f32.msk $0xffff, v2  }
0x178: {  	[tilespmem:s12+$0xCC80] =	vst.add.f32.msk $0xffff, v2  }
0x179: {  	[tilespmem:s12+$0xCD00] =	vst.add.f32.msk $0xffff, v2  }
0x17a: {  	[tilespmem:s12+$0xCD80] =	vst.add.f32.msk $0xffff, v2  }
0x17b: {  	[tilespmem:s12+$0xD800] =	vst.add.f32.msk $0xffff, v3  }
0x17c: {  	[tilespmem:s12+$0xD880] =	vst.add.f32.msk $0xffff, v3  }
0x17d: {  	[tilespmem:s12+$0xD900] =	vst.add.f32.msk $0xffff, v3  }
0x17e: {  	[tilespmem:s12+$0xD980] =	vst.add.f32.msk $0xffff, v3  }
0x17f: {  	s10 =	simm.s32 $0x20;
	[tilespmem:s12+$0xE400] =	vst.add.f32.msk $0xffff, v1  }
.LBB2_11:
0x180: {  	p0 =	sne.s32 s10, $0x2F0;
	[tilespmem:s12+$0xE480] =	vst.add.f32.msk $0xffff, v1  }
0x181: {  	[tilespmem:s12+$0xE500] =	vst.add.f32.msk $0xffff, v1  }
0x182: {  	s14 =	sor.u32 $0xC000, s15;
	[tilespmem:s12+$0xE580] =	vst.add.f32.msk $0xffff, v1;
	s12 =	smov.u32 s15  }
0x183: {  	[tilespmem:s14+$0x0] =	vst.add.f32.msk $0xffff, v0;
	s14 =	sor.u32 $0xC080, s12  }
0x184: {  	[tilespmem:s14+$0x0] =	vst.add.f32.msk $0xffff, v0;
	s14 =	sor.u32 $0xC100, s12  }
0x185: {  	[tilespmem:s14+$0x0] =	vst.add.f32.msk $0xffff, v0;
	s14 =	sor.u32 $0xC180, s12  }
0x186: {  	[tilespmem:s14+$0x0] =	vst.add.f32.msk $0xffff, v0  }
0x187: {  	s24 =	sadd.s32 $0x40, s24;
	v2 =	vld [tilespmem:s12+$0x1B080]  }
0x188: {  	s15 =	sand.u32 $0xE00, s24;
	s14 =	sand.u32 $0x70, s10;
	v3 =	vld [tilespmem:s12+$0x1B100]  }
0x189: {  	s15 =	sor.u32 s14, s15;
	v1 =	vld [tilespmem:s12+$0x1B180]  }
0x18a: {  	v0 =	vld [tilespmem:s15+$0x1B000];
	_ =	sdelay $0x1  }
0x18b: {  	[tilespmem:s12+$0xCC00] =	vst.add.f32.msk $0xffff, v2  }
0x18c: {  	[tilespmem:s12+$0xCC80] =	vst.add.f32.msk $0xffff, v2  }
0x18d: {  	[tilespmem:s12+$0xCD00] =	vst.add.f32.msk $0xffff, v2  }
0x18e: {  	[tilespmem:s12+$0xCD80] =	vst.add.f32.msk $0xffff, v2  }
.Ltmp6:
0x18f: {  	[tilespmem:s12+$0xD800] =	vst.add.f32.msk $0xffff, v3;
	(pc) =	sbr.rel @p0 .LBB2_11-.Ltmp6, $4  }
0x190: {  	[tilespmem:s12+$0xD880] =	vst.add.f32.msk $0xffff, v3  }
0x191: {  	[tilespmem:s12+$0xD900] =	vst.add.f32.msk $0xffff, v3  }
0x192: {  	[tilespmem:s12+$0xD980] =	vst.add.f32.msk $0xffff, v3  }
0x193: {  	s10 =	sadd.s32 $0x10, s10;
	[tilespmem:s12+$0xE400] =	vst.add.f32.msk $0xffff, v1  }
0x194: {  	[tilespmem:s12+$0xE480] =	vst.add.f32.msk $0xffff, v1  }
0x195: {  	[tilespmem:s12+$0xE500] =	vst.add.f32.msk $0xffff, v1  }
0x196: {  	s10 =	sor.u32 $0xC000, s15;
	[tilespmem:s12+$0xE580] =	vst.add.f32.msk $0xffff, v1  }
0x197: {  	s12 =	sor.u32 $0xC080, s15;
	[tilespmem:s10+$0x0] =	vst.add.f32.msk $0xffff, v0  }
0x198: {  	s14 =	sor.u32 $0xC100, s15;
	[tilespmem:s12+$0x0] =	vst.add.f32.msk $0xffff, v0  }
0x199: {  	s24 =	sor.u32 $0xC180, s15;
	[tilespmem:s14+$0x0] =	vst.add.f32.msk $0xffff, v0  }
0x19a: {  	[tilespmem:s24+$0x0] =	vst.add.f32.msk $0xffff, v0  }
0x19b: {  	v0 =	vld [tilespmem:s15+$0x1B080];
	_ =	sdelay $0x2  }
0x19c: {  	v1 =	vld [tilespmem:s15+$0x1B100]  }
0x19d: {  	v2 =	vld [tilespmem:s15+$0x1B180]  }
0x19e: {  	[tilespmem:s15+$0xCC00] =	vst.add.f32.msk $0xffff, v0  }
0x19f: {  	[tilespmem:s15+$0xCC80] =	vst.add.f32.msk $0xffff, v0  }
0x1a0: {  	[tilespmem:s15+$0xCD00] =	vst.add.f32.msk $0xffff, v0  }
0x1a1: {  	[tilespmem:s15+$0xCD80] =	vst.add.f32.msk $0xffff, v0  }
0x1a2: {  	[tilespmem:s15+$0xD800] =	vst.add.f32.msk $0xffff, v1  }
0x1a3: {  	[tilespmem:s15+$0xD880] =	vst.add.f32.msk $0xffff, v1  }
0x1a4: {  	[tilespmem:s15+$0xD900] =	vst.add.f32.msk $0xffff, v1  }
0x1a5: {  	[tilespmem:s15+$0xD980] =	vst.add.f32.msk $0xffff, v1  }
0x1a6: {  	[tilespmem:s15+$0xE400] =	vst.add.f32.msk $0xffff, v2  }
0x1a7: {  	[tilespmem:s15+$0xE480] =	vst.add.f32.msk $0xffff, v2  }
0x1a8: {  	[tilespmem:s15+$0xE500] =	vst.add.f32.msk $0xffff, v2  }
0x1a9: {  	s12 =	sadd.s32 s4, s11;
	s24 =	simm.s32 $0xC000;
	[tilespmem:s15+$0xE580] =	vst.add.f32.msk $0xffff, v2  }
0x1aa: {  	[hbm4b:s12+s5] =	stream.linear.scatter [tilespmem:s24], [sflag:$0x15], $0x3000, $0x38;
	[tilespmem:$0x1E000] =	vst v63  }
0x1ab: {  	_ =	swait.ge [sflag:s23], $0x3000  }
0x1ac: {  	p0 =	seq.s32 s13, $0x7;
	s10 =	rddreg [dreg:$0x10]  }
0x1ad: {  	s10 =	sadd.s32 @!p0 s7, s10  }
0x1ae: {  	s14 =	simm.s32 @!p0 $0x18000;
	s11 =	smul.u32 @!p0 $0x180, s10  }
0x1af: {  	s12 =	simm.s32 @!p0 $0x0;
	[sflag:s23] =	ssyncset.done $0x0;
	s10 =	sshrl.u32 @!p0 s10, $0x3  }
0x1b0: {  	[sflag:s23] =	ssyncadd.s32 $0xFFFFD000;
	s10 =	smul.u32 @!p0 $0x300, s10;
	s11 =	sadd.s32 @!p0 s1, s11  }
0x1b1: {  	[tilespmem:s12], [sflag:$0x1] =	stream.linear.gather @!p0 [hbm4b:s11+s12], $0x3000, $0x38;
	[tilespmem:$0x1E000] =	vst v63  }
0x1b2: {  	s10 =	sadd.s32 @!p0 s3, s10;
	s11 =	simm.s32 @!p0 $0x200;
	s12 =	simm.s32 @!p0 $0x400  }
0x1b3: {  	[tilespmem:s14], [sflag:$0x9] =	stream.strided.gather @!p0 [hbm4b:s10+s11], $0xC00, s12, s11, $0x38;
	[tilespmem:$0x1E000] =	vst v63  }
0x1b4: {  	_ =	swait.ge [sflag:s16], $0x3000  }
0x1b5: {  	[sflag:s16] =	ssyncset.done $0x0  }
0x1b6: {  	[sflag:s16] =	ssyncadd.s32 $0xFFFFD000  }
0x1b7: {  	s14 =	simm.s32 $0x0;
	_ =	swait.ge [sflag:s17], $0xC00  }
0x1b8: {  	s15 =	sand.u32 $0x70, s14;
	s10 =	sand.u32 $0xE00, s14;
	[sflag:s17] =	ssyncset.done $0x0  }
0x1b9: {  	s11 =	sor.u32 s15, s10;
	[sflag:s17] =	ssyncadd.s32 $0xFFFFF400  }
0x1ba: {  	v0 =	vld [tilespmem:s11+$0x1BC00];
	_ =	sdelay $0x3  }
0x1bb: {  	s10 =	sor.u32 $0xF000, s11  }
0x1bc: {  	s12 =	sor.u32 $0xF080, s11;
	[tilespmem:s10+$0x0] =	vst.add.f32.msk $0xffff, v0  }
0x1bd: {  	s14 =	sor.u32 $0xF100, s11;
	[tilespmem:s12+$0x0] =	vst.add.f32.msk $0xffff, v0  }
0x1be: {  	s15 =	sor.u32 $0xF180, s11;
	[tilespmem:s14+$0x0] =	vst.add.f32.msk $0xffff, v0  }
0x1bf: {  	[tilespmem:s15+$0x0] =	vst.add.f32.msk $0xffff, v0  }
0x1c0: {  	v2 =	vld [tilespmem:s11+$0x1BC80]  }
0x1c1: {  	s12 =	simm.s32 $0x10;
	s15 =	simm.s32 $0x40  }
0x1c2: {  	s10 =	sand.u32 $0x70, s12;
	s14 =	sand.u32 $0xE00, s15;
	v3 =	vld [tilespmem:s11+$0x1BD00]  }
0x1c3: {  	v1 =	vld [tilespmem:s11+$0x1BD80];
	s12 =	sor.u32 s10, s14  }
0x1c4: {  	v0 =	vld [tilespmem:s12+$0x1BC00]  }
0x1c5: {  	[tilespmem:s11+$0xFC00] =	vst.add.f32.msk $0xffff, v2  }
0x1c6: {  	[tilespmem:s11+$0xFC80] =	vst.add.f32.msk $0xffff, v2  }
0x1c7: {  	[tilespmem:s11+$0xFD00] =	vst.add.f32.msk $0xffff, v2  }
0x1c8: {  	[tilespmem:s11+$0xFD80] =	vst.add.f32.msk $0xffff, v2  }
0x1c9: {  	[tilespmem:s11+$0x10800] =	vst.add.f32.msk $0xffff, v3  }
0x1ca: {  	[tilespmem:s11+$0x10880] =	vst.add.f32.msk $0xffff, v3  }
0x1cb: {  	[tilespmem:s11+$0x10900] =	vst.add.f32.msk $0xffff, v3  }
0x1cc: {  	[tilespmem:s11+$0x10980] =	vst.add.f32.msk $0xffff, v3  }
0x1cd: {  	s10 =	simm.s32 $0x20;
	[tilespmem:s11+$0x11400] =	vst.add.f32.msk $0xffff, v1  }
.LBB2_13:
0x1ce: {  	p1 =	sne.s32 s10, $0x2F0;
	[tilespmem:s11+$0x11480] =	vst.add.f32.msk $0xffff, v1  }
0x1cf: {  	[tilespmem:s11+$0x11500] =	vst.add.f32.msk $0xffff, v1  }
0x1d0: {  	s14 =	sor.u32 $0xF000, s12;
	[tilespmem:s11+$0x11580] =	vst.add.f32.msk $0xffff, v1;
	s11 =	smov.u32 s12  }
0x1d1: {  	[tilespmem:s14+$0x0] =	vst.add.f32.msk $0xffff, v0;
	s12 =	sor.u32 $0xF080, s11  }
0x1d2: {  	[tilespmem:s12+$0x0] =	vst.add.f32.msk $0xffff, v0;
	s12 =	sor.u32 $0xF100, s11  }
0x1d3: {  	[tilespmem:s12+$0x0] =	vst.add.f32.msk $0xffff, v0;
	s12 =	sor.u32 $0xF180, s11  }
0x1d4: {  	[tilespmem:s12+$0x0] =	vst.add.f32.msk $0xffff, v0  }
0x1d5: {  	s15 =	sadd.s32 $0x40, s15;
	v2 =	vld [tilespmem:s11+$0x1BC80]  }
0x1d6: {  	s14 =	sand.u32 $0xE00, s15;
	s12 =	sand.u32 $0x70, s10;
	v3 =	vld [tilespmem:s11+$0x1BD00]  }
0x1d7: {  	s12 =	sor.u32 s12, s14;
	v1 =	vld [tilespmem:s11+$0x1BD80]  }
0x1d8: {  	v0 =	vld [tilespmem:s12+$0x1BC00];
	_ =	sdelay $0x1  }
0x1d9: {  	[tilespmem:s11+$0xFC00] =	vst.add.f32.msk $0xffff, v2  }
0x1da: {  	[tilespmem:s11+$0xFC80] =	vst.add.f32.msk $0xffff, v2  }
0x1db: {  	[tilespmem:s11+$0xFD00] =	vst.add.f32.msk $0xffff, v2  }
0x1dc: {  	[tilespmem:s11+$0xFD80] =	vst.add.f32.msk $0xffff, v2  }
.Ltmp7:
0x1dd: {  	[tilespmem:s11+$0x10800] =	vst.add.f32.msk $0xffff, v3;
	(pc) =	sbr.rel @p1 .LBB2_13-.Ltmp7, $4  }
0x1de: {  	[tilespmem:s11+$0x10880] =	vst.add.f32.msk $0xffff, v3  }
0x1df: {  	[tilespmem:s11+$0x10900] =	vst.add.f32.msk $0xffff, v3  }
0x1e0: {  	[tilespmem:s11+$0x10980] =	vst.add.f32.msk $0xffff, v3  }
0x1e1: {  	s10 =	sadd.s32 $0x10, s10;
	[tilespmem:s11+$0x11400] =	vst.add.f32.msk $0xffff, v1  }
0x1e2: {  	[tilespmem:s11+$0x11480] =	vst.add.f32.msk $0xffff, v1  }
0x1e3: {  	[tilespmem:s11+$0x11500] =	vst.add.f32.msk $0xffff, v1  }
0x1e4: {  	s10 =	sor.u32 $0xF000, s12;
	[tilespmem:s11+$0x11580] =	vst.add.f32.msk $0xffff, v1  }
0x1e5: {  	s11 =	sor.u32 $0xF080, s12;
	[tilespmem:s10+$0x0] =	vst.add.f32.msk $0xffff, v0  }
0x1e6: {  	s14 =	sor.u32 $0xF100, s12;
	[tilespmem:s11+$0x0] =	vst.add.f32.msk $0xffff, v0  }
0x1e7: {  	s15 =	sor.u32 $0xF180, s12;
	[tilespmem:s14+$0x0] =	vst.add.f32.msk $0xffff, v0  }
0x1e8: {  	[tilespmem:s15+$0x0] =	vst.add.f32.msk $0xffff, v0  }
0x1e9: {  	v0 =	vld [tilespmem:s12+$0x1BC80];
	_ =	sdelay $0x2  }
0x1ea: {  	v1 =	vld [tilespmem:s12+$0x1BD00]  }
0x1eb: {  	v2 =	vld [tilespmem:s12+$0x1BD80]  }
0x1ec: {  	[tilespmem:s12+$0xFC00] =	vst.add.f32.msk $0xffff, v0  }
0x1ed: {  	[tilespmem:s12+$0xFC80] =	vst.add.f32.msk $0xffff, v0  }
0x1ee: {  	[tilespmem:s12+$0xFD00] =	vst.add.f32.msk $0xffff, v0  }
0x1ef: {  	[tilespmem:s12+$0xFD80] =	vst.add.f32.msk $0xffff, v0  }
0x1f0: {  	[tilespmem:s12+$0x10800] =	vst.add.f32.msk $0xffff, v1  }
0x1f1: {  	[tilespmem:s12+$0x10880] =	vst.add.f32.msk $0xffff, v1  }
0x1f2: {  	[tilespmem:s12+$0x10900] =	vst.add.f32.msk $0xffff, v1  }
0x1f3: {  	[tilespmem:s12+$0x10980] =	vst.add.f32.msk $0xffff, v1  }
0x1f4: {  	[tilespmem:s12+$0x11400] =	vst.add.f32.msk $0xffff, v2  }
0x1f5: {  	[tilespmem:s12+$0x11480] =	vst.add.f32.msk $0xffff, v2  }
0x1f6: {  	[tilespmem:s12+$0x11500] =	vst.add.f32.msk $0xffff, v2  }
0x1f7: {  	s0 =	sadd.s32 s4, s0;
	s11 =	simm.s32 $0xF000;
	[tilespmem:s12+$0x11580] =	vst.add.f32.msk $0xffff, v2  }
0x1f8: {  	[hbm4b:s0+s5] =	stream.linear.scatter [tilespmem:s11], [sflag:$0x16], $0x3000, $0x38;
	[tilespmem:$0x1E000] =	vst v63  }
0x1f9: {  	s0 =	rddreg [dreg:$0x11]  }
0x1fa: {  	s0 =	sadd.s32 @!p0 s7, s0  }
0x1fb: {  	s12 =	simm.s32 @!p0 $0x3000;
	_ =	swait.ge [sflag:s18], $0x3000;
	s10 =	smul.u32 @!p0 $0x180, s0  }
0x1fc: {  	s11 =	simm.s32 @!p0 $0x0;
	[sflag:s18] =	ssyncset.done $0x0;
	s0 =	sshrl.u32 @!p0 s0, $0x3  }
0x1fd: {  	[sflag:s18] =	ssyncadd.s32 $0xFFFFD000;
	s0 =	smul.u32 @!p0 $0x300, s0;
	s10 =	sadd.s32 @!p0 s1, s10  }
0x1fe: {  	[tilespmem:s12], [sflag:$0x2] =	stream.linear.gather @!p0 [hbm4b:s10+s11], $0x3000, $0x38;
	[tilespmem:$0x1E000] =	vst v63  }
0x1ff: {  	s0 =	sadd.s32 @!p0 s0, s9  }
0x200: {  	s10 =	simm.s32 @!p0 $0x200;
	s11 =	simm.s32 @!p0 $0x400;
	s12 =	simm.s32 @!p0 $0x18C00  }
0x201: {  	[tilespmem:s12], [sflag:$0xA] =	stream.strided.gather @!p0 [hbm4b:s0+s10], $0xC00, s11, s10, $0x38;
	[tilespmem:$0x1E000] =	vst v63  }
0x202: {  	_ =	swait.ge [sflag:s19], $0x3000  }
0x203: {  	[sflag:s19] =	ssyncset.done $0x0  }
0x204: {  	[sflag:s19] =	ssyncadd.s32 $0xFFFFD000  }
0x205: {  	s12 =	simm.s32 $0x0;
	_ =	swait.ge [sflag:s20], $0xC00  }
0x206: {  	s14 =	sand.u32 $0x70, s12;
	s0 =	sand.u32 $0xE00, s12;
	[sflag:s20] =	ssyncset.done $0x0  }
0x207: {  	s0 =	sor.u32 s14, s0;
	[sflag:s20] =	ssyncadd.s32 $0xFFFFF400  }
0x208: {  	v0 =	vld [tilespmem:s0+$0x1C800];
	_ =	sdelay $0x3  }
0x209: {  	s10 =	sor.u32 $0x12000, s0  }
0x20a: {  	s15 =	sor.u32 $0x12080, s0;
	[tilespmem:s10+$0x0] =	vst.add.f32.msk $0xffff, v0  }
0x20b: {  	s11 =	sor.u32 $0x12100, s0;
	[tilespmem:s15+$0x0] =	vst.add.f32.msk $0xffff, v0  }
0x20c: {  	s12 =	sor.u32 $0x12180, s0;
	[tilespmem:s11+$0x0] =	vst.add.f32.msk $0xffff, v0  }
0x20d: {  	[tilespmem:s12+$0x0] =	vst.add.f32.msk $0xffff, v0  }
0x20e: {  	v2 =	vld [tilespmem:s0+$0x1C880]  }
0x20f: {  	s14 =	simm.s32 $0x10;
	s12 =	simm.s32 $0x40  }
0x210: {  	s10 =	sand.u32 $0x70, s14;
	s15 =	sand.u32 $0xE00, s12;
	v3 =	vld [tilespmem:s0+$0x1C900]  }
0x211: {  	v1 =	vld [tilespmem:s0+$0x1C980];
	s11 =	sor.u32 s10, s15  }
0x212: {  	v0 =	vld [tilespmem:s11+$0x1C800]  }
0x213: {  	[tilespmem:s0+$0x12C00] =	vst.add.f32.msk $0xffff, v2  }
0x214: {  	[tilespmem:s0+$0x12C80] =	vst.add.f32.msk $0xffff, v2  }
0x215: {  	[tilespmem:s0+$0x12D00] =	vst.add.f32.msk $0xffff, v2  }
0x216: {  	[tilespmem:s0+$0x12D80] =	vst.add.f32.msk $0xffff, v2  }
0x217: {  	[tilespmem:s0+$0x13800] =	vst.add.f32.msk $0xffff, v3  }
0x218: {  	[tilespmem:s0+$0x13880] =	vst.add.f32.msk $0xffff, v3  }
0x219: {  	[tilespmem:s0+$0x13900] =	vst.add.f32.msk $0xffff, v3  }
0x21a: {  	[tilespmem:s0+$0x13980] =	vst.add.f32.msk $0xffff, v3  }
0x21b: {  	s10 =	simm.s32 $0x20;
	[tilespmem:s0+$0x14400] =	vst.add.f32.msk $0xffff, v1  }
.LBB2_15:
0x21c: {  	p1 =	sne.s32 s10, $0x2F0;
	[tilespmem:s0+$0x14480] =	vst.add.f32.msk $0xffff, v1  }
0x21d: {  	[tilespmem:s0+$0x14500] =	vst.add.f32.msk $0xffff, v1  }
0x21e: {  	s14 =	sor.u32 $0x12000, s11;
	[tilespmem:s0+$0x14580] =	vst.add.f32.msk $0xffff, v1;
	s0 =	smov.u32 s11  }
0x21f: {  	[tilespmem:s14+$0x0] =	vst.add.f32.msk $0xffff, v0;
	s11 =	sor.u32 $0x12080, s0  }
0x220: {  	[tilespmem:s11+$0x0] =	vst.add.f32.msk $0xffff, v0;
	s11 =	sor.u32 $0x12100, s0  }
0x221: {  	[tilespmem:s11+$0x0] =	vst.add.f32.msk $0xffff, v0;
	s11 =	sor.u32 $0x12180, s0  }
0x222: {  	[tilespmem:s11+$0x0] =	vst.add.f32.msk $0xffff, v0  }
0x223: {  	s12 =	sadd.s32 $0x40, s12;
	v2 =	vld [tilespmem:s0+$0x1C880]  }
0x224: {  	s14 =	sand.u32 $0xE00, s12;
	s11 =	sand.u32 $0x70, s10;
	v3 =	vld [tilespmem:s0+$0x1C900]  }
0x225: {  	s11 =	sor.u32 s11, s14;
	v1 =	vld [tilespmem:s0+$0x1C980]  }
0x226: {  	v0 =	vld [tilespmem:s11+$0x1C800];
	_ =	sdelay $0x1  }
0x227: {  	[tilespmem:s0+$0x12C00] =	vst.add.f32.msk $0xffff, v2  }
0x228: {  	[tilespmem:s0+$0x12C80] =	vst.add.f32.msk $0xffff, v2  }
0x229: {  	[tilespmem:s0+$0x12D00] =	vst.add.f32.msk $0xffff, v2  }
0x22a: {  	[tilespmem:s0+$0x12D80] =	vst.add.f32.msk $0xffff, v2  }
.Ltmp8:
0x22b: {  	[tilespmem:s0+$0x13800] =	vst.add.f32.msk $0xffff, v3;
	(pc) =	sbr.rel @p1 .LBB2_15-.Ltmp8, $4  }
0x22c: {  	[tilespmem:s0+$0x13880] =	vst.add.f32.msk $0xffff, v3  }
0x22d: {  	[tilespmem:s0+$0x13900] =	vst.add.f32.msk $0xffff, v3  }
0x22e: {  	[tilespmem:s0+$0x13980] =	vst.add.f32.msk $0xffff, v3  }
0x22f: {  	s10 =	sadd.s32 $0x10, s10;
	[tilespmem:s0+$0x14400] =	vst.add.f32.msk $0xffff, v1  }
0x230: {  	[tilespmem:s0+$0x14480] =	vst.add.f32.msk $0xffff, v1  }
0x231: {  	[tilespmem:s0+$0x14500] =	vst.add.f32.msk $0xffff, v1  }
0x232: {  	s10 =	sor.u32 $0x12000, s11;
	[tilespmem:s0+$0x14580] =	vst.add.f32.msk $0xffff, v1  }
0x233: {  	s14 =	sor.u32 $0x12080, s11;
	[tilespmem:s10+$0x0] =	vst.add.f32.msk $0xffff, v0  }
0x234: {  	s15 =	sor.u32 $0x12100, s11;
	[tilespmem:s14+$0x0] =	vst.add.f32.msk $0xffff, v0  }
0x235: {  	s10 =	sor.u32 $0x12180, s11;
	[tilespmem:s15+$0x0] =	vst.add.f32.msk $0xffff, v0  }
0x236: {  	[tilespmem:s10+$0x0] =	vst.add.f32.msk $0xffff, v0  }
0x237: {  	v0 =	vld [tilespmem:s11+$0x1C880];
	_ =	sdelay $0x2  }
0x238: {  	v1 =	vld [tilespmem:s11+$0x1C900]  }
0x239: {  	v2 =	vld [tilespmem:s11+$0x1C980]  }
0x23a: {  	[tilespmem:s11+$0x12C00] =	vst.add.f32.msk $0xffff, v0  }
0x23b: {  	[tilespmem:s11+$0x12C80] =	vst.add.f32.msk $0xffff, v0  }
0x23c: {  	[tilespmem:s11+$0x12D00] =	vst.add.f32.msk $0xffff, v0  }
0x23d: {  	[tilespmem:s11+$0x12D80] =	vst.add.f32.msk $0xffff, v0  }
0x23e: {  	[tilespmem:s11+$0x13800] =	vst.add.f32.msk $0xffff, v1  }
0x23f: {  	[tilespmem:s11+$0x13880] =	vst.add.f32.msk $0xffff, v1  }
0x240: {  	[tilespmem:s11+$0x13900] =	vst.add.f32.msk $0xffff, v1  }
0x241: {  	[tilespmem:s11+$0x13980] =	vst.add.f32.msk $0xffff, v1  }
0x242: {  	s0 =	rddreg [dreg:$0x12];
	[tilespmem:s11+$0x14400] =	vst.add.f32.msk $0xffff, v2  }
0x243: {  	s0 =	sadd.s32 @!p0 s7, s0;
	[tilespmem:s11+$0x14480] =	vst.add.f32.msk $0xffff, v2  }
0x244: {  	s10 =	smul.u32 @!p0 $0x180, s0;
	s0 =	sshrl.u32 @!p0 s0, $0x3;
	[tilespmem:s11+$0x14500] =	vst.add.f32.msk $0xffff, v2  }
0x245: {  	s12 =	sadd.s32 s4, s30;
	s14 =	simm.s32 $0x12000;
	s0 =	smul.u32 @!p0 $0x300, s0;
	[tilespmem:s11+$0x14580] =	vst.add.f32.msk $0xffff, v2  }
0x246: {  	[hbm4b:s12+s5] =	stream.linear.scatter [tilespmem:s14], [sflag:$0x17], $0x3000, $0x38;
	[tilespmem:$0x1E000] =	vst v63  }
0x247: {  	_ =	swait.ge [sflag:s21], $0x3000  }
0x248: {  	s10 =	sadd.s32 @!p0 s1, s10;
	s0 =	sadd.s32 @!p0 s3, s0;
	[sflag:s21] =	ssyncset.done $0x0  }
0x249: {  	s11 =	simm.s32 @!p0 $0x0;
	s12 =	simm.s32 @!p0 $0x6000;
	[sflag:s21] =	ssyncadd.s32 $0xFFFFD000  }
0x24a: {  	[tilespmem:s12], [sflag:$0x3] =	stream.linear.gather @!p0 [hbm4b:s10+s11], $0x3000, $0x38;
	[tilespmem:$0x1E000] =	vst v63  }
0x24b: {  	s10 =	simm.s32 @!p0 $0x200;
	s11 =	simm.s32 @!p0 $0x400;
	s12 =	simm.s32 @!p0 $0x19800  }
0x24c: {  	[tilespmem:s12], [sflag:$0xB] =	stream.strided.gather @!p0 [hbm4b:s0+s10], $0xC00, s11, s10, $0x38;
	[tilespmem:$0x1E000] =	vst v63  }
0x24d: {  	_ =	swait.ge [sflag:s22], $0x3000  }
0x24e: {  	[sflag:s22] =	ssyncset.done $0x0  }
0x24f: {  	[sflag:s22] =	ssyncadd.s32 $0xFFFFD000  }
0x250: {  	s15 =	simm.s32 $0x0;
	_ =	swait.ge [sflag:s2], $0xC00  }
0x251: {  	s30 =	sand.u32 $0x70, s15;
	s0 =	sand.u32 $0xE00, s15;
	[sflag:s2] =	ssyncset.done $0x0  }
0x252: {  	s0 =	sor.u32 s30, s0;
	[sflag:s2] =	ssyncadd.s32 $0xFFFFF400  }
0x253: {  	v0 =	vld [tilespmem:s0+$0x1D400];
	_ =	sdelay $0x3  }
0x254: {  	s10 =	sor.u32 $0x15000, s0  }
0x255: {  	s11 =	sor.u32 $0x15080, s0;
	[tilespmem:s10+$0x0] =	vst.add.f32.msk $0xffff, v0  }
0x256: {  	s12 =	sor.u32 $0x15100, s0;
	[tilespmem:s11+$0x0] =	vst.add.f32.msk $0xffff, v0  }
0x257: {  	s14 =	sor.u32 $0x15180, s0;
	[tilespmem:s12+$0x0] =	vst.add.f32.msk $0xffff, v0  }
0x258: {  	[tilespmem:s14+$0x0] =	vst.add.f32.msk $0xffff, v0  }
0x259: {  	v2 =	vld [tilespmem:s0+$0x1D480]  }
0x25a: {  	s15 =	simm.s32 $0x10;
	s12 =	simm.s32 $0x40  }
0x25b: {  	s10 =	sand.u32 $0x70, s15;
	s30 =	sand.u32 $0xE00, s12;
	v3 =	vld [tilespmem:s0+$0x1D500]  }
0x25c: {  	s11 =	sor.u32 s10, s30;
	v1 =	vld [tilespmem:s0+$0x1D580]  }
0x25d: {  	v0 =	vld [tilespmem:s11+$0x1D400]  }
0x25e: {  	[tilespmem:s0+$0x15C00] =	vst.add.f32.msk $0xffff, v2  }
0x25f: {  	[tilespmem:s0+$0x15C80] =	vst.add.f32.msk $0xffff, v2  }
0x260: {  	[tilespmem:s0+$0x15D00] =	vst.add.f32.msk $0xffff, v2  }
0x261: {  	[tilespmem:s0+$0x15D80] =	vst.add.f32.msk $0xffff, v2  }
0x262: {  	[tilespmem:s0+$0x16800] =	vst.add.f32.msk $0xffff, v3  }
0x263: {  	[tilespmem:s0+$0x16880] =	vst.add.f32.msk $0xffff, v3  }
0x264: {  	[tilespmem:s0+$0x16900] =	vst.add.f32.msk $0xffff, v3  }
0x265: {  	[tilespmem:s0+$0x16980] =	vst.add.f32.msk $0xffff, v3  }
0x266: {  	s10 =	simm.s32 $0x20;
	[tilespmem:s0+$0x17400] =	vst.add.f32.msk $0xffff, v1  }
.LBB2_17:
0x267: {  	p1 =	sne.s32 s10, $0x2F0;
	[tilespmem:s0+$0x17480] =	vst.add.f32.msk $0xffff, v1  }
0x268: {  	[tilespmem:s0+$0x17500] =	vst.add.f32.msk $0xffff, v1  }
0x269: {  	s14 =	sor.u32 $0x15000, s11;
	[tilespmem:s0+$0x17580] =	vst.add.f32.msk $0xffff, v1;
	s0 =	smov.u32 s11  }
0x26a: {  	[tilespmem:s14+$0x0] =	vst.add.f32.msk $0xffff, v0;
	s11 =	sor.u32 $0x15080, s0  }
0x26b: {  	[tilespmem:s11+$0x0] =	vst.add.f32.msk $0xffff, v0;
	s11 =	sor.u32 $0x15100, s0  }
0x26c: {  	[tilespmem:s11+$0x0] =	vst.add.f32.msk $0xffff, v0;
	s11 =	sor.u32 $0x15180, s0  }
0x26d: {  	[tilespmem:s11+$0x0] =	vst.add.f32.msk $0xffff, v0  }
0x26e: {  	s12 =	sadd.s32 $0x40, s12;
	v2 =	vld [tilespmem:s0+$0x1D480]  }
0x26f: {  	s14 =	sand.u32 $0xE00, s12;
	s11 =	sand.u32 $0x70, s10;
	v3 =	vld [tilespmem:s0+$0x1D500]  }
0x270: {  	s11 =	sor.u32 s11, s14;
	v1 =	vld [tilespmem:s0+$0x1D580]  }
0x271: {  	v0 =	vld [tilespmem:s11+$0x1D400];
	_ =	sdelay $0x1  }
0x272: {  	[tilespmem:s0+$0x15C00] =	vst.add.f32.msk $0xffff, v2  }
0x273: {  	[tilespmem:s0+$0x15C80] =	vst.add.f32.msk $0xffff, v2  }
0x274: {  	[tilespmem:s0+$0x15D00] =	vst.add.f32.msk $0xffff, v2  }
0x275: {  	[tilespmem:s0+$0x15D80] =	vst.add.f32.msk $0xffff, v2  }
.Ltmp9:
0x276: {  	[tilespmem:s0+$0x16800] =	vst.add.f32.msk $0xffff, v3;
	(pc) =	sbr.rel @p1 .LBB2_17-.Ltmp9, $4  }
0x277: {  	[tilespmem:s0+$0x16880] =	vst.add.f32.msk $0xffff, v3  }
0x278: {  	[tilespmem:s0+$0x16900] =	vst.add.f32.msk $0xffff, v3  }
0x279: {  	[tilespmem:s0+$0x16980] =	vst.add.f32.msk $0xffff, v3  }
0x27a: {  	s10 =	sadd.s32 $0x10, s10;
	[tilespmem:s0+$0x17400] =	vst.add.f32.msk $0xffff, v1  }
0x27b: {  	[tilespmem:s0+$0x17480] =	vst.add.f32.msk $0xffff, v1  }
0x27c: {  	[tilespmem:s0+$0x17500] =	vst.add.f32.msk $0xffff, v1  }
0x27d: {  	s10 =	sor.u32 $0x15000, s11;
	[tilespmem:s0+$0x17580] =	vst.add.f32.msk $0xffff, v1  }
0x27e: {  	s12 =	sor.u32 $0x15080, s11;
	[tilespmem:s10+$0x0] =	vst.add.f32.msk $0xffff, v0  }
0x27f: {  	s14 =	sor.u32 $0x15100, s11;
	[tilespmem:s12+$0x0] =	vst.add.f32.msk $0xffff, v0  }
0x280: {  	s15 =	sor.u32 $0x15180, s11;
	[tilespmem:s14+$0x0] =	vst.add.f32.msk $0xffff, v0  }
0x281: {  	[tilespmem:s15+$0x0] =	vst.add.f32.msk $0xffff, v0  }
0x282: {  	v0 =	vld [tilespmem:s11+$0x1D480];
	_ =	sdelay $0x2  }
0x283: {  	v1 =	vld [tilespmem:s11+$0x1D500]  }
0x284: {  	v2 =	vld [tilespmem:s11+$0x1D580]  }
0x285: {  	[tilespmem:s11+$0x15C00] =	vst.add.f32.msk $0xffff, v0  }
0x286: {  	[tilespmem:s11+$0x15C80] =	vst.add.f32.msk $0xffff, v0  }
0x287: {  	[tilespmem:s11+$0x15D00] =	vst.add.f32.msk $0xffff, v0  }
0x288: {  	[tilespmem:s11+$0x15D80] =	vst.add.f32.msk $0xffff, v0  }
0x289: {  	[tilespmem:s11+$0x16800] =	vst.add.f32.msk $0xffff, v1  }
0x28a: {  	[tilespmem:s11+$0x16880] =	vst.add.f32.msk $0xffff, v1  }
0x28b: {  	[tilespmem:s11+$0x16900] =	vst.add.f32.msk $0xffff, v1  }
0x28c: {  	[tilespmem:s11+$0x16980] =	vst.add.f32.msk $0xffff, v1  }
0x28d: {  	[tilespmem:s11+$0x17400] =	vst.add.f32.msk $0xffff, v2  }
0x28e: {  	[tilespmem:s11+$0x17480] =	vst.add.f32.msk $0xffff, v2  }
0x28f: {  	[tilespmem:s11+$0x17500] =	vst.add.f32.msk $0xffff, v2  }
.Ltmp10:
0x290: {  	s28 =	sadd.s32 s4, s28;
	s30 =	simm.s32 $0x15000;
	[tilespmem:s11+$0x17580] =	vst.add.f32.msk $0xffff, v2;
	(pc) =	sbr.rel @p0 .LBB2_20-.Ltmp10, $4  }
0x291: {  	[hbm4b:s28+s5] =	stream.linear.scatter [tilespmem:s30], [sflag:$0x18], $0x3000, $0x38;
	[tilespmem:$0x1E000] =	vst v63  }
0x292: {  	_ =	swait.ge [sflag:s8], $0x3000  }
0x293: {  	[sflag:s8] =	ssyncset.done $0x0  }
0x294: {  	[sflag:s8] =	ssyncadd.s32 $0xFFFFD000  }
0x295: {  	s0 =	rddreg [dreg:$0x13]  }
0x296: {  	s0 =	sadd.s32 s7, s0  }
0x297: {  	s7 =	smul.u32 $0x180, s0  }
.Ltmp11:
0x298: {  	s0 =	sshrl.u32 s0, $0x3;
	(pc) =	sbr.rel .LBB2_2-.Ltmp11, $4  }
0x299: {  	s10 =	simm.s32 $0x9000;
	s0 =	smul.u32 $0x300, s0;
	s7 =	sadd.s32 s1, s7  }
0x29a: {  	[tilespmem:s10], [sflag:$0x4] =	stream.linear.gather [hbm4b:s7+s5], $0x3000, $0x38;
	[tilespmem:$0x1E000] =	vst v63  }
0x29b: {  	s30 =	simm.s32 $0x1A400;
	s13 =	sadd.s32 $0x1, s13;
	s0 =	sadd.s32 s0, s9  }
0x29c: {  	[tilespmem:s30], [sflag:$0xC] =	stream.strided.gather [hbm4b:s0+s25], $0xC00, s26, s25, $0x38;
	[tilespmem:$0x1E000] =	vst v63  }
.LBB2_21:
0x29d: {  	_ =	sfence.sel $0x180000  }
0x29e: {  	[bflag:$0x0] =	sbarrier.arrive $0xFFFF  }
0x29f: {  	_ =	strace $0x90000047  }
0x2a0: {  	s0 =	stileid.u32;
	[bflag:$0x2] =	sbarrier.arrive $0xFFFF  }
0x2a1: {  	p0 =	sne.s32 s0, $0x0;
	s0 =	rddreg [dreg:$0x3]  }
0x2a2: {  	s0 =	sadd.s32 @!p0 $0x100000, s0  }
0x2a3: {  	[sflag:s0] =	ssyncadd.tile.s32 @!p0 $0x1;
	_ =	shalt  }
.Lfunc_end2:
_tile_overlayer_lowered:
.L_overlay_start_2:
0x2a4: {  	(tag) =	ssettag $0x2  }
0x2a5: {  	s0 =	rddreg [dreg:$0x0];
	s2 =	stileid.u32  }
0x2a6: {  	s1 =	rddreg [dreg:$0x1];
	p0 =	sne.s32 s2, $0x0  }
0x2a7: {  	s3 =	rddreg [dreg:$0x2];
	[bflag:$0x3] =	sbarrier.arrive $0xFFFF;
	s2 =	simm.s32 @!p0 $0x1C19  }
0x2a8: {  	[timem:s3], [sflag:s2] =	dma.local @!p0 [hbm:s0], s1  }
0x2a9: {  	s0 =	simm.s32 @!p0 $0x19  }
0x2aa: {  	_ =	swait.ge @!p0 [sflag:s0], s1  }
0x2ab: {  	s1 =	ssub.s32 @!p0 $0x0, s1;
	[sflag:s0] =	ssyncset.done @!p0 $0x0  }
0x2ac: {  	[sflag:s0] =	ssyncadd.s32 @!p0 s1  }
0x2ad: {  	[bflag:$0x3] =	sbarrier.arrive $0xFFFF  }
0x2ae: {  	_ =	shalt  }

</sc_bundles>
